<compile_context>
chip_gen: v7x
topology: tpu7x:2x2x1
jax: 0.10.2.dev20260603
libtpu: 0.0.44.dev20260713+nightly
codegen_flags: <defaults>
</compile_context>

<pallas_src>
import functools
import math

import jax
import jax.numpy as jnp
from jax import lax
from jax.experimental import pallas as pl
from jax.experimental.pallas import tpu as pltpu
from jax.experimental.pallas import tpu_sc as plsc

N_NODES = 10000
N_EDGES = 320000
NUM_RBF = 16
NUM_CHANNELS = 128
CUTOFF = 5.0
NUM_SPECIES = 100

NC = 2
NS = 16
NW = NC * NS
EPW = N_EDGES // NW
EB = 80
NB = EPW // EB
RPS = 624


def _emb_body(z_ref, emb_ref, o_ref):
    z = z_ref[...]
    oh = (z == lax.broadcasted_iota(jnp.int32, (z.shape[0], NUM_SPECIES), 1))
    o_ref[...] = jnp.dot(oh.astype(jnp.float32), emb_ref[...],
                         preferred_element_type=jnp.float32)


def _emb_lookup(node_z, emb_table):
    bn = 2000
    return pl.pallas_call(
        _emb_body,
        grid=(N_NODES // bn,),
        in_specs=[
            pl.BlockSpec((bn, 1), lambda i: (i, 0)),
            pl.BlockSpec((NUM_SPECIES, NUM_CHANNELS), lambda i: (0, 0)),
        ],
        out_specs=pl.BlockSpec((bn, NUM_CHANNELS), lambda i: (i, 0)),
        out_shape=jax.ShapeDtypeStruct((N_NODES, NUM_CHANNELS), jnp.float32),
    )(node_z.reshape(-1, 1), emb_table)


def _edge_w_body(eft_ref, ew_ref, wd_ref, bd_ref, o_ref):
    be = o_ref.shape[0]
    ew = ew_ref[0]
    c = 0.5 * (jnp.cos(ew * (math.pi / CUTOFF)) + 1.0)
    c = jnp.where(ew < CUTOFF, c, 0.0)
    eye = (lax.broadcasted_iota(jnp.int32, (NUM_CHANNELS, NUM_CHANNELS), 0)
           == lax.broadcasted_iota(jnp.int32, (NUM_CHANNELS, NUM_CHANNELS), 1)
           ).astype(jnp.float32)
    ct = lax.dot_general(eye, c, dimension_numbers=(((1,), (1,)), ((), ())),
                         preferred_element_type=jnp.float32)
    wd = wd_ref[...]
    bd = bd_ref[...]
    for g in range(be // NUM_CHANNELS):
        wg = lax.dot_general(
            eft_ref[:, pl.ds(NUM_CHANNELS * g, NUM_CHANNELS)], wd,
            dimension_numbers=(((0,), (0,)), ((), ())),
            preferred_element_type=jnp.float32)
        o_ref[pl.ds(NUM_CHANNELS * g, NUM_CHANNELS), :] = (
            (wg + bd) * ct[:, g:g + 1])


def _edge_w(edge_feats_t, edge_weight, w_dist, b_dist):
    be = 12800
    return pl.pallas_call(
        _edge_w_body,
        grid=(N_EDGES // be,),
        in_specs=[
            pl.BlockSpec((NUM_RBF, be), lambda i: (0, i)),
            pl.BlockSpec((1, be // NUM_CHANNELS, NUM_CHANNELS),
                         lambda i: (i, 0, 0)),
            pl.BlockSpec((NUM_RBF, NUM_CHANNELS), lambda i: (0, 0)),
            pl.BlockSpec((1, NUM_CHANNELS), lambda i: (0, 0)),
        ],
        out_specs=pl.BlockSpec((be, NUM_CHANNELS), lambda i: (i, 0)),
        out_shape=jax.ShapeDtypeStruct((N_EDGES, NUM_CHANNELS), jnp.float32),
    )(edge_feats_t,
      edge_weight.reshape(N_EDGES // be, be // NUM_CHANNELS, NUM_CHANNELS),
      w_dist, b_dist.reshape(1, -1))


NDAT = 2
NIDX = 4
NPIPE = (NB - 1) // NIDX * NIDX


def _sc_body(xnb_hbm, w_hbm, snd_hbm, rcv_hbm, out_hbm,
             s_v, r_v, w_v, x_v, acc, sem_i, sem_g, sem_w, sem_s):
    cid = lax.axis_index("c")
    sid = lax.axis_index("s")

    def _zrow(i, _):
        for j in range(NUM_CHANNELS // 16):
            w_v[0, i, pl.ds(16 * j, 16)] = jnp.zeros((16,), jnp.float32)
        return 0
    lax.fori_loop(0, EB, _zrow, 0)
    row0 = sid * RPS
    for k in range(RPS // EB):
        pltpu.sync_copy(w_v.at[0], acc.at[pl.ds(row0 + k * EB, EB)])
    rem = RPS - (RPS // EB) * EB
    pltpu.sync_copy(w_v.at[0, pl.ds(0, rem)],
                    acc.at[pl.ds(row0 + (RPS // EB) * EB, rem)])
    tail = N_NODES - NS * RPS
    @pl.when(sid == NS - 1)
    def _zero_tail():
        pltpu.sync_copy(w_v.at[0, pl.ds(0, tail)], acc.at[pl.ds(NS * RPS, tail)])
    plsc.subcore_barrier()

    ebase = (cid * NS + sid) * EPW

    def _issue_idx(blk, ki):
        base = ebase + blk * EB
        pltpu.async_copy(snd_hbm.at[pl.ds(base, EB)], s_v.at[ki], sem_i.at[ki])
        pltpu.async_copy(rcv_hbm.at[pl.ds(base, EB)], r_v.at[ki], sem_i.at[ki])

    def _wait_idx(ki):
        pltpu.make_async_copy(snd_hbm.at[pl.ds(0, EB)], s_v.at[ki], sem_i.at[ki]).wait()
        pltpu.make_async_copy(rcv_hbm.at[pl.ds(0, EB)], r_v.at[ki], sem_i.at[ki]).wait()

    def _issue_fetch(blk, kd, ki):
        base = ebase + blk * EB
        pltpu.async_copy(w_hbm.at[pl.ds(base, EB)], w_v.at[kd], sem_w.at[kd])
        pltpu.async_copy(xnb_hbm.at[s_v.at[ki]], x_v.at[kd], sem_g.at[kd])

    def _wait_fetch(kd, ki):
        pltpu.make_async_copy(w_hbm.at[pl.ds(0, EB)], w_v.at[kd], sem_w.at[kd]).wait()
        pltpu.make_async_copy(xnb_hbm.at[s_v.at[ki]], x_v.at[kd], sem_g.at[kd]).wait()

    def _wait_scatter(kd, ki):
        pltpu.make_async_copy(x_v.at[kd], acc.at[r_v.at[ki]], sem_s.at[kd]).wait()

    def _mult(kd, ki):
        def _mrow(q, _):
            for u in range(2):
                i = q * 2 + u
                for jj in range(NUM_CHANNELS // 16):
                    sl = pl.ds(16 * jj, 16)
                    x_v[kd, i, sl] = x_v[kd, i, sl] * w_v[kd, i, sl]
            return 0
        lax.fori_loop(0, EB // 2, _mrow, 0)

    pltpu.sync_copy(snd_hbm.at[pl.ds(ebase, EB)], s_v.at[0])
    pltpu.sync_copy(rcv_hbm.at[pl.ds(ebase, EB)], r_v.at[0])
    _issue_fetch(0, 0, 0)
    _issue_idx(1, 1)
    _issue_idx(2, 2)

    def _outer(m, _):
        for t in range(NIDX):
            j = m * NIDX + t
            kd = t % NDAT
            _wait_fetch(t % NDAT, t)

            @pl.when(j >= 1)
            def _drain_prev():
                _wait_scatter((t + 1) % NDAT, (t + 3) % NIDX)

            _wait_idx((t + 1) % NIDX)
            _issue_fetch(j + 1, (t + 1) % NDAT, (t + 1) % NIDX)
            _mult(kd, t)
            pltpu.async_copy(x_v.at[kd], acc.at[r_v.at[t]], sem_s.at[kd],
                             add=True)

            @pl.when(j + 3 <= NPIPE)
            def _idx_ahead():
                _issue_idx(j + 3, (t + 3) % NIDX)
        return 0

    lax.fori_loop(0, NPIPE // NIDX, _outer, 0)
    _wait_scatter((NPIPE + 1) % NDAT, (NPIPE + 3) % NIDX)
    _wait_fetch(NPIPE % NDAT, NPIPE % NIDX)
    _mult(NPIPE % NDAT, NPIPE % NIDX)
    pltpu.async_copy(x_v.at[NPIPE % NDAT], acc.at[r_v.at[NPIPE % NIDX]],
                     sem_s.at[NPIPE % NDAT], add=True)
    _wait_scatter(NPIPE % NDAT, NPIPE % NIDX)
    plsc.subcore_barrier()
    pltpu.sync_copy(acc.at[pl.ds(row0, RPS)], out_hbm.at[cid, pl.ds(row0, RPS)])
    @pl.when(sid == NS - 1)
    def _out_tail():
        pltpu.sync_copy(acc.at[pl.ds(NS * RPS, tail)],
                        out_hbm.at[cid, pl.ds(NS * RPS, tail)])


def _sc_aggregate(x_nb, w_msg, senders, receivers):
    mesh = plsc.VectorSubcoreMesh(core_axis_name="c", subcore_axis_name="s",
                                  num_cores=NC, num_subcores=NS)
    f = pl.kernel(
        _sc_body,
        out_type=jax.ShapeDtypeStruct((NC, N_NODES, NUM_CHANNELS), jnp.float32),
        mesh=mesh,
        scratch_types=[
            pltpu.VMEM((NIDX, EB), jnp.int32),
            pltpu.VMEM((NIDX, EB), jnp.int32),
            pltpu.VMEM((NDAT, EB, NUM_CHANNELS), jnp.float32),
            pltpu.VMEM((NDAT, EB, NUM_CHANNELS), jnp.float32),
            pltpu.VMEM_SHARED((N_NODES, NUM_CHANNELS), jnp.float32),
            pltpu.SemaphoreType.DMA((NIDX,)),
            pltpu.SemaphoreType.DMA((NDAT,)),
            pltpu.SemaphoreType.DMA((NDAT,)),
            pltpu.SemaphoreType.DMA((NDAT,)),
        ],
    )
    return f(x_nb, w_msg, senders, receivers)


def _combine_body(nf_ref, p_ref, w1_ref, w2_ref, b_ref, o_ref):
    agg = p_ref[0] + p_ref[1]
    o_ref[...] = (jnp.dot(nf_ref[...], w1_ref[...],
                          preferred_element_type=jnp.float32)
                  + jnp.dot(agg, w2_ref[...],
                            preferred_element_type=jnp.float32)
                  + b_ref[...])


def _combine(node_feats, partials, w_comb, b_comb):
    bn = 2000
    return pl.pallas_call(
        _combine_body,
        grid=(N_NODES // bn,),
        in_specs=[
            pl.BlockSpec((bn, NUM_CHANNELS), lambda i: (i, 0)),
            pl.BlockSpec((NC, bn, NUM_CHANNELS), lambda i: (0, i, 0)),
            pl.BlockSpec((NUM_CHANNELS, NUM_CHANNELS), lambda i: (0, 0)),
            pl.BlockSpec((NUM_CHANNELS, NUM_CHANNELS), lambda i: (0, 0)),
            pl.BlockSpec((1, NUM_CHANNELS), lambda i: (0, 0)),
        ],
        out_specs=pl.BlockSpec((bn, NUM_CHANNELS), lambda i: (i, 0)),
        out_shape=jax.ShapeDtypeStruct((N_NODES, NUM_CHANNELS), jnp.float32),
    )(node_feats, partials, w_comb[:NUM_CHANNELS], w_comb[NUM_CHANNELS:],
      b_comb.reshape(1, -1))


def kernel(node_z, node_feats, senders, receivers, edge_weight, edge_feats,
           emb_table, W_dist, b_dist, W_comb, b_comb):
    x_nb = _emb_lookup(node_z.astype(jnp.int32), emb_table)
    w_msg = _edge_w(edge_feats.T, edge_weight, W_dist, b_dist)
    partials = _sc_aggregate(x_nb, w_msg,
                             senders.astype(jnp.int32),
                             receivers.astype(jnp.int32))
    return _combine(node_feats, partials, W_comb, b_comb)

# --- scband reference (transcript-rebuilt; emitter-appended) ---
"""Pipeline reference for scband-neighbor-embedding-79508434583953 (READ-ONLY COPY).

The authoritative reference and input builder live on the scoring server;
editing this copy changes nothing except your own understanding.
"""

import jax, jax.numpy as jnp
import numpy as np

N_NODES = 10000
N_EDGES = 320000
NUM_RBF = 16
NUM_CHANNELS = 128
CUTOFF = 5.0
NUM_SPECIES = 100


def setup_inputs(seed: int = 0) -> dict:
    key = jax.random.key(seed)
    ks = jax.random.split(key, 12)
    node_z = jax.random.randint(ks[0], (N_NODES,), 0, NUM_SPECIES, dtype=jnp.int64 if jax.config.jax_enable_x64 else jnp.int32)
    node_feats = jax.random.normal(ks[1], (N_NODES, NUM_CHANNELS), dtype=jnp.float32)
    senders = jax.random.randint(ks[2], (N_EDGES,), 0, N_NODES)
    receivers = jax.random.randint(ks[3], (N_EDGES,), 0, N_NODES)
    edge_weight = jax.random.uniform(ks[4], (N_EDGES,), dtype=jnp.float32)
    edge_feats = jax.random.normal(ks[5], (N_EDGES, NUM_RBF), dtype=jnp.float32)
    # Parameters
    emb_table = jax.random.normal(ks[6], (NUM_SPECIES, NUM_CHANNELS), dtype=jnp.float32)
    # xavier uniform for linear kernels
    lim1 = float(np.sqrt(6.0 / (NUM_RBF + NUM_CHANNELS)))
    W_dist = jax.random.uniform(ks[7], (NUM_RBF, NUM_CHANNELS), minval=-lim1, maxval=lim1, dtype=jnp.float32)
    b_dist = jnp.zeros((NUM_CHANNELS,), dtype=jnp.float32)
    lim2 = float(np.sqrt(6.0 / (2 * NUM_CHANNELS + NUM_CHANNELS)))
    W_comb = jax.random.uniform(ks[8], (2 * NUM_CHANNELS, NUM_CHANNELS), minval=-lim2, maxval=lim2, dtype=jnp.float32)
    b_comb = jnp.zeros((NUM_CHANNELS,), dtype=jnp.float32)
    return {
        "node_z": node_z,
        "node_feats": node_feats,
        "senders": senders,
        "receivers": receivers,
        "edge_weight": edge_weight,
        "edge_feats": edge_feats,
        "emb_table": emb_table,
        "W_dist": W_dist,
        "b_dist": b_dist,
        "W_comb": W_comb,
        "b_comb": b_comb,
    }


def _cosine_cutoff(distances):
    c = 0.5 * (jnp.cos(distances * jnp.pi / CUTOFF) + 1.0)
    return c * (distances < CUTOFF).astype(distances.dtype)


def reference(node_z, node_feats, senders, receivers, edge_weight, edge_feats, emb_table, W_dist, b_dist, W_comb, b_comb):
    C = _cosine_cutoff(edge_weight)
    W = (edge_feats @ W_dist + b_dist) * C[:, None]
    x_neighbors = jnp.take(emb_table, node_z, axis=0)
    x_j = jnp.take(x_neighbors, senders, axis=0)
    node_msgs = x_j * W
    aggregated_msgs = jax.ops.segment_sum(node_msgs, receivers, num_segments=node_feats.shape[0])
    out = jnp.concatenate([node_feats, aggregated_msgs], axis=1) @ W_comb + b_comb
    return out

if __name__ == "__main__":
    import jax
    _d = setup_inputs()
    print(jax.jit(kernel)(*tuple(_d.values())))

</pallas_src>

<mosaic_0001>
#map = affine_map<(d0, d1) -> (0, 0)>
#map1 = affine_map<(d0, d1) -> (0)>
#map2 = affine_map<(d0, d1) -> (0, 0, 0)>
module attributes {stable_mosaic.version = 14 : i64} {
  func.func @_sc_body(%arg0: i32, %arg1: i32, %arg2: memref<10000x128xf32, #tpu.memory_space<hbm>>, %arg3: memref<320000x128xf32, #tpu.memory_space<hbm>>, %arg4: memref<320000xi32, #tpu.memory_space<hbm>>, %arg5: memref<320000xi32, #tpu.memory_space<hbm>>, %arg6: memref<2x10000x128xf32, #tpu.memory_space<hbm>>, %arg7: memref<4x80xi32, #tpu.memory_space<vmem>>, %arg8: memref<4x80xi32, #tpu.memory_space<vmem>>, %arg9: memref<2x80x128xf32, #tpu.memory_space<vmem>>, %arg10: memref<2x80x128xf32, #tpu.memory_space<vmem>>, %arg11: memref<10000x128xf32, #tpu.memory_space<vmem_shared>>, %arg12: memref<4x!tpu.dma_semaphore, #tpu.memory_space<semaphore_mem>>, %arg13: memref<2x!tpu.dma_semaphore, #tpu.memory_space<semaphore_mem>>, %arg14: memref<2x!tpu.dma_semaphore, #tpu.memory_space<semaphore_mem>>, %arg15: memref<2x!tpu.dma_semaphore, #tpu.memory_space<semaphore_mem>>) attributes {dimension_semantics = [#tpu.dimension_semantics<core_parallel>, #tpu.dimension_semantics<subcore_parallel>], iteration_bounds = array<i64: 2, 16>, scalar_prefetch = 0 : i64, scratch_operands = 9 : i64, tpu.core_type = #tpu.core_type<sc_vector_subcore>, window_params = [{transform_indices = #map}, {transform_indices = #map}, {transform_indices = #map1}, {transform_indices = #map1}, {transform_indices = #map2}]} {
    %scan3A = arith.constant 0 : i32
    %scan3A_0 = arith.constant 0 : i32
    %scan3A_1 = arith.constant 80 : i32
    %scan3A_2 = arith.addi %scan3A_0, %scan3A_1 : i32
    %scan3A_3 = arith.constant 1 : i32
    %scan3A_4 = scf.for %scan3A_219 = %scan3A_0 to %scan3A_2 step %scan3A_3 iter_args(%scan3A_220 = %scan3A) -> (i32)  : i32 {
      %broadcast_in_dim3A = arith.constant 0.000000e+00 : f32
      %broadcast_in_dim3A_221 = vector.broadcast %broadcast_in_dim3A : f32 to vector<16xf32>
      %swap3A = arith.constant 0 : i32
      %swap3A_222 = arith.index_cast %swap3A : i32 to index
      %swap3A_223 = arith.index_cast %scan3A_219 : i32 to index
      %swap3A_224 = arith.constant 0 : index
      %swap3A_225 = tpu.vector_load %arg9[%swap3A_222, %swap3A_223, %swap3A_224] {strides = array<i32>} : memref<2x80x128xf32, #tpu.memory_space<vmem>>, vector<1x1x16xf32>,
      %swap3A_226 = vector.shape_cast %swap3A_225 : vector<1x1x16xf32> to vector<16xf32>
      %swap3A_227 = vector.shape_cast %broadcast_in_dim3A_221 : vector<16xf32> to vector<1x1x16xf32>
      tpu.vector_store %arg9[%swap3A_222, %swap3A_223, %swap3A_224], %swap3A_227 {strides = array<i32>} : memref<2x80x128xf32, #tpu.memory_space<vmem>>, vector<1x1x16xf32>,
      %broadcast_in_dim3A_228 = arith.constant 0.000000e+00 : f32
      %broadcast_in_dim3A_229 = vector.broadcast %broadcast_in_dim3A_228 : f32 to vector<16xf32>
      %swap3A_230 = arith.constant 0 : i32
      %swap3A_231 = arith.index_cast %swap3A_230 : i32 to index
      %swap3A_232 = arith.index_cast %scan3A_219 : i32 to index
      %swap3A_233 = arith.constant 16 : index
      %swap3A_234 = tpu.vector_load %arg9[%swap3A_231, %swap3A_232, %swap3A_233] {strides = array<i32>} : memref<2x80x128xf32, #tpu.memory_space<vmem>>, vector<1x1x16xf32>,
      %swap3A_235 = vector.shape_cast %swap3A_234 : vector<1x1x16xf32> to vector<16xf32>
      %swap3A_236 = vector.shape_cast %broadcast_in_dim3A_229 : vector<16xf32> to vector<1x1x16xf32>
      tpu.vector_store %arg9[%swap3A_231, %swap3A_232, %swap3A_233], %swap3A_236 {strides = array<i32>} : memref<2x80x128xf32, #tpu.memory_space<vmem>>, vector<1x1x16xf32>,
      %broadcast_in_dim3A_237 = arith.constant 0.000000e+00 : f32
      %broadcast_in_dim3A_238 = vector.broadcast %broadcast_in_dim3A_237 : f32 to vector<16xf32>
      %swap3A_239 = arith.constant 0 : i32
      %swap3A_240 = arith.index_cast %swap3A_239 : i32 to index
      %swap3A_241 = arith.index_cast %scan3A_219 : i32 to index
      %swap3A_242 = arith.constant 32 : index
      %swap3A_243 = tpu.vector_load %arg9[%swap3A_240, %swap3A_241, %swap3A_242] {strides = array<i32>} : memref<2x80x128xf32, #tpu.memory_space<vmem>>, vector<1x1x16xf32>,
      %swap3A_244 = vector.shape_cast %swap3A_243 : vector<1x1x16xf32> to vector<16xf32>
      %swap3A_245 = vector.shape_cast %broadcast_in_dim3A_238 : vector<16xf32> to vector<1x1x16xf32>
      tpu.vector_store %arg9[%swap3A_240, %swap3A_241, %swap3A_242], %swap3A_245 {strides = array<i32>} : memref<2x80x128xf32, #tpu.memory_space<vmem>>, vector<1x1x16xf32>,
      %broadcast_in_dim3A_246 = arith.constant 0.000000e+00 : f32
      %broadcast_in_dim3A_247 = vector.broadcast %broadcast_in_dim3A_246 : f32 to vector<16xf32>
      %swap3A_248 = arith.constant 0 : i32
      %swap3A_249 = arith.index_cast %swap3A_248 : i32 to index
      %swap3A_250 = arith.index_cast %scan3A_219 : i32 to index
      %swap3A_251 = arith.constant 48 : index
      %swap3A_252 = tpu.vector_load %arg9[%swap3A_249, %swap3A_250, %swap3A_251] {strides = array<i32>} : memref<2x80x128xf32, #tpu.memory_space<vmem>>, vector<1x1x16xf32>,
      %swap3A_253 = vector.shape_cast %swap3A_252 : vector<1x1x16xf32> to vector<16xf32>
      %swap3A_254 = vector.shape_cast %broadcast_in_dim3A_247 : vector<16xf32> to vector<1x1x16xf32>
      tpu.vector_store %arg9[%swap3A_249, %swap3A_250, %swap3A_251], %swap3A_254 {strides = array<i32>} : memref<2x80x128xf32, #tpu.memory_space<vmem>>, vector<1x1x16xf32>,
      %broadcast_in_dim3A_255 = arith.constant 0.000000e+00 : f32
      %broadcast_in_dim3A_256 = vector.broadcast %broadcast_in_dim3A_255 : f32 to vector<16xf32>
      %swap3A_257 = arith.constant 0 : i32
      %swap3A_258 = arith.index_cast %swap3A_257 : i32 to index
      %swap3A_259 = arith.index_cast %scan3A_219 : i32 to index
      %swap3A_260 = arith.constant 64 : index
      %swap3A_261 = tpu.vector_load %arg9[%swap3A_258, %swap3A_259, %swap3A_260] {strides = array<i32>} : memref<2x80x128xf32, #tpu.memory_space<vmem>>, vector<1x1x16xf32>,
      %swap3A_262 = vector.shape_cast %swap3A_261 : vector<1x1x16xf32> to vector<16xf32>
      %swap3A_263 = vector.shape_cast %broadcast_in_dim3A_256 : vector<16xf32> to vector<1x1x16xf32>
      tpu.vector_store %arg9[%swap3A_258, %swap3A_259, %swap3A_260], %swap3A_263 {strides = array<i32>} : memref<2x80x128xf32, #tpu.memory_space<vmem>>, vector<1x1x16xf32>,
      %broadcast_in_dim3A_264 = arith.constant 0.000000e+00 : f32
      %broadcast_in_dim3A_265 = vector.broadcast %broadcast_in_dim3A_264 : f32 to vector<16xf32>
      %swap3A_266 = arith.constant 0 : i32
      %swap3A_267 = arith.index_cast %swap3A_266 : i32 to index
      %swap3A_268 = arith.index_cast %scan3A_219 : i32 to index
      %swap3A_269 = arith.constant 80 : index
      %swap3A_270 = tpu.vector_load %arg9[%swap3A_267, %swap3A_268, %swap3A_269] {strides = array<i32>} : memref<2x80x128xf32, #tpu.memory_space<vmem>>, vector<1x1x16xf32>,
      %swap3A_271 = vector.shape_cast %swap3A_270 : vector<1x1x16xf32> to vector<16xf32>
      %swap3A_272 = vector.shape_cast %broadcast_in_dim3A_265 : vector<16xf32> to vector<1x1x16xf32>
      tpu.vector_store %arg9[%swap3A_267, %swap3A_268, %swap3A_269], %swap3A_272 {strides = array<i32>} : memref<2x80x128xf32, #tpu.memory_space<vmem>>, vector<1x1x16xf32>,
      %broadcast_in_dim3A_273 = arith.constant 0.000000e+00 : f32
      %broadcast_in_dim3A_274 = vector.broadcast %broadcast_in_dim3A_273 : f32 to vector<16xf32>
      %swap3A_275 = arith.constant 0 : i32
      %swap3A_276 = arith.index_cast %swap3A_275 : i32 to index
      %swap3A_277 = arith.index_cast %scan3A_219 : i32 to index
      %swap3A_278 = arith.constant 96 : index
      %swap3A_279 = tpu.vector_load %arg9[%swap3A_276, %swap3A_277, %swap3A_278] {strides = array<i32>} : memref<2x80x128xf32, #tpu.memory_space<vmem>>, vector<1x1x16xf32>,
      %swap3A_280 = vector.shape_cast %swap3A_279 : vector<1x1x16xf32> to vector<16xf32>
      %swap3A_281 = vector.shape_cast %broadcast_in_dim3A_274 : vector<16xf32> to vector<1x1x16xf32>
      tpu.vector_store %arg9[%swap3A_276, %swap3A_277, %swap3A_278], %swap3A_281 {strides = array<i32>} : memref<2x80x128xf32, #tpu.memory_space<vmem>>, vector<1x1x16xf32>,
      %broadcast_in_dim3A_282 = arith.constant 0.000000e+00 : f32
      %broadcast_in_dim3A_283 = vector.broadcast %broadcast_in_dim3A_282 : f32 to vector<16xf32>
      %swap3A_284 = arith.constant 0 : i32
      %swap3A_285 = arith.index_cast %swap3A_284 : i32 to index
      %swap3A_286 = arith.index_cast %scan3A_219 : i32 to index
      %swap3A_287 = arith.constant 112 : index
      %swap3A_288 = tpu.vector_load %arg9[%swap3A_285, %swap3A_286, %swap3A_287] {strides = array<i32>} : memref<2x80x128xf32, #tpu.memory_space<vmem>>, vector<1x1x16xf32>,
      %swap3A_289 = vector.shape_cast %swap3A_288 : vector<1x1x16xf32> to vector<16xf32>
      %swap3A_290 = vector.shape_cast %broadcast_in_dim3A_283 : vector<16xf32> to vector<1x1x16xf32>
      tpu.vector_store %arg9[%swap3A_285, %swap3A_286, %swap3A_287], %swap3A_290 {strides = array<i32>} : memref<2x80x128xf32, #tpu.memory_space<vmem>>, vector<1x1x16xf32>,
      %scan3A_291 = arith.constant 0 : i32
      scf.yield %scan3A_291 : i32
    }
    %scan3A_5 = arith.constant 80 : i32
    %mul3A = arith.constant 624 : i32
    %mul3A_6 = arith.muli %arg1, %mul3A : i32
    %add3A = arith.constant 0 : i32
    %add3A_7 = arith.addi %mul3A_6, %add3A : i32
    %run_scoped3A = arith.constant 0 : i32
    "tpu.region"() ({
      %run_scoped3A_219 = tpu.sem_alloc : memref<!tpu.dma_semaphore, #tpu.memory_space<semaphore_mem>>
      %dma_start3A_220 = arith.constant 0 : i32
      %dma_start3A_221 = arith.constant 0 : i32
      %dma_start3A_222 = tpu.memref_slice %arg9[%run_scoped3A, %dma_start3A_220, %dma_start3A_221] : memref<2x80x128xf32, #tpu.memory_space<vmem>> -> memref<1x80x128xf32, #tpu.memory_space<vmem>>
      %dma_start3A_223 = tpu.memref_squeeze %dma_start3A_222 : memref<1x80x128xf32, #tpu.memory_space<vmem>> -> memref<80x128xf32, #tpu.memory_space<vmem>>
      %dma_start3A_224 = arith.constant 0 : i32
      %dma_start3A_225 = tpu.memref_slice %arg11[%add3A_7, %dma_start3A_224] : memref<10000x128xf32, #tpu.memory_space<vmem_shared>> -> memref<80x128xf32, #tpu.memory_space<vmem_shared>>
      %dma_start3A_226 = arith.constant 0 : i32
      %dma_start3A_227 = tpu.memref_slice %arg11[%add3A_7, %dma_start3A_226] : memref<10000x128xf32, #tpu.memory_space<vmem_shared>> -> memref<80x128xf32, #tpu.memory_space<vmem_shared>>
      %dma_start3A_228 = arith.constant 0 : i32
      %dma_start3A_229 = arith.constant 0 : i32
      %dma_start3A_230 = tpu.memref_slice %arg9[%run_scoped3A, %dma_start3A_228, %dma_start3A_229] : memref<2x80x128xf32, #tpu.memory_space<vmem>> -> memref<1x80x128xf32, #tpu.memory_space<vmem>>
      %dma_start3A_231 = tpu.memref_squeeze %dma_start3A_230 : memref<1x80x128xf32, #tpu.memory_space<vmem>> -> memref<80x128xf32, #tpu.memory_space<vmem>>
      tpu.enqueue_dma source(%dma_start3A_231 : memref<80x128xf32, #tpu.memory_space<vmem>>) target(%dma_start3A_227 : memref<80x128xf32, #tpu.memory_space<vmem_shared>>) target_semaphore(%run_scoped3A_219 : memref<!tpu.dma_semaphore, #tpu.memory_space<semaphore_mem>>)
      %dma_wait3A_232 = arith.constant 0 : i32
      %dma_wait3A_233 = arith.constant 0 : i32
      %dma_wait3A_234 = tpu.memref_slice %arg9[%run_scoped3A, %dma_wait3A_232, %dma_wait3A_233] : memref<2x80x128xf32, #tpu.memory_space<vmem>> -> memref<1x80x128xf32, #tpu.memory_space<vmem>>
      %dma_wait3A_235 = tpu.memref_squeeze %dma_wait3A_234 : memref<1x80x128xf32, #tpu.memory_space<vmem>> -> memref<80x128xf32, #tpu.memory_space<vmem>>
      %dma_wait3A_236 = arith.constant 0 : i32
      %dma_wait3A_237 = tpu.memref_slice %arg11[%add3A_7, %dma_wait3A_236] : memref<10000x128xf32, #tpu.memory_space<vmem_shared>> -> memref<80x128xf32, #tpu.memory_space<vmem_shared>>
      %dma_wait3A_238 = arith.constant 0 : i32
      %dma_wait3A_239 = tpu.memref_slice %arg11[%add3A_7, %dma_wait3A_238] : memref<10000x128xf32, #tpu.memory_space<vmem_shared>> -> memref<80x128xf32, #tpu.memory_space<vmem_shared>>
      %dma_wait3A_240 = arith.constant 0 : i32
      %dma_wait3A_241 = arith.constant 0 : i32
      %dma_wait3A_242 = tpu.memref_slice %arg9[%run_scoped3A, %dma_wait3A_240, %dma_wait3A_241] : memref<2x80x128xf32, #tpu.memory_space<vmem>> -> memref<1x80x128xf32, #tpu.memory_space<vmem>>
      %dma_wait3A_243 = tpu.memref_squeeze %dma_wait3A_242 : memref<1x80x128xf32, #tpu.memory_space<vmem>> -> memref<80x128xf32, #tpu.memory_space<vmem>>
      tpu.wait_dma2 semaphore(%run_scoped3A_219 : memref<!tpu.dma_semaphore, #tpu.memory_space<semaphore_mem>>) src(%dma_wait3A_243 : memref<80x128xf32, #tpu.memory_space<vmem>>) dst(%dma_wait3A_239 : memref<80x128xf32, #tpu.memory_space<vmem_shared>>)
      tpu.yield
    }) : () -> ()
    %add3A_8 = arith.constant 80 : i32
    %add3A_9 = arith.addi %mul3A_6, %add3A_8 : i32
    %run_scoped3A_10 = arith.constant 0 : i32
    "tpu.region"() ({
      %run_scoped3A_219 = tpu.sem_alloc : memref<!tpu.dma_semaphore, #tpu.memory_space<semaphore_mem>>
      %dma_start3A_220 = arith.constant 0 : i32
      %dma_start3A_221 = arith.constant 0 : i32
      %dma_start3A_222 = tpu.memref_slice %arg9[%run_scoped3A_10, %dma_start3A_220, %dma_start3A_221] : memref<2x80x128xf32, #tpu.memory_space<vmem>> -> memref<1x80x128xf32, #tpu.memory_space<vmem>>
      %dma_start3A_223 = tpu.memref_squeeze %dma_start3A_222 : memref<1x80x128xf32, #tpu.memory_space<vmem>> -> memref<80x128xf32, #tpu.memory_space<vmem>>
      %dma_start3A_224 = arith.constant 0 : i32
      %dma_start3A_225 = tpu.memref_slice %arg11[%add3A_9, %dma_start3A_224] : memref<10000x128xf32, #tpu.memory_space<vmem_shared>> -> memref<80x128xf32, #tpu.memory_space<vmem_shared>>
      %dma_start3A_226 = arith.constant 0 : i32
      %dma_start3A_227 = tpu.memref_slice %arg11[%add3A_9, %dma_start3A_226] : memref<10000x128xf32, #tpu.memory_space<vmem_shared>> -> memref<80x128xf32, #tpu.memory_space<vmem_shared>>
      %dma_start3A_228 = arith.constant 0 : i32
      %dma_start3A_229 = arith.constant 0 : i32
      %dma_start3A_230 = tpu.memref_slice %arg9[%run_scoped3A_10, %dma_start3A_228, %dma_start3A_229] : memref<2x80x128xf32, #tpu.memory_space<vmem>> -> memref<1x80x128xf32, #tpu.memory_space<vmem>>
      %dma_start3A_231 = tpu.memref_squeeze %dma_start3A_230 : memref<1x80x128xf32, #tpu.memory_space<vmem>> -> memref<80x128xf32, #tpu.memory_space<vmem>>
      tpu.enqueue_dma source(%dma_start3A_231 : memref<80x128xf32, #tpu.memory_space<vmem>>) target(%dma_start3A_227 : memref<80x128xf32, #tpu.memory_space<vmem_shared>>) target_semaphore(%run_scoped3A_219 : memref<!tpu.dma_semaphore, #tpu.memory_space<semaphore_mem>>)
      %dma_wait3A_232 = arith.constant 0 : i32
      %dma_wait3A_233 = arith.constant 0 : i32
      %dma_wait3A_234 = tpu.memref_slice %arg9[%run_scoped3A_10, %dma_wait3A_232, %dma_wait3A_233] : memref<2x80x128xf32, #tpu.memory_space<vmem>> -> memref<1x80x128xf32, #tpu.memory_space<vmem>>
      %dma_wait3A_235 = tpu.memref_squeeze %dma_wait3A_234 : memref<1x80x128xf32, #tpu.memory_space<vmem>> -> memref<80x128xf32, #tpu.memory_space<vmem>>
      %dma_wait3A_236 = arith.constant 0 : i32
      %dma_wait3A_237 = tpu.memref_slice %arg11[%add3A_9, %dma_wait3A_236] : memref<10000x128xf32, #tpu.memory_space<vmem_shared>> -> memref<80x128xf32, #tpu.memory_space<vmem_shared>>
      %dma_wait3A_238 = arith.constant 0 : i32
      %dma_wait3A_239 = tpu.memref_slice %arg11[%add3A_9, %dma_wait3A_238] : memref<10000x128xf32, #tpu.memory_space<vmem_shared>> -> memref<80x128xf32, #tpu.memory_space<vmem_shared>>
      %dma_wait3A_240 = arith.constant 0 : i32
      %dma_wait3A_241 = arith.constant 0 : i32
      %dma_wait3A_242 = tpu.memref_slice %arg9[%run_scoped3A_10, %dma_wait3A_240, %dma_wait3A_241] : memref<2x80x128xf32, #tpu.memory_space<vmem>> -> memref<1x80x128xf32, #tpu.memory_space<vmem>>
      %dma_wait3A_243 = tpu.memref_squeeze %dma_wait3A_242 : memref<1x80x128xf32, #tpu.memory_space<vmem>> -> memref<80x128xf32, #tpu.memory_space<vmem>>
      tpu.wait_dma2 semaphore(%run_scoped3A_219 : memref<!tpu.dma_semaphore, #tpu.memory_space<semaphore_mem>>) src(%dma_wait3A_243 : memref<80x128xf32, #tpu.memory_space<vmem>>) dst(%dma_wait3A_239 : memref<80x128xf32, #tpu.memory_space<vmem_shared>>)
      tpu.yield
    }) : () -> ()
    %add3A_11 = arith.constant 160 : i32
    %add3A_12 = arith.addi %mul3A_6, %add3A_11 : i32
    %run_scoped3A_13 = arith.constant 0 : i32
    "tpu.region"() ({
      %run_scoped3A_219 = tpu.sem_alloc : memref<!tpu.dma_semaphore, #tpu.memory_space<semaphore_mem>>
      %dma_start3A_220 = arith.constant 0 : i32
      %dma_start3A_221 = arith.constant 0 : i32
      %dma_start3A_222 = tpu.memref_slice %arg9[%run_scoped3A_13, %dma_start3A_220, %dma_start3A_221] : memref<2x80x128xf32, #tpu.memory_space<vmem>> -> memref<1x80x128xf32, #tpu.memory_space<vmem>>
      %dma_start3A_223 = tpu.memref_squeeze %dma_start3A_222 : memref<1x80x128xf32, #tpu.memory_space<vmem>> -> memref<80x128xf32, #tpu.memory_space<vmem>>
      %dma_start3A_224 = arith.constant 0 : i32
      %dma_start3A_225 = tpu.memref_slice %arg11[%add3A_12, %dma_start3A_224] : memref<10000x128xf32, #tpu.memory_space<vmem_shared>> -> memref<80x128xf32, #tpu.memory_space<vmem_shared>>
      %dma_start3A_226 = arith.constant 0 : i32
      %dma_start3A_227 = tpu.memref_slice %arg11[%add3A_12, %dma_start3A_226] : memref<10000x128xf32, #tpu.memory_space<vmem_shared>> -> memref<80x128xf32, #tpu.memory_space<vmem_shared>>
      %dma_start3A_228 = arith.constant 0 : i32
      %dma_start3A_229 = arith.constant 0 : i32
      %dma_start3A_230 = tpu.memref_slice %arg9[%run_scoped3A_13, %dma_start3A_228, %dma_start3A_229] : memref<2x80x128xf32, #tpu.memory_space<vmem>> -> memref<1x80x128xf32, #tpu.memory_space<vmem>>
      %dma_start3A_231 = tpu.memref_squeeze %dma_start3A_230 : memref<1x80x128xf32, #tpu.memory_space<vmem>> -> memref<80x128xf32, #tpu.memory_space<vmem>>
      tpu.enqueue_dma source(%dma_start3A_231 : memref<80x128xf32, #tpu.memory_space<vmem>>) target(%dma_start3A_227 : memref<80x128xf32, #tpu.memory_space<vmem_shared>>) target_semaphore(%run_scoped3A_219 : memref<!tpu.dma_semaphore, #tpu.memory_space<semaphore_mem>>)
      %dma_wait3A_232 = arith.constant 0 : i32
      %dma_wait3A_233 = arith.constant 0 : i32
      %dma_wait3A_234 = tpu.memref_slice %arg9[%run_scoped3A_13, %dma_wait3A_232, %dma_wait3A_233] : memref<2x80x128xf32, #tpu.memory_space<vmem>> -> memref<1x80x128xf32, #tpu.memory_space<vmem>>
      %dma_wait3A_235 = tpu.memref_squeeze %dma_wait3A_234 : memref<1x80x128xf32, #tpu.memory_space<vmem>> -> memref<80x128xf32, #tpu.memory_space<vmem>>
      %dma_wait3A_236 = arith.constant 0 : i32
      %dma_wait3A_237 = tpu.memref_slice %arg11[%add3A_12, %dma_wait3A_236] : memref<10000x128xf32, #tpu.memory_space<vmem_shared>> -> memref<80x128xf32, #tpu.memory_space<vmem_shared>>
      %dma_wait3A_238 = arith.constant 0 : i32
      %dma_wait3A_239 = tpu.memref_slice %arg11[%add3A_12, %dma_wait3A_238] : memref<10000x128xf32, #tpu.memory_space<vmem_shared>> -> memref<80x128xf32, #tpu.memory_space<vmem_shared>>
      %dma_wait3A_240 = arith.constant 0 : i32
      %dma_wait3A_241 = arith.constant 0 : i32
      %dma_wait3A_242 = tpu.memref_slice %arg9[%run_scoped3A_13, %dma_wait3A_240, %dma_wait3A_241] : memref<2x80x128xf32, #tpu.memory_space<vmem>> -> memref<1x80x128xf32, #tpu.memory_space<vmem>>
      %dma_wait3A_243 = tpu.memref_squeeze %dma_wait3A_242 : memref<1x80x128xf32, #tpu.memory_space<vmem>> -> memref<80x128xf32, #tpu.memory_space<vmem>>
      tpu.wait_dma2 semaphore(%run_scoped3A_219 : memref<!tpu.dma_semaphore, #tpu.memory_space<semaphore_mem>>) src(%dma_wait3A_243 : memref<80x128xf32, #tpu.memory_space<vmem>>) dst(%dma_wait3A_239 : memref<80x128xf32, #tpu.memory_space<vmem_shared>>)
      tpu.yield
    }) : () -> ()
    %add3A_14 = arith.constant 240 : i32
    %add3A_15 = arith.addi %mul3A_6, %add3A_14 : i32
    %run_scoped3A_16 = arith.constant 0 : i32
    "tpu.region"() ({
      %run_scoped3A_219 = tpu.sem_alloc : memref<!tpu.dma_semaphore, #tpu.memory_space<semaphore_mem>>
      %dma_start3A_220 = arith.constant 0 : i32
      %dma_start3A_221 = arith.constant 0 : i32
      %dma_start3A_222 = tpu.memref_slice %arg9[%run_scoped3A_16, %dma_start3A_220, %dma_start3A_221] : memref<2x80x128xf32, #tpu.memory_space<vmem>> -> memref<1x80x128xf32, #tpu.memory_space<vmem>>
      %dma_start3A_223 = tpu.memref_squeeze %dma_start3A_222 : memref<1x80x128xf32, #tpu.memory_space<vmem>> -> memref<80x128xf32, #tpu.memory_space<vmem>>
      %dma_start3A_224 = arith.constant 0 : i32
      %dma_start3A_225 = tpu.memref_slice %arg11[%add3A_15, %dma_start3A_224] : memref<10000x128xf32, #tpu.memory_space<vmem_shared>> -> memref<80x128xf32, #tpu.memory_space<vmem_shared>>
      %dma_start3A_226 = arith.constant 0 : i32
      %dma_start3A_227 = tpu.memref_slice %arg11[%add3A_15, %dma_start3A_226] : memref<10000x128xf32, #tpu.memory_space<vmem_shared>> -> memref<80x128xf32, #tpu.memory_space<vmem_shared>>
      %dma_start3A_228 = arith.constant 0 : i32
      %dma_start3A_229 = arith.constant 0 : i32
      %dma_start3A_230 = tpu.memref_slice %arg9[%run_scoped3A_16, %dma_start3A_228, %dma_start3A_229] : memref<2x80x128xf32, #tpu.memory_space<vmem>> -> memref<1x80x128xf32, #tpu.memory_space<vmem>>
      %dma_start3A_231 = tpu.memref_squeeze %dma_start3A_230 : memref<1x80x128xf32, #tpu.memory_space<vmem>> -> memref<80x128xf32, #tpu.memory_space<vmem>>
      tpu.enqueue_dma source(%dma_start3A_231 : memref<80x128xf32, #tpu.memory_space<vmem>>) target(%dma_start3A_227 : memref<80x128xf32, #tpu.memory_space<vmem_shared>>) target_semaphore(%run_scoped3A_219 : memref<!tpu.dma_semaphore, #tpu.memory_space<semaphore_mem>>)
      %dma_wait3A_232 = arith.constant 0 : i32
      %dma_wait3A_233 = arith.constant 0 : i32
      %dma_wait3A_234 = tpu.memref_slice %arg9[%run_scoped3A_16, %dma_wait3A_232, %dma_wait3A_233] : memref<2x80x128xf32, #tpu.memory_space<vmem>> -> memref<1x80x128xf32, #tpu.memory_space<vmem>>
      %dma_wait3A_235 = tpu.memref_squeeze %dma_wait3A_234 : memref<1x80x128xf32, #tpu.memory_space<vmem>> -> memref<80x128xf32, #tpu.memory_space<vmem>>
      %dma_wait3A_236 = arith.constant 0 : i32
      %dma_wait3A_237 = tpu.memref_slice %arg11[%add3A_15, %dma_wait3A_236] : memref<10000x128xf32, #tpu.memory_space<vmem_shared>> -> memref<80x128xf32, #tpu.memory_space<vmem_shared>>
      %dma_wait3A_238 = arith.constant 0 : i32
      %dma_wait3A_239 = tpu.memref_slice %arg11[%add3A_15, %dma_wait3A_238] : memref<10000x128xf32, #tpu.memory_space<vmem_shared>> -> memref<80x128xf32, #tpu.memory_space<vmem_shared>>
      %dma_wait3A_240 = arith.constant 0 : i32
      %dma_wait3A_241 = arith.constant 0 : i32
      %dma_wait3A_242 = tpu.memref_slice %arg9[%run_scoped3A_16, %dma_wait3A_240, %dma_wait3A_241] : memref<2x80x128xf32, #tpu.memory_space<vmem>> -> memref<1x80x128xf32, #tpu.memory_space<vmem>>
      %dma_wait3A_243 = tpu.memref_squeeze %dma_wait3A_242 : memref<1x80x128xf32, #tpu.memory_space<vmem>> -> memref<80x128xf32, #tpu.memory_space<vmem>>
      tpu.wait_dma2 semaphore(%run_scoped3A_219 : memref<!tpu.dma_semaphore, #tpu.memory_space<semaphore_mem>>) src(%dma_wait3A_243 : memref<80x128xf32, #tpu.memory_space<vmem>>) dst(%dma_wait3A_239 : memref<80x128xf32, #tpu.memory_space<vmem_shared>>)
      tpu.yield
    }) : () -> ()
    %add3A_17 = arith.constant 320 : i32
    %add3A_18 = arith.addi %mul3A_6, %add3A_17 : i32
    %run_scoped3A_19 = arith.constant 0 : i32
    "tpu.region"() ({
      %run_scoped3A_219 = tpu.sem_alloc : memref<!tpu.dma_semaphore, #tpu.memory_space<semaphore_mem>>
      %dma_start3A_220 = arith.constant 0 : i32
      %dma_start3A_221 = arith.constant 0 : i32
      %dma_start3A_222 = tpu.memref_slice %arg9[%run_scoped3A_19, %dma_start3A_220, %dma_start3A_221] : memref<2x80x128xf32, #tpu.memory_space<vmem>> -> memref<1x80x128xf32, #tpu.memory_space<vmem>>
      %dma_start3A_223 = tpu.memref_squeeze %dma_start3A_222 : memref<1x80x128xf32, #tpu.memory_space<vmem>> -> memref<80x128xf32, #tpu.memory_space<vmem>>
      %dma_start3A_224 = arith.constant 0 : i32
      %dma_start3A_225 = tpu.memref_slice %arg11[%add3A_18, %dma_start3A_224] : memref<10000x128xf32, #tpu.memory_space<vmem_shared>> -> memref<80x128xf32, #tpu.memory_space<vmem_shared>>
      %dma_start3A_226 = arith.constant 0 : i32
      %dma_start3A_227 = tpu.memref_slice %arg11[%add3A_18, %dma_start3A_226] : memref<10000x128xf32, #tpu.memory_space<vmem_shared>> -> memref<80x128xf32, #tpu.memory_space<vmem_shared>>
      %dma_start3A_228 = arith.constant 0 : i32
      %dma_start3A_229 = arith.constant 0 : i32
      %dma_start3A_230 = tpu.memref_slice %arg9[%run_scoped3A_19, %dma_start3A_228, %dma_start3A_229] : memref<2x80x128xf32, #tpu.memory_space<vmem>> -> memref<1x80x128xf32, #tpu.memory_space<vmem>>
      %dma_start3A_231 = tpu.memref_squeeze %dma_start3A_230 : memref<1x80x128xf32, #tpu.memory_space<vmem>> -> memref<80x128xf32, #tpu.memory_space<vmem>>
      tpu.enqueue_dma source(%dma_start3A_231 : memref<80x128xf32, #tpu.memory_space<vmem>>) target(%dma_start3A_227 : memref<80x128xf32, #tpu.memory_space<vmem_shared>>) target_semaphore(%run_scoped3A_219 : memref<!tpu.dma_semaphore, #tpu.memory_space<semaphore_mem>>)
      %dma_wait3A_232 = arith.constant 0 : i32
      %dma_wait3A_233 = arith.constant 0 : i32
      %dma_wait3A_234 = tpu.memref_slice %arg9[%run_scoped3A_19, %dma_wait3A_232, %dma_wait3A_233] : memref<2x80x128xf32, #tpu.memory_space<vmem>> -> memref<1x80x128xf32, #tpu.memory_space<vmem>>
      %dma_wait3A_235 = tpu.memref_squeeze %dma_wait3A_234 : memref<1x80x128xf32, #tpu.memory_space<vmem>> -> memref<80x128xf32, #tpu.memory_space<vmem>>
      %dma_wait3A_236 = arith.constant 0 : i32
      %dma_wait3A_237 = tpu.memref_slice %arg11[%add3A_18, %dma_wait3A_236] : memref<10000x128xf32, #tpu.memory_space<vmem_shared>> -> memref<80x128xf32, #tpu.memory_space<vmem_shared>>
      %dma_wait3A_238 = arith.constant 0 : i32
      %dma_wait3A_239 = tpu.memref_slice %arg11[%add3A_18, %dma_wait3A_238] : memref<10000x128xf32, #tpu.memory_space<vmem_shared>> -> memref<80x128xf32, #tpu.memory_space<vmem_shared>>
      %dma_wait3A_240 = arith.constant 0 : i32
      %dma_wait3A_241 = arith.constant 0 : i32
      %dma_wait3A_242 = tpu.memref_slice %arg9[%run_scoped3A_19, %dma_wait3A_240, %dma_wait3A_241] : memref<2x80x128xf32, #tpu.memory_space<vmem>> -> memref<1x80x128xf32, #tpu.memory_space<vmem>>
      %dma_wait3A_243 = tpu.memref_squeeze %dma_wait3A_242 : memref<1x80x128xf32, #tpu.memory_space<vmem>> -> memref<80x128xf32, #tpu.memory_space<vmem>>
      tpu.wait_dma2 semaphore(%run_scoped3A_219 : memref<!tpu.dma_semaphore, #tpu.memory_space<semaphore_mem>>) src(%dma_wait3A_243 : memref<80x128xf32, #tpu.memory_space<vmem>>) dst(%dma_wait3A_239 : memref<80x128xf32, #tpu.memory_space<vmem_shared>>)
      tpu.yield
    }) : () -> ()
    %add3A_20 = arith.constant 400 : i32
    %add3A_21 = arith.addi %mul3A_6, %add3A_20 : i32
    %run_scoped3A_22 = arith.constant 0 : i32
    "tpu.region"() ({
      %run_scoped3A_219 = tpu.sem_alloc : memref<!tpu.dma_semaphore, #tpu.memory_space<semaphore_mem>>
      %dma_start3A_220 = arith.constant 0 : i32
      %dma_start3A_221 = arith.constant 0 : i32
      %dma_start3A_222 = tpu.memref_slice %arg9[%run_scoped3A_22, %dma_start3A_220, %dma_start3A_221] : memref<2x80x128xf32, #tpu.memory_space<vmem>> -> memref<1x80x128xf32, #tpu.memory_space<vmem>>
      %dma_start3A_223 = tpu.memref_squeeze %dma_start3A_222 : memref<1x80x128xf32, #tpu.memory_space<vmem>> -> memref<80x128xf32, #tpu.memory_space<vmem>>
      %dma_start3A_224 = arith.constant 0 : i32
      %dma_start3A_225 = tpu.memref_slice %arg11[%add3A_21, %dma_start3A_224] : memref<10000x128xf32, #tpu.memory_space<vmem_shared>> -> memref<80x128xf32, #tpu.memory_space<vmem_shared>>
      %dma_start3A_226 = arith.constant 0 : i32
      %dma_start3A_227 = tpu.memref_slice %arg11[%add3A_21, %dma_start3A_226] : memref<10000x128xf32, #tpu.memory_space<vmem_shared>> -> memref<80x128xf32, #tpu.memory_space<vmem_shared>>
      %dma_start3A_228 = arith.constant 0 : i32
      %dma_start3A_229 = arith.constant 0 : i32
      %dma_start3A_230 = tpu.memref_slice %arg9[%run_scoped3A_22, %dma_start3A_228, %dma_start3A_229] : memref<2x80x128xf32, #tpu.memory_space<vmem>> -> memref<1x80x128xf32, #tpu.memory_space<vmem>>
      %dma_start3A_231 = tpu.memref_squeeze %dma_start3A_230 : memref<1x80x128xf32, #tpu.memory_space<vmem>> -> memref<80x128xf32, #tpu.memory_space<vmem>>
      tpu.enqueue_dma source(%dma_start3A_231 : memref<80x128xf32, #tpu.memory_space<vmem>>) target(%dma_start3A_227 : memref<80x128xf32, #tpu.memory_space<vmem_shared>>) target_semaphore(%run_scoped3A_219 : memref<!tpu.dma_semaphore, #tpu.memory_space<semaphore_mem>>)
      %dma_wait3A_232 = arith.constant 0 : i32
      %dma_wait3A_233 = arith.constant 0 : i32
      %dma_wait3A_234 = tpu.memref_slice %arg9[%run_scoped3A_22, %dma_wait3A_232, %dma_wait3A_233] : memref<2x80x128xf32, #tpu.memory_space<vmem>> -> memref<1x80x128xf32, #tpu.memory_space<vmem>>
      %dma_wait3A_235 = tpu.memref_squeeze %dma_wait3A_234 : memref<1x80x128xf32, #tpu.memory_space<vmem>> -> memref<80x128xf32, #tpu.memory_space<vmem>>
      %dma_wait3A_236 = arith.constant 0 : i32
      %dma_wait3A_237 = tpu.memref_slice %arg11[%add3A_21, %dma_wait3A_236] : memref<10000x128xf32, #tpu.memory_space<vmem_shared>> -> memref<80x128xf32, #tpu.memory_space<vmem_shared>>
      %dma_wait3A_238 = arith.constant 0 : i32
      %dma_wait3A_239 = tpu.memref_slice %arg11[%add3A_21, %dma_wait3A_238] : memref<10000x128xf32, #tpu.memory_space<vmem_shared>> -> memref<80x128xf32, #tpu.memory_space<vmem_shared>>
      %dma_wait3A_240 = arith.constant 0 : i32
      %dma_wait3A_241 = arith.constant 0 : i32
      %dma_wait3A_242 = tpu.memref_slice %arg9[%run_scoped3A_22, %dma_wait3A_240, %dma_wait3A_241] : memref<2x80x128xf32, #tpu.memory_space<vmem>> -> memref<1x80x128xf32, #tpu.memory_space<vmem>>
      %dma_wait3A_243 = tpu.memref_squeeze %dma_wait3A_242 : memref<1x80x128xf32, #tpu.memory_space<vmem>> -> memref<80x128xf32, #tpu.memory_space<vmem>>
      tpu.wait_dma2 semaphore(%run_scoped3A_219 : memref<!tpu.dma_semaphore, #tpu.memory_space<semaphore_mem>>) src(%dma_wait3A_243 : memref<80x128xf32, #tpu.memory_space<vmem>>) dst(%dma_wait3A_239 : memref<80x128xf32, #tpu.memory_space<vmem_shared>>)
      tpu.yield
    }) : () -> ()
    %add3A_23 = arith.constant 480 : i32
    %add3A_24 = arith.addi %mul3A_6, %add3A_23 : i32
    %run_scoped3A_25 = arith.constant 0 : i32
    "tpu.region"() ({
      %run_scoped3A_219 = tpu.sem_alloc : memref<!tpu.dma_semaphore, #tpu.memory_space<semaphore_mem>>
      %dma_start3A_220 = arith.constant 0 : i32
      %dma_start3A_221 = arith.constant 0 : i32
      %dma_start3A_222 = tpu.memref_slice %arg9[%run_scoped3A_25, %dma_start3A_220, %dma_start3A_221] : memref<2x80x128xf32, #tpu.memory_space<vmem>> -> memref<1x80x128xf32, #tpu.memory_space<vmem>>
      %dma_start3A_223 = tpu.memref_squeeze %dma_start3A_222 : memref<1x80x128xf32, #tpu.memory_space<vmem>> -> memref<80x128xf32, #tpu.memory_space<vmem>>
      %dma_start3A_224 = arith.constant 0 : i32
      %dma_start3A_225 = tpu.memref_slice %arg11[%add3A_24, %dma_start3A_224] : memref<10000x128xf32, #tpu.memory_space<vmem_shared>> -> memref<80x128xf32, #tpu.memory_space<vmem_shared>>
      %dma_start3A_226 = arith.constant 0 : i32
      %dma_start3A_227 = tpu.memref_slice %arg11[%add3A_24, %dma_start3A_226] : memref<10000x128xf32, #tpu.memory_space<vmem_shared>> -> memref<80x128xf32, #tpu.memory_space<vmem_shared>>
      %dma_start3A_228 = arith.constant 0 : i32
      %dma_start3A_229 = arith.constant 0 : i32
      %dma_start3A_230 = tpu.memref_slice %arg9[%run_scoped3A_25, %dma_start3A_228, %dma_start3A_229] : memref<2x80x128xf32, #tpu.memory_space<vmem>> -> memref<1x80x128xf32, #tpu.memory_space<vmem>>
      %dma_start3A_231 = tpu.memref_squeeze %dma_start3A_230 : memref<1x80x128xf32, #tpu.memory_space<vmem>> -> memref<80x128xf32, #tpu.memory_space<vmem>>
      tpu.enqueue_dma source(%dma_start3A_231 : memref<80x128xf32, #tpu.memory_space<vmem>>) target(%dma_start3A_227 : memref<80x128xf32, #tpu.memory_space<vmem_shared>>) target_semaphore(%run_scoped3A_219 : memref<!tpu.dma_semaphore, #tpu.memory_space<semaphore_mem>>)
      %dma_wait3A_232 = arith.constant 0 : i32
      %dma_wait3A_233 = arith.constant 0 : i32
      %dma_wait3A_234 = tpu.memref_slice %arg9[%run_scoped3A_25, %dma_wait3A_232, %dma_wait3A_233] : memref<2x80x128xf32, #tpu.memory_space<vmem>> -> memref<1x80x128xf32, #tpu.memory_space<vmem>>
      %dma_wait3A_235 = tpu.memref_squeeze %dma_wait3A_234 : memref<1x80x128xf32, #tpu.memory_space<vmem>> -> memref<80x128xf32, #tpu.memory_space<vmem>>
      %dma_wait3A_236 = arith.constant 0 : i32
      %dma_wait3A_237 = tpu.memref_slice %arg11[%add3A_24, %dma_wait3A_236] : memref<10000x128xf32, #tpu.memory_space<vmem_shared>> -> memref<80x128xf32, #tpu.memory_space<vmem_shared>>
      %dma_wait3A_238 = arith.constant 0 : i32
      %dma_wait3A_239 = tpu.memref_slice %arg11[%add3A_24, %dma_wait3A_238] : memref<10000x128xf32, #tpu.memory_space<vmem_shared>> -> memref<80x128xf32, #tpu.memory_space<vmem_shared>>
      %dma_wait3A_240 = arith.constant 0 : i32
      %dma_wait3A_241 = arith.constant 0 : i32
      %dma_wait3A_242 = tpu.memref_slice %arg9[%run_scoped3A_25, %dma_wait3A_240, %dma_wait3A_241] : memref<2x80x128xf32, #tpu.memory_space<vmem>> -> memref<1x80x128xf32, #tpu.memory_space<vmem>>
      %dma_wait3A_243 = tpu.memref_squeeze %dma_wait3A_242 : memref<1x80x128xf32, #tpu.memory_space<vmem>> -> memref<80x128xf32, #tpu.memory_space<vmem>>
      tpu.wait_dma2 semaphore(%run_scoped3A_219 : memref<!tpu.dma_semaphore, #tpu.memory_space<semaphore_mem>>) src(%dma_wait3A_243 : memref<80x128xf32, #tpu.memory_space<vmem>>) dst(%dma_wait3A_239 : memref<80x128xf32, #tpu.memory_space<vmem_shared>>)
      tpu.yield
    }) : () -> ()
    %add3A_26 = arith.constant 560 : i32
    %add3A_27 = arith.addi %mul3A_6, %add3A_26 : i32
    %run_scoped3A_28 = arith.constant 0 : i32
    "tpu.region"() ({
      %run_scoped3A_219 = tpu.sem_alloc : memref<!tpu.dma_semaphore, #tpu.memory_space<semaphore_mem>>
      %dma_start3A_220 = arith.constant 0 : i32
      %dma_start3A_221 = arith.constant 0 : i32
      %dma_start3A_222 = tpu.memref_slice %arg9[%run_scoped3A_28, %dma_start3A_220, %dma_start3A_221] : memref<2x80x128xf32, #tpu.memory_space<vmem>> -> memref<1x64x128xf32, #tpu.memory_space<vmem>>
      %dma_start3A_223 = tpu.memref_squeeze %dma_start3A_222 : memref<1x64x128xf32, #tpu.memory_space<vmem>> -> memref<64x128xf32, #tpu.memory_space<vmem>>
      %dma_start3A_224 = arith.constant 0 : i32
      %dma_start3A_225 = tpu.memref_slice %arg11[%add3A_27, %dma_start3A_224] : memref<10000x128xf32, #tpu.memory_space<vmem_shared>> -> memref<64x128xf32, #tpu.memory_space<vmem_shared>>
      %dma_start3A_226 = arith.constant 0 : i32
      %dma_start3A_227 = tpu.memref_slice %arg11[%add3A_27, %dma_start3A_226] : memref<10000x128xf32, #tpu.memory_space<vmem_shared>> -> memref<64x128xf32, #tpu.memory_space<vmem_shared>>
      %dma_start3A_228 = arith.constant 0 : i32
      %dma_start3A_229 = arith.constant 0 : i32
      %dma_start3A_230 = tpu.memref_slice %arg9[%run_scoped3A_28, %dma_start3A_228, %dma_start3A_229] : memref<2x80x128xf32, #tpu.memory_space<vmem>> -> memref<1x64x128xf32, #tpu.memory_space<vmem>>
      %dma_start3A_231 = tpu.memref_squeeze %dma_start3A_230 : memref<1x64x128xf32, #tpu.memory_space<vmem>> -> memref<64x128xf32, #tpu.memory_space<vmem>>
      tpu.enqueue_dma source(%dma_start3A_231 : memref<64x128xf32, #tpu.memory_space<vmem>>) target(%dma_start3A_227 : memref<64x128xf32, #tpu.memory_space<vmem_shared>>) target_semaphore(%run_scoped3A_219 : memref<!tpu.dma_semaphore, #tpu.memory_space<semaphore_mem>>)
      %dma_wait3A_232 = arith.constant 0 : i32
      %dma_wait3A_233 = arith.constant 0 : i32
      %dma_wait3A_234 = tpu.memref_slice %arg9[%run_scoped3A_28, %dma_wait3A_232, %dma_wait3A_233] : memref<2x80x128xf32, #tpu.memory_space<vmem>> -> memref<1x64x128xf32, #tpu.memory_space<vmem>>
      %dma_wait3A_235 = tpu.memref_squeeze %dma_wait3A_234 : memref<1x64x128xf32, #tpu.memory_space<vmem>> -> memref<64x128xf32, #tpu.memory_space<vmem>>
      %dma_wait3A_236 = arith.constant 0 : i32
      %dma_wait3A_237 = tpu.memref_slice %arg11[%add3A_27, %dma_wait3A_236] : memref<10000x128xf32, #tpu.memory_space<vmem_shared>> -> memref<64x128xf32, #tpu.memory_space<vmem_shared>>
      %dma_wait3A_238 = arith.constant 0 : i32
      %dma_wait3A_239 = tpu.memref_slice %arg11[%add3A_27, %dma_wait3A_238] : memref<10000x128xf32, #tpu.memory_space<vmem_shared>> -> memref<64x128xf32, #tpu.memory_space<vmem_shared>>
      %dma_wait3A_240 = arith.constant 0 : i32
      %dma_wait3A_241 = arith.constant 0 : i32
      %dma_wait3A_242 = tpu.memref_slice %arg9[%run_scoped3A_28, %dma_wait3A_240, %dma_wait3A_241] : memref<2x80x128xf32, #tpu.memory_space<vmem>> -> memref<1x64x128xf32, #tpu.memory_space<vmem>>
      %dma_wait3A_243 = tpu.memref_squeeze %dma_wait3A_242 : memref<1x64x128xf32, #tpu.memory_space<vmem>> -> memref<64x128xf32, #tpu.memory_space<vmem>>
      tpu.wait_dma2 semaphore(%run_scoped3A_219 : memref<!tpu.dma_semaphore, #tpu.memory_space<semaphore_mem>>) src(%dma_wait3A_243 : memref<64x128xf32, #tpu.memory_space<vmem>>) dst(%dma_wait3A_239 : memref<64x128xf32, #tpu.memory_space<vmem_shared>>)
      tpu.yield
    }) : () -> ()
    %eq3A = arith.constant 15 : i32
    %eq3A_29 = arith.cmpi eq, %arg1, %eq3A : i32
    %convert_element_type3A = arith.extui %eq3A_29 : i1 to i32
    %cond3A = arith.constant 0 : i32
    %cond3A_30 = arith.cmpi ne, %convert_element_type3A, %cond3A : i32
    scf.if %cond3A_30 {
      %run_scoped3A_219 = arith.constant 0 : i32
      "tpu.region"() ({
        %run_scoped3A_220 = tpu.sem_alloc : memref<!tpu.dma_semaphore, #tpu.memory_space<semaphore_mem>>
        %dma_start3A_221 = arith.constant 0 : i32
        %dma_start3A_222 = arith.constant 0 : i32
        %dma_start3A_223 = tpu.memref_slice %arg9[%run_scoped3A_219, %dma_start3A_221, %dma_start3A_222] : memref<2x80x128xf32, #tpu.memory_space<vmem>> -> memref<1x16x128xf32, #tpu.memory_space<vmem>>
        %dma_start3A_224 = tpu.memref_squeeze %dma_start3A_223 : memref<1x16x128xf32, #tpu.memory_space<vmem>> -> memref<16x128xf32, #tpu.memory_space<vmem>>
        %dma_start3A_225 = arith.constant 9984 : i32
        %dma_start3A_226 = arith.constant 0 : i32
        %dma_start3A_227 = tpu.memref_slice %arg11[%dma_start3A_225, %dma_start3A_226] : memref<10000x128xf32, #tpu.memory_space<vmem_shared>> -> memref<16x128xf32, #tpu.memory_space<vmem_shared>>
        %dma_start3A_228 = arith.constant 9984 : i32
        %dma_start3A_229 = arith.constant 0 : i32
        %dma_start3A_230 = tpu.memref_slice %arg11[%dma_start3A_228, %dma_start3A_229] : memref<10000x128xf32, #tpu.memory_space<vmem_shared>> -> memref<16x128xf32, #tpu.memory_space<vmem_shared>>
        %dma_start3A_231 = arith.constant 0 : i32
        %dma_start3A_232 = arith.constant 0 : i32
        %dma_start3A_233 = tpu.memref_slice %arg9[%run_scoped3A_219, %dma_start3A_231, %dma_start3A_232] : memref<2x80x128xf32, #tpu.memory_space<vmem>> -> memref<1x16x128xf32, #tpu.memory_space<vmem>>
        %dma_start3A_234 = tpu.memref_squeeze %dma_start3A_233 : memref<1x16x128xf32, #tpu.memory_space<vmem>> -> memref<16x128xf32, #tpu.memory_space<vmem>>
        tpu.enqueue_dma source(%dma_start3A_234 : memref<16x128xf32, #tpu.memory_space<vmem>>) target(%dma_start3A_230 : memref<16x128xf32, #tpu.memory_space<vmem_shared>>) target_semaphore(%run_scoped3A_220 : memref<!tpu.dma_semaphore, #tpu.memory_space<semaphore_mem>>)
        %dma_wait3A_235 = arith.constant 0 : i32
        %dma_wait3A_236 = arith.constant 0 : i32
        %dma_wait3A_237 = tpu.memref_slice %arg9[%run_scoped3A_219, %dma_wait3A_235, %dma_wait3A_236] : memref<2x80x128xf32, #tpu.memory_space<vmem>> -> memref<1x16x128xf32, #tpu.memory_space<vmem>>
        %dma_wait3A_238 = tpu.memref_squeeze %dma_wait3A_237 : memref<1x16x128xf32, #tpu.memory_space<vmem>> -> memref<16x128xf32, #tpu.memory_space<vmem>>
        %dma_wait3A_239 = arith.constant 9984 : i32
        %dma_wait3A_240 = arith.constant 0 : i32
        %dma_wait3A_241 = tpu.memref_slice %arg11[%dma_wait3A_239, %dma_wait3A_240] : memref<10000x128xf32, #tpu.memory_space<vmem_shared>> -> memref<16x128xf32, #tpu.memory_space<vmem_shared>>
        %dma_wait3A_242 = arith.constant 9984 : i32
        %dma_wait3A_243 = arith.constant 0 : i32
        %dma_wait3A_244 = tpu.memref_slice %arg11[%dma_wait3A_242, %dma_wait3A_243] : memref<10000x128xf32, #tpu.memory_space<vmem_shared>> -> memref<16x128xf32, #tpu.memory_space<vmem_shared>>
        %dma_wait3A_245 = arith.constant 0 : i32
        %dma_wait3A_246 = arith.constant 0 : i32
        %dma_wait3A_247 = tpu.memref_slice %arg9[%run_scoped3A_219, %dma_wait3A_245, %dma_wait3A_246] : memref<2x80x128xf32, #tpu.memory_space<vmem>> -> memref<1x16x128xf32, #tpu.memory_space<vmem>>
        %dma_wait3A_248 = tpu.memref_squeeze %dma_wait3A_247 : memref<1x16x128xf32, #tpu.memory_space<vmem>> -> memref<16x128xf32, #tpu.memory_space<vmem>>
        tpu.wait_dma2 semaphore(%run_scoped3A_220 : memref<!tpu.dma_semaphore, #tpu.memory_space<semaphore_mem>>) src(%dma_wait3A_248 : memref<16x128xf32, #tpu.memory_space<vmem>>) dst(%dma_wait3A_244 : memref<16x128xf32, #tpu.memory_space<vmem_shared>>)
        tpu.yield
      }) : () -> ()
    } else {
    }
    %barrier3A = arith.constant 0 : index
    tpu.barrier barrier_id(%barrier3A)
    %mul3A_31 = arith.constant 16 : i32
    %mul3A_32 = arith.muli %arg0, %mul3A_31 : i32
    %add3A_33 = arith.addi %mul3A_32, %arg1 : i32
    %mul3A_34 = arith.constant 10000 : i32
    %mul3A_35 = arith.muli %add3A_33, %mul3A_34 : i32
    %run_scoped3A_36 = arith.constant 0 : i32
    "tpu.region"() ({
      %run_scoped3A_219 = tpu.sem_alloc : memref<!tpu.dma_semaphore, #tpu.memory_space<semaphore_mem>>
      %dma_start3A_220 = arith.constant 0 : i32
      %dma_start3A_221 = tpu.memref_slice %arg7[%run_scoped3A_36, %dma_start3A_220] : memref<4x80xi32, #tpu.memory_space<vmem>> -> memref<1x80xi32, #tpu.memory_space<vmem>>
      %dma_start3A_222 = tpu.memref_squeeze %dma_start3A_221 : memref<1x80xi32, #tpu.memory_space<vmem>> -> memref<80xi32, #tpu.memory_space<vmem>>
      %dma_start3A_223 = tpu.memref_slice %arg4[%mul3A_35] : memref<320000xi32, #tpu.memory_space<hbm>> -> memref<80xi32, #tpu.memory_space<hbm>>
      %dma_start3A_224 = arith.constant 0 : i32
      %dma_start3A_225 = tpu.memref_slice %arg7[%run_scoped3A_36, %dma_start3A_224] : memref<4x80xi32, #tpu.memory_space<vmem>> -> memref<1x80xi32, #tpu.memory_space<vmem>>
      %dma_start3A_226 = tpu.memref_squeeze %dma_start3A_225 : memref<1x80xi32, #tpu.memory_space<vmem>> -> memref<80xi32, #tpu.memory_space<vmem>>
      %dma_start3A_227 = tpu.memref_slice %arg4[%mul3A_35] : memref<320000xi32, #tpu.memory_space<hbm>> -> memref<80xi32, #tpu.memory_space<hbm>>
      tpu.enqueue_dma source(%dma_start3A_227 : memref<80xi32, #tpu.memory_space<hbm>>) target(%dma_start3A_226 : memref<80xi32, #tpu.memory_space<vmem>>) target_semaphore(%run_scoped3A_219 : memref<!tpu.dma_semaphore, #tpu.memory_space<semaphore_mem>>)
      %dma_wait3A_228 = arith.constant 0 : i32
      %dma_wait3A_229 = tpu.memref_slice %arg7[%run_scoped3A_36, %dma_wait3A_228] : memref<4x80xi32, #tpu.memory_space<vmem>> -> memref<1x80xi32, #tpu.memory_space<vmem>>
      %dma_wait3A_230 = tpu.memref_squeeze %dma_wait3A_229 : memref<1x80xi32, #tpu.memory_space<vmem>> -> memref<80xi32, #tpu.memory_space<vmem>>
      %dma_wait3A_231 = tpu.memref_slice %arg4[%mul3A_35] : memref<320000xi32, #tpu.memory_space<hbm>> -> memref<80xi32, #tpu.memory_space<hbm>>
      %dma_wait3A_232 = arith.constant 0 : i32
      %dma_wait3A_233 = tpu.memref_slice %arg7[%run_scoped3A_36, %dma_wait3A_232] : memref<4x80xi32, #tpu.memory_space<vmem>> -> memref<1x80xi32, #tpu.memory_space<vmem>>
      %dma_wait3A_234 = tpu.memref_squeeze %dma_wait3A_233 : memref<1x80xi32, #tpu.memory_space<vmem>> -> memref<80xi32, #tpu.memory_space<vmem>>
      %dma_wait3A_235 = tpu.memref_slice %arg4[%mul3A_35] : memref<320000xi32, #tpu.memory_space<hbm>> -> memref<80xi32, #tpu.memory_space<hbm>>
      tpu.wait_dma2 semaphore(%run_scoped3A_219 : memref<!tpu.dma_semaphore, #tpu.memory_space<semaphore_mem>>) src(%dma_wait3A_235 : memref<80xi32, #tpu.memory_space<hbm>>) dst(%dma_wait3A_234 : memref<80xi32, #tpu.memory_space<vmem>>)
      tpu.yield
    }) : () -> ()
    %run_scoped3A_37 = arith.constant 0 : i32
    "tpu.region"() ({
      %run_scoped3A_219 = tpu.sem_alloc : memref<!tpu.dma_semaphore, #tpu.memory_space<semaphore_mem>>
      %dma_start3A_220 = arith.constant 0 : i32
      %dma_start3A_221 = tpu.memref_slice %arg8[%run_scoped3A_37, %dma_start3A_220] : memref<4x80xi32, #tpu.memory_space<vmem>> -> memref<1x80xi32, #tpu.memory_space<vmem>>
      %dma_start3A_222 = tpu.memref_squeeze %dma_start3A_221 : memref<1x80xi32, #tpu.memory_space<vmem>> -> memref<80xi32, #tpu.memory_space<vmem>>
      %dma_start3A_223 = tpu.memref_slice %arg5[%mul3A_35] : memref<320000xi32, #tpu.memory_space<hbm>> -> memref<80xi32, #tpu.memory_space<hbm>>
      %dma_start3A_224 = arith.constant 0 : i32
      %dma_start3A_225 = tpu.memref_slice %arg8[%run_scoped3A_37, %dma_start3A_224] : memref<4x80xi32, #tpu.memory_space<vmem>> -> memref<1x80xi32, #tpu.memory_space<vmem>>
      %dma_start3A_226 = tpu.memref_squeeze %dma_start3A_225 : memref<1x80xi32, #tpu.memory_space<vmem>> -> memref<80xi32, #tpu.memory_space<vmem>>
      %dma_start3A_227 = tpu.memref_slice %arg5[%mul3A_35] : memref<320000xi32, #tpu.memory_space<hbm>> -> memref<80xi32, #tpu.memory_space<hbm>>
      tpu.enqueue_dma source(%dma_start3A_227 : memref<80xi32, #tpu.memory_space<hbm>>) target(%dma_start3A_226 : memref<80xi32, #tpu.memory_space<vmem>>) target_semaphore(%run_scoped3A_219 : memref<!tpu.dma_semaphore, #tpu.memory_space<semaphore_mem>>)
      %dma_wait3A_228 = arith.constant 0 : i32
      %dma_wait3A_229 = tpu.memref_slice %arg8[%run_scoped3A_37, %dma_wait3A_228] : memref<4x80xi32, #tpu.memory_space<vmem>> -> memref<1x80xi32, #tpu.memory_space<vmem>>
      %dma_wait3A_230 = tpu.memref_squeeze %dma_wait3A_229 : memref<1x80xi32, #tpu.memory_space<vmem>> -> memref<80xi32, #tpu.memory_space<vmem>>
      %dma_wait3A_231 = tpu.memref_slice %arg5[%mul3A_35] : memref<320000xi32, #tpu.memory_space<hbm>> -> memref<80xi32, #tpu.memory_space<hbm>>
      %dma_wait3A_232 = arith.constant 0 : i32
      %dma_wait3A_233 = tpu.memref_slice %arg8[%run_scoped3A_37, %dma_wait3A_232] : memref<4x80xi32, #tpu.memory_space<vmem>> -> memref<1x80xi32, #tpu.memory_space<vmem>>
      %dma_wait3A_234 = tpu.memref_squeeze %dma_wait3A_233 : memref<1x80xi32, #tpu.memory_space<vmem>> -> memref<80xi32, #tpu.memory_space<vmem>>
      %dma_wait3A_235 = tpu.memref_slice %arg5[%mul3A_35] : memref<320000xi32, #tpu.memory_space<hbm>> -> memref<80xi32, #tpu.memory_space<hbm>>
      tpu.wait_dma2 semaphore(%run_scoped3A_219 : memref<!tpu.dma_semaphore, #tpu.memory_space<semaphore_mem>>) src(%dma_wait3A_235 : memref<80xi32, #tpu.memory_space<hbm>>) dst(%dma_wait3A_234 : memref<80xi32, #tpu.memory_space<vmem>>)
      tpu.yield
    }) : () -> ()
    %add3A_38 = arith.constant 0 : i32
    %add3A_39 = arith.addi %mul3A_35, %add3A_38 : i32
    %dma_start3A = arith.constant 0 : i32
    %dma_start3A_40 = arith.constant 0 : i32
    %dma_start3A_41 = arith.constant 0 : i32
    %dma_start3A_42 = arith.constant 0 : i32
    %dma_start3A_43 = tpu.memref_slice %arg9[%dma_start3A, %dma_start3A_41, %dma_start3A_42] : memref<2x80x128xf32, #tpu.memory_space<vmem>> -> memref<1x80x128xf32, #tpu.memory_space<vmem>>
    %dma_start3A_44 = tpu.memref_squeeze %dma_start3A_43 : memref<1x80x128xf32, #tpu.memory_space<vmem>> -> memref<80x128xf32, #tpu.memory_space<vmem>>
    %dma_start3A_45 = arith.constant 0 : i32
    %dma_start3A_46 = tpu.memref_slice %arg3[%add3A_39, %dma_start3A_45] : memref<320000x128xf32, #tpu.memory_space<hbm>> -> memref<80x128xf32, #tpu.memory_space<hbm>>
    %dma_start3A_47 = tpu.memref_slice %arg14[%dma_start3A_40] : memref<2x!tpu.dma_semaphore, #tpu.memory_space<semaphore_mem>> -> memref<1x!tpu.dma_semaphore, #tpu.memory_space<semaphore_mem>>
    %dma_start3A_48 = tpu.memref_squeeze %dma_start3A_47 : memref<1x!tpu.dma_semaphore, #tpu.memory_space<semaphore_mem>> -> memref<!tpu.dma_semaphore, #tpu.memory_space<semaphore_mem>>
    %dma_start3A_49 = arith.constant 0 : i32
    %dma_start3A_50 = arith.constant 0 : i32
    %dma_start3A_51 = tpu.memref_slice %arg9[%dma_start3A, %dma_start3A_49, %dma_start3A_50] : memref<2x80x128xf32, #tpu.memory_space<vmem>> -> memref<1x80x128xf32, #tpu.memory_space<vmem>>
    %dma_start3A_52 = tpu.memref_squeeze %dma_start3A_51 : memref<1x80x128xf32, #tpu.memory_space<vmem>> -> memref<80x128xf32, #tpu.memory_space<vmem>>
    %dma_start3A_53 = arith.constant 0 : i32
    %dma_start3A_54 = tpu.memref_slice %arg3[%add3A_39, %dma_start3A_53] : memref<320000x128xf32, #tpu.memory_space<hbm>> -> memref<80x128xf32, #tpu.memory_space<hbm>>
    tpu.enqueue_dma source(%dma_start3A_54 : memref<80x128xf32, #tpu.memory_space<hbm>>) target(%dma_start3A_52 : memref<80x128xf32, #tpu.memory_space<vmem>>) target_semaphore(%dma_start3A_48 : memref<!tpu.dma_semaphore, #tpu.memory_space<semaphore_mem>>)
    %dma_start3A_55 = arith.constant 0 : i32
    %dma_start3A_56 = arith.constant 0 : i32
    %dma_start3A_57 = arith.constant 0 : i32
    %dma_start3A_58 = arith.constant 0 : i32
    %dma_start3A_59 = arith.constant 0 : i32
    %dma_start3A_60 = tpu.memref_slice %arg10[%dma_start3A_56, %dma_start3A_58, %dma_start3A_59] : memref<2x80x128xf32, #tpu.memory_space<vmem>> -> memref<1x80x128xf32, #tpu.memory_space<vmem>>
    %dma_start3A_61 = tpu.memref_squeeze %dma_start3A_60 : memref<1x80x128xf32, #tpu.memory_space<vmem>> -> memref<80x128xf32, #tpu.memory_space<vmem>>
    %dma_start3A_62 = arith.constant 0 : i32
    %dma_start3A_63 = tpu.memref_slice %arg7[%dma_start3A_55, %dma_start3A_62] : memref<4x80xi32, #tpu.memory_space<vmem>> -> memref<1x80xi32, #tpu.memory_space<vmem>>
    %dma_start3A_64 = tpu.memref_squeeze %dma_start3A_63 : memref<1x80xi32, #tpu.memory_space<vmem>> -> memref<80xi32, #tpu.memory_space<vmem>>
    %dma_start3A_65 = arith.constant 0 : i32
    %dma_start3A_66 = arith.constant 0 : i32
    %dma_start3A_67 = tpu.memref_slice %arg2[%dma_start3A_65, %dma_start3A_66] : memref<10000x128xf32, #tpu.memory_space<hbm>> -> memref<10000x128xf32, #tpu.memory_space<hbm>>
    %dma_start3A_68 = tpu.memref_slice %arg13[%dma_start3A_57] : memref<2x!tpu.dma_semaphore, #tpu.memory_space<semaphore_mem>> -> memref<1x!tpu.dma_semaphore, #tpu.memory_space<semaphore_mem>>
    %dma_start3A_69 = tpu.memref_squeeze %dma_start3A_68 : memref<1x!tpu.dma_semaphore, #tpu.memory_space<semaphore_mem>> -> memref<!tpu.dma_semaphore, #tpu.memory_space<semaphore_mem>>
    tpu.enqueue_indirect_dma source(%dma_start3A_67 : memref<10000x128xf32, #tpu.memory_space<hbm>>) target(%dma_start3A_61 : memref<80x128xf32, #tpu.memory_space<vmem>>) offsets(%dma_start3A_64 : memref<80xi32, #tpu.memory_space<vmem>>) semaphore(%dma_start3A_69 : memref<!tpu.dma_semaphore, #tpu.memory_space<semaphore_mem>>)
    %add3A_70 = arith.constant 80 : i32
    %add3A_71 = arith.addi %mul3A_35, %add3A_70 : i32
    %dma_start3A_72 = arith.constant 1 : i32
    %dma_start3A_73 = arith.constant 1 : i32
    %dma_start3A_74 = arith.constant 0 : i32
    %dma_start3A_75 = tpu.memref_slice %arg7[%dma_start3A_72, %dma_start3A_74] : memref<4x80xi32, #tpu.memory_space<vmem>> -> memref<1x80xi32, #tpu.memory_space<vmem>>
    %dma_start3A_76 = tpu.memref_squeeze %dma_start3A_75 : memref<1x80xi32, #tpu.memory_space<vmem>> -> memref<80xi32, #tpu.memory_space<vmem>>
    %dma_start3A_77 = tpu.memref_slice %arg4[%add3A_71] : memref<320000xi32, #tpu.memory_space<hbm>> -> memref<80xi32, #tpu.memory_space<hbm>>
    %dma_start3A_78 = tpu.memref_slice %arg12[%dma_start3A_73] : memref<4x!tpu.dma_semaphore, #tpu.memory_space<semaphore_mem>> -> memref<1x!tpu.dma_semaphore, #tpu.memory_space<semaphore_mem>>
    %dma_start3A_79 = tpu.memref_squeeze %dma_start3A_78 : memref<1x!tpu.dma_semaphore, #tpu.memory_space<semaphore_mem>> -> memref<!tpu.dma_semaphore, #tpu.memory_space<semaphore_mem>>
    %dma_start3A_80 = arith.constant 0 : i32
    %dma_start3A_81 = tpu.memref_slice %arg7[%dma_start3A_72, %dma_start3A_80] : memref<4x80xi32, #tpu.memory_space<vmem>> -> memref<1x80xi32, #tpu.memory_space<vmem>>
    %dma_start3A_82 = tpu.memref_squeeze %dma_start3A_81 : memref<1x80xi32, #tpu.memory_space<vmem>> -> memref<80xi32, #tpu.memory_space<vmem>>
    %dma_start3A_83 = tpu.memref_slice %arg4[%add3A_71] : memref<320000xi32, #tpu.memory_space<hbm>> -> memref<80xi32, #tpu.memory_space<hbm>>
    tpu.enqueue_dma source(%dma_start3A_83 : memref<80xi32, #tpu.memory_space<hbm>>) target(%dma_start3A_82 : memref<80xi32, #tpu.memory_space<vmem>>) target_semaphore(%dma_start3A_79 : memref<!tpu.dma_semaphore, #tpu.memory_space<semaphore_mem>>)
    %dma_start3A_84 = arith.constant 1 : i32
    %dma_start3A_85 = arith.constant 1 : i32
    %dma_start3A_86 = arith.constant 0 : i32
    %dma_start3A_87 = tpu.memref_slice %arg8[%dma_start3A_84, %dma_start3A_86] : memref<4x80xi32, #tpu.memory_space<vmem>> -> memref<1x80xi32, #tpu.memory_space<vmem>>
    %dma_start3A_88 = tpu.memref_squeeze %dma_start3A_87 : memref<1x80xi32, #tpu.memory_space<vmem>> -> memref<80xi32, #tpu.memory_space<vmem>>
    %dma_start3A_89 = tpu.memref_slice %arg5[%add3A_71] : memref<320000xi32, #tpu.memory_space<hbm>> -> memref<80xi32, #tpu.memory_space<hbm>>
    %dma_start3A_90 = tpu.memref_slice %arg12[%dma_start3A_85] : memref<4x!tpu.dma_semaphore, #tpu.memory_space<semaphore_mem>> -> memref<1x!tpu.dma_semaphore, #tpu.memory_space<semaphore_mem>>
    %dma_start3A_91 = tpu.memref_squeeze %dma_start3A_90 : memref<1x!tpu.dma_semaphore, #tpu.memory_space<semaphore_mem>> -> memref<!tpu.dma_semaphore, #tpu.memory_space<semaphore_mem>>
    %dma_start3A_92 = arith.constant 0 : i32
    %dma_start3A_93 = tpu.memref_slice %arg8[%dma_start3A_84, %dma_start3A_92] : memref<4x80xi32, #tpu.memory_space<vmem>> -> memref<1x80xi32, #tpu.memory_space<vmem>>
    %dma_start3A_94 = tpu.memref_squeeze %dma_start3A_93 : memref<1x80xi32, #tpu.memory_space<vmem>> -> memref<80xi32, #tpu.memory_space<vmem>>
    %dma_start3A_95 = tpu.memref_slice %arg5[%add3A_71] : memref<320000xi32, #tpu.memory_space<hbm>> -> memref<80xi32, #tpu.memory_space<hbm>>
    tpu.enqueue_dma source(%dma_start3A_95 : memref<80xi32, #tpu.memory_space<hbm>>) target(%dma_start3A_94 : memref<80xi32, #tpu.memory_space<vmem>>) target_semaphore(%dma_start3A_91 : memref<!tpu.dma_semaphore, #tpu.memory_space<semaphore_mem>>)
    %add3A_96 = arith.constant 160 : i32
    %add3A_97 = arith.addi %mul3A_35, %add3A_96 : i32
    %dma_start3A_98 = arith.constant 2 : i32
    %dma_start3A_99 = arith.constant 2 : i32
    %dma_start3A_100 = arith.constant 0 : i32
    %dma_start3A_101 = tpu.memref_slice %arg7[%dma_start3A_98, %dma_start3A_100] : memref<4x80xi32, #tpu.memory_space<vmem>> -> memref<1x80xi32, #tpu.memory_space<vmem>>
    %dma_start3A_102 = tpu.memref_squeeze %dma_start3A_101 : memref<1x80xi32, #tpu.memory_space<vmem>> -> memref<80xi32, #tpu.memory_space<vmem>>
    %dma_start3A_103 = tpu.memref_slice %arg4[%add3A_97] : memref<320000xi32, #tpu.memory_space<hbm>> -> memref<80xi32, #tpu.memory_space<hbm>>
    %dma_start3A_104 = tpu.memref_slice %arg12[%dma_start3A_99] : memref<4x!tpu.dma_semaphore, #tpu.memory_space<semaphore_mem>> -> memref<1x!tpu.dma_semaphore, #tpu.memory_space<semaphore_mem>>
    %dma_start3A_105 = tpu.memref_squeeze %dma_start3A_104 : memref<1x!tpu.dma_semaphore, #tpu.memory_space<semaphore_mem>> -> memref<!tpu.dma_semaphore, #tpu.memory_space<semaphore_mem>>
    %dma_start3A_106 = arith.constant 0 : i32
    %dma_start3A_107 = tpu.memref_slice %arg7[%dma_start3A_98, %dma_start3A_106] : memref<4x80xi32, #tpu.memory_space<vmem>> -> memref<1x80xi32, #tpu.memory_space<vmem>>
    %dma_start3A_108 = tpu.memref_squeeze %dma_start3A_107 : memref<1x80xi32, #tpu.memory_space<vmem>> -> memref<80xi32, #tpu.memory_space<vmem>>
    %dma_start3A_109 = tpu.memref_slice %arg4[%add3A_97] : memref<320000xi32, #tpu.memory_space<hbm>> -> memref<80xi32, #tpu.memory_space<hbm>>
    tpu.enqueue_dma source(%dma_start3A_109 : memref<80xi32, #tpu.memory_space<hbm>>) target(%dma_start3A_108 : memref<80xi32, #tpu.memory_space<vmem>>) target_semaphore(%dma_start3A_105 : memref<!tpu.dma_semaphore, #tpu.memory_space<semaphore_mem>>)
    %dma_start3A_110 = arith.constant 2 : i32
    %dma_start3A_111 = arith.constant 2 : i32
    %dma_start3A_112 = arith.constant 0 : i32
    %dma_start3A_113 = tpu.memref_slice %arg8[%dma_start3A_110, %dma_start3A_112] : memref<4x80xi32, #tpu.memory_space<vmem>> -> memref<1x80xi32, #tpu.memory_space<vmem>>
    %dma_start3A_114 = tpu.memref_squeeze %dma_start3A_113 : memref<1x80xi32, #tpu.memory_space<vmem>> -> memref<80xi32, #tpu.memory_space<vmem>>
    %dma_start3A_115 = tpu.memref_slice %arg5[%add3A_97] : memref<320000xi32, #tpu.memory_space<hbm>> -> memref<80xi32, #tpu.memory_space<hbm>>
    %dma_start3A_116 = tpu.memref_slice %arg12[%dma_start3A_111] : memref<4x!tpu.dma_semaphore, #tpu.memory_space<semaphore_mem>> -> memref<1x!tpu.dma_semaphore, #tpu.memory_space<semaphore_mem>>
    %dma_start3A_117 = tpu.memref_squeeze %dma_start3A_116 : memref<1x!tpu.dma_semaphore, #tpu.memory_space<semaphore_mem>> -> memref<!tpu.dma_semaphore, #tpu.memory_space<semaphore_mem>>
    %dma_start3A_118 = arith.constant 0 : i32
    %dma_start3A_119 = tpu.memref_slice %arg8[%dma_start3A_110, %dma_start3A_118] : memref<4x80xi32, #tpu.memory_space<vmem>> -> memref<1x80xi32, #tpu.memory_space<vmem>>
    %dma_start3A_120 = tpu.memref_squeeze %dma_start3A_119 : memref<1x80xi32, #tpu.memory_space<vmem>> -> memref<80xi32, #tpu.memory_space<vmem>>
    %dma_start3A_121 = tpu.memref_slice %arg5[%add3A_97] : memref<320000xi32, #tpu.memory_space<hbm>> -> memref<80xi32, #tpu.memory_space<hbm>>
    tpu.enqueue_dma source(%dma_start3A_121 : memref<80xi32, #tpu.memory_space<hbm>>) target(%dma_start3A_120 : memref<80xi32, #tpu.memory_space<vmem>>) target_semaphore(%dma_start3A_117 : memref<!tpu.dma_semaphore, #tpu.memory_space<semaphore_mem>>)
    %scan3A_122 = arith.constant 0 : i32
    %scan3A_123 = arith.constant 0 : i32
    %scan3A_124 = arith.constant 31 : i32
    %scan3A_125 = arith.addi %scan3A_123, %scan3A_124 : i32
    %scan3A_126 = arith.constant 1 : i32
    %scan3A_127 = scf.for %scan3A_219 = %scan3A_123 to %scan3A_125 step %scan3A_126 iter_args(%scan3A_220 = %scan3A_122) -> (i32)  : i32 {
      %mul3A_221 = arith.constant 4 : i32
      %mul3A_222 = arith.muli %scan3A_219, %mul3A_221 : i32
      %add3A_223 = arith.constant 0 : i32
      %add3A_224 = arith.addi %mul3A_222, %add3A_223 : i32
      %dma_wait3A_225 = arith.constant 0 : i32
      %dma_wait3A_226 = arith.constant 0 : i32
      %dma_wait3A_227 = arith.constant 0 : i32
      %dma_wait3A_228 = arith.constant 0 : i32
      %dma_wait3A_229 = tpu.memref_slice %arg9[%dma_wait3A_225, %dma_wait3A_227, %dma_wait3A_228] : memref<2x80x128xf32, #tpu.memory_space<vmem>> -> memref<1x80x128xf32, #tpu.memory_space<vmem>>
      %dma_wait3A_230 = tpu.memref_squeeze %dma_wait3A_229 : memref<1x80x128xf32, #tpu.memory_space<vmem>> -> memref<80x128xf32, #tpu.memory_space<vmem>>
      %dma_wait3A_231 = arith.constant 0 : i32
      %dma_wait3A_232 = arith.constant 0 : i32
      %dma_wait3A_233 = tpu.memref_slice %arg3[%dma_wait3A_231, %dma_wait3A_232] : memref<320000x128xf32, #tpu.memory_space<hbm>> -> memref<80x128xf32, #tpu.memory_space<hbm>>
      %dma_wait3A_234 = tpu.memref_slice %arg14[%dma_wait3A_226] : memref<2x!tpu.dma_semaphore, #tpu.memory_space<semaphore_mem>> -> memref<1x!tpu.dma_semaphore, #tpu.memory_space<semaphore_mem>>
      %dma_wait3A_235 = tpu.memref_squeeze %dma_wait3A_234 : memref<1x!tpu.dma_semaphore, #tpu.memory_space<semaphore_mem>> -> memref<!tpu.dma_semaphore, #tpu.memory_space<semaphore_mem>>
      %dma_wait3A_236 = arith.constant 0 : i32
      %dma_wait3A_237 = arith.constant 0 : i32
      %dma_wait3A_238 = tpu.memref_slice %arg9[%dma_wait3A_225, %dma_wait3A_236, %dma_wait3A_237] : memref<2x80x128xf32, #tpu.memory_space<vmem>> -> memref<1x80x128xf32, #tpu.memory_space<vmem>>
      %dma_wait3A_239 = tpu.memref_squeeze %dma_wait3A_238 : memref<1x80x128xf32, #tpu.memory_space<vmem>> -> memref<80x128xf32, #tpu.memory_space<vmem>>
      %dma_wait3A_240 = arith.constant 0 : i32
      %dma_wait3A_241 = arith.constant 0 : i32
      %dma_wait3A_242 = tpu.memref_slice %arg3[%dma_wait3A_240, %dma_wait3A_241] : memref<320000x128xf32, #tpu.memory_space<hbm>> -> memref<80x128xf32, #tpu.memory_space<hbm>>
      tpu.wait_dma2 semaphore(%dma_wait3A_235 : memref<!tpu.dma_semaphore, #tpu.memory_space<semaphore_mem>>) src(%dma_wait3A_242 : memref<80x128xf32, #tpu.memory_space<hbm>>) dst(%dma_wait3A_239 : memref<80x128xf32, #tpu.memory_space<vmem>>)
      %dma_wait3A_243 = arith.constant 0 : i32
      %dma_wait3A_244 = arith.constant 0 : i32
      %dma_wait3A_245 = arith.constant 0 : i32
      %dma_wait3A_246 = arith.constant 0 : i32
      %dma_wait3A_247 = arith.constant 0 : i32
      %dma_wait3A_248 = tpu.memref_slice %arg10[%dma_wait3A_244, %dma_wait3A_246, %dma_wait3A_247] : memref<2x80x128xf32, #tpu.memory_space<vmem>> -> memref<1x80x128xf32, #tpu.memory_space<vmem>>
      %dma_wait3A_249 = tpu.memref_squeeze %dma_wait3A_248 : memref<1x80x128xf32, #tpu.memory_space<vmem>> -> memref<80x128xf32, #tpu.memory_space<vmem>>
      %dma_wait3A_250 = arith.constant 0 : i32
      %dma_wait3A_251 = tpu.memref_slice %arg7[%dma_wait3A_243, %dma_wait3A_250] : memref<4x80xi32, #tpu.memory_space<vmem>> -> memref<1x80xi32, #tpu.memory_space<vmem>>
      %dma_wait3A_252 = tpu.memref_squeeze %dma_wait3A_251 : memref<1x80xi32, #tpu.memory_space<vmem>> -> memref<80xi32, #tpu.memory_space<vmem>>
      %dma_wait3A_253 = arith.constant 0 : i32
      %dma_wait3A_254 = arith.constant 0 : i32
      %dma_wait3A_255 = tpu.memref_slice %arg2[%dma_wait3A_253, %dma_wait3A_254] : memref<10000x128xf32, #tpu.memory_space<hbm>> -> memref<10000x128xf32, #tpu.memory_space<hbm>>
      %dma_wait3A_256 = tpu.memref_slice %arg13[%dma_wait3A_245] : memref<2x!tpu.dma_semaphore, #tpu.memory_space<semaphore_mem>> -> memref<1x!tpu.dma_semaphore, #tpu.memory_space<semaphore_mem>>
      %dma_wait3A_257 = tpu.memref_squeeze %dma_wait3A_256 : memref<1x!tpu.dma_semaphore, #tpu.memory_space<semaphore_mem>> -> memref<!tpu.dma_semaphore, #tpu.memory_space<semaphore_mem>>
      tpu.wait_indirect_dma semaphore(%dma_wait3A_257 : memref<!tpu.dma_semaphore, #tpu.memory_space<semaphore_mem>>) src(%dma_wait3A_255 : memref<10000x128xf32, #tpu.memory_space<hbm>>) dst(%dma_wait3A_249 : memref<80x128xf32, #tpu.memory_space<vmem>>)
      %ge3A = arith.constant 1 : i32
      %ge3A_258 = arith.cmpi sge, %add3A_224, %ge3A : i32
      %convert_element_type3A_259 = arith.extui %ge3A_258 : i1 to i32
      %cond3A_260 = arith.constant 0 : i32
      %cond3A_261 = arith.cmpi ne, %convert_element_type3A_259, %cond3A_260 : i32
      scf.if %cond3A_261 {
        %dma_wait3A_760 = arith.constant 1 : i32
        %dma_wait3A_761 = arith.constant 3 : i32
        %dma_wait3A_762 = arith.constant 1 : i32
        %dma_wait3A_763 = arith.constant 0 : i32
        %dma_wait3A_764 = arith.constant 0 : i32
        %dma_wait3A_765 = tpu.memref_slice %arg10[%dma_wait3A_760, %dma_wait3A_763, %dma_wait3A_764] : memref<2x80x128xf32, #tpu.memory_space<vmem>> -> memref<1x80x128xf32, #tpu.memory_space<vmem>>
        %dma_wait3A_766 = tpu.memref_squeeze %dma_wait3A_765 : memref<1x80x128xf32, #tpu.memory_space<vmem>> -> memref<80x128xf32, #tpu.memory_space<vmem>>
        %dma_wait3A_767 = arith.constant 0 : i32
        %dma_wait3A_768 = tpu.memref_slice %arg8[%dma_wait3A_761, %dma_wait3A_767] : memref<4x80xi32, #tpu.memory_space<vmem>> -> memref<1x80xi32, #tpu.memory_space<vmem>>
        %dma_wait3A_769 = tpu.memref_squeeze %dma_wait3A_768 : memref<1x80xi32, #tpu.memory_space<vmem>> -> memref<80xi32, #tpu.memory_space<vmem>>
        %dma_wait3A_770 = arith.constant 0 : i32
        %dma_wait3A_771 = arith.constant 0 : i32
        %dma_wait3A_772 = tpu.memref_slice %arg11[%dma_wait3A_770, %dma_wait3A_771] : memref<10000x128xf32, #tpu.memory_space<vmem_shared>> -> memref<10000x128xf32, #tpu.memory_space<vmem_shared>>
        %dma_wait3A_773 = tpu.memref_slice %arg15[%dma_wait3A_762] : memref<2x!tpu.dma_semaphore, #tpu.memory_space<semaphore_mem>> -> memref<1x!tpu.dma_semaphore, #tpu.memory_space<semaphore_mem>>
        %dma_wait3A_774 = tpu.memref_squeeze %dma_wait3A_773 : memref<1x!tpu.dma_semaphore, #tpu.memory_space<semaphore_mem>> -> memref<!tpu.dma_semaphore, #tpu.memory_space<semaphore_mem>>
        tpu.wait_indirect_dma semaphore(%dma_wait3A_774 : memref<!tpu.dma_semaphore, #tpu.memory_space<semaphore_mem>>) src(%dma_wait3A_766 : memref<80x128xf32, #tpu.memory_space<vmem>>) dst(%dma_wait3A_772 : memref<10000x128xf32, #tpu.memory_space<vmem_shared>>)
      } else {
      }
      %dma_wait3A_262 = arith.constant 1 : i32
      %dma_wait3A_263 = arith.constant 1 : i32
      %dma_wait3A_264 = arith.constant 0 : i32
      %dma_wait3A_265 = tpu.memref_slice %arg7[%dma_wait3A_262, %dma_wait3A_264] : memref<4x80xi32, #tpu.memory_space<vmem>> -> memref<1x80xi32, #tpu.memory_space<vmem>>
      %dma_wait3A_266 = tpu.memref_squeeze %dma_wait3A_265 : memref<1x80xi32, #tpu.memory_space<vmem>> -> memref<80xi32, #tpu.memory_space<vmem>>
      %dma_wait3A_267 = arith.constant 0 : i32
      %dma_wait3A_268 = tpu.memref_slice %arg4[%dma_wait3A_267] : memref<320000xi32, #tpu.memory_space<hbm>> -> memref<80xi32, #tpu.memory_space<hbm>>
      %dma_wait3A_269 = tpu.memref_slice %arg12[%dma_wait3A_263] : memref<4x!tpu.dma_semaphore, #tpu.memory_space<semaphore_mem>> -> memref<1x!tpu.dma_semaphore, #tpu.memory_space<semaphore_mem>>
      %dma_wait3A_270 = tpu.memref_squeeze %dma_wait3A_269 : memref<1x!tpu.dma_semaphore, #tpu.memory_space<semaphore_mem>> -> memref<!tpu.dma_semaphore, #tpu.memory_space<semaphore_mem>>
      %dma_wait3A_271 = arith.constant 0 : i32
      %dma_wait3A_272 = tpu.memref_slice %arg7[%dma_wait3A_262, %dma_wait3A_271] : memref<4x80xi32, #tpu.memory_space<vmem>> -> memref<1x80xi32, #tpu.memory_space<vmem>>
      %dma_wait3A_273 = tpu.memref_squeeze %dma_wait3A_272 : memref<1x80xi32, #tpu.memory_space<vmem>> -> memref<80xi32, #tpu.memory_space<vmem>>
      %dma_wait3A_274 = arith.constant 0 : i32
      %dma_wait3A_275 = tpu.memref_slice %arg4[%dma_wait3A_274] : memref<320000xi32, #tpu.memory_space<hbm>> -> memref<80xi32, #tpu.memory_space<hbm>>
      tpu.wait_dma2 semaphore(%dma_wait3A_270 : memref<!tpu.dma_semaphore, #tpu.memory_space<semaphore_mem>>) src(%dma_wait3A_275 : memref<80xi32, #tpu.memory_space<hbm>>) dst(%dma_wait3A_273 : memref<80xi32, #tpu.memory_space<vmem>>)
      %dma_wait3A_276 = arith.constant 1 : i32
      %dma_wait3A_277 = arith.constant 1 : i32
      %dma_wait3A_278 = arith.constant 0 : i32
      %dma_wait3A_279 = tpu.memref_slice %arg8[%dma_wait3A_276, %dma_wait3A_278] : memref<4x80xi32, #tpu.memory_space<vmem>> -> memref<1x80xi32, #tpu.memory_space<vmem>>
      %dma_wait3A_280 = tpu.memref_squeeze %dma_wait3A_279 : memref<1x80xi32, #tpu.memory_space<vmem>> -> memref<80xi32, #tpu.memory_space<vmem>>
      %dma_wait3A_281 = arith.constant 0 : i32
      %dma_wait3A_282 = tpu.memref_slice %arg5[%dma_wait3A_281] : memref<320000xi32, #tpu.memory_space<hbm>> -> memref<80xi32, #tpu.memory_space<hbm>>
      %dma_wait3A_283 = tpu.memref_slice %arg12[%dma_wait3A_277] : memref<4x!tpu.dma_semaphore, #tpu.memory_space<semaphore_mem>> -> memref<1x!tpu.dma_semaphore, #tpu.memory_space<semaphore_mem>>
      %dma_wait3A_284 = tpu.memref_squeeze %dma_wait3A_283 : memref<1x!tpu.dma_semaphore, #tpu.memory_space<semaphore_mem>> -> memref<!tpu.dma_semaphore, #tpu.memory_space<semaphore_mem>>
      %dma_wait3A_285 = arith.constant 0 : i32
      %dma_wait3A_286 = tpu.memref_slice %arg8[%dma_wait3A_276, %dma_wait3A_285] : memref<4x80xi32, #tpu.memory_space<vmem>> -> memref<1x80xi32, #tpu.memory_space<vmem>>
      %dma_wait3A_287 = tpu.memref_squeeze %dma_wait3A_286 : memref<1x80xi32, #tpu.memory_space<vmem>> -> memref<80xi32, #tpu.memory_space<vmem>>
      %dma_wait3A_288 = arith.constant 0 : i32
      %dma_wait3A_289 = tpu.memref_slice %arg5[%dma_wait3A_288] : memref<320000xi32, #tpu.memory_space<hbm>> -> memref<80xi32, #tpu.memory_space<hbm>>
      tpu.wait_dma2 semaphore(%dma_wait3A_284 : memref<!tpu.dma_semaphore, #tpu.memory_space<semaphore_mem>>) src(%dma_wait3A_289 : memref<80xi32, #tpu.memory_space<hbm>>) dst(%dma_wait3A_287 : memref<80xi32, #tpu.memory_space<vmem>>)
      %add3A_290 = arith.constant 1 : i32
      %add3A_291 = arith.addi %add3A_224, %add3A_290 : i32
      %mul3A_292 = arith.constant 80 : i32
      %mul3A_293 = arith.muli %add3A_291, %mul3A_292 : i32
      %add3A_294 = arith.addi %mul3A_35, %mul3A_293 : i32
      %dma_start3A_295 = arith.constant 1 : i32
      %dma_start3A_296 = arith.constant 1 : i32
      %dma_start3A_297 = arith.constant 0 : i32
      %dma_start3A_298 = arith.constant 0 : i32
      %dma_start3A_299 = tpu.memref_slice %arg9[%dma_start3A_295, %dma_start3A_297, %dma_start3A_298] : memref<2x80x128xf32, #tpu.memory_space<vmem>> -> memref<1x80x128xf32, #tpu.memory_space<vmem>>
      %dma_start3A_300 = tpu.memref_squeeze %dma_start3A_299 : memref<1x80x128xf32, #tpu.memory_space<vmem>> -> memref<80x128xf32, #tpu.memory_space<vmem>>
      %dma_start3A_301 = arith.constant 0 : i32
      %dma_start3A_302 = tpu.memref_slice %arg3[%add3A_294, %dma_start3A_301] : memref<320000x128xf32, #tpu.memory_space<hbm>> -> memref<80x128xf32, #tpu.memory_space<hbm>>
      %dma_start3A_303 = tpu.memref_slice %arg14[%dma_start3A_296] : memref<2x!tpu.dma_semaphore, #tpu.memory_space<semaphore_mem>> -> memref<1x!tpu.dma_semaphore, #tpu.memory_space<semaphore_mem>>
      %dma_start3A_304 = tpu.memref_squeeze %dma_start3A_303 : memref<1x!tpu.dma_semaphore, #tpu.memory_space<semaphore_mem>> -> memref<!tpu.dma_semaphore, #tpu.memory_space<semaphore_mem>>
      %dma_start3A_305 = arith.constant 0 : i32
      %dma_start3A_306 = arith.constant 0 : i32
      %dma_start3A_307 = tpu.memref_slice %arg9[%dma_start3A_295, %dma_start3A_305, %dma_start3A_306] : memref<2x80x128xf32, #tpu.memory_space<vmem>> -> memref<1x80x128xf32, #tpu.memory_space<vmem>>
      %dma_start3A_308 = tpu.memref_squeeze %dma_start3A_307 : memref<1x80x128xf32, #tpu.memory_space<vmem>> -> memref<80x128xf32, #tpu.memory_space<vmem>>
      %dma_start3A_309 = arith.constant 0 : i32
      %dma_start3A_310 = tpu.memref_slice %arg3[%add3A_294, %dma_start3A_309] : memref<320000x128xf32, #tpu.memory_space<hbm>> -> memref<80x128xf32, #tpu.memory_space<hbm>>
      tpu.enqueue_dma source(%dma_start3A_310 : memref<80x128xf32, #tpu.memory_space<hbm>>) target(%dma_start3A_308 : memref<80x128xf32, #tpu.memory_space<vmem>>) target_semaphore(%dma_start3A_304 : memref<!tpu.dma_semaphore, #tpu.memory_space<semaphore_mem>>)
      %dma_start3A_311 = arith.constant 1 : i32
      %dma_start3A_312 = arith.constant 1 : i32
      %dma_start3A_313 = arith.constant 1 : i32
      %dma_start3A_314 = arith.constant 0 : i32
      %dma_start3A_315 = arith.constant 0 : i32
      %dma_start3A_316 = tpu.memref_slice %arg10[%dma_start3A_312, %dma_start3A_314, %dma_start3A_315] : memref<2x80x128xf32, #tpu.memory_space<vmem>> -> memref<1x80x128xf32, #tpu.memory_space<vmem>>
      %dma_start3A_317 = tpu.memref_squeeze %dma_start3A_316 : memref<1x80x128xf32, #tpu.memory_space<vmem>> -> memref<80x128xf32, #tpu.memory_space<vmem>>
      %dma_start3A_318 = arith.constant 0 : i32
      %dma_start3A_319 = tpu.memref_slice %arg7[%dma_start3A_311, %dma_start3A_318] : memref<4x80xi32, #tpu.memory_space<vmem>> -> memref<1x80xi32, #tpu.memory_space<vmem>>
      %dma_start3A_320 = tpu.memref_squeeze %dma_start3A_319 : memref<1x80xi32, #tpu.memory_space<vmem>> -> memref<80xi32, #tpu.memory_space<vmem>>
      %dma_start3A_321 = arith.constant 0 : i32
      %dma_start3A_322 = arith.constant 0 : i32
      %dma_start3A_323 = tpu.memref_slice %arg2[%dma_start3A_321, %dma_start3A_322] : memref<10000x128xf32, #tpu.memory_space<hbm>> -> memref<10000x128xf32, #tpu.memory_space<hbm>>
      %dma_start3A_324 = tpu.memref_slice %arg13[%dma_start3A_313] : memref<2x!tpu.dma_semaphore, #tpu.memory_space<semaphore_mem>> -> memref<1x!tpu.dma_semaphore, #tpu.memory_space<semaphore_mem>>
      %dma_start3A_325 = tpu.memref_squeeze %dma_start3A_324 : memref<1x!tpu.dma_semaphore, #tpu.memory_space<semaphore_mem>> -> memref<!tpu.dma_semaphore, #tpu.memory_space<semaphore_mem>>
      tpu.enqueue_indirect_dma source(%dma_start3A_323 : memref<10000x128xf32, #tpu.memory_space<hbm>>) target(%dma_start3A_317 : memref<80x128xf32, #tpu.memory_space<vmem>>) offsets(%dma_start3A_320 : memref<80xi32, #tpu.memory_space<vmem>>) semaphore(%dma_start3A_325 : memref<!tpu.dma_semaphore, #tpu.memory_space<semaphore_mem>>)
      %scan3A_326 = arith.constant 0 : i32
      %scan3A_327 = arith.constant 0 : i32
      %scan3A_328 = arith.constant 40 : i32
      %scan3A_329 = arith.addi %scan3A_327, %scan3A_328 : i32
      %scan3A_330 = arith.constant 1 : i32
      %scan3A_331 = scf.for %scan3A_760 = %scan3A_327 to %scan3A_329 step %scan3A_330 iter_args(%scan3A_761 = %scan3A_326) -> (i32)  : i32 {
        %mul3A_762 = arith.constant 2 : i32
        %mul3A_763 = arith.muli %scan3A_760, %mul3A_762 : i32
        %add3A_764 = arith.constant 0 : i32
        %add3A_765 = arith.addi %mul3A_763, %add3A_764 : i32
        %get3A = arith.constant 0 : i32
        %get3A_766 = arith.index_cast %get3A : i32 to index
        %get3A_767 = arith.index_cast %add3A_765 : i32 to index
        %get3A_768 = arith.constant 0 : index
        %get3A_769 = tpu.vector_load %arg10[%get3A_766, %get3A_767, %get3A_768] {strides = array<i32>} : memref<2x80x128xf32, #tpu.memory_space<vmem>>, vector<1x1x16xf32>,
        %get3A_770 = vector.shape_cast %get3A_769 : vector<1x1x16xf32> to vector<16xf32>
        %get3A_771 = arith.constant 0 : i32
        %get3A_772 = arith.index_cast %get3A_771 : i32 to index
        %get3A_773 = arith.index_cast %add3A_765 : i32 to index
        %get3A_774 = arith.constant 0 : index
        %get3A_775 = tpu.vector_load %arg9[%get3A_772, %get3A_773, %get3A_774] {strides = array<i32>} : memref<2x80x128xf32, #tpu.memory_space<vmem>>, vector<1x1x16xf32>,
        %get3A_776 = vector.shape_cast %get3A_775 : vector<1x1x16xf32> to vector<16xf32>
        %mul3A_777 = arith.mulf %get3A_770, %get3A_776 : vector<16xf32>
        %swap3A = arith.constant 0 : i32
        %swap3A_778 = arith.index_cast %swap3A : i32 to index
        %swap3A_779 = arith.index_cast %add3A_765 : i32 to index
        %swap3A_780 = arith.constant 0 : index
        %swap3A_781 = tpu.vector_load %arg10[%swap3A_778, %swap3A_779, %swap3A_780] {strides = array<i32>} : memref<2x80x128xf32, #tpu.memory_space<vmem>>, vector<1x1x16xf32>,
        %swap3A_782 = vector.shape_cast %swap3A_781 : vector<1x1x16xf32> to vector<16xf32>
        %swap3A_783 = vector.shape_cast %mul3A_777 : vector<16xf32> to vector<1x1x16xf32>
        tpu.vector_store %arg10[%swap3A_778, %swap3A_779, %swap3A_780], %swap3A_783 {strides = array<i32>} : memref<2x80x128xf32, #tpu.memory_space<vmem>>, vector<1x1x16xf32>,
        %get3A_784 = arith.constant 0 : i32
        %get3A_785 = arith.index_cast %get3A_784 : i32 to index
        %get3A_786 = arith.index_cast %add3A_765 : i32 to index
        %get3A_787 = arith.constant 16 : index
        %get3A_788 = tpu.vector_load %arg10[%get3A_785, %get3A_786, %get3A_787] {strides = array<i32>} : memref<2x80x128xf32, #tpu.memory_space<vmem>>, vector<1x1x16xf32>,
        %get3A_789 = vector.shape_cast %get3A_788 : vector<1x1x16xf32> to vector<16xf32>
        %get3A_790 = arith.constant 0 : i32
        %get3A_791 = arith.index_cast %get3A_790 : i32 to index
        %get3A_792 = arith.index_cast %add3A_765 : i32 to index
        %get3A_793 = arith.constant 16 : index
        %get3A_794 = tpu.vector_load %arg9[%get3A_791, %get3A_792, %get3A_793] {strides = array<i32>} : memref<2x80x128xf32, #tpu.memory_space<vmem>>, vector<1x1x16xf32>,
        %get3A_795 = vector.shape_cast %get3A_794 : vector<1x1x16xf32> to vector<16xf32>
        %mul3A_796 = arith.mulf %get3A_789, %get3A_795 : vector<16xf32>
        %swap3A_797 = arith.constant 0 : i32
        %swap3A_798 = arith.index_cast %swap3A_797 : i32 to index
        %swap3A_799 = arith.index_cast %add3A_765 : i32 to index
        %swap3A_800 = arith.constant 16 : index
        %swap3A_801 = tpu.vector_load %arg10[%swap3A_798, %swap3A_799, %swap3A_800] {strides = array<i32>} : memref<2x80x128xf32, #tpu.memory_space<vmem>>, vector<1x1x16xf32>,
        %swap3A_802 = vector.shape_cast %swap3A_801 : vector<1x1x16xf32> to vector<16xf32>
        %swap3A_803 = vector.shape_cast %mul3A_796 : vector<16xf32> to vector<1x1x16xf32>
        tpu.vector_store %arg10[%swap3A_798, %swap3A_799, %swap3A_800], %swap3A_803 {strides = array<i32>} : memref<2x80x128xf32, #tpu.memory_space<vmem>>, vector<1x1x16xf32>,
        %get3A_804 = arith.constant 0 : i32
        %get3A_805 = arith.index_cast %get3A_804 : i32 to index
        %get3A_806 = arith.index_cast %add3A_765 : i32 to index
        %get3A_807 = arith.constant 32 : index
        %get3A_808 = tpu.vector_load %arg10[%get3A_805, %get3A_806, %get3A_807] {strides = array<i32>} : memref<2x80x128xf32, #tpu.memory_space<vmem>>, vector<1x1x16xf32>,
        %get3A_809 = vector.shape_cast %get3A_808 : vector<1x1x16xf32> to vector<16xf32>
        %get3A_810 = arith.constant 0 : i32
        %get3A_811 = arith.index_cast %get3A_810 : i32 to index
        %get3A_812 = arith.index_cast %add3A_765 : i32 to index
        %get3A_813 = arith.constant 32 : index
        %get3A_814 = tpu.vector_load %arg9[%get3A_811, %get3A_812, %get3A_813] {strides = array<i32>} : memref<2x80x128xf32, #tpu.memory_space<vmem>>, vector<1x1x16xf32>,
        %get3A_815 = vector.shape_cast %get3A_814 : vector<1x1x16xf32> to vector<16xf32>
        %mul3A_816 = arith.mulf %get3A_809, %get3A_815 : vector<16xf32>
        %swap3A_817 = arith.constant 0 : i32
        %swap3A_818 = arith.index_cast %swap3A_817 : i32 to index
        %swap3A_819 = arith.index_cast %add3A_765 : i32 to index
        %swap3A_820 = arith.constant 32 : index
        %swap3A_821 = tpu.vector_load %arg10[%swap3A_818, %swap3A_819, %swap3A_820] {strides = array<i32>} : memref<2x80x128xf32, #tpu.memory_space<vmem>>, vector<1x1x16xf32>,
        %swap3A_822 = vector.shape_cast %swap3A_821 : vector<1x1x16xf32> to vector<16xf32>
        %swap3A_823 = vector.shape_cast %mul3A_816 : vector<16xf32> to vector<1x1x16xf32>
        tpu.vector_store %arg10[%swap3A_818, %swap3A_819, %swap3A_820], %swap3A_823 {strides = array<i32>} : memref<2x80x128xf32, #tpu.memory_space<vmem>>, vector<1x1x16xf32>,
        %get3A_824 = arith.constant 0 : i32
        %get3A_825 = arith.index_cast %get3A_824 : i32 to index
        %get3A_826 = arith.index_cast %add3A_765 : i32 to index
        %get3A_827 = arith.constant 48 : index
        %get3A_828 = tpu.vector_load %arg10[%get3A_825, %get3A_826, %get3A_827] {strides = array<i32>} : memref<2x80x128xf32, #tpu.memory_space<vmem>>, vector<1x1x16xf32>,
        %get3A_829 = vector.shape_cast %get3A_828 : vector<1x1x16xf32> to vector<16xf32>
        %get3A_830 = arith.constant 0 : i32
        %get3A_831 = arith.index_cast %get3A_830 : i32 to index
        %get3A_832 = arith.index_cast %add3A_765 : i32 to index
        %get3A_833 = arith.constant 48 : index
        %get3A_834 = tpu.vector_load %arg9[%get3A_831, %get3A_832, %get3A_833] {strides = array<i32>} : memref<2x80x128xf32, #tpu.memory_space<vmem>>, vector<1x1x16xf32>,
        %get3A_835 = vector.shape_cast %get3A_834 : vector<1x1x16xf32> to vector<16xf32>
        %mul3A_836 = arith.mulf %get3A_829, %get3A_835 : vector<16xf32>
        %swap3A_837 = arith.constant 0 : i32
        %swap3A_838 = arith.index_cast %swap3A_837 : i32 to index
        %swap3A_839 = arith.index_cast %add3A_765 : i32 to index
        %swap3A_840 = arith.constant 48 : index
        %swap3A_841 = tpu.vector_load %arg10[%swap3A_838, %swap3A_839, %swap3A_840] {strides = array<i32>} : memref<2x80x128xf32, #tpu.memory_space<vmem>>, vector<1x1x16xf32>,
        %swap3A_842 = vector.shape_cast %swap3A_841 : vector<1x1x16xf32> to vector<16xf32>
        %swap3A_843 = vector.shape_cast %mul3A_836 : vector<16xf32> to vector<1x1x16xf32>
        tpu.vector_store %arg10[%swap3A_838, %swap3A_839, %swap3A_840], %swap3A_843 {strides = array<i32>} : memref<2x80x128xf32, #tpu.memory_space<vmem>>, vector<1x1x16xf32>,
        %get3A_844 = arith.constant 0 : i32
        %get3A_845 = arith.index_cast %get3A_844 : i32 to index
        %get3A_846 = arith.index_cast %add3A_765 : i32 to index
        %get3A_847 = arith.constant 64 : index
        %get3A_848 = tpu.vector_load %arg10[%get3A_845, %get3A_846, %get3A_847] {strides = array<i32>} : memref<2x80x128xf32, #tpu.memory_space<vmem>>, vector<1x1x16xf32>,
        %get3A_849 = vector.shape_cast %get3A_848 : vector<1x1x16xf32> to vector<16xf32>
        %get3A_850 = arith.constant 0 : i32
        %get3A_851 = arith.index_cast %get3A_850 : i32 to index
        %get3A_852 = arith.index_cast %add3A_765 : i32 to index
        %get3A_853 = arith.constant 64 : index
        %get3A_854 = tpu.vector_load %arg9[%get3A_851, %get3A_852, %get3A_853] {strides = array<i32>} : memref<2x80x128xf32, #tpu.memory_space<vmem>>, vector<1x1x16xf32>,
        %get3A_855 = vector.shape_cast %get3A_854 : vector<1x1x16xf32> to vector<16xf32>
        %mul3A_856 = arith.mulf %get3A_849, %get3A_855 : vector<16xf32>
        %swap3A_857 = arith.constant 0 : i32
        %swap3A_858 = arith.index_cast %swap3A_857 : i32 to index
        %swap3A_859 = arith.index_cast %add3A_765 : i32 to index
        %swap3A_860 = arith.constant 64 : index
        %swap3A_861 = tpu.vector_load %arg10[%swap3A_858, %swap3A_859, %swap3A_860] {strides = array<i32>} : memref<2x80x128xf32, #tpu.memory_space<vmem>>, vector<1x1x16xf32>,
        %swap3A_862 = vector.shape_cast %swap3A_861 : vector<1x1x16xf32> to vector<16xf32>
        %swap3A_863 = vector.shape_cast %mul3A_856 : vector<16xf32> to vector<1x1x16xf32>
        tpu.vector_store %arg10[%swap3A_858, %swap3A_859, %swap3A_860], %swap3A_863 {strides = array<i32>} : memref<2x80x128xf32, #tpu.memory_space<vmem>>, vector<1x1x16xf32>,
        %get3A_864 = arith.constant 0 : i32
        %get3A_865 = arith.index_cast %get3A_864 : i32 to index
        %get3A_866 = arith.index_cast %add3A_765 : i32 to index
        %get3A_867 = arith.constant 80 : index
        %get3A_868 = tpu.vector_load %arg10[%get3A_865, %get3A_866, %get3A_867] {strides = array<i32>} : memref<2x80x128xf32, #tpu.memory_space<vmem>>, vector<1x1x16xf32>,
        %get3A_869 = vector.shape_cast %get3A_868 : vector<1x1x16xf32> to vector<16xf32>
        %get3A_870 = arith.constant 0 : i32
        %get3A_871 = arith.index_cast %get3A_870 : i32 to index
        %get3A_872 = arith.index_cast %add3A_765 : i32 to index
        %get3A_873 = arith.constant 80 : index
        %get3A_874 = tpu.vector_load %arg9[%get3A_871, %get3A_872, %get3A_873] {strides = array<i32>} : memref<2x80x128xf32, #tpu.memory_space<vmem>>, vector<1x1x16xf32>,
        %get3A_875 = vector.shape_cast %get3A_874 : vector<1x1x16xf32> to vector<16xf32>
        %mul3A_876 = arith.mulf %get3A_869, %get3A_875 : vector<16xf32>
        %swap3A_877 = arith.constant 0 : i32
        %swap3A_878 = arith.index_cast %swap3A_877 : i32 to index
        %swap3A_879 = arith.index_cast %add3A_765 : i32 to index
        %swap3A_880 = arith.constant 80 : index
        %swap3A_881 = tpu.vector_load %arg10[%swap3A_878, %swap3A_879, %swap3A_880] {strides = array<i32>} : memref<2x80x128xf32, #tpu.memory_space<vmem>>, vector<1x1x16xf32>,
        %swap3A_882 = vector.shape_cast %swap3A_881 : vector<1x1x16xf32> to vector<16xf32>
        %swap3A_883 = vector.shape_cast %mul3A_876 : vector<16xf32> to vector<1x1x16xf32>
        tpu.vector_store %arg10[%swap3A_878, %swap3A_879, %swap3A_880], %swap3A_883 {strides = array<i32>} : memref<2x80x128xf32, #tpu.memory_space<vmem>>, vector<1x1x16xf32>,
        %get3A_884 = arith.constant 0 : i32
        %get3A_885 = arith.index_cast %get3A_884 : i32 to index
        %get3A_886 = arith.index_cast %add3A_765 : i32 to index
        %get3A_887 = arith.constant 96 : index
        %get3A_888 = tpu.vector_load %arg10[%get3A_885, %get3A_886, %get3A_887] {strides = array<i32>} : memref<2x80x128xf32, #tpu.memory_space<vmem>>, vector<1x1x16xf32>,
        %get3A_889 = vector.shape_cast %get3A_888 : vector<1x1x16xf32> to vector<16xf32>
        %get3A_890 = arith.constant 0 : i32
        %get3A_891 = arith.index_cast %get3A_890 : i32 to index
        %get3A_892 = arith.index_cast %add3A_765 : i32 to index
        %get3A_893 = arith.constant 96 : index
        %get3A_894 = tpu.vector_load %arg9[%get3A_891, %get3A_892, %get3A_893] {strides = array<i32>} : memref<2x80x128xf32, #tpu.memory_space<vmem>>, vector<1x1x16xf32>,
        %get3A_895 = vector.shape_cast %get3A_894 : vector<1x1x16xf32> to vector<16xf32>
        %mul3A_896 = arith.mulf %get3A_889, %get3A_895 : vector<16xf32>
        %swap3A_897 = arith.constant 0 : i32
        %swap3A_898 = arith.index_cast %swap3A_897 : i32 to index
        %swap3A_899 = arith.index_cast %add3A_765 : i32 to index
        %swap3A_900 = arith.constant 96 : index
        %swap3A_901 = tpu.vector_load %arg10[%swap3A_898, %swap3A_899, %swap3A_900] {strides = array<i32>} : memref<2x80x128xf32, #tpu.memory_space<vmem>>, vector<1x1x16xf32>,
        %swap3A_902 = vector.shape_cast %swap3A_901 : vector<1x1x16xf32> to vector<16xf32>
        %swap3A_903 = vector.shape_cast %mul3A_896 : vector<16xf32> to vector<1x1x16xf32>
        tpu.vector_store %arg10[%swap3A_898, %swap3A_899, %swap3A_900], %swap3A_903 {strides = array<i32>} : memref<2x80x128xf32, #tpu.memory_space<vmem>>, vector<1x1x16xf32>,
        %get3A_904 = arith.constant 0 : i32
        %get3A_905 = arith.index_cast %get3A_904 : i32 to index
        %get3A_906 = arith.index_cast %add3A_765 : i32 to index
        %get3A_907 = arith.constant 112 : index
        %get3A_908 = tpu.vector_load %arg10[%get3A_905, %get3A_906, %get3A_907] {strides = array<i32>} : memref<2x80x128xf32, #tpu.memory_space<vmem>>, vector<1x1x16xf32>,
        %get3A_909 = vector.shape_cast %get3A_908 : vector<1x1x16xf32> to vector<16xf32>
        %get3A_910 = arith.constant 0 : i32
        %get3A_911 = arith.index_cast %get3A_910 : i32 to index
        %get3A_912 = arith.index_cast %add3A_765 : i32 to index
        %get3A_913 = arith.constant 112 : index
        %get3A_914 = tpu.vector_load %arg9[%get3A_911, %get3A_912, %get3A_913] {strides = array<i32>} : memref<2x80x128xf32, #tpu.memory_space<vmem>>, vector<1x1x16xf32>,
        %get3A_915 = vector.shape_cast %get3A_914 : vector<1x1x16xf32> to vector<16xf32>
        %mul3A_916 = arith.mulf %get3A_909, %get3A_915 : vector<16xf32>
        %swap3A_917 = arith.constant 0 : i32
        %swap3A_918 = arith.index_cast %swap3A_917 : i32 to index
        %swap3A_919 = arith.index_cast %add3A_765 : i32 to index
        %swap3A_920 = arith.constant 112 : index
        %swap3A_921 = tpu.vector_load %arg10[%swap3A_918, %swap3A_919, %swap3A_920] {strides = array<i32>} : memref<2x80x128xf32, #tpu.memory_space<vmem>>, vector<1x1x16xf32>,
        %swap3A_922 = vector.shape_cast %swap3A_921 : vector<1x1x16xf32> to vector<16xf32>
        %swap3A_923 = vector.shape_cast %mul3A_916 : vector<16xf32> to vector<1x1x16xf32>
        tpu.vector_store %arg10[%swap3A_918, %swap3A_919, %swap3A_920], %swap3A_923 {strides = array<i32>} : memref<2x80x128xf32, #tpu.memory_space<vmem>>, vector<1x1x16xf32>,
        %mul3A_924 = arith.constant 2 : i32
        %mul3A_925 = arith.muli %scan3A_760, %mul3A_924 : i32
        %add3A_926 = arith.constant 1 : i32
        %add3A_927 = arith.addi %mul3A_925, %add3A_926 : i32
        %get3A_928 = arith.constant 0 : i32
        %get3A_929 = arith.index_cast %get3A_928 : i32 to index
        %get3A_930 = arith.index_cast %add3A_927 : i32 to index
        %get3A_931 = arith.constant 0 : index
        %get3A_932 = tpu.vector_load %arg10[%get3A_929, %get3A_930, %get3A_931] {strides = array<i32>} : memref<2x80x128xf32, #tpu.memory_space<vmem>>, vector<1x1x16xf32>,
        %get3A_933 = vector.shape_cast %get3A_932 : vector<1x1x16xf32> to vector<16xf32>
        %get3A_934 = arith.constant 0 : i32
        %get3A_935 = arith.index_cast %get3A_934 : i32 to index
        %get3A_936 = arith.index_cast %add3A_927 : i32 to index
        %get3A_937 = arith.constant 0 : index
        %get3A_938 = tpu.vector_load %arg9[%get3A_935, %get3A_936, %get3A_937] {strides = array<i32>} : memref<2x80x128xf32, #tpu.memory_space<vmem>>, vector<1x1x16xf32>,
        %get3A_939 = vector.shape_cast %get3A_938 : vector<1x1x16xf32> to vector<16xf32>
        %mul3A_940 = arith.mulf %get3A_933, %get3A_939 : vector<16xf32>
        %swap3A_941 = arith.constant 0 : i32
        %swap3A_942 = arith.index_cast %swap3A_941 : i32 to index
        %swap3A_943 = arith.index_cast %add3A_927 : i32 to index
        %swap3A_944 = arith.constant 0 : index
        %swap3A_945 = tpu.vector_load %arg10[%swap3A_942, %swap3A_943, %swap3A_944] {strides = array<i32>} : memref<2x80x128xf32, #tpu.memory_space<vmem>>, vector<1x1x16xf32>,
        %swap3A_946 = vector.shape_cast %swap3A_945 : vector<1x1x16xf32> to vector<16xf32>
        %swap3A_947 = vector.shape_cast %mul3A_940 : vector<16xf32> to vector<1x1x16xf32>
        tpu.vector_store %arg10[%swap3A_942, %swap3A_943, %swap3A_944], %swap3A_947 {strides = array<i32>} : memref<2x80x128xf32, #tpu.memory_space<vmem>>, vector<1x1x16xf32>,
        %get3A_948 = arith.constant 0 : i32
        %get3A_949 = arith.index_cast %get3A_948 : i32 to index
        %get3A_950 = arith.index_cast %add3A_927 : i32 to index
        %get3A_951 = arith.constant 16 : index
        %get3A_952 = tpu.vector_load %arg10[%get3A_949, %get3A_950, %get3A_951] {strides = array<i32>} : memref<2x80x128xf32, #tpu.memory_space<vmem>>, vector<1x1x16xf32>,
        %get3A_953 = vector.shape_cast %get3A_952 : vector<1x1x16xf32> to vector<16xf32>
        %get3A_954 = arith.constant 0 : i32
        %get3A_955 = arith.index_cast %get3A_954 : i32 to index
        %get3A_956 = arith.index_cast %add3A_927 : i32 to index
        %get3A_957 = arith.constant 16 : index
        %get3A_958 = tpu.vector_load %arg9[%get3A_955, %get3A_956, %get3A_957] {strides = array<i32>} : memref<2x80x128xf32, #tpu.memory_space<vmem>>, vector<1x1x16xf32>,
        %get3A_959 = vector.shape_cast %get3A_958 : vector<1x1x16xf32> to vector<16xf32>
        %mul3A_960 = arith.mulf %get3A_953, %get3A_959 : vector<16xf32>
        %swap3A_961 = arith.constant 0 : i32
        %swap3A_962 = arith.index_cast %swap3A_961 : i32 to index
        %swap3A_963 = arith.index_cast %add3A_927 : i32 to index
        %swap3A_964 = arith.constant 16 : index
        %swap3A_965 = tpu.vector_load %arg10[%swap3A_962, %swap3A_963, %swap3A_964] {strides = array<i32>} : memref<2x80x128xf32, #tpu.memory_space<vmem>>, vector<1x1x16xf32>,
        %swap3A_966 = vector.shape_cast %swap3A_965 : vector<1x1x16xf32> to vector<16xf32>
        %swap3A_967 = vector.shape_cast %mul3A_960 : vector<16xf32> to vector<1x1x16xf32>
        tpu.vector_store %arg10[%swap3A_962, %swap3A_963, %swap3A_964], %swap3A_967 {strides = array<i32>} : memref<2x80x128xf32, #tpu.memory_space<vmem>>, vector<1x1x16xf32>,
        %get3A_968 = arith.constant 0 : i32
        %get3A_969 = arith.index_cast %get3A_968 : i32 to index
        %get3A_970 = arith.index_cast %add3A_927 : i32 to index
        %get3A_971 = arith.constant 32 : index
        %get3A_972 = tpu.vector_load %arg10[%get3A_969, %get3A_970, %get3A_971] {strides = array<i32>} : memref<2x80x128xf32, #tpu.memory_space<vmem>>, vector<1x1x16xf32>,
        %get3A_973 = vector.shape_cast %get3A_972 : vector<1x1x16xf32> to vector<16xf32>
        %get3A_974 = arith.constant 0 : i32
        %get3A_975 = arith.index_cast %get3A_974 : i32 to index
        %get3A_976 = arith.index_cast %add3A_927 : i32 to index
        %get3A_977 = arith.constant 32 : index
        %get3A_978 = tpu.vector_load %arg9[%get3A_975, %get3A_976, %get3A_977] {strides = array<i32>} : memref<2x80x128xf32, #tpu.memory_space<vmem>>, vector<1x1x16xf32>,
        %get3A_979 = vector.shape_cast %get3A_978 : vector<1x1x16xf32> to vector<16xf32>
        %mul3A_980 = arith.mulf %get3A_973, %get3A_979 : vector<16xf32>
        %swap3A_981 = arith.constant 0 : i32
        %swap3A_982 = arith.index_cast %swap3A_981 : i32 to index
        %swap3A_983 = arith.index_cast %add3A_927 : i32 to index
        %swap3A_984 = arith.constant 32 : index
        %swap3A_985 = tpu.vector_load %arg10[%swap3A_982, %swap3A_983, %swap3A_984] {strides = array<i32>} : memref<2x80x128xf32, #tpu.memory_space<vmem>>, vector<1x1x16xf32>,
        %swap3A_986 = vector.shape_cast %swap3A_985 : vector<1x1x16xf32> to vector<16xf32>
        %swap3A_987 = vector.shape_cast %mul3A_980 : vector<16xf32> to vector<1x1x16xf32>
        tpu.vector_store %arg10[%swap3A_982, %swap3A_983, %swap3A_984], %swap3A_987 {strides = array<i32>} : memref<2x80x128xf32, #tpu.memory_space<vmem>>, vector<1x1x16xf32>,
        %get3A_988 = arith.constant 0 : i32
        %get3A_989 = arith.index_cast %get3A_988 : i32 to index
        %get3A_990 = arith.index_cast %add3A_927 : i32 to index
        %get3A_991 = arith.constant 48 : index
        %get3A_992 = tpu.vector_load %arg10[%get3A_989, %get3A_990, %get3A_991] {strides = array<i32>} : memref<2x80x128xf32, #tpu.memory_space<vmem>>, vector<1x1x16xf32>,
        %get3A_993 = vector.shape_cast %get3A_992 : vector<1x1x16xf32> to vector<16xf32>
        %get3A_994 = arith.constant 0 : i32
        %get3A_995 = arith.index_cast %get3A_994 : i32 to index
        %get3A_996 = arith.index_cast %add3A_927 : i32 to index
        %get3A_997 = arith.constant 48 : index
        %get3A_998 = tpu.vector_load %arg9[%get3A_995, %get3A_996, %get3A_997] {strides = array<i32>} : memref<2x80x128xf32, #tpu.memory_space<vmem>>, vector<1x1x16xf32>,
        %get3A_999 = vector.shape_cast %get3A_998 : vector<1x1x16xf32> to vector<16xf32>
        %mul3A_1000 = arith.mulf %get3A_993, %get3A_999 : vector<16xf32>
        %swap3A_1001 = arith.constant 0 : i32
        %swap3A_1002 = arith.index_cast %swap3A_1001 : i32 to index
        %swap3A_1003 = arith.index_cast %add3A_927 : i32 to index
        %swap3A_1004 = arith.constant 48 : index
        %swap3A_1005 = tpu.vector_load %arg10[%swap3A_1002, %swap3A_1003, %swap3A_1004] {strides = array<i32>} : memref<2x80x128xf32, #tpu.memory_space<vmem>>, vector<1x1x16xf32>,
        %swap3A_1006 = vector.shape_cast %swap3A_1005 : vector<1x1x16xf32> to vector<16xf32>
        %swap3A_1007 = vector.shape_cast %mul3A_1000 : vector<16xf32> to vector<1x1x16xf32>
        tpu.vector_store %arg10[%swap3A_1002, %swap3A_1003, %swap3A_1004], %swap3A_1007 {strides = array<i32>} : memref<2x80x128xf32, #tpu.memory_space<vmem>>, vector<1x1x16xf32>,
        %get3A_1008 = arith.constant 0 : i32
        %get3A_1009 = arith.index_cast %get3A_1008 : i32 to index
        %get3A_1010 = arith.index_cast %add3A_927 : i32 to index
        %get3A_1011 = arith.constant 64 : index
        %get3A_1012 = tpu.vector_load %arg10[%get3A_1009, %get3A_1010, %get3A_1011] {strides = array<i32>} : memref<2x80x128xf32, #tpu.memory_space<vmem>>, vector<1x1x16xf32>,
        %get3A_1013 = vector.shape_cast %get3A_1012 : vector<1x1x16xf32> to vector<16xf32>
        %get3A_1014 = arith.constant 0 : i32
        %get3A_1015 = arith.index_cast %get3A_1014 : i32 to index
        %get3A_1016 = arith.index_cast %add3A_927 : i32 to index
        %get3A_1017 = arith.constant 64 : index
        %get3A_1018 = tpu.vector_load %arg9[%get3A_1015, %get3A_1016, %get3A_1017] {strides = array<i32>} : memref<2x80x128xf32, #tpu.memory_space<vmem>>, vector<1x1x16xf32>,
        %get3A_1019 = vector.shape_cast %get3A_1018 : vector<1x1x16xf32> to vector<16xf32>
        %mul3A_1020 = arith.mulf %get3A_1013, %get3A_1019 : vector<16xf32>
        %swap3A_1021 = arith.constant 0 : i32
        %swap3A_1022 = arith.index_cast %swap3A_1021 : i32 to index
        %swap3A_1023 = arith.index_cast %add3A_927 : i32 to index
        %swap3A_1024 = arith.constant 64 : index
        %swap3A_1025 = tpu.vector_load %arg10[%swap3A_1022, %swap3A_1023, %swap3A_1024] {strides = array<i32>} : memref<2x80x128xf32, #tpu.memory_space<vmem>>, vector<1x1x16xf32>,
        %swap3A_1026 = vector.shape_cast %swap3A_1025 : vector<1x1x16xf32> to vector<16xf32>
        %swap3A_1027 = vector.shape_cast %mul3A_1020 : vector<16xf32> to vector<1x1x16xf32>
        tpu.vector_store %arg10[%swap3A_1022, %swap3A_1023, %swap3A_1024], %swap3A_1027 {strides = array<i32>} : memref<2x80x128xf32, #tpu.memory_space<vmem>>, vector<1x1x16xf32>,
        %get3A_1028 = arith.constant 0 : i32
        %get3A_1029 = arith.index_cast %get3A_1028 : i32 to index
        %get3A_1030 = arith.index_cast %add3A_927 : i32 to index
        %get3A_1031 = arith.constant 80 : index
        %get3A_1032 = tpu.vector_load %arg10[%get3A_1029, %get3A_1030, %get3A_1031] {strides = array<i32>} : memref<2x80x128xf32, #tpu.memory_space<vmem>>, vector<1x1x16xf32>,
        %get3A_1033 = vector.shape_cast %get3A_1032 : vector<1x1x16xf32> to vector<16xf32>
        %get3A_1034 = arith.constant 0 : i32
        %get3A_1035 = arith.index_cast %get3A_1034 : i32 to index
        %get3A_1036 = arith.index_cast %add3A_927 : i32 to index
        %get3A_1037 = arith.constant 80 : index
        %get3A_1038 = tpu.vector_load %arg9[%get3A_1035, %get3A_1036, %get3A_1037] {strides = array<i32>} : memref<2x80x128xf32, #tpu.memory_space<vmem>>, vector<1x1x16xf32>,
        %get3A_1039 = vector.shape_cast %get3A_1038 : vector<1x1x16xf32> to vector<16xf32>
        %mul3A_1040 = arith.mulf %get3A_1033, %get3A_1039 : vector<16xf32>
        %swap3A_1041 = arith.constant 0 : i32
        %swap3A_1042 = arith.index_cast %swap3A_1041 : i32 to index
        %swap3A_1043 = arith.index_cast %add3A_927 : i32 to index
        %swap3A_1044 = arith.constant 80 : index
        %swap3A_1045 = tpu.vector_load %arg10[%swap3A_1042, %swap3A_1043, %swap3A_1044] {strides = array<i32>} : memref<2x80x128xf32, #tpu.memory_space<vmem>>, vector<1x1x16xf32>,
        %swap3A_1046 = vector.shape_cast %swap3A_1045 : vector<1x1x16xf32> to vector<16xf32>
        %swap3A_1047 = vector.shape_cast %mul3A_1040 : vector<16xf32> to vector<1x1x16xf32>
        tpu.vector_store %arg10[%swap3A_1042, %swap3A_1043, %swap3A_1044], %swap3A_1047 {strides = array<i32>} : memref<2x80x128xf32, #tpu.memory_space<vmem>>, vector<1x1x16xf32>,
        %get3A_1048 = arith.constant 0 : i32
        %get3A_1049 = arith.index_cast %get3A_1048 : i32 to index
        %get3A_1050 = arith.index_cast %add3A_927 : i32 to index
        %get3A_1051 = arith.constant 96 : index
        %get3A_1052 = tpu.vector_load %arg10[%get3A_1049, %get3A_1050, %get3A_1051] {strides = array<i32>} : memref<2x80x128xf32, #tpu.memory_space<vmem>>, vector<1x1x16xf32>,
        %get3A_1053 = vector.shape_cast %get3A_1052 : vector<1x1x16xf32> to vector<16xf32>
        %get3A_1054 = arith.constant 0 : i32
        %get3A_1055 = arith.index_cast %get3A_1054 : i32 to index
        %get3A_1056 = arith.index_cast %add3A_927 : i32 to index
        %get3A_1057 = arith.constant 96 : index
        %get3A_1058 = tpu.vector_load %arg9[%get3A_1055, %get3A_1056, %get3A_1057] {strides = array<i32>} : memref<2x80x128xf32, #tpu.memory_space<vmem>>, vector<1x1x16xf32>,
        %get3A_1059 = vector.shape_cast %get3A_1058 : vector<1x1x16xf32> to vector<16xf32>
        %mul3A_1060 = arith.mulf %get3A_1053, %get3A_1059 : vector<16xf32>
        %swap3A_1061 = arith.constant 0 : i32
        %swap3A_1062 = arith.index_cast %swap3A_1061 : i32 to index
        %swap3A_1063 = arith.index_cast %add3A_927 : i32 to index
        %swap3A_1064 = arith.constant 96 : index
        %swap3A_1065 = tpu.vector_load %arg10[%swap3A_1062, %swap3A_1063, %swap3A_1064] {strides = array<i32>} : memref<2x80x128xf32, #tpu.memory_space<vmem>>, vector<1x1x16xf32>,
        %swap3A_1066 = vector.shape_cast %swap3A_1065 : vector<1x1x16xf32> to vector<16xf32>
        %swap3A_1067 = vector.shape_cast %mul3A_1060 : vector<16xf32> to vector<1x1x16xf32>
        tpu.vector_store %arg10[%swap3A_1062, %swap3A_1063, %swap3A_1064], %swap3A_1067 {strides = array<i32>} : memref<2x80x128xf32, #tpu.memory_space<vmem>>, vector<1x1x16xf32>,
        %get3A_1068 = arith.constant 0 : i32
        %get3A_1069 = arith.index_cast %get3A_1068 : i32 to index
        %get3A_1070 = arith.index_cast %add3A_927 : i32 to index
        %get3A_1071 = arith.constant 112 : index
        %get3A_1072 = tpu.vector_load %arg10[%get3A_1069, %get3A_1070, %get3A_1071] {strides = array<i32>} : memref<2x80x128xf32, #tpu.memory_space<vmem>>, vector<1x1x16xf32>,
        %get3A_1073 = vector.shape_cast %get3A_1072 : vector<1x1x16xf32> to vector<16xf32>
        %get3A_1074 = arith.constant 0 : i32
        %get3A_1075 = arith.index_cast %get3A_1074 : i32 to index
        %get3A_1076 = arith.index_cast %add3A_927 : i32 to index
        %get3A_1077 = arith.constant 112 : index
        %get3A_1078 = tpu.vector_load %arg9[%get3A_1075, %get3A_1076, %get3A_1077] {strides = array<i32>} : memref<2x80x128xf32, #tpu.memory_space<vmem>>, vector<1x1x16xf32>,
        %get3A_1079 = vector.shape_cast %get3A_1078 : vector<1x1x16xf32> to vector<16xf32>
        %mul3A_1080 = arith.mulf %get3A_1073, %get3A_1079 : vector<16xf32>
        %swap3A_1081 = arith.constant 0 : i32
        %swap3A_1082 = arith.index_cast %swap3A_1081 : i32 to index
        %swap3A_1083 = arith.index_cast %add3A_927 : i32 to index
        %swap3A_1084 = arith.constant 112 : index
        %swap3A_1085 = tpu.vector_load %arg10[%swap3A_1082, %swap3A_1083, %swap3A_1084] {strides = array<i32>} : memref<2x80x128xf32, #tpu.memory_space<vmem>>, vector<1x1x16xf32>,
        %swap3A_1086 = vector.shape_cast %swap3A_1085 : vector<1x1x16xf32> to vector<16xf32>
        %swap3A_1087 = vector.shape_cast %mul3A_1080 : vector<16xf32> to vector<1x1x16xf32>
        tpu.vector_store %arg10[%swap3A_1082, %swap3A_1083, %swap3A_1084], %swap3A_1087 {strides = array<i32>} : memref<2x80x128xf32, #tpu.memory_space<vmem>>, vector<1x1x16xf32>,
        %scan3A_1088 = arith.constant 0 : i32
        scf.yield %scan3A_1088 : i32
      }
      %scan3A_332 = arith.constant 40 : i32
      %dma_start3A_333 = arith.constant 0 : i32
      %dma_start3A_334 = arith.constant 0 : i32
      %dma_start3A_335 = arith.constant 0 : i32
      %dma_start3A_336 = arith.constant 0 : i32
      %dma_start3A_337 = arith.constant 0 : i32
      %dma_start3A_338 = tpu.memref_slice %arg10[%dma_start3A_333, %dma_start3A_336, %dma_start3A_337] : memref<2x80x128xf32, #tpu.memory_space<vmem>> -> memref<1x80x128xf32, #tpu.memory_space<vmem>>
      %dma_start3A_339 = tpu.memref_squeeze %dma_start3A_338 : memref<1x80x128xf32, #tpu.memory_space<vmem>> -> memref<80x128xf32, #tpu.memory_space<vmem>>
      %dma_start3A_340 = arith.constant 0 : i32
      %dma_start3A_341 = tpu.memref_slice %arg8[%dma_start3A_334, %dma_start3A_340] : memref<4x80xi32, #tpu.memory_space<vmem>> -> memref<1x80xi32, #tpu.memory_space<vmem>>
      %dma_start3A_342 = tpu.memref_squeeze %dma_start3A_341 : memref<1x80xi32, #tpu.memory_space<vmem>> -> memref<80xi32, #tpu.memory_space<vmem>>
      %dma_start3A_343 = arith.constant 0 : i32
      %dma_start3A_344 = arith.constant 0 : i32
      %dma_start3A_345 = tpu.memref_slice %arg11[%dma_start3A_343, %dma_start3A_344] : memref<10000x128xf32, #tpu.memory_space<vmem_shared>> -> memref<10000x128xf32, #tpu.memory_space<vmem_shared>>
      %dma_start3A_346 = tpu.memref_slice %arg15[%dma_start3A_335] : memref<2x!tpu.dma_semaphore, #tpu.memory_space<semaphore_mem>> -> memref<1x!tpu.dma_semaphore, #tpu.memory_space<semaphore_mem>>
      %dma_start3A_347 = tpu.memref_squeeze %dma_start3A_346 : memref<1x!tpu.dma_semaphore, #tpu.memory_space<semaphore_mem>> -> memref<!tpu.dma_semaphore, #tpu.memory_space<semaphore_mem>>
      tpu.enqueue_indirect_dma source(%dma_start3A_339 : memref<80x128xf32, #tpu.memory_space<vmem>>) target(%dma_start3A_345 : memref<10000x128xf32, #tpu.memory_space<vmem_shared>>) offsets(%dma_start3A_342 : memref<80xi32, #tpu.memory_space<vmem>>) semaphore(%dma_start3A_347 : memref<!tpu.dma_semaphore, #tpu.memory_space<semaphore_mem>>) {add = true}
      %add3A_348 = arith.constant 3 : i32
      %add3A_349 = arith.addi %add3A_224, %add3A_348 : i32
      %le3A = arith.constant 124 : i32
      %le3A_350 = arith.cmpi sle, %add3A_349, %le3A : i32
      %convert_element_type3A_351 = arith.extui %le3A_350 : i1 to i32
      %cond3A_352 = arith.constant 0 : i32
      %cond3A_353 = arith.cmpi ne, %convert_element_type3A_351, %cond3A_352 : i32
      scf.if %cond3A_353 {
        %add3A_760 = arith.constant 3 : i32
        %add3A_761 = arith.addi %add3A_224, %add3A_760 : i32
        %mul3A_762 = arith.constant 80 : i32
        %mul3A_763 = arith.muli %add3A_761, %mul3A_762 : i32
        %add3A_764 = arith.addi %mul3A_35, %mul3A_763 : i32
        %dma_start3A_765 = arith.constant 3 : i32
        %dma_start3A_766 = arith.constant 3 : i32
        %dma_start3A_767 = arith.constant 0 : i32
        %dma_start3A_768 = tpu.memref_slice %arg7[%dma_start3A_765, %dma_start3A_767] : memref<4x80xi32, #tpu.memory_space<vmem>> -> memref<1x80xi32, #tpu.memory_space<vmem>>
        %dma_start3A_769 = tpu.memref_squeeze %dma_start3A_768 : memref<1x80xi32, #tpu.memory_space<vmem>> -> memref<80xi32, #tpu.memory_space<vmem>>
        %dma_start3A_770 = tpu.memref_slice %arg4[%add3A_764] : memref<320000xi32, #tpu.memory_space<hbm>> -> memref<80xi32, #tpu.memory_space<hbm>>
        %dma_start3A_771 = tpu.memref_slice %arg12[%dma_start3A_766] : memref<4x!tpu.dma_semaphore, #tpu.memory_space<semaphore_mem>> -> memref<1x!tpu.dma_semaphore, #tpu.memory_space<semaphore_mem>>
        %dma_start3A_772 = tpu.memref_squeeze %dma_start3A_771 : memref<1x!tpu.dma_semaphore, #tpu.memory_space<semaphore_mem>> -> memref<!tpu.dma_semaphore, #tpu.memory_space<semaphore_mem>>
        %dma_start3A_773 = arith.constant 0 : i32
        %dma_start3A_774 = tpu.memref_slice %arg7[%dma_start3A_765, %dma_start3A_773] : memref<4x80xi32, #tpu.memory_space<vmem>> -> memref<1x80xi32, #tpu.memory_space<vmem>>
        %dma_start3A_775 = tpu.memref_squeeze %dma_start3A_774 : memref<1x80xi32, #tpu.memory_space<vmem>> -> memref<80xi32, #tpu.memory_space<vmem>>
        %dma_start3A_776 = tpu.memref_slice %arg4[%add3A_764] : memref<320000xi32, #tpu.memory_space<hbm>> -> memref<80xi32, #tpu.memory_space<hbm>>
        tpu.enqueue_dma source(%dma_start3A_776 : memref<80xi32, #tpu.memory_space<hbm>>) target(%dma_start3A_775 : memref<80xi32, #tpu.memory_space<vmem>>) target_semaphore(%dma_start3A_772 : memref<!tpu.dma_semaphore, #tpu.memory_space<semaphore_mem>>)
        %dma_start3A_777 = arith.constant 3 : i32
        %dma_start3A_778 = arith.constant 3 : i32
        %dma_start3A_779 = arith.constant 0 : i32
        %dma_start3A_780 = tpu.memref_slice %arg8[%dma_start3A_777, %dma_start3A_779] : memref<4x80xi32, #tpu.memory_space<vmem>> -> memref<1x80xi32, #tpu.memory_space<vmem>>
        %dma_start3A_781 = tpu.memref_squeeze %dma_start3A_780 : memref<1x80xi32, #tpu.memory_space<vmem>> -> memref<80xi32, #tpu.memory_space<vmem>>
        %dma_start3A_782 = tpu.memref_slice %arg5[%add3A_764] : memref<320000xi32, #tpu.memory_space<hbm>> -> memref<80xi32, #tpu.memory_space<hbm>>
        %dma_start3A_783 = tpu.memref_slice %arg12[%dma_start3A_778] : memref<4x!tpu.dma_semaphore, #tpu.memory_space<semaphore_mem>> -> memref<1x!tpu.dma_semaphore, #tpu.memory_space<semaphore_mem>>
        %dma_start3A_784 = tpu.memref_squeeze %dma_start3A_783 : memref<1x!tpu.dma_semaphore, #tpu.memory_space<semaphore_mem>> -> memref<!tpu.dma_semaphore, #tpu.memory_space<semaphore_mem>>
        %dma_start3A_785 = arith.constant 0 : i32
        %dma_start3A_786 = tpu.memref_slice %arg8[%dma_start3A_777, %dma_start3A_785] : memref<4x80xi32, #tpu.memory_space<vmem>> -> memref<1x80xi32, #tpu.memory_space<vmem>>
        %dma_start3A_787 = tpu.memref_squeeze %dma_start3A_786 : memref<1x80xi32, #tpu.memory_space<vmem>> -> memref<80xi32, #tpu.memory_space<vmem>>
        %dma_start3A_788 = tpu.memref_slice %arg5[%add3A_764] : memref<320000xi32, #tpu.memory_space<hbm>> -> memref<80xi32, #tpu.memory_space<hbm>>
        tpu.enqueue_dma source(%dma_start3A_788 : memref<80xi32, #tpu.memory_space<hbm>>) target(%dma_start3A_787 : memref<80xi32, #tpu.memory_space<vmem>>) target_semaphore(%dma_start3A_784 : memref<!tpu.dma_semaphore, #tpu.memory_space<semaphore_mem>>)
      } else {
      }
      %mul3A_354 = arith.constant 4 : i32
      %mul3A_355 = arith.muli %scan3A_219, %mul3A_354 : i32
      %add3A_356 = arith.constant 1 : i32
      %add3A_357 = arith.addi %mul3A_355, %add3A_356 : i32
      %dma_wait3A_358 = arith.constant 1 : i32
      %dma_wait3A_359 = arith.constant 1 : i32
      %dma_wait3A_360 = arith.constant 0 : i32
      %dma_wait3A_361 = arith.constant 0 : i32
      %dma_wait3A_362 = tpu.memref_slice %arg9[%dma_wait3A_358, %dma_wait3A_360, %dma_wait3A_361] : memref<2x80x128xf32, #tpu.memory_space<vmem>> -> memref<1x80x128xf32, #tpu.memory_space<vmem>>
      %dma_wait3A_363 = tpu.memref_squeeze %dma_wait3A_362 : memref<1x80x128xf32, #tpu.memory_space<vmem>> -> memref<80x128xf32, #tpu.memory_space<vmem>>
      %dma_wait3A_364 = arith.constant 0 : i32
      %dma_wait3A_365 = arith.constant 0 : i32
      %dma_wait3A_366 = tpu.memref_slice %arg3[%dma_wait3A_364, %dma_wait3A_365] : memref<320000x128xf32, #tpu.memory_space<hbm>> -> memref<80x128xf32, #tpu.memory_space<hbm>>
      %dma_wait3A_367 = tpu.memref_slice %arg14[%dma_wait3A_359] : memref<2x!tpu.dma_semaphore, #tpu.memory_space<semaphore_mem>> -> memref<1x!tpu.dma_semaphore, #tpu.memory_space<semaphore_mem>>
      %dma_wait3A_368 = tpu.memref_squeeze %dma_wait3A_367 : memref<1x!tpu.dma_semaphore, #tpu.memory_space<semaphore_mem>> -> memref<!tpu.dma_semaphore, #tpu.memory_space<semaphore_mem>>
      %dma_wait3A_369 = arith.constant 0 : i32
      %dma_wait3A_370 = arith.constant 0 : i32
      %dma_wait3A_371 = tpu.memref_slice %arg9[%dma_wait3A_358, %dma_wait3A_369, %dma_wait3A_370] : memref<2x80x128xf32, #tpu.memory_space<vmem>> -> memref<1x80x128xf32, #tpu.memory_space<vmem>>
      %dma_wait3A_372 = tpu.memref_squeeze %dma_wait3A_371 : memref<1x80x128xf32, #tpu.memory_space<vmem>> -> memref<80x128xf32, #tpu.memory_space<vmem>>
      %dma_wait3A_373 = arith.constant 0 : i32
      %dma_wait3A_374 = arith.constant 0 : i32
      %dma_wait3A_375 = tpu.memref_slice %arg3[%dma_wait3A_373, %dma_wait3A_374] : memref<320000x128xf32, #tpu.memory_space<hbm>> -> memref<80x128xf32, #tpu.memory_space<hbm>>
      tpu.wait_dma2 semaphore(%dma_wait3A_368 : memref<!tpu.dma_semaphore, #tpu.memory_space<semaphore_mem>>) src(%dma_wait3A_375 : memref<80x128xf32, #tpu.memory_space<hbm>>) dst(%dma_wait3A_372 : memref<80x128xf32, #tpu.memory_space<vmem>>)
      %dma_wait3A_376 = arith.constant 1 : i32
      %dma_wait3A_377 = arith.constant 1 : i32
      %dma_wait3A_378 = arith.constant 1 : i32
      %dma_wait3A_379 = arith.constant 0 : i32
      %dma_wait3A_380 = arith.constant 0 : i32
      %dma_wait3A_381 = tpu.memref_slice %arg10[%dma_wait3A_377, %dma_wait3A_379, %dma_wait3A_380] : memref<2x80x128xf32, #tpu.memory_space<vmem>> -> memref<1x80x128xf32, #tpu.memory_space<vmem>>
      %dma_wait3A_382 = tpu.memref_squeeze %dma_wait3A_381 : memref<1x80x128xf32, #tpu.memory_space<vmem>> -> memref<80x128xf32, #tpu.memory_space<vmem>>
      %dma_wait3A_383 = arith.constant 0 : i32
      %dma_wait3A_384 = tpu.memref_slice %arg7[%dma_wait3A_376, %dma_wait3A_383] : memref<4x80xi32, #tpu.memory_space<vmem>> -> memref<1x80xi32, #tpu.memory_space<vmem>>
      %dma_wait3A_385 = tpu.memref_squeeze %dma_wait3A_384 : memref<1x80xi32, #tpu.memory_space<vmem>> -> memref<80xi32, #tpu.memory_space<vmem>>
      %dma_wait3A_386 = arith.constant 0 : i32
      %dma_wait3A_387 = arith.constant 0 : i32
      %dma_wait3A_388 = tpu.memref_slice %arg2[%dma_wait3A_386, %dma_wait3A_387] : memref<10000x128xf32, #tpu.memory_space<hbm>> -> memref<10000x128xf32, #tpu.memory_space<hbm>>
      %dma_wait3A_389 = tpu.memref_slice %arg13[%dma_wait3A_378] : memref<2x!tpu.dma_semaphore, #tpu.memory_space<semaphore_mem>> -> memref<1x!tpu.dma_semaphore, #tpu.memory_space<semaphore_mem>>
      %dma_wait3A_390 = tpu.memref_squeeze %dma_wait3A_389 : memref<1x!tpu.dma_semaphore, #tpu.memory_space<semaphore_mem>> -> memref<!tpu.dma_semaphore, #tpu.memory_space<semaphore_mem>>
      tpu.wait_indirect_dma semaphore(%dma_wait3A_390 : memref<!tpu.dma_semaphore, #tpu.memory_space<semaphore_mem>>) src(%dma_wait3A_388 : memref<10000x128xf32, #tpu.memory_space<hbm>>) dst(%dma_wait3A_382 : memref<80x128xf32, #tpu.memory_space<vmem>>)
      %ge3A_391 = arith.constant 1 : i32
      %ge3A_392 = arith.cmpi sge, %add3A_357, %ge3A_391 : i32
      %convert_element_type3A_393 = arith.extui %ge3A_392 : i1 to i32
      %cond3A_394 = arith.constant 0 : i32
      %cond3A_395 = arith.cmpi ne, %convert_element_type3A_393, %cond3A_394 : i32
      scf.if %cond3A_395 {
        %dma_wait3A_760 = arith.constant 0 : i32
        %dma_wait3A_761 = arith.constant 0 : i32
        %dma_wait3A_762 = arith.constant 0 : i32
        %dma_wait3A_763 = arith.constant 0 : i32
        %dma_wait3A_764 = arith.constant 0 : i32
        %dma_wait3A_765 = tpu.memref_slice %arg10[%dma_wait3A_760, %dma_wait3A_763, %dma_wait3A_764] : memref<2x80x128xf32, #tpu.memory_space<vmem>> -> memref<1x80x128xf32, #tpu.memory_space<vmem>>
        %dma_wait3A_766 = tpu.memref_squeeze %dma_wait3A_765 : memref<1x80x128xf32, #tpu.memory_space<vmem>> -> memref<80x128xf32, #tpu.memory_space<vmem>>
        %dma_wait3A_767 = arith.constant 0 : i32
        %dma_wait3A_768 = tpu.memref_slice %arg8[%dma_wait3A_761, %dma_wait3A_767] : memref<4x80xi32, #tpu.memory_space<vmem>> -> memref<1x80xi32, #tpu.memory_space<vmem>>
        %dma_wait3A_769 = tpu.memref_squeeze %dma_wait3A_768 : memref<1x80xi32, #tpu.memory_space<vmem>> -> memref<80xi32, #tpu.memory_space<vmem>>
        %dma_wait3A_770 = arith.constant 0 : i32
        %dma_wait3A_771 = arith.constant 0 : i32
        %dma_wait3A_772 = tpu.memref_slice %arg11[%dma_wait3A_770, %dma_wait3A_771] : memref<10000x128xf32, #tpu.memory_space<vmem_shared>> -> memref<10000x128xf32, #tpu.memory_space<vmem_shared>>
        %dma_wait3A_773 = tpu.memref_slice %arg15[%dma_wait3A_762] : memref<2x!tpu.dma_semaphore, #tpu.memory_space<semaphore_mem>> -> memref<1x!tpu.dma_semaphore, #tpu.memory_space<semaphore_mem>>
        %dma_wait3A_774 = tpu.memref_squeeze %dma_wait3A_773 : memref<1x!tpu.dma_semaphore, #tpu.memory_space<semaphore_mem>> -> memref<!tpu.dma_semaphore, #tpu.memory_space<semaphore_mem>>
        tpu.wait_indirect_dma semaphore(%dma_wait3A_774 : memref<!tpu.dma_semaphore, #tpu.memory_space<semaphore_mem>>) src(%dma_wait3A_766 : memref<80x128xf32, #tpu.memory_space<vmem>>) dst(%dma_wait3A_772 : memref<10000x128xf32, #tpu.memory_space<vmem_shared>>)
      } else {
      }
      %dma_wait3A_396 = arith.constant 2 : i32
      %dma_wait3A_397 = arith.constant 2 : i32
      %dma_wait3A_398 = arith.constant 0 : i32
      %dma_wait3A_399 = tpu.memref_slice %arg7[%dma_wait3A_396, %dma_wait3A_398] : memref<4x80xi32, #tpu.memory_space<vmem>> -> memref<1x80xi32, #tpu.memory_space<vmem>>
      %dma_wait3A_400 = tpu.memref_squeeze %dma_wait3A_399 : memref<1x80xi32, #tpu.memory_space<vmem>> -> memref<80xi32, #tpu.memory_space<vmem>>
      %dma_wait3A_401 = arith.constant 0 : i32
      %dma_wait3A_402 = tpu.memref_slice %arg4[%dma_wait3A_401] : memref<320000xi32, #tpu.memory_space<hbm>> -> memref<80xi32, #tpu.memory_space<hbm>>
      %dma_wait3A_403 = tpu.memref_slice %arg12[%dma_wait3A_397] : memref<4x!tpu.dma_semaphore, #tpu.memory_space<semaphore_mem>> -> memref<1x!tpu.dma_semaphore, #tpu.memory_space<semaphore_mem>>
      %dma_wait3A_404 = tpu.memref_squeeze %dma_wait3A_403 : memref<1x!tpu.dma_semaphore, #tpu.memory_space<semaphore_mem>> -> memref<!tpu.dma_semaphore, #tpu.memory_space<semaphore_mem>>
      %dma_wait3A_405 = arith.constant 0 : i32
      %dma_wait3A_406 = tpu.memref_slice %arg7[%dma_wait3A_396, %dma_wait3A_405] : memref<4x80xi32, #tpu.memory_space<vmem>> -> memref<1x80xi32, #tpu.memory_space<vmem>>
      %dma_wait3A_407 = tpu.memref_squeeze %dma_wait3A_406 : memref<1x80xi32, #tpu.memory_space<vmem>> -> memref<80xi32, #tpu.memory_space<vmem>>
      %dma_wait3A_408 = arith.constant 0 : i32
      %dma_wait3A_409 = tpu.memref_slice %arg4[%dma_wait3A_408] : memref<320000xi32, #tpu.memory_space<hbm>> -> memref<80xi32, #tpu.memory_space<hbm>>
      tpu.wait_dma2 semaphore(%dma_wait3A_404 : memref<!tpu.dma_semaphore, #tpu.memory_space<semaphore_mem>>) src(%dma_wait3A_409 : memref<80xi32, #tpu.memory_space<hbm>>) dst(%dma_wait3A_407 : memref<80xi32, #tpu.memory_space<vmem>>)
      %dma_wait3A_410 = arith.constant 2 : i32
      %dma_wait3A_411 = arith.constant 2 : i32
      %dma_wait3A_412 = arith.constant 0 : i32
      %dma_wait3A_413 = tpu.memref_slice %arg8[%dma_wait3A_410, %dma_wait3A_412] : memref<4x80xi32, #tpu.memory_space<vmem>> -> memref<1x80xi32, #tpu.memory_space<vmem>>
      %dma_wait3A_414 = tpu.memref_squeeze %dma_wait3A_413 : memref<1x80xi32, #tpu.memory_space<vmem>> -> memref<80xi32, #tpu.memory_space<vmem>>
      %dma_wait3A_415 = arith.constant 0 : i32
      %dma_wait3A_416 = tpu.memref_slice %arg5[%dma_wait3A_415] : memref<320000xi32, #tpu.memory_space<hbm>> -> memref<80xi32, #tpu.memory_space<hbm>>
      %dma_wait3A_417 = tpu.memref_slice %arg12[%dma_wait3A_411] : memref<4x!tpu.dma_semaphore, #tpu.memory_space<semaphore_mem>> -> memref<1x!tpu.dma_semaphore, #tpu.memory_space<semaphore_mem>>
      %dma_wait3A_418 = tpu.memref_squeeze %dma_wait3A_417 : memref<1x!tpu.dma_semaphore, #tpu.memory_space<semaphore_mem>> -> memref<!tpu.dma_semaphore, #tpu.memory_space<semaphore_mem>>
      %dma_wait3A_419 = arith.constant 0 : i32
      %dma_wait3A_420 = tpu.memref_slice %arg8[%dma_wait3A_410, %dma_wait3A_419] : memref<4x80xi32, #tpu.memory_space<vmem>> -> memref<1x80xi32, #tpu.memory_space<vmem>>
      %dma_wait3A_421 = tpu.memref_squeeze %dma_wait3A_420 : memref<1x80xi32, #tpu.memory_space<vmem>> -> memref<80xi32, #tpu.memory_space<vmem>>
      %dma_wait3A_422 = arith.constant 0 : i32
      %dma_wait3A_423 = tpu.memref_slice %arg5[%dma_wait3A_422] : memref<320000xi32, #tpu.memory_space<hbm>> -> memref<80xi32, #tpu.memory_space<hbm>>
      tpu.wait_dma2 semaphore(%dma_wait3A_418 : memref<!tpu.dma_semaphore, #tpu.memory_space<semaphore_mem>>) src(%dma_wait3A_423 : memref<80xi32, #tpu.memory_space<hbm>>) dst(%dma_wait3A_421 : memref<80xi32, #tpu.memory_space<vmem>>)
      %add3A_424 = arith.constant 1 : i32
      %add3A_425 = arith.addi %add3A_357, %add3A_424 : i32
      %mul3A_426 = arith.constant 80 : i32
      %mul3A_427 = arith.muli %add3A_425, %mul3A_426 : i32
      %add3A_428 = arith.addi %mul3A_35, %mul3A_427 : i32
      %dma_start3A_429 = arith.constant 0 : i32
      %dma_start3A_430 = arith.constant 0 : i32
      %dma_start3A_431 = arith.constant 0 : i32
      %dma_start3A_432 = arith.constant 0 : i32
      %dma_start3A_433 = tpu.memref_slice %arg9[%dma_start3A_429, %dma_start3A_431, %dma_start3A_432] : memref<2x80x128xf32, #tpu.memory_space<vmem>> -> memref<1x80x128xf32, #tpu.memory_space<vmem>>
      %dma_start3A_434 = tpu.memref_squeeze %dma_start3A_433 : memref<1x80x128xf32, #tpu.memory_space<vmem>> -> memref<80x128xf32, #tpu.memory_space<vmem>>
      %dma_start3A_435 = arith.constant 0 : i32
      %dma_start3A_436 = tpu.memref_slice %arg3[%add3A_428, %dma_start3A_435] : memref<320000x128xf32, #tpu.memory_space<hbm>> -> memref<80x128xf32, #tpu.memory_space<hbm>>
      %dma_start3A_437 = tpu.memref_slice %arg14[%dma_start3A_430] : memref<2x!tpu.dma_semaphore, #tpu.memory_space<semaphore_mem>> -> memref<1x!tpu.dma_semaphore, #tpu.memory_space<semaphore_mem>>
      %dma_start3A_438 = tpu.memref_squeeze %dma_start3A_437 : memref<1x!tpu.dma_semaphore, #tpu.memory_space<semaphore_mem>> -> memref<!tpu.dma_semaphore, #tpu.memory_space<semaphore_mem>>
      %dma_start3A_439 = arith.constant 0 : i32
      %dma_start3A_440 = arith.constant 0 : i32
      %dma_start3A_441 = tpu.memref_slice %arg9[%dma_start3A_429, %dma_start3A_439, %dma_start3A_440] : memref<2x80x128xf32, #tpu.memory_space<vmem>> -> memref<1x80x128xf32, #tpu.memory_space<vmem>>
      %dma_start3A_442 = tpu.memref_squeeze %dma_start3A_441 : memref<1x80x128xf32, #tpu.memory_space<vmem>> -> memref<80x128xf32, #tpu.memory_space<vmem>>
      %dma_start3A_443 = arith.constant 0 : i32
      %dma_start3A_444 = tpu.memref_slice %arg3[%add3A_428, %dma_start3A_443] : memref<320000x128xf32, #tpu.memory_space<hbm>> -> memref<80x128xf32, #tpu.memory_space<hbm>>
      tpu.enqueue_dma source(%dma_start3A_444 : memref<80x128xf32, #tpu.memory_space<hbm>>) target(%dma_start3A_442 : memref<80x128xf32, #tpu.memory_space<vmem>>) target_semaphore(%dma_start3A_438 : memref<!tpu.dma_semaphore, #tpu.memory_space<semaphore_mem>>)
      %dma_start3A_445 = arith.constant 2 : i32
      %dma_start3A_446 = arith.constant 0 : i32
      %dma_start3A_447 = arith.constant 0 : i32
      %dma_start3A_448 = arith.constant 0 : i32
      %dma_start3A_449 = arith.constant 0 : i32
      %dma_start3A_450 = tpu.memref_slice %arg10[%dma_start3A_446, %dma_start3A_448, %dma_start3A_449] : memref<2x80x128xf32, #tpu.memory_space<vmem>> -> memref<1x80x128xf32, #tpu.memory_space<vmem>>
      %dma_start3A_451 = tpu.memref_squeeze %dma_start3A_450 : memref<1x80x128xf32, #tpu.memory_space<vmem>> -> memref<80x128xf32, #tpu.memory_space<vmem>>
      %dma_start3A_452 = arith.constant 0 : i32
      %dma_start3A_453 = tpu.memref_slice %arg7[%dma_start3A_445, %dma_start3A_452] : memref<4x80xi32, #tpu.memory_space<vmem>> -> memref<1x80xi32, #tpu.memory_space<vmem>>
      %dma_start3A_454 = tpu.memref_squeeze %dma_start3A_453 : memref<1x80xi32, #tpu.memory_space<vmem>> -> memref<80xi32, #tpu.memory_space<vmem>>
      %dma_start3A_455 = arith.constant 0 : i32
      %dma_start3A_456 = arith.constant 0 : i32
      %dma_start3A_457 = tpu.memref_slice %arg2[%dma_start3A_455, %dma_start3A_456] : memref<10000x128xf32, #tpu.memory_space<hbm>> -> memref<10000x128xf32, #tpu.memory_space<hbm>>
      %dma_start3A_458 = tpu.memref_slice %arg13[%dma_start3A_447] : memref<2x!tpu.dma_semaphore, #tpu.memory_space<semaphore_mem>> -> memref<1x!tpu.dma_semaphore, #tpu.memory_space<semaphore_mem>>
      %dma_start3A_459 = tpu.memref_squeeze %dma_start3A_458 : memref<1x!tpu.dma_semaphore, #tpu.memory_space<semaphore_mem>> -> memref<!tpu.dma_semaphore, #tpu.memory_space<semaphore_mem>>
      tpu.enqueue_indirect_dma source(%dma_start3A_457 : memref<10000x128xf32, #tpu.memory_space<hbm>>) target(%dma_start3A_451 : memref<80x128xf32, #tpu.memory_space<vmem>>) offsets(%dma_start3A_454 : memref<80xi32, #tpu.memory_space<vmem>>) semaphore(%dma_start3A_459 : memref<!tpu.dma_semaphore, #tpu.memory_space<semaphore_mem>>)
      %scan3A_460 = arith.constant 0 : i32
      %scan3A_461 = arith.constant 0 : i32
      %scan3A_462 = arith.constant 40 : i32
      %scan3A_463 = arith.addi %scan3A_461, %scan3A_462 : i32
      %scan3A_464 = arith.constant 1 : i32
      %scan3A_465 = scf.for %scan3A_760 = %scan3A_461 to %scan3A_463 step %scan3A_464 iter_args(%scan3A_761 = %scan3A_460) -> (i32)  : i32 {
        %mul3A_762 = arith.constant 2 : i32
        %mul3A_763 = arith.muli %scan3A_760, %mul3A_762 : i32
        %add3A_764 = arith.constant 0 : i32
        %add3A_765 = arith.addi %mul3A_763, %add3A_764 : i32
        %get3A = arith.constant 1 : i32
        %get3A_766 = arith.index_cast %get3A : i32 to index
        %get3A_767 = arith.index_cast %add3A_765 : i32 to index
        %get3A_768 = arith.constant 0 : index
        %get3A_769 = tpu.vector_load %arg10[%get3A_766, %get3A_767, %get3A_768] {strides = array<i32>} : memref<2x80x128xf32, #tpu.memory_space<vmem>>, vector<1x1x16xf32>,
        %get3A_770 = vector.shape_cast %get3A_769 : vector<1x1x16xf32> to vector<16xf32>
        %get3A_771 = arith.constant 1 : i32
        %get3A_772 = arith.index_cast %get3A_771 : i32 to index
        %get3A_773 = arith.index_cast %add3A_765 : i32 to index
        %get3A_774 = arith.constant 0 : index
        %get3A_775 = tpu.vector_load %arg9[%get3A_772, %get3A_773, %get3A_774] {strides = array<i32>} : memref<2x80x128xf32, #tpu.memory_space<vmem>>, vector<1x1x16xf32>,
        %get3A_776 = vector.shape_cast %get3A_775 : vector<1x1x16xf32> to vector<16xf32>
        %mul3A_777 = arith.mulf %get3A_770, %get3A_776 : vector<16xf32>
        %swap3A = arith.constant 1 : i32
        %swap3A_778 = arith.index_cast %swap3A : i32 to index
        %swap3A_779 = arith.index_cast %add3A_765 : i32 to index
        %swap3A_780 = arith.constant 0 : index
        %swap3A_781 = tpu.vector_load %arg10[%swap3A_778, %swap3A_779, %swap3A_780] {strides = array<i32>} : memref<2x80x128xf32, #tpu.memory_space<vmem>>, vector<1x1x16xf32>,
        %swap3A_782 = vector.shape_cast %swap3A_781 : vector<1x1x16xf32> to vector<16xf32>
        %swap3A_783 = vector.shape_cast %mul3A_777 : vector<16xf32> to vector<1x1x16xf32>
        tpu.vector_store %arg10[%swap3A_778, %swap3A_779, %swap3A_780], %swap3A_783 {strides = array<i32>} : memref<2x80x128xf32, #tpu.memory_space<vmem>>, vector<1x1x16xf32>,
        %get3A_784 = arith.constant 1 : i32
        %get3A_785 = arith.index_cast %get3A_784 : i32 to index
        %get3A_786 = arith.index_cast %add3A_765 : i32 to index
        %get3A_787 = arith.constant 16 : index
        %get3A_788 = tpu.vector_load %arg10[%get3A_785, %get3A_786, %get3A_787] {strides = array<i32>} : memref<2x80x128xf32, #tpu.memory_space<vmem>>, vector<1x1x16xf32>,
        %get3A_789 = vector.shape_cast %get3A_788 : vector<1x1x16xf32> to vector<16xf32>
        %get3A_790 = arith.constant 1 : i32
        %get3A_791 = arith.index_cast %get3A_790 : i32 to index
        %get3A_792 = arith.index_cast %add3A_765 : i32 to index
        %get3A_793 = arith.constant 16 : index
        %get3A_794 = tpu.vector_load %arg9[%get3A_791, %get3A_792, %get3A_793] {strides = array<i32>} : memref<2x80x128xf32, #tpu.memory_space<vmem>>, vector<1x1x16xf32>,
        %get3A_795 = vector.shape_cast %get3A_794 : vector<1x1x16xf32> to vector<16xf32>
        %mul3A_796 = arith.mulf %get3A_789, %get3A_795 : vector<16xf32>
        %swap3A_797 = arith.constant 1 : i32
        %swap3A_798 = arith.index_cast %swap3A_797 : i32 to index
        %swap3A_799 = arith.index_cast %add3A_765 : i32 to index
        %swap3A_800 = arith.constant 16 : index
        %swap3A_801 = tpu.vector_load %arg10[%swap3A_798, %swap3A_799, %swap3A_800] {strides = array<i32>} : memref<2x80x128xf32, #tpu.memory_space<vmem>>, vector<1x1x16xf32>,
        %swap3A_802 = vector.shape_cast %swap3A_801 : vector<1x1x16xf32> to vector<16xf32>
        %swap3A_803 = vector.shape_cast %mul3A_796 : vector<16xf32> to vector<1x1x16xf32>
        tpu.vector_store %arg10[%swap3A_798, %swap3A_799, %swap3A_800], %swap3A_803 {strides = array<i32>} : memref<2x80x128xf32, #tpu.memory_space<vmem>>, vector<1x1x16xf32>,
        %get3A_804 = arith.constant 1 : i32
        %get3A_805 = arith.index_cast %get3A_804 : i32 to index
        %get3A_806 = arith.index_cast %add3A_765 : i32 to index
        %get3A_807 = arith.constant 32 : index
        %get3A_808 = tpu.vector_load %arg10[%get3A_805, %get3A_806, %get3A_807] {strides = array<i32>} : memref<2x80x128xf32, #tpu.memory_space<vmem>>, vector<1x1x16xf32>,
        %get3A_809 = vector.shape_cast %get3A_808 : vector<1x1x16xf32> to vector<16xf32>
        %get3A_810 = arith.constant 1 : i32
        %get3A_811 = arith.index_cast %get3A_810 : i32 to index
        %get3A_812 = arith.index_cast %add3A_765 : i32 to index
        %get3A_813 = arith.constant 32 : index
        %get3A_814 = tpu.vector_load %arg9[%get3A_811, %get3A_812, %get3A_813] {strides = array<i32>} : memref<2x80x128xf32, #tpu.memory_space<vmem>>, vector<1x1x16xf32>,
        %get3A_815 = vector.shape_cast %get3A_814 : vector<1x1x16xf32> to vector<16xf32>
        %mul3A_816 = arith.mulf %get3A_809, %get3A_815 : vector<16xf32>
        %swap3A_817 = arith.constant 1 : i32
        %swap3A_818 = arith.index_cast %swap3A_817 : i32 to index
        %swap3A_819 = arith.index_cast %add3A_765 : i32 to index
        %swap3A_820 = arith.constant 32 : index
        %swap3A_821 = tpu.vector_load %arg10[%swap3A_818, %swap3A_819, %swap3A_820] {strides = array<i32>} : memref<2x80x128xf32, #tpu.memory_space<vmem>>, vector<1x1x16xf32>,
        %swap3A_822 = vector.shape_cast %swap3A_821 : vector<1x1x16xf32> to vector<16xf32>
        %swap3A_823 = vector.shape_cast %mul3A_816 : vector<16xf32> to vector<1x1x16xf32>
        tpu.vector_store %arg10[%swap3A_818, %swap3A_819, %swap3A_820], %swap3A_823 {strides = array<i32>} : memref<2x80x128xf32, #tpu.memory_space<vmem>>, vector<1x1x16xf32>,
        %get3A_824 = arith.constant 1 : i32
        %get3A_825 = arith.index_cast %get3A_824 : i32 to index
        %get3A_826 = arith.index_cast %add3A_765 : i32 to index
        %get3A_827 = arith.constant 48 : index
        %get3A_828 = tpu.vector_load %arg10[%get3A_825, %get3A_826, %get3A_827] {strides = array<i32>} : memref<2x80x128xf32, #tpu.memory_space<vmem>>, vector<1x1x16xf32>,
        %get3A_829 = vector.shape_cast %get3A_828 : vector<1x1x16xf32> to vector<16xf32>
        %get3A_830 = arith.constant 1 : i32
        %get3A_831 = arith.index_cast %get3A_830 : i32 to index
        %get3A_832 = arith.index_cast %add3A_765 : i32 to index
        %get3A_833 = arith.constant 48 : index
        %get3A_834 = tpu.vector_load %arg9[%get3A_831, %get3A_832, %get3A_833] {strides = array<i32>} : memref<2x80x128xf32, #tpu.memory_space<vmem>>, vector<1x1x16xf32>,
        %get3A_835 = vector.shape_cast %get3A_834 : vector<1x1x16xf32> to vector<16xf32>
        %mul3A_836 = arith.mulf %get3A_829, %get3A_835 : vector<16xf32>
        %swap3A_837 = arith.constant 1 : i32
        %swap3A_838 = arith.index_cast %swap3A_837 : i32 to index
        %swap3A_839 = arith.index_cast %add3A_765 : i32 to index
        %swap3A_840 = arith.constant 48 : index
        %swap3A_841 = tpu.vector_load %arg10[%swap3A_838, %swap3A_839, %swap3A_840] {strides = array<i32>} : memref<2x80x128xf32, #tpu.memory_space<vmem>>, vector<1x1x16xf32>,
        %swap3A_842 = vector.shape_cast %swap3A_841 : vector<1x1x16xf32> to vector<16xf32>
        %swap3A_843 = vector.shape_cast %mul3A_836 : vector<16xf32> to vector<1x1x16xf32>
        tpu.vector_store %arg10[%swap3A_838, %swap3A_839, %swap3A_840], %swap3A_843 {strides = array<i32>} : memref<2x80x128xf32, #tpu.memory_space<vmem>>, vector<1x1x16xf32>,
        %get3A_844 = arith.constant 1 : i32
        %get3A_845 = arith.index_cast %get3A_844 : i32 to index
        %get3A_846 = arith.index_cast %add3A_765 : i32 to index
        %get3A_847 = arith.constant 64 : index
        %get3A_848 = tpu.vector_load %arg10[%get3A_845, %get3A_846, %get3A_847] {strides = array<i32>} : memref<2x80x128xf32, #tpu.memory_space<vmem>>, vector<1x1x16xf32>,
        %get3A_849 = vector.shape_cast %get3A_848 : vector<1x1x16xf32> to vector<16xf32>
        %get3A_850 = arith.constant 1 : i32
        %get3A_851 = arith.index_cast %get3A_850 : i32 to index
        %get3A_852 = arith.index_cast %add3A_765 : i32 to index
        %get3A_853 = arith.constant 64 : index
        %get3A_854 = tpu.vector_load %arg9[%get3A_851, %get3A_852, %get3A_853] {strides = array<i32>} : memref<2x80x128xf32, #tpu.memory_space<vmem>>, vector<1x1x16xf32>,
        %get3A_855 = vector.shape_cast %get3A_854 : vector<1x1x16xf32> to vector<16xf32>
        %mul3A_856 = arith.mulf %get3A_849, %get3A_855 : vector<16xf32>
        %swap3A_857 = arith.constant 1 : i32
        %swap3A_858 = arith.index_cast %swap3A_857 : i32 to index
        %swap3A_859 = arith.index_cast %add3A_765 : i32 to index
        %swap3A_860 = arith.constant 64 : index
        %swap3A_861 = tpu.vector_load %arg10[%swap3A_858, %swap3A_859, %swap3A_860] {strides = array<i32>} : memref<2x80x128xf32, #tpu.memory_space<vmem>>, vector<1x1x16xf32>,
        %swap3A_862 = vector.shape_cast %swap3A_861 : vector<1x1x16xf32> to vector<16xf32>
        %swap3A_863 = vector.shape_cast %mul3A_856 : vector<16xf32> to vector<1x1x16xf32>
        tpu.vector_store %arg10[%swap3A_858, %swap3A_859, %swap3A_860], %swap3A_863 {strides = array<i32>} : memref<2x80x128xf32, #tpu.memory_space<vmem>>, vector<1x1x16xf32>,
        %get3A_864 = arith.constant 1 : i32
        %get3A_865 = arith.index_cast %get3A_864 : i32 to index
        %get3A_866 = arith.index_cast %add3A_765 : i32 to index
        %get3A_867 = arith.constant 80 : index
        %get3A_868 = tpu.vector_load %arg10[%get3A_865, %get3A_866, %get3A_867] {strides = array<i32>} : memref<2x80x128xf32, #tpu.memory_space<vmem>>, vector<1x1x16xf32>,
        %get3A_869 = vector.shape_cast %get3A_868 : vector<1x1x16xf32> to vector<16xf32>
        %get3A_870 = arith.constant 1 : i32
        %get3A_871 = arith.index_cast %get3A_870 : i32 to index
        %get3A_872 = arith.index_cast %add3A_765 : i32 to index
        %get3A_873 = arith.constant 80 : index
        %get3A_874 = tpu.vector_load %arg9[%get3A_871, %get3A_872, %get3A_873] {strides = array<i32>} : memref<2x80x128xf32, #tpu.memory_space<vmem>>, vector<1x1x16xf32>,
        %get3A_875 = vector.shape_cast %get3A_874 : vector<1x1x16xf32> to vector<16xf32>
        %mul3A_876 = arith.mulf %get3A_869, %get3A_875 : vector<16xf32>
        %swap3A_877 = arith.constant 1 : i32
        %swap3A_878 = arith.index_cast %swap3A_877 : i32 to index
        %swap3A_879 = arith.index_cast %add3A_765 : i32 to index
        %swap3A_880 = arith.constant 80 : index
        %swap3A_881 = tpu.vector_load %arg10[%swap3A_878, %swap3A_879, %swap3A_880] {strides = array<i32>} : memref<2x80x128xf32, #tpu.memory_space<vmem>>, vector<1x1x16xf32>,
        %swap3A_882 = vector.shape_cast %swap3A_881 : vector<1x1x16xf32> to vector<16xf32>
        %swap3A_883 = vector.shape_cast %mul3A_876 : vector<16xf32> to vector<1x1x16xf32>
        tpu.vector_store %arg10[%swap3A_878, %swap3A_879, %swap3A_880], %swap3A_883 {strides = array<i32>} : memref<2x80x128xf32, #tpu.memory_space<vmem>>, vector<1x1x16xf32>,
        %get3A_884 = arith.constant 1 : i32
        %get3A_885 = arith.index_cast %get3A_884 : i32 to index
        %get3A_886 = arith.index_cast %add3A_765 : i32 to index
        %get3A_887 = arith.constant 96 : index
        %get3A_888 = tpu.vector_load %arg10[%get3A_885, %get3A_886, %get3A_887] {strides = array<i32>} : memref<2x80x128xf32, #tpu.memory_space<vmem>>, vector<1x1x16xf32>,
        %get3A_889 = vector.shape_cast %get3A_888 : vector<1x1x16xf32> to vector<16xf32>
        %get3A_890 = arith.constant 1 : i32
        %get3A_891 = arith.index_cast %get3A_890 : i32 to index
        %get3A_892 = arith.index_cast %add3A_765 : i32 to index
        %get3A_893 = arith.constant 96 : index
        %get3A_894 = tpu.vector_load %arg9[%get3A_891, %get3A_892, %get3A_893] {strides = array<i32>} : memref<2x80x128xf32, #tpu.memory_space<vmem>>, vector<1x1x16xf32>,
        %get3A_895 = vector.shape_cast %get3A_894 : vector<1x1x16xf32> to vector<16xf32>
        %mul3A_896 = arith.mulf %get3A_889, %get3A_895 : vector<16xf32>
        %swap3A_897 = arith.constant 1 : i32
        %swap3A_898 = arith.index_cast %swap3A_897 : i32 to index
        %swap3A_899 = arith.index_cast %add3A_765 : i32 to index
        %swap3A_900 = arith.constant 96 : index
        %swap3A_901 = tpu.vector_load %arg10[%swap3A_898, %swap3A_899, %swap3A_900] {strides = array<i32>} : memref<2x80x128xf32, #tpu.memory_space<vmem>>, vector<1x1x16xf32>,
        %swap3A_902 = vector.shape_cast %swap3A_901 : vector<1x1x16xf32> to vector<16xf32>
        %swap3A_903 = vector.shape_cast %mul3A_896 : vector<16xf32> to vector<1x1x16xf32>
        tpu.vector_store %arg10[%swap3A_898, %swap3A_899, %swap3A_900], %swap3A_903 {strides = array<i32>} : memref<2x80x128xf32, #tpu.memory_space<vmem>>, vector<1x1x16xf32>,
        %get3A_904 = arith.constant 1 : i32
        %get3A_905 = arith.index_cast %get3A_904 : i32 to index
        %get3A_906 = arith.index_cast %add3A_765 : i32 to index
        %get3A_907 = arith.constant 112 : index
        %get3A_908 = tpu.vector_load %arg10[%get3A_905, %get3A_906, %get3A_907] {strides = array<i32>} : memref<2x80x128xf32, #tpu.memory_space<vmem>>, vector<1x1x16xf32>,
        %get3A_909 = vector.shape_cast %get3A_908 : vector<1x1x16xf32> to vector<16xf32>
        %get3A_910 = arith.constant 1 : i32
        %get3A_911 = arith.index_cast %get3A_910 : i32 to index
        %get3A_912 = arith.index_cast %add3A_765 : i32 to index
        %get3A_913 = arith.constant 112 : index
        %get3A_914 = tpu.vector_load %arg9[%get3A_911, %get3A_912, %get3A_913] {strides = array<i32>} : memref<2x80x128xf32, #tpu.memory_space<vmem>>, vector<1x1x16xf32>,
        %get3A_915 = vector.shape_cast %get3A_914 : vector<1x1x16xf32> to vector<16xf32>
        %mul3A_916 = arith.mulf %get3A_909, %get3A_915 : vector<16xf32>
        %swap3A_917 = arith.constant 1 : i32
        %swap3A_918 = arith.index_cast %swap3A_917 : i32 to index
        %swap3A_919 = arith.index_cast %add3A_765 : i32 to index
        %swap3A_920 = arith.constant 112 : index
        %swap3A_921 = tpu.vector_load %arg10[%swap3A_918, %swap3A_919, %swap3A_920] {strides = array<i32>} : memref<2x80x128xf32, #tpu.memory_space<vmem>>, vector<1x1x16xf32>,
        %swap3A_922 = vector.shape_cast %swap3A_921 : vector<1x1x16xf32> to vector<16xf32>
        %swap3A_923 = vector.shape_cast %mul3A_916 : vector<16xf32> to vector<1x1x16xf32>
        tpu.vector_store %arg10[%swap3A_918, %swap3A_919, %swap3A_920], %swap3A_923 {strides = array<i32>} : memref<2x80x128xf32, #tpu.memory_space<vmem>>, vector<1x1x16xf32>,
        %mul3A_924 = arith.constant 2 : i32
        %mul3A_925 = arith.muli %scan3A_760, %mul3A_924 : i32
        %add3A_926 = arith.constant 1 : i32
        %add3A_927 = arith.addi %mul3A_925, %add3A_926 : i32
        %get3A_928 = arith.constant 1 : i32
        %get3A_929 = arith.index_cast %get3A_928 : i32 to index
        %get3A_930 = arith.index_cast %add3A_927 : i32 to index
        %get3A_931 = arith.constant 0 : index
        %get3A_932 = tpu.vector_load %arg10[%get3A_929, %get3A_930, %get3A_931] {strides = array<i32>} : memref<2x80x128xf32, #tpu.memory_space<vmem>>, vector<1x1x16xf32>,
        %get3A_933 = vector.shape_cast %get3A_932 : vector<1x1x16xf32> to vector<16xf32>
        %get3A_934 = arith.constant 1 : i32
        %get3A_935 = arith.index_cast %get3A_934 : i32 to index
        %get3A_936 = arith.index_cast %add3A_927 : i32 to index
        %get3A_937 = arith.constant 0 : index
        %get3A_938 = tpu.vector_load %arg9[%get3A_935, %get3A_936, %get3A_937] {strides = array<i32>} : memref<2x80x128xf32, #tpu.memory_space<vmem>>, vector<1x1x16xf32>,
        %get3A_939 = vector.shape_cast %get3A_938 : vector<1x1x16xf32> to vector<16xf32>
        %mul3A_940 = arith.mulf %get3A_933, %get3A_939 : vector<16xf32>
        %swap3A_941 = arith.constant 1 : i32
        %swap3A_942 = arith.index_cast %swap3A_941 : i32 to index
        %swap3A_943 = arith.index_cast %add3A_927 : i32 to index
        %swap3A_944 = arith.constant 0 : index
        %swap3A_945 = tpu.vector_load %arg10[%swap3A_942, %swap3A_943, %swap3A_944] {strides = array<i32>} : memref<2x80x128xf32, #tpu.memory_space<vmem>>, vector<1x1x16xf32>,
        %swap3A_946 = vector.shape_cast %swap3A_945 : vector<1x1x16xf32> to vector<16xf32>
        %swap3A_947 = vector.shape_cast %mul3A_940 : vector<16xf32> to vector<1x1x16xf32>
        tpu.vector_store %arg10[%swap3A_942, %swap3A_943, %swap3A_944], %swap3A_947 {strides = array<i32>} : memref<2x80x128xf32, #tpu.memory_space<vmem>>, vector<1x1x16xf32>,
        %get3A_948 = arith.constant 1 : i32
        %get3A_949 = arith.index_cast %get3A_948 : i32 to index
        %get3A_950 = arith.index_cast %add3A_927 : i32 to index
        %get3A_951 = arith.constant 16 : index
        %get3A_952 = tpu.vector_load %arg10[%get3A_949, %get3A_950, %get3A_951] {strides = array<i32>} : memref<2x80x128xf32, #tpu.memory_space<vmem>>, vector<1x1x16xf32>,
        %get3A_953 = vector.shape_cast %get3A_952 : vector<1x1x16xf32> to vector<16xf32>
        %get3A_954 = arith.constant 1 : i32
        %get3A_955 = arith.index_cast %get3A_954 : i32 to index
        %get3A_956 = arith.index_cast %add3A_927 : i32 to index
        %get3A_957 = arith.constant 16 : index
        %get3A_958 = tpu.vector_load %arg9[%get3A_955, %get3A_956, %get3A_957] {strides = array<i32>} : memref<2x80x128xf32, #tpu.memory_space<vmem>>, vector<1x1x16xf32>,
        %get3A_959 = vector.shape_cast %get3A_958 : vector<1x1x16xf32> to vector<16xf32>
        %mul3A_960 = arith.mulf %get3A_953, %get3A_959 : vector<16xf32>
        %swap3A_961 = arith.constant 1 : i32
        %swap3A_962 = arith.index_cast %swap3A_961 : i32 to index
        %swap3A_963 = arith.index_cast %add3A_927 : i32 to index
        %swap3A_964 = arith.constant 16 : index
        %swap3A_965 = tpu.vector_load %arg10[%swap3A_962, %swap3A_963, %swap3A_964] {strides = array<i32>} : memref<2x80x128xf32, #tpu.memory_space<vmem>>, vector<1x1x16xf32>,
        %swap3A_966 = vector.shape_cast %swap3A_965 : vector<1x1x16xf32> to vector<16xf32>
        %swap3A_967 = vector.shape_cast %mul3A_960 : vector<16xf32> to vector<1x1x16xf32>
        tpu.vector_store %arg10[%swap3A_962, %swap3A_963, %swap3A_964], %swap3A_967 {strides = array<i32>} : memref<2x80x128xf32, #tpu.memory_space<vmem>>, vector<1x1x16xf32>,
        %get3A_968 = arith.constant 1 : i32
        %get3A_969 = arith.index_cast %get3A_968 : i32 to index
        %get3A_970 = arith.index_cast %add3A_927 : i32 to index
        %get3A_971 = arith.constant 32 : index
        %get3A_972 = tpu.vector_load %arg10[%get3A_969, %get3A_970, %get3A_971] {strides = array<i32>} : memref<2x80x128xf32, #tpu.memory_space<vmem>>, vector<1x1x16xf32>,
        %get3A_973 = vector.shape_cast %get3A_972 : vector<1x1x16xf32> to vector<16xf32>
        %get3A_974 = arith.constant 1 : i32
        %get3A_975 = arith.index_cast %get3A_974 : i32 to index
        %get3A_976 = arith.index_cast %add3A_927 : i32 to index
        %get3A_977 = arith.constant 32 : index
        %get3A_978 = tpu.vector_load %arg9[%get3A_975, %get3A_976, %get3A_977] {strides = array<i32>} : memref<2x80x128xf32, #tpu.memory_space<vmem>>, vector<1x1x16xf32>,
        %get3A_979 = vector.shape_cast %get3A_978 : vector<1x1x16xf32> to vector<16xf32>
        %mul3A_980 = arith.mulf %get3A_973, %get3A_979 : vector<16xf32>
        %swap3A_981 = arith.constant 1 : i32
        %swap3A_982 = arith.index_cast %swap3A_981 : i32 to index
        %swap3A_983 = arith.index_cast %add3A_927 : i32 to index
        %swap3A_984 = arith.constant 32 : index
        %swap3A_985 = tpu.vector_load %arg10[%swap3A_982, %swap3A_983, %swap3A_984] {strides = array<i32>} : memref<2x80x128xf32, #tpu.memory_space<vmem>>, vector<1x1x16xf32>,
        %swap3A_986 = vector.shape_cast %swap3A_985 : vector<1x1x16xf32> to vector<16xf32>
        %swap3A_987 = vector.shape_cast %mul3A_980 : vector<16xf32> to vector<1x1x16xf32>
        tpu.vector_store %arg10[%swap3A_982, %swap3A_983, %swap3A_984], %swap3A_987 {strides = array<i32>} : memref<2x80x128xf32, #tpu.memory_space<vmem>>, vector<1x1x16xf32>,
        %get3A_988 = arith.constant 1 : i32
        %get3A_989 = arith.index_cast %get3A_988 : i32 to index
        %get3A_990 = arith.index_cast %add3A_927 : i32 to index
        %get3A_991 = arith.constant 48 : index
        %get3A_992 = tpu.vector_load %arg10[%get3A_989, %get3A_990, %get3A_991] {strides = array<i32>} : memref<2x80x128xf32, #tpu.memory_space<vmem>>, vector<1x1x16xf32>,
        %get3A_993 = vector.shape_cast %get3A_992 : vector<1x1x16xf32> to vector<16xf32>
        %get3A_994 = arith.constant 1 : i32
        %get3A_995 = arith.index_cast %get3A_994 : i32 to index
        %get3A_996 = arith.index_cast %add3A_927 : i32 to index
        %get3A_997 = arith.constant 48 : index
        %get3A_998 = tpu.vector_load %arg9[%get3A_995, %get3A_996, %get3A_997] {strides = array<i32>} : memref<2x80x128xf32, #tpu.memory_space<vmem>>, vector<1x1x16xf32>,
        %get3A_999 = vector.shape_cast %get3A_998 : vector<1x1x16xf32> to vector<16xf32>
        %mul3A_1000 = arith.mulf %get3A_993, %get3A_999 : vector<16xf32>
        %swap3A_1001 = arith.constant 1 : i32
        %swap3A_1002 = arith.index_cast %swap3A_1001 : i32 to index
        %swap3A_1003 = arith.index_cast %add3A_927 : i32 to index
        %swap3A_1004 = arith.constant 48 : index
        %swap3A_1005 = tpu.vector_load %arg10[%swap3A_1002, %swap3A_1003, %swap3A_1004] {strides = array<i32>} : memref<2x80x128xf32, #tpu.memory_space<vmem>>, vector<1x1x16xf32>,
        %swap3A_1006 = vector.shape_cast %swap3A_1005 : vector<1x1x16xf32> to vector<16xf32>
        %swap3A_1007 = vector.shape_cast %mul3A_1000 : vector<16xf32> to vector<1x1x16xf32>
        tpu.vector_store %arg10[%swap3A_1002, %swap3A_1003, %swap3A_1004], %swap3A_1007 {strides = array<i32>} : memref<2x80x128xf32, #tpu.memory_space<vmem>>, vector<1x1x16xf32>,
        %get3A_1008 = arith.constant 1 : i32
        %get3A_1009 = arith.index_cast %get3A_1008 : i32 to index
        %get3A_1010 = arith.index_cast %add3A_927 : i32 to index
        %get3A_1011 = arith.constant 64 : index
        %get3A_1012 = tpu.vector_load %arg10[%get3A_1009, %get3A_1010, %get3A_1011] {strides = array<i32>} : memref<2x80x128xf32, #tpu.memory_space<vmem>>, vector<1x1x16xf32>,
        %get3A_1013 = vector.shape_cast %get3A_1012 : vector<1x1x16xf32> to vector<16xf32>
        %get3A_1014 = arith.constant 1 : i32
        %get3A_1015 = arith.index_cast %get3A_1014 : i32 to index
        %get3A_1016 = arith.index_cast %add3A_927 : i32 to index
        %get3A_1017 = arith.constant 64 : index
        %get3A_1018 = tpu.vector_load %arg9[%get3A_1015, %get3A_1016, %get3A_1017] {strides = array<i32>} : memref<2x80x128xf32, #tpu.memory_space<vmem>>, vector<1x1x16xf32>,
        %get3A_1019 = vector.shape_cast %get3A_1018 : vector<1x1x16xf32> to vector<16xf32>
        %mul3A_1020 = arith.mulf %get3A_1013, %get3A_1019 : vector<16xf32>
        %swap3A_1021 = arith.constant 1 : i32
        %swap3A_1022 = arith.index_cast %swap3A_1021 : i32 to index
        %swap3A_1023 = arith.index_cast %add3A_927 : i32 to index
        %swap3A_1024 = arith.constant 64 : index
        %swap3A_1025 = tpu.vector_load %arg10[%swap3A_1022, %swap3A_1023, %swap3A_1024] {strides = array<i32>} : memref<2x80x128xf32, #tpu.memory_space<vmem>>, vector<1x1x16xf32>,
        %swap3A_1026 = vector.shape_cast %swap3A_1025 : vector<1x1x16xf32> to vector<16xf32>
        %swap3A_1027 = vector.shape_cast %mul3A_1020 : vector<16xf32> to vector<1x1x16xf32>
        tpu.vector_store %arg10[%swap3A_1022, %swap3A_1023, %swap3A_1024], %swap3A_1027 {strides = array<i32>} : memref<2x80x128xf32, #tpu.memory_space<vmem>>, vector<1x1x16xf32>,
        %get3A_1028 = arith.constant 1 : i32
        %get3A_1029 = arith.index_cast %get3A_1028 : i32 to index
        %get3A_1030 = arith.index_cast %add3A_927 : i32 to index
        %get3A_1031 = arith.constant 80 : index
        %get3A_1032 = tpu.vector_load %arg10[%get3A_1029, %get3A_1030, %get3A_1031] {strides = array<i32>} : memref<2x80x128xf32, #tpu.memory_space<vmem>>, vector<1x1x16xf32>,
        %get3A_1033 = vector.shape_cast %get3A_1032 : vector<1x1x16xf32> to vector<16xf32>
        %get3A_1034 = arith.constant 1 : i32
        %get3A_1035 = arith.index_cast %get3A_1034 : i32 to index
        %get3A_1036 = arith.index_cast %add3A_927 : i32 to index
        %get3A_1037 = arith.constant 80 : index
        %get3A_1038 = tpu.vector_load %arg9[%get3A_1035, %get3A_1036, %get3A_1037] {strides = array<i32>} : memref<2x80x128xf32, #tpu.memory_space<vmem>>, vector<1x1x16xf32>,
        %get3A_1039 = vector.shape_cast %get3A_1038 : vector<1x1x16xf32> to vector<16xf32>
        %mul3A_1040 = arith.mulf %get3A_1033, %get3A_1039 : vector<16xf32>
        %swap3A_1041 = arith.constant 1 : i32
        %swap3A_1042 = arith.index_cast %swap3A_1041 : i32 to index
        %swap3A_1043 = arith.index_cast %add3A_927 : i32 to index
        %swap3A_1044 = arith.constant 80 : index
        %swap3A_1045 = tpu.vector_load %arg10[%swap3A_1042, %swap3A_1043, %swap3A_1044] {strides = array<i32>} : memref<2x80x128xf32, #tpu.memory_space<vmem>>, vector<1x1x16xf32>,
        %swap3A_1046 = vector.shape_cast %swap3A_1045 : vector<1x1x16xf32> to vector<16xf32>
        %swap3A_1047 = vector.shape_cast %mul3A_1040 : vector<16xf32> to vector<1x1x16xf32>
        tpu.vector_store %arg10[%swap3A_1042, %swap3A_1043, %swap3A_1044], %swap3A_1047 {strides = array<i32>} : memref<2x80x128xf32, #tpu.memory_space<vmem>>, vector<1x1x16xf32>,
        %get3A_1048 = arith.constant 1 : i32
        %get3A_1049 = arith.index_cast %get3A_1048 : i32 to index
        %get3A_1050 = arith.index_cast %add3A_927 : i32 to index
        %get3A_1051 = arith.constant 96 : index
        %get3A_1052 = tpu.vector_load %arg10[%get3A_1049, %get3A_1050, %get3A_1051] {strides = array<i32>} : memref<2x80x128xf32, #tpu.memory_space<vmem>>, vector<1x1x16xf32>,
        %get3A_1053 = vector.shape_cast %get3A_1052 : vector<1x1x16xf32> to vector<16xf32>
        %get3A_1054 = arith.constant 1 : i32
        %get3A_1055 = arith.index_cast %get3A_1054 : i32 to index
        %get3A_1056 = arith.index_cast %add3A_927 : i32 to index
        %get3A_1057 = arith.constant 96 : index
        %get3A_1058 = tpu.vector_load %arg9[%get3A_1055, %get3A_1056, %get3A_1057] {strides = array<i32>} : memref<2x80x128xf32, #tpu.memory_space<vmem>>, vector<1x1x16xf32>,
        %get3A_1059 = vector.shape_cast %get3A_1058 : vector<1x1x16xf32> to vector<16xf32>
        %mul3A_1060 = arith.mulf %get3A_1053, %get3A_1059 : vector<16xf32>
        %swap3A_1061 = arith.constant 1 : i32
        %swap3A_1062 = arith.index_cast %swap3A_1061 : i32 to index
        %swap3A_1063 = arith.index_cast %add3A_927 : i32 to index
        %swap3A_1064 = arith.constant 96 : index
        %swap3A_1065 = tpu.vector_load %arg10[%swap3A_1062, %swap3A_1063, %swap3A_1064] {strides = array<i32>} : memref<2x80x128xf32, #tpu.memory_space<vmem>>, vector<1x1x16xf32>,
        %swap3A_1066 = vector.shape_cast %swap3A_1065 : vector<1x1x16xf32> to vector<16xf32>
        %swap3A_1067 = vector.shape_cast %mul3A_1060 : vector<16xf32> to vector<1x1x16xf32>
        tpu.vector_store %arg10[%swap3A_1062, %swap3A_1063, %swap3A_1064], %swap3A_1067 {strides = array<i32>} : memref<2x80x128xf32, #tpu.memory_space<vmem>>, vector<1x1x16xf32>,
        %get3A_1068 = arith.constant 1 : i32
        %get3A_1069 = arith.index_cast %get3A_1068 : i32 to index
        %get3A_1070 = arith.index_cast %add3A_927 : i32 to index
        %get3A_1071 = arith.constant 112 : index
        %get3A_1072 = tpu.vector_load %arg10[%get3A_1069, %get3A_1070, %get3A_1071] {strides = array<i32>} : memref<2x80x128xf32, #tpu.memory_space<vmem>>, vector<1x1x16xf32>,
        %get3A_1073 = vector.shape_cast %get3A_1072 : vector<1x1x16xf32> to vector<16xf32>
        %get3A_1074 = arith.constant 1 : i32
        %get3A_1075 = arith.index_cast %get3A_1074 : i32 to index
        %get3A_1076 = arith.index_cast %add3A_927 : i32 to index
        %get3A_1077 = arith.constant 112 : index
        %get3A_1078 = tpu.vector_load %arg9[%get3A_1075, %get3A_1076, %get3A_1077] {strides = array<i32>} : memref<2x80x128xf32, #tpu.memory_space<vmem>>, vector<1x1x16xf32>,
        %get3A_1079 = vector.shape_cast %get3A_1078 : vector<1x1x16xf32> to vector<16xf32>
        %mul3A_1080 = arith.mulf %get3A_1073, %get3A_1079 : vector<16xf32>
        %swap3A_1081 = arith.constant 1 : i32
        %swap3A_1082 = arith.index_cast %swap3A_1081 : i32 to index
        %swap3A_1083 = arith.index_cast %add3A_927 : i32 to index
        %swap3A_1084 = arith.constant 112 : index
        %swap3A_1085 = tpu.vector_load %arg10[%swap3A_1082, %swap3A_1083, %swap3A_1084] {strides = array<i32>} : memref<2x80x128xf32, #tpu.memory_space<vmem>>, vector<1x1x16xf32>,
        %swap3A_1086 = vector.shape_cast %swap3A_1085 : vector<1x1x16xf32> to vector<16xf32>
        %swap3A_1087 = vector.shape_cast %mul3A_1080 : vector<16xf32> to vector<1x1x16xf32>
        tpu.vector_store %arg10[%swap3A_1082, %swap3A_1083, %swap3A_1084], %swap3A_1087 {strides = array<i32>} : memref<2x80x128xf32, #tpu.memory_space<vmem>>, vector<1x1x16xf32>,
        %scan3A_1088 = arith.constant 0 : i32
        scf.yield %scan3A_1088 : i32
      }
      %scan3A_466 = arith.constant 40 : i32
      %dma_start3A_467 = arith.constant 1 : i32
      %dma_start3A_468 = arith.constant 1 : i32
      %dma_start3A_469 = arith.constant 1 : i32
      %dma_start3A_470 = arith.constant 0 : i32
      %dma_start3A_471 = arith.constant 0 : i32
      %dma_start3A_472 = tpu.memref_slice %arg10[%dma_start3A_467, %dma_start3A_470, %dma_start3A_471] : memref<2x80x128xf32, #tpu.memory_space<vmem>> -> memref<1x80x128xf32, #tpu.memory_space<vmem>>
      %dma_start3A_473 = tpu.memref_squeeze %dma_start3A_472 : memref<1x80x128xf32, #tpu.memory_space<vmem>> -> memref<80x128xf32, #tpu.memory_space<vmem>>
      %dma_start3A_474 = arith.constant 0 : i32
      %dma_start3A_475 = tpu.memref_slice %arg8[%dma_start3A_468, %dma_start3A_474] : memref<4x80xi32, #tpu.memory_space<vmem>> -> memref<1x80xi32, #tpu.memory_space<vmem>>
      %dma_start3A_476 = tpu.memref_squeeze %dma_start3A_475 : memref<1x80xi32, #tpu.memory_space<vmem>> -> memref<80xi32, #tpu.memory_space<vmem>>
      %dma_start3A_477 = arith.constant 0 : i32
      %dma_start3A_478 = arith.constant 0 : i32
      %dma_start3A_479 = tpu.memref_slice %arg11[%dma_start3A_477, %dma_start3A_478] : memref<10000x128xf32, #tpu.memory_space<vmem_shared>> -> memref<10000x128xf32, #tpu.memory_space<vmem_shared>>
      %dma_start3A_480 = tpu.memref_slice %arg15[%dma_start3A_469] : memref<2x!tpu.dma_semaphore, #tpu.memory_space<semaphore_mem>> -> memref<1x!tpu.dma_semaphore, #tpu.memory_space<semaphore_mem>>
      %dma_start3A_481 = tpu.memref_squeeze %dma_start3A_480 : memref<1x!tpu.dma_semaphore, #tpu.memory_space<semaphore_mem>> -> memref<!tpu.dma_semaphore, #tpu.memory_space<semaphore_mem>>
      tpu.enqueue_indirect_dma source(%dma_start3A_473 : memref<80x128xf32, #tpu.memory_space<vmem>>) target(%dma_start3A_479 : memref<10000x128xf32, #tpu.memory_space<vmem_shared>>) offsets(%dma_start3A_476 : memref<80xi32, #tpu.memory_space<vmem>>) semaphore(%dma_start3A_481 : memref<!tpu.dma_semaphore, #tpu.memory_space<semaphore_mem>>) {add = true}
      %add3A_482 = arith.constant 3 : i32
      %add3A_483 = arith.addi %add3A_357, %add3A_482 : i32
      %le3A_484 = arith.constant 124 : i32
      %le3A_485 = arith.cmpi sle, %add3A_483, %le3A_484 : i32
      %convert_element_type3A_486 = arith.extui %le3A_485 : i1 to i32
      %cond3A_487 = arith.constant 0 : i32
      %cond3A_488 = arith.cmpi ne, %convert_element_type3A_486, %cond3A_487 : i32
      scf.if %cond3A_488 {
        %add3A_760 = arith.constant 3 : i32
        %add3A_761 = arith.addi %add3A_357, %add3A_760 : i32
        %mul3A_762 = arith.constant 80 : i32
        %mul3A_763 = arith.muli %add3A_761, %mul3A_762 : i32
        %add3A_764 = arith.addi %mul3A_35, %mul3A_763 : i32
        %dma_start3A_765 = arith.constant 0 : i32
        %dma_start3A_766 = arith.constant 0 : i32
        %dma_start3A_767 = arith.constant 0 : i32
        %dma_start3A_768 = tpu.memref_slice %arg7[%dma_start3A_765, %dma_start3A_767] : memref<4x80xi32, #tpu.memory_space<vmem>> -> memref<1x80xi32, #tpu.memory_space<vmem>>
        %dma_start3A_769 = tpu.memref_squeeze %dma_start3A_768 : memref<1x80xi32, #tpu.memory_space<vmem>> -> memref<80xi32, #tpu.memory_space<vmem>>
        %dma_start3A_770 = tpu.memref_slice %arg4[%add3A_764] : memref<320000xi32, #tpu.memory_space<hbm>> -> memref<80xi32, #tpu.memory_space<hbm>>
        %dma_start3A_771 = tpu.memref_slice %arg12[%dma_start3A_766] : memref<4x!tpu.dma_semaphore, #tpu.memory_space<semaphore_mem>> -> memref<1x!tpu.dma_semaphore, #tpu.memory_space<semaphore_mem>>
        %dma_start3A_772 = tpu.memref_squeeze %dma_start3A_771 : memref<1x!tpu.dma_semaphore, #tpu.memory_space<semaphore_mem>> -> memref<!tpu.dma_semaphore, #tpu.memory_space<semaphore_mem>>
        %dma_start3A_773 = arith.constant 0 : i32
        %dma_start3A_774 = tpu.memref_slice %arg7[%dma_start3A_765, %dma_start3A_773] : memref<4x80xi32, #tpu.memory_space<vmem>> -> memref<1x80xi32, #tpu.memory_space<vmem>>
        %dma_start3A_775 = tpu.memref_squeeze %dma_start3A_774 : memref<1x80xi32, #tpu.memory_space<vmem>> -> memref<80xi32, #tpu.memory_space<vmem>>
        %dma_start3A_776 = tpu.memref_slice %arg4[%add3A_764] : memref<320000xi32, #tpu.memory_space<hbm>> -> memref<80xi32, #tpu.memory_space<hbm>>
        tpu.enqueue_dma source(%dma_start3A_776 : memref<80xi32, #tpu.memory_space<hbm>>) target(%dma_start3A_775 : memref<80xi32, #tpu.memory_space<vmem>>) target_semaphore(%dma_start3A_772 : memref<!tpu.dma_semaphore, #tpu.memory_space<semaphore_mem>>)
        %dma_start3A_777 = arith.constant 0 : i32
        %dma_start3A_778 = arith.constant 0 : i32
        %dma_start3A_779 = arith.constant 0 : i32
        %dma_start3A_780 = tpu.memref_slice %arg8[%dma_start3A_777, %dma_start3A_779] : memref<4x80xi32, #tpu.memory_space<vmem>> -> memref<1x80xi32, #tpu.memory_space<vmem>>
        %dma_start3A_781 = tpu.memref_squeeze %dma_start3A_780 : memref<1x80xi32, #tpu.memory_space<vmem>> -> memref<80xi32, #tpu.memory_space<vmem>>
        %dma_start3A_782 = tpu.memref_slice %arg5[%add3A_764] : memref<320000xi32, #tpu.memory_space<hbm>> -> memref<80xi32, #tpu.memory_space<hbm>>
        %dma_start3A_783 = tpu.memref_slice %arg12[%dma_start3A_778] : memref<4x!tpu.dma_semaphore, #tpu.memory_space<semaphore_mem>> -> memref<1x!tpu.dma_semaphore, #tpu.memory_space<semaphore_mem>>
        %dma_start3A_784 = tpu.memref_squeeze %dma_start3A_783 : memref<1x!tpu.dma_semaphore, #tpu.memory_space<semaphore_mem>> -> memref<!tpu.dma_semaphore, #tpu.memory_space<semaphore_mem>>
        %dma_start3A_785 = arith.constant 0 : i32
        %dma_start3A_786 = tpu.memref_slice %arg8[%dma_start3A_777, %dma_start3A_785] : memref<4x80xi32, #tpu.memory_space<vmem>> -> memref<1x80xi32, #tpu.memory_space<vmem>>
        %dma_start3A_787 = tpu.memref_squeeze %dma_start3A_786 : memref<1x80xi32, #tpu.memory_space<vmem>> -> memref<80xi32, #tpu.memory_space<vmem>>
        %dma_start3A_788 = tpu.memref_slice %arg5[%add3A_764] : memref<320000xi32, #tpu.memory_space<hbm>> -> memref<80xi32, #tpu.memory_space<hbm>>
        tpu.enqueue_dma source(%dma_start3A_788 : memref<80xi32, #tpu.memory_space<hbm>>) target(%dma_start3A_787 : memref<80xi32, #tpu.memory_space<vmem>>) target_semaphore(%dma_start3A_784 : memref<!tpu.dma_semaphore, #tpu.memory_space<semaphore_mem>>)
      } else {
      }
      %mul3A_489 = arith.constant 4 : i32
      %mul3A_490 = arith.muli %scan3A_219, %mul3A_489 : i32
      %add3A_491 = arith.constant 2 : i32
      %add3A_492 = arith.addi %mul3A_490, %add3A_491 : i32
      %dma_wait3A_493 = arith.constant 0 : i32
      %dma_wait3A_494 = arith.constant 0 : i32
      %dma_wait3A_495 = arith.constant 0 : i32
      %dma_wait3A_496 = arith.constant 0 : i32
      %dma_wait3A_497 = tpu.memref_slice %arg9[%dma_wait3A_493, %dma_wait3A_495, %dma_wait3A_496] : memref<2x80x128xf32, #tpu.memory_space<vmem>> -> memref<1x80x128xf32, #tpu.memory_space<vmem>>
      %dma_wait3A_498 = tpu.memref_squeeze %dma_wait3A_497 : memref<1x80x128xf32, #tpu.memory_space<vmem>> -> memref<80x128xf32, #tpu.memory_space<vmem>>
      %dma_wait3A_499 = arith.constant 0 : i32
      %dma_wait3A_500 = arith.constant 0 : i32
      %dma_wait3A_501 = tpu.memref_slice %arg3[%dma_wait3A_499, %dma_wait3A_500] : memref<320000x128xf32, #tpu.memory_space<hbm>> -> memref<80x128xf32, #tpu.memory_space<hbm>>
      %dma_wait3A_502 = tpu.memref_slice %arg14[%dma_wait3A_494] : memref<2x!tpu.dma_semaphore, #tpu.memory_space<semaphore_mem>> -> memref<1x!tpu.dma_semaphore, #tpu.memory_space<semaphore_mem>>
      %dma_wait3A_503 = tpu.memref_squeeze %dma_wait3A_502 : memref<1x!tpu.dma_semaphore, #tpu.memory_space<semaphore_mem>> -> memref<!tpu.dma_semaphore, #tpu.memory_space<semaphore_mem>>
      %dma_wait3A_504 = arith.constant 0 : i32
      %dma_wait3A_505 = arith.constant 0 : i32
      %dma_wait3A_506 = tpu.memref_slice %arg9[%dma_wait3A_493, %dma_wait3A_504, %dma_wait3A_505] : memref<2x80x128xf32, #tpu.memory_space<vmem>> -> memref<1x80x128xf32, #tpu.memory_space<vmem>>
      %dma_wait3A_507 = tpu.memref_squeeze %dma_wait3A_506 : memref<1x80x128xf32, #tpu.memory_space<vmem>> -> memref<80x128xf32, #tpu.memory_space<vmem>>
      %dma_wait3A_508 = arith.constant 0 : i32
      %dma_wait3A_509 = arith.constant 0 : i32
      %dma_wait3A_510 = tpu.memref_slice %arg3[%dma_wait3A_508, %dma_wait3A_509] : memref<320000x128xf32, #tpu.memory_space<hbm>> -> memref<80x128xf32, #tpu.memory_space<hbm>>
      tpu.wait_dma2 semaphore(%dma_wait3A_503 : memref<!tpu.dma_semaphore, #tpu.memory_space<semaphore_mem>>) src(%dma_wait3A_510 : memref<80x128xf32, #tpu.memory_space<hbm>>) dst(%dma_wait3A_507 : memref<80x128xf32, #tpu.memory_space<vmem>>)
      %dma_wait3A_511 = arith.constant 2 : i32
      %dma_wait3A_512 = arith.constant 0 : i32
      %dma_wait3A_513 = arith.constant 0 : i32
      %dma_wait3A_514 = arith.constant 0 : i32
      %dma_wait3A_515 = arith.constant 0 : i32
      %dma_wait3A_516 = tpu.memref_slice %arg10[%dma_wait3A_512, %dma_wait3A_514, %dma_wait3A_515] : memref<2x80x128xf32, #tpu.memory_space<vmem>> -> memref<1x80x128xf32, #tpu.memory_space<vmem>>
      %dma_wait3A_517 = tpu.memref_squeeze %dma_wait3A_516 : memref<1x80x128xf32, #tpu.memory_space<vmem>> -> memref<80x128xf32, #tpu.memory_space<vmem>>
      %dma_wait3A_518 = arith.constant 0 : i32
      %dma_wait3A_519 = tpu.memref_slice %arg7[%dma_wait3A_511, %dma_wait3A_518] : memref<4x80xi32, #tpu.memory_space<vmem>> -> memref<1x80xi32, #tpu.memory_space<vmem>>
      %dma_wait3A_520 = tpu.memref_squeeze %dma_wait3A_519 : memref<1x80xi32, #tpu.memory_space<vmem>> -> memref<80xi32, #tpu.memory_space<vmem>>
      %dma_wait3A_521 = arith.constant 0 : i32
      %dma_wait3A_522 = arith.constant 0 : i32
      %dma_wait3A_523 = tpu.memref_slice %arg2[%dma_wait3A_521, %dma_wait3A_522] : memref<10000x128xf32, #tpu.memory_space<hbm>> -> memref<10000x128xf32, #tpu.memory_space<hbm>>
      %dma_wait3A_524 = tpu.memref_slice %arg13[%dma_wait3A_513] : memref<2x!tpu.dma_semaphore, #tpu.memory_space<semaphore_mem>> -> memref<1x!tpu.dma_semaphore, #tpu.memory_space<semaphore_mem>>
      %dma_wait3A_525 = tpu.memref_squeeze %dma_wait3A_524 : memref<1x!tpu.dma_semaphore, #tpu.memory_space<semaphore_mem>> -> memref<!tpu.dma_semaphore, #tpu.memory_space<semaphore_mem>>
      tpu.wait_indirect_dma semaphore(%dma_wait3A_525 : memref<!tpu.dma_semaphore, #tpu.memory_space<semaphore_mem>>) src(%dma_wait3A_523 : memref<10000x128xf32, #tpu.memory_space<hbm>>) dst(%dma_wait3A_517 : memref<80x128xf32, #tpu.memory_space<vmem>>)
      %ge3A_526 = arith.constant 1 : i32
      %ge3A_527 = arith.cmpi sge, %add3A_492, %ge3A_526 : i32
      %convert_element_type3A_528 = arith.extui %ge3A_527 : i1 to i32
      %cond3A_529 = arith.constant 0 : i32
      %cond3A_530 = arith.cmpi ne, %convert_element_type3A_528, %cond3A_529 : i32
      scf.if %cond3A_530 {
        %dma_wait3A_760 = arith.constant 1 : i32
        %dma_wait3A_761 = arith.constant 1 : i32
        %dma_wait3A_762 = arith.constant 1 : i32
        %dma_wait3A_763 = arith.constant 0 : i32
        %dma_wait3A_764 = arith.constant 0 : i32
        %dma_wait3A_765 = tpu.memref_slice %arg10[%dma_wait3A_760, %dma_wait3A_763, %dma_wait3A_764] : memref<2x80x128xf32, #tpu.memory_space<vmem>> -> memref<1x80x128xf32, #tpu.memory_space<vmem>>
        %dma_wait3A_766 = tpu.memref_squeeze %dma_wait3A_765 : memref<1x80x128xf32, #tpu.memory_space<vmem>> -> memref<80x128xf32, #tpu.memory_space<vmem>>
        %dma_wait3A_767 = arith.constant 0 : i32
        %dma_wait3A_768 = tpu.memref_slice %arg8[%dma_wait3A_761, %dma_wait3A_767] : memref<4x80xi32, #tpu.memory_space<vmem>> -> memref<1x80xi32, #tpu.memory_space<vmem>>
        %dma_wait3A_769 = tpu.memref_squeeze %dma_wait3A_768 : memref<1x80xi32, #tpu.memory_space<vmem>> -> memref<80xi32, #tpu.memory_space<vmem>>
        %dma_wait3A_770 = arith.constant 0 : i32
        %dma_wait3A_771 = arith.constant 0 : i32
        %dma_wait3A_772 = tpu.memref_slice %arg11[%dma_wait3A_770, %dma_wait3A_771] : memref<10000x128xf32, #tpu.memory_space<vmem_shared>> -> memref<10000x128xf32, #tpu.memory_space<vmem_shared>>
        %dma_wait3A_773 = tpu.memref_slice %arg15[%dma_wait3A_762] : memref<2x!tpu.dma_semaphore, #tpu.memory_space<semaphore_mem>> -> memref<1x!tpu.dma_semaphore, #tpu.memory_space<semaphore_mem>>
        %dma_wait3A_774 = tpu.memref_squeeze %dma_wait3A_773 : memref<1x!tpu.dma_semaphore, #tpu.memory_space<semaphore_mem>> -> memref<!tpu.dma_semaphore, #tpu.memory_space<semaphore_mem>>
        tpu.wait_indirect_dma semaphore(%dma_wait3A_774 : memref<!tpu.dma_semaphore, #tpu.memory_space<semaphore_mem>>) src(%dma_wait3A_766 : memref<80x128xf32, #tpu.memory_space<vmem>>) dst(%dma_wait3A_772 : memref<10000x128xf32, #tpu.memory_space<vmem_shared>>)
      } else {
      }
      %dma_wait3A_531 = arith.constant 3 : i32
      %dma_wait3A_532 = arith.constant 3 : i32
      %dma_wait3A_533 = arith.constant 0 : i32
      %dma_wait3A_534 = tpu.memref_slice %arg7[%dma_wait3A_531, %dma_wait3A_533] : memref<4x80xi32, #tpu.memory_space<vmem>> -> memref<1x80xi32, #tpu.memory_space<vmem>>
      %dma_wait3A_535 = tpu.memref_squeeze %dma_wait3A_534 : memref<1x80xi32, #tpu.memory_space<vmem>> -> memref<80xi32, #tpu.memory_space<vmem>>
      %dma_wait3A_536 = arith.constant 0 : i32
      %dma_wait3A_537 = tpu.memref_slice %arg4[%dma_wait3A_536] : memref<320000xi32, #tpu.memory_space<hbm>> -> memref<80xi32, #tpu.memory_space<hbm>>
      %dma_wait3A_538 = tpu.memref_slice %arg12[%dma_wait3A_532] : memref<4x!tpu.dma_semaphore, #tpu.memory_space<semaphore_mem>> -> memref<1x!tpu.dma_semaphore, #tpu.memory_space<semaphore_mem>>
      %dma_wait3A_539 = tpu.memref_squeeze %dma_wait3A_538 : memref<1x!tpu.dma_semaphore, #tpu.memory_space<semaphore_mem>> -> memref<!tpu.dma_semaphore, #tpu.memory_space<semaphore_mem>>
      %dma_wait3A_540 = arith.constant 0 : i32
      %dma_wait3A_541 = tpu.memref_slice %arg7[%dma_wait3A_531, %dma_wait3A_540] : memref<4x80xi32, #tpu.memory_space<vmem>> -> memref<1x80xi32, #tpu.memory_space<vmem>>
      %dma_wait3A_542 = tpu.memref_squeeze %dma_wait3A_541 : memref<1x80xi32, #tpu.memory_space<vmem>> -> memref<80xi32, #tpu.memory_space<vmem>>
      %dma_wait3A_543 = arith.constant 0 : i32
      %dma_wait3A_544 = tpu.memref_slice %arg4[%dma_wait3A_543] : memref<320000xi32, #tpu.memory_space<hbm>> -> memref<80xi32, #tpu.memory_space<hbm>>
      tpu.wait_dma2 semaphore(%dma_wait3A_539 : memref<!tpu.dma_semaphore, #tpu.memory_space<semaphore_mem>>) src(%dma_wait3A_544 : memref<80xi32, #tpu.memory_space<hbm>>) dst(%dma_wait3A_542 : memref<80xi32, #tpu.memory_space<vmem>>)
      %dma_wait3A_545 = arith.constant 3 : i32
      %dma_wait3A_546 = arith.constant 3 : i32
      %dma_wait3A_547 = arith.constant 0 : i32
      %dma_wait3A_548 = tpu.memref_slice %arg8[%dma_wait3A_545, %dma_wait3A_547] : memref<4x80xi32, #tpu.memory_space<vmem>> -> memref<1x80xi32, #tpu.memory_space<vmem>>
      %dma_wait3A_549 = tpu.memref_squeeze %dma_wait3A_548 : memref<1x80xi32, #tpu.memory_space<vmem>> -> memref<80xi32, #tpu.memory_space<vmem>>
      %dma_wait3A_550 = arith.constant 0 : i32
      %dma_wait3A_551 = tpu.memref_slice %arg5[%dma_wait3A_550] : memref<320000xi32, #tpu.memory_space<hbm>> -> memref<80xi32, #tpu.memory_space<hbm>>
      %dma_wait3A_552 = tpu.memref_slice %arg12[%dma_wait3A_546] : memref<4x!tpu.dma_semaphore, #tpu.memory_space<semaphore_mem>> -> memref<1x!tpu.dma_semaphore, #tpu.memory_space<semaphore_mem>>
      %dma_wait3A_553 = tpu.memref_squeeze %dma_wait3A_552 : memref<1x!tpu.dma_semaphore, #tpu.memory_space<semaphore_mem>> -> memref<!tpu.dma_semaphore, #tpu.memory_space<semaphore_mem>>
      %dma_wait3A_554 = arith.constant 0 : i32
      %dma_wait3A_555 = tpu.memref_slice %arg8[%dma_wait3A_545, %dma_wait3A_554] : memref<4x80xi32, #tpu.memory_space<vmem>> -> memref<1x80xi32, #tpu.memory_space<vmem>>
      %dma_wait3A_556 = tpu.memref_squeeze %dma_wait3A_555 : memref<1x80xi32, #tpu.memory_space<vmem>> -> memref<80xi32, #tpu.memory_space<vmem>>
      %dma_wait3A_557 = arith.constant 0 : i32
      %dma_wait3A_558 = tpu.memref_slice %arg5[%dma_wait3A_557] : memref<320000xi32, #tpu.memory_space<hbm>> -> memref<80xi32, #tpu.memory_space<hbm>>
      tpu.wait_dma2 semaphore(%dma_wait3A_553 : memref<!tpu.dma_semaphore, #tpu.memory_space<semaphore_mem>>) src(%dma_wait3A_558 : memref<80xi32, #tpu.memory_space<hbm>>) dst(%dma_wait3A_556 : memref<80xi32, #tpu.memory_space<vmem>>)
      %add3A_559 = arith.constant 1 : i32
      %add3A_560 = arith.addi %add3A_492, %add3A_559 : i32
      %mul3A_561 = arith.constant 80 : i32
      %mul3A_562 = arith.muli %add3A_560, %mul3A_561 : i32
      %add3A_563 = arith.addi %mul3A_35, %mul3A_562 : i32
      %dma_start3A_564 = arith.constant 1 : i32
      %dma_start3A_565 = arith.constant 1 : i32
      %dma_start3A_566 = arith.constant 0 : i32
      %dma_start3A_567 = arith.constant 0 : i32
      %dma_start3A_568 = tpu.memref_slice %arg9[%dma_start3A_564, %dma_start3A_566, %dma_start3A_567] : memref<2x80x128xf32, #tpu.memory_space<vmem>> -> memref<1x80x128xf32, #tpu.memory_space<vmem>>
      %dma_start3A_569 = tpu.memref_squeeze %dma_start3A_568 : memref<1x80x128xf32, #tpu.memory_space<vmem>> -> memref<80x128xf32, #tpu.memory_space<vmem>>
      %dma_start3A_570 = arith.constant 0 : i32
      %dma_start3A_571 = tpu.memref_slice %arg3[%add3A_563, %dma_start3A_570] : memref<320000x128xf32, #tpu.memory_space<hbm>> -> memref<80x128xf32, #tpu.memory_space<hbm>>
      %dma_start3A_572 = tpu.memref_slice %arg14[%dma_start3A_565] : memref<2x!tpu.dma_semaphore, #tpu.memory_space<semaphore_mem>> -> memref<1x!tpu.dma_semaphore, #tpu.memory_space<semaphore_mem>>
      %dma_start3A_573 = tpu.memref_squeeze %dma_start3A_572 : memref<1x!tpu.dma_semaphore, #tpu.memory_space<semaphore_mem>> -> memref<!tpu.dma_semaphore, #tpu.memory_space<semaphore_mem>>
      %dma_start3A_574 = arith.constant 0 : i32
      %dma_start3A_575 = arith.constant 0 : i32
      %dma_start3A_576 = tpu.memref_slice %arg9[%dma_start3A_564, %dma_start3A_574, %dma_start3A_575] : memref<2x80x128xf32, #tpu.memory_space<vmem>> -> memref<1x80x128xf32, #tpu.memory_space<vmem>>
      %dma_start3A_577 = tpu.memref_squeeze %dma_start3A_576 : memref<1x80x128xf32, #tpu.memory_space<vmem>> -> memref<80x128xf32, #tpu.memory_space<vmem>>
      %dma_start3A_578 = arith.constant 0 : i32
      %dma_start3A_579 = tpu.memref_slice %arg3[%add3A_563, %dma_start3A_578] : memref<320000x128xf32, #tpu.memory_space<hbm>> -> memref<80x128xf32, #tpu.memory_space<hbm>>
      tpu.enqueue_dma source(%dma_start3A_579 : memref<80x128xf32, #tpu.memory_space<hbm>>) target(%dma_start3A_577 : memref<80x128xf32, #tpu.memory_space<vmem>>) target_semaphore(%dma_start3A_573 : memref<!tpu.dma_semaphore, #tpu.memory_space<semaphore_mem>>)
      %dma_start3A_580 = arith.constant 3 : i32
      %dma_start3A_581 = arith.constant 1 : i32
      %dma_start3A_582 = arith.constant 1 : i32
      %dma_start3A_583 = arith.constant 0 : i32
      %dma_start3A_584 = arith.constant 0 : i32
      %dma_start3A_585 = tpu.memref_slice %arg10[%dma_start3A_581, %dma_start3A_583, %dma_start3A_584] : memref<2x80x128xf32, #tpu.memory_space<vmem>> -> memref<1x80x128xf32, #tpu.memory_space<vmem>>
      %dma_start3A_586 = tpu.memref_squeeze %dma_start3A_585 : memref<1x80x128xf32, #tpu.memory_space<vmem>> -> memref<80x128xf32, #tpu.memory_space<vmem>>
      %dma_start3A_587 = arith.constant 0 : i32
      %dma_start3A_588 = tpu.memref_slice %arg7[%dma_start3A_580, %dma_start3A_587] : memref<4x80xi32, #tpu.memory_space<vmem>> -> memref<1x80xi32, #tpu.memory_space<vmem>>
      %dma_start3A_589 = tpu.memref_squeeze %dma_start3A_588 : memref<1x80xi32, #tpu.memory_space<vmem>> -> memref<80xi32, #tpu.memory_space<vmem>>
      %dma_start3A_590 = arith.constant 0 : i32
      %dma_start3A_591 = arith.constant 0 : i32
      %dma_start3A_592 = tpu.memref_slice %arg2[%dma_start3A_590, %dma_start3A_591] : memref<10000x128xf32, #tpu.memory_space<hbm>> -> memref<10000x128xf32, #tpu.memory_space<hbm>>
      %dma_start3A_593 = tpu.memref_slice %arg13[%dma_start3A_582] : memref<2x!tpu.dma_semaphore, #tpu.memory_space<semaphore_mem>> -> memref<1x!tpu.dma_semaphore, #tpu.memory_space<semaphore_mem>>
      %dma_start3A_594 = tpu.memref_squeeze %dma_start3A_593 : memref<1x!tpu.dma_semaphore, #tpu.memory_space<semaphore_mem>> -> memref<!tpu.dma_semaphore, #tpu.memory_space<semaphore_mem>>
      tpu.enqueue_indirect_dma source(%dma_start3A_592 : memref<10000x128xf32, #tpu.memory_space<hbm>>) target(%dma_start3A_586 : memref<80x128xf32, #tpu.memory_space<vmem>>) offsets(%dma_start3A_589 : memref<80xi32, #tpu.memory_space<vmem>>) semaphore(%dma_start3A_594 : memref<!tpu.dma_semaphore, #tpu.memory_space<semaphore_mem>>)
      %scan3A_595 = arith.constant 0 : i32
      %scan3A_596 = arith.constant 0 : i32
      %scan3A_597 = arith.constant 40 : i32
      %scan3A_598 = arith.addi %scan3A_596, %scan3A_597 : i32
      %scan3A_599 = arith.constant 1 : i32
      %scan3A_600 = scf.for %scan3A_760 = %scan3A_596 to %scan3A_598 step %scan3A_599 iter_args(%scan3A_761 = %scan3A_595) -> (i32)  : i32 {
        %mul3A_762 = arith.constant 2 : i32
        %mul3A_763 = arith.muli %scan3A_760, %mul3A_762 : i32
        %add3A_764 = arith.constant 0 : i32
        %add3A_765 = arith.addi %mul3A_763, %add3A_764 : i32
        %get3A = arith.constant 0 : i32
        %get3A_766 = arith.index_cast %get3A : i32 to index
        %get3A_767 = arith.index_cast %add3A_765 : i32 to index
        %get3A_768 = arith.constant 0 : index
        %get3A_769 = tpu.vector_load %arg10[%get3A_766, %get3A_767, %get3A_768] {strides = array<i32>} : memref<2x80x128xf32, #tpu.memory_space<vmem>>, vector<1x1x16xf32>,
        %get3A_770 = vector.shape_cast %get3A_769 : vector<1x1x16xf32> to vector<16xf32>
        %get3A_771 = arith.constant 0 : i32
        %get3A_772 = arith.index_cast %get3A_771 : i32 to index
        %get3A_773 = arith.index_cast %add3A_765 : i32 to index
        %get3A_774 = arith.constant 0 : index
        %get3A_775 = tpu.vector_load %arg9[%get3A_772, %get3A_773, %get3A_774] {strides = array<i32>} : memref<2x80x128xf32, #tpu.memory_space<vmem>>, vector<1x1x16xf32>,
        %get3A_776 = vector.shape_cast %get3A_775 : vector<1x1x16xf32> to vector<16xf32>
        %mul3A_777 = arith.mulf %get3A_770, %get3A_776 : vector<16xf32>
        %swap3A = arith.constant 0 : i32
        %swap3A_778 = arith.index_cast %swap3A : i32 to index
        %swap3A_779 = arith.index_cast %add3A_765 : i32 to index
        %swap3A_780 = arith.constant 0 : index
        %swap3A_781 = tpu.vector_load %arg10[%swap3A_778, %swap3A_779, %swap3A_780] {strides = array<i32>} : memref<2x80x128xf32, #tpu.memory_space<vmem>>, vector<1x1x16xf32>,
        %swap3A_782 = vector.shape_cast %swap3A_781 : vector<1x1x16xf32> to vector<16xf32>
        %swap3A_783 = vector.shape_cast %mul3A_777 : vector<16xf32> to vector<1x1x16xf32>
        tpu.vector_store %arg10[%swap3A_778, %swap3A_779, %swap3A_780], %swap3A_783 {strides = array<i32>} : memref<2x80x128xf32, #tpu.memory_space<vmem>>, vector<1x1x16xf32>,
        %get3A_784 = arith.constant 0 : i32
        %get3A_785 = arith.index_cast %get3A_784 : i32 to index
        %get3A_786 = arith.index_cast %add3A_765 : i32 to index
        %get3A_787 = arith.constant 16 : index
        %get3A_788 = tpu.vector_load %arg10[%get3A_785, %get3A_786, %get3A_787] {strides = array<i32>} : memref<2x80x128xf32, #tpu.memory_space<vmem>>, vector<1x1x16xf32>,
        %get3A_789 = vector.shape_cast %get3A_788 : vector<1x1x16xf32> to vector<16xf32>
        %get3A_790 = arith.constant 0 : i32
        %get3A_791 = arith.index_cast %get3A_790 : i32 to index
        %get3A_792 = arith.index_cast %add3A_765 : i32 to index
        %get3A_793 = arith.constant 16 : index
        %get3A_794 = tpu.vector_load %arg9[%get3A_791, %get3A_792, %get3A_793] {strides = array<i32>} : memref<2x80x128xf32, #tpu.memory_space<vmem>>, vector<1x1x16xf32>,
        %get3A_795 = vector.shape_cast %get3A_794 : vector<1x1x16xf32> to vector<16xf32>
        %mul3A_796 = arith.mulf %get3A_789, %get3A_795 : vector<16xf32>
        %swap3A_797 = arith.constant 0 : i32
        %swap3A_798 = arith.index_cast %swap3A_797 : i32 to index
        %swap3A_799 = arith.index_cast %add3A_765 : i32 to index
        %swap3A_800 = arith.constant 16 : index
        %swap3A_801 = tpu.vector_load %arg10[%swap3A_798, %swap3A_799, %swap3A_800] {strides = array<i32>} : memref<2x80x128xf32, #tpu.memory_space<vmem>>, vector<1x1x16xf32>,
        %swap3A_802 = vector.shape_cast %swap3A_801 : vector<1x1x16xf32> to vector<16xf32>
        %swap3A_803 = vector.shape_cast %mul3A_796 : vector<16xf32> to vector<1x1x16xf32>
        tpu.vector_store %arg10[%swap3A_798, %swap3A_799, %swap3A_800], %swap3A_803 {strides = array<i32>} : memref<2x80x128xf32, #tpu.memory_space<vmem>>, vector<1x1x16xf32>,
        %get3A_804 = arith.constant 0 : i32
        %get3A_805 = arith.index_cast %get3A_804 : i32 to index
        %get3A_806 = arith.index_cast %add3A_765 : i32 to index
        %get3A_807 = arith.constant 32 : index
        %get3A_808 = tpu.vector_load %arg10[%get3A_805, %get3A_806, %get3A_807] {strides = array<i32>} : memref<2x80x128xf32, #tpu.memory_space<vmem>>, vector<1x1x16xf32>,
        %get3A_809 = vector.shape_cast %get3A_808 : vector<1x1x16xf32> to vector<16xf32>
        %get3A_810 = arith.constant 0 : i32
        %get3A_811 = arith.index_cast %get3A_810 : i32 to index
        %get3A_812 = arith.index_cast %add3A_765 : i32 to index
        %get3A_813 = arith.constant 32 : index
        %get3A_814 = tpu.vector_load %arg9[%get3A_811, %get3A_812, %get3A_813] {strides = array<i32>} : memref<2x80x128xf32, #tpu.memory_space<vmem>>, vector<1x1x16xf32>,
        %get3A_815 = vector.shape_cast %get3A_814 : vector<1x1x16xf32> to vector<16xf32>
        %mul3A_816 = arith.mulf %get3A_809, %get3A_815 : vector<16xf32>
        %swap3A_817 = arith.constant 0 : i32
        %swap3A_818 = arith.index_cast %swap3A_817 : i32 to index
        %swap3A_819 = arith.index_cast %add3A_765 : i32 to index
        %swap3A_820 = arith.constant 32 : index
        %swap3A_821 = tpu.vector_load %arg10[%swap3A_818, %swap3A_819, %swap3A_820] {strides = array<i32>} : memref<2x80x128xf32, #tpu.memory_space<vmem>>, vector<1x1x16xf32>,
        %swap3A_822 = vector.shape_cast %swap3A_821 : vector<1x1x16xf32> to vector<16xf32>
        %swap3A_823 = vector.shape_cast %mul3A_816 : vector<16xf32> to vector<1x1x16xf32>
        tpu.vector_store %arg10[%swap3A_818, %swap3A_819, %swap3A_820], %swap3A_823 {strides = array<i32>} : memref<2x80x128xf32, #tpu.memory_space<vmem>>, vector<1x1x16xf32>,
        %get3A_824 = arith.constant 0 : i32
        %get3A_825 = arith.index_cast %get3A_824 : i32 to index
        %get3A_826 = arith.index_cast %add3A_765 : i32 to index
        %get3A_827 = arith.constant 48 : index
        %get3A_828 = tpu.vector_load %arg10[%get3A_825, %get3A_826, %get3A_827] {strides = array<i32>} : memref<2x80x128xf32, #tpu.memory_space<vmem>>, vector<1x1x16xf32>,
        %get3A_829 = vector.shape_cast %get3A_828 : vector<1x1x16xf32> to vector<16xf32>
        %get3A_830 = arith.constant 0 : i32
        %get3A_831 = arith.index_cast %get3A_830 : i32 to index
        %get3A_832 = arith.index_cast %add3A_765 : i32 to index
        %get3A_833 = arith.constant 48 : index
        %get3A_834 = tpu.vector_load %arg9[%get3A_831, %get3A_832, %get3A_833] {strides = array<i32>} : memref<2x80x128xf32, #tpu.memory_space<vmem>>, vector<1x1x16xf32>,
        %get3A_835 = vector.shape_cast %get3A_834 : vector<1x1x16xf32> to vector<16xf32>
        %mul3A_836 = arith.mulf %get3A_829, %get3A_835 : vector<16xf32>
        %swap3A_837 = arith.constant 0 : i32
        %swap3A_838 = arith.index_cast %swap3A_837 : i32 to index
        %swap3A_839 = arith.index_cast %add3A_765 : i32 to index
        %swap3A_840 = arith.constant 48 : index
        %swap3A_841 = tpu.vector_load %arg10[%swap3A_838, %swap3A_839, %swap3A_840] {strides = array<i32>} : memref<2x80x128xf32, #tpu.memory_space<vmem>>, vector<1x1x16xf32>,
        %swap3A_842 = vector.shape_cast %swap3A_841 : vector<1x1x16xf32> to vector<16xf32>
        %swap3A_843 = vector.shape_cast %mul3A_836 : vector<16xf32> to vector<1x1x16xf32>
        tpu.vector_store %arg10[%swap3A_838, %swap3A_839, %swap3A_840], %swap3A_843 {strides = array<i32>} : memref<2x80x128xf32, #tpu.memory_space<vmem>>, vector<1x1x16xf32>,
        %get3A_844 = arith.constant 0 : i32
        %get3A_845 = arith.index_cast %get3A_844 : i32 to index
        %get3A_846 = arith.index_cast %add3A_765 : i32 to index
        %get3A_847 = arith.constant 64 : index
        %get3A_848 = tpu.vector_load %arg10[%get3A_845, %get3A_846, %get3A_847] {strides = array<i32>} : memref<2x80x128xf32, #tpu.memory_space<vmem>>, vector<1x1x16xf32>,
        %get3A_849 = vector.shape_cast %get3A_848 : vector<1x1x16xf32> to vector<16xf32>
        %get3A_850 = arith.constant 0 : i32
        %get3A_851 = arith.index_cast %get3A_850 : i32 to index
        %get3A_852 = arith.index_cast %add3A_765 : i32 to index
        %get3A_853 = arith.constant 64 : index
        %get3A_854 = tpu.vector_load %arg9[%get3A_851, %get3A_852, %get3A_853] {strides = array<i32>} : memref<2x80x128xf32, #tpu.memory_space<vmem>>, vector<1x1x16xf32>,
        %get3A_855 = vector.shape_cast %get3A_854 : vector<1x1x16xf32> to vector<16xf32>
        %mul3A_856 = arith.mulf %get3A_849, %get3A_855 : vector<16xf32>
        %swap3A_857 = arith.constant 0 : i32
        %swap3A_858 = arith.index_cast %swap3A_857 : i32 to index
        %swap3A_859 = arith.index_cast %add3A_765 : i32 to index
        %swap3A_860 = arith.constant 64 : index
        %swap3A_861 = tpu.vector_load %arg10[%swap3A_858, %swap3A_859, %swap3A_860] {strides = array<i32>} : memref<2x80x128xf32, #tpu.memory_space<vmem>>, vector<1x1x16xf32>,
        %swap3A_862 = vector.shape_cast %swap3A_861 : vector<1x1x16xf32> to vector<16xf32>
        %swap3A_863 = vector.shape_cast %mul3A_856 : vector<16xf32> to vector<1x1x16xf32>
        tpu.vector_store %arg10[%swap3A_858, %swap3A_859, %swap3A_860], %swap3A_863 {strides = array<i32>} : memref<2x80x128xf32, #tpu.memory_space<vmem>>, vector<1x1x16xf32>,
        %get3A_864 = arith.constant 0 : i32
        %get3A_865 = arith.index_cast %get3A_864 : i32 to index
        %get3A_866 = arith.index_cast %add3A_765 : i32 to index
        %get3A_867 = arith.constant 80 : index
        %get3A_868 = tpu.vector_load %arg10[%get3A_865, %get3A_866, %get3A_867] {strides = array<i32>} : memref<2x80x128xf32, #tpu.memory_space<vmem>>, vector<1x1x16xf32>,
        %get3A_869 = vector.shape_cast %get3A_868 : vector<1x1x16xf32> to vector<16xf32>
        %get3A_870 = arith.constant 0 : i32
        %get3A_871 = arith.index_cast %get3A_870 : i32 to index
        %get3A_872 = arith.index_cast %add3A_765 : i32 to index
        %get3A_873 = arith.constant 80 : index
        %get3A_874 = tpu.vector_load %arg9[%get3A_871, %get3A_872, %get3A_873] {strides = array<i32>} : memref<2x80x128xf32, #tpu.memory_space<vmem>>, vector<1x1x16xf32>,
        %get3A_875 = vector.shape_cast %get3A_874 : vector<1x1x16xf32> to vector<16xf32>
        %mul3A_876 = arith.mulf %get3A_869, %get3A_875 : vector<16xf32>
        %swap3A_877 = arith.constant 0 : i32
        %swap3A_878 = arith.index_cast %swap3A_877 : i32 to index
        %swap3A_879 = arith.index_cast %add3A_765 : i32 to index
        %swap3A_880 = arith.constant 80 : index
        %swap3A_881 = tpu.vector_load %arg10[%swap3A_878, %swap3A_879, %swap3A_880] {strides = array<i32>} : memref<2x80x128xf32, #tpu.memory_space<vmem>>, vector<1x1x16xf32>,
        %swap3A_882 = vector.shape_cast %swap3A_881 : vector<1x1x16xf32> to vector<16xf32>
        %swap3A_883 = vector.shape_cast %mul3A_876 : vector<16xf32> to vector<1x1x16xf32>
        tpu.vector_store %arg10[%swap3A_878, %swap3A_879, %swap3A_880], %swap3A_883 {strides = array<i32>} : memref<2x80x128xf32, #tpu.memory_space<vmem>>, vector<1x1x16xf32>,
        %get3A_884 = arith.constant 0 : i32
        %get3A_885 = arith.index_cast %get3A_884 : i32 to index
        %get3A_886 = arith.index_cast %add3A_765 : i32 to index
        %get3A_887 = arith.constant 96 : index
        %get3A_888 = tpu.vector_load %arg10[%get3A_885, %get3A_886, %get3A_887] {strides = array<i32>} : memref<2x80x128xf32, #tpu.memory_space<vmem>>, vector<1x1x16xf32>,
        %get3A_889 = vector.shape_cast %get3A_888 : vector<1x1x16xf32> to vector<16xf32>
        %get3A_890 = arith.constant 0 : i32
        %get3A_891 = arith.index_cast %get3A_890 : i32 to index
        %get3A_892 = arith.index_cast %add3A_765 : i32 to index
        %get3A_893 = arith.constant 96 : index
        %get3A_894 = tpu.vector_load %arg9[%get3A_891, %get3A_892, %get3A_893] {strides = array<i32>} : memref<2x80x128xf32, #tpu.memory_space<vmem>>, vector<1x1x16xf32>,
        %get3A_895 = vector.shape_cast %get3A_894 : vector<1x1x16xf32> to vector<16xf32>
        %mul3A_896 = arith.mulf %get3A_889, %get3A_895 : vector<16xf32>
        %swap3A_897 = arith.constant 0 : i32
        %swap3A_898 = arith.index_cast %swap3A_897 : i32 to index
        %swap3A_899 = arith.index_cast %add3A_765 : i32 to index
        %swap3A_900 = arith.constant 96 : index
        %swap3A_901 = tpu.vector_load %arg10[%swap3A_898, %swap3A_899, %swap3A_900] {strides = array<i32>} : memref<2x80x128xf32, #tpu.memory_space<vmem>>, vector<1x1x16xf32>,
        %swap3A_902 = vector.shape_cast %swap3A_901 : vector<1x1x16xf32> to vector<16xf32>
        %swap3A_903 = vector.shape_cast %mul3A_896 : vector<16xf32> to vector<1x1x16xf32>
        tpu.vector_store %arg10[%swap3A_898, %swap3A_899, %swap3A_900], %swap3A_903 {strides = array<i32>} : memref<2x80x128xf32, #tpu.memory_space<vmem>>, vector<1x1x16xf32>,
        %get3A_904 = arith.constant 0 : i32
        %get3A_905 = arith.index_cast %get3A_904 : i32 to index
        %get3A_906 = arith.index_cast %add3A_765 : i32 to index
        %get3A_907 = arith.constant 112 : index
        %get3A_908 = tpu.vector_load %arg10[%get3A_905, %get3A_906, %get3A_907] {strides = array<i32>} : memref<2x80x128xf32, #tpu.memory_space<vmem>>, vector<1x1x16xf32>,
        %get3A_909 = vector.shape_cast %get3A_908 : vector<1x1x16xf32> to vector<16xf32>
        %get3A_910 = arith.constant 0 : i32
        %get3A_911 = arith.index_cast %get3A_910 : i32 to index
        %get3A_912 = arith.index_cast %add3A_765 : i32 to index
        %get3A_913 = arith.constant 112 : index
        %get3A_914 = tpu.vector_load %arg9[%get3A_911, %get3A_912, %get3A_913] {strides = array<i32>} : memref<2x80x128xf32, #tpu.memory_space<vmem>>, vector<1x1x16xf32>,
        %get3A_915 = vector.shape_cast %get3A_914 : vector<1x1x16xf32> to vector<16xf32>
        %mul3A_916 = arith.mulf %get3A_909, %get3A_915 : vector<16xf32>
        %swap3A_917 = arith.constant 0 : i32
        %swap3A_918 = arith.index_cast %swap3A_917 : i32 to index
        %swap3A_919 = arith.index_cast %add3A_765 : i32 to index
        %swap3A_920 = arith.constant 112 : index
        %swap3A_921 = tpu.vector_load %arg10[%swap3A_918, %swap3A_919, %swap3A_920] {strides = array<i32>} : memref<2x80x128xf32, #tpu.memory_space<vmem>>, vector<1x1x16xf32>,
        %swap3A_922 = vector.shape_cast %swap3A_921 : vector<1x1x16xf32> to vector<16xf32>
        %swap3A_923 = vector.shape_cast %mul3A_916 : vector<16xf32> to vector<1x1x16xf32>
        tpu.vector_store %arg10[%swap3A_918, %swap3A_919, %swap3A_920], %swap3A_923 {strides = array<i32>} : memref<2x80x128xf32, #tpu.memory_space<vmem>>, vector<1x1x16xf32>,
        %mul3A_924 = arith.constant 2 : i32
        %mul3A_925 = arith.muli %scan3A_760, %mul3A_924 : i32
        %add3A_926 = arith.constant 1 : i32
        %add3A_927 = arith.addi %mul3A_925, %add3A_926 : i32
        %get3A_928 = arith.constant 0 : i32
        %get3A_929 = arith.index_cast %get3A_928 : i32 to index
        %get3A_930 = arith.index_cast %add3A_927 : i32 to index
        %get3A_931 = arith.constant 0 : index
        %get3A_932 = tpu.vector_load %arg10[%get3A_929, %get3A_930, %get3A_931] {strides = array<i32>} : memref<2x80x128xf32, #tpu.memory_space<vmem>>, vector<1x1x16xf32>,
        %get3A_933 = vector.shape_cast %get3A_932 : vector<1x1x16xf32> to vector<16xf32>
        %get3A_934 = arith.constant 0 : i32
        %get3A_935 = arith.index_cast %get3A_934 : i32 to index
        %get3A_936 = arith.index_cast %add3A_927 : i32 to index
        %get3A_937 = arith.constant 0 : index
        %get3A_938 = tpu.vector_load %arg9[%get3A_935, %get3A_936, %get3A_937] {strides = array<i32>} : memref<2x80x128xf32, #tpu.memory_space<vmem>>, vector<1x1x16xf32>,
        %get3A_939 = vector.shape_cast %get3A_938 : vector<1x1x16xf32> to vector<16xf32>
        %mul3A_940 = arith.mulf %get3A_933, %get3A_939 : vector<16xf32>
        %swap3A_941 = arith.constant 0 : i32
        %swap3A_942 = arith.index_cast %swap3A_941 : i32 to index
        %swap3A_943 = arith.index_cast %add3A_927 : i32 to index
        %swap3A_944 = arith.constant 0 : index
        %swap3A_945 = tpu.vector_load %arg10[%swap3A_942, %swap3A_943, %swap3A_944] {strides = array<i32>} : memref<2x80x128xf32, #tpu.memory_space<vmem>>, vector<1x1x16xf32>,
        %swap3A_946 = vector.shape_cast %swap3A_945 : vector<1x1x16xf32> to vector<16xf32>
        %swap3A_947 = vector.shape_cast %mul3A_940 : vector<16xf32> to vector<1x1x16xf32>
        tpu.vector_store %arg10[%swap3A_942, %swap3A_943, %swap3A_944], %swap3A_947 {strides = array<i32>} : memref<2x80x128xf32, #tpu.memory_space<vmem>>, vector<1x1x16xf32>,
        %get3A_948 = arith.constant 0 : i32
        %get3A_949 = arith.index_cast %get3A_948 : i32 to index
        %get3A_950 = arith.index_cast %add3A_927 : i32 to index
        %get3A_951 = arith.constant 16 : index
        %get3A_952 = tpu.vector_load %arg10[%get3A_949, %get3A_950, %get3A_951] {strides = array<i32>} : memref<2x80x128xf32, #tpu.memory_space<vmem>>, vector<1x1x16xf32>,
        %get3A_953 = vector.shape_cast %get3A_952 : vector<1x1x16xf32> to vector<16xf32>
        %get3A_954 = arith.constant 0 : i32
        %get3A_955 = arith.index_cast %get3A_954 : i32 to index
        %get3A_956 = arith.index_cast %add3A_927 : i32 to index
        %get3A_957 = arith.constant 16 : index
        %get3A_958 = tpu.vector_load %arg9[%get3A_955, %get3A_956, %get3A_957] {strides = array<i32>} : memref<2x80x128xf32, #tpu.memory_space<vmem>>, vector<1x1x16xf32>,
        %get3A_959 = vector.shape_cast %get3A_958 : vector<1x1x16xf32> to vector<16xf32>
        %mul3A_960 = arith.mulf %get3A_953, %get3A_959 : vector<16xf32>
        %swap3A_961 = arith.constant 0 : i32
        %swap3A_962 = arith.index_cast %swap3A_961 : i32 to index
        %swap3A_963 = arith.index_cast %add3A_927 : i32 to index
        %swap3A_964 = arith.constant 16 : index
        %swap3A_965 = tpu.vector_load %arg10[%swap3A_962, %swap3A_963, %swap3A_964] {strides = array<i32>} : memref<2x80x128xf32, #tpu.memory_space<vmem>>, vector<1x1x16xf32>,
        %swap3A_966 = vector.shape_cast %swap3A_965 : vector<1x1x16xf32> to vector<16xf32>
        %swap3A_967 = vector.shape_cast %mul3A_960 : vector<16xf32> to vector<1x1x16xf32>
        tpu.vector_store %arg10[%swap3A_962, %swap3A_963, %swap3A_964], %swap3A_967 {strides = array<i32>} : memref<2x80x128xf32, #tpu.memory_space<vmem>>, vector<1x1x16xf32>,
        %get3A_968 = arith.constant 0 : i32
        %get3A_969 = arith.index_cast %get3A_968 : i32 to index
        %get3A_970 = arith.index_cast %add3A_927 : i32 to index
        %get3A_971 = arith.constant 32 : index
        %get3A_972 = tpu.vector_load %arg10[%get3A_969, %get3A_970, %get3A_971] {strides = array<i32>} : memref<2x80x128xf32, #tpu.memory_space<vmem>>, vector<1x1x16xf32>,
        %get3A_973 = vector.shape_cast %get3A_972 : vector<1x1x16xf32> to vector<16xf32>
        %get3A_974 = arith.constant 0 : i32
        %get3A_975 = arith.index_cast %get3A_974 : i32 to index
        %get3A_976 = arith.index_cast %add3A_927 : i32 to index
        %get3A_977 = arith.constant 32 : index
        %get3A_978 = tpu.vector_load %arg9[%get3A_975, %get3A_976, %get3A_977] {strides = array<i32>} : memref<2x80x128xf32, #tpu.memory_space<vmem>>, vector<1x1x16xf32>,
        %get3A_979 = vector.shape_cast %get3A_978 : vector<1x1x16xf32> to vector<16xf32>
        %mul3A_980 = arith.mulf %get3A_973, %get3A_979 : vector<16xf32>
        %swap3A_981 = arith.constant 0 : i32
        %swap3A_982 = arith.index_cast %swap3A_981 : i32 to index
        %swap3A_983 = arith.index_cast %add3A_927 : i32 to index
        %swap3A_984 = arith.constant 32 : index
        %swap3A_985 = tpu.vector_load %arg10[%swap3A_982, %swap3A_983, %swap3A_984] {strides = array<i32>} : memref<2x80x128xf32, #tpu.memory_space<vmem>>, vector<1x1x16xf32>,
        %swap3A_986 = vector.shape_cast %swap3A_985 : vector<1x1x16xf32> to vector<16xf32>
        %swap3A_987 = vector.shape_cast %mul3A_980 : vector<16xf32> to vector<1x1x16xf32>
        tpu.vector_store %arg10[%swap3A_982, %swap3A_983, %swap3A_984], %swap3A_987 {strides = array<i32>} : memref<2x80x128xf32, #tpu.memory_space<vmem>>, vector<1x1x16xf32>,
        %get3A_988 = arith.constant 0 : i32
        %get3A_989 = arith.index_cast %get3A_988 : i32 to index
        %get3A_990 = arith.index_cast %add3A_927 : i32 to index
        %get3A_991 = arith.constant 48 : index
        %get3A_992 = tpu.vector_load %arg10[%get3A_989, %get3A_990, %get3A_991] {strides = array<i32>} : memref<2x80x128xf32, #tpu.memory_space<vmem>>, vector<1x1x16xf32>,
        %get3A_993 = vector.shape_cast %get3A_992 : vector<1x1x16xf32> to vector<16xf32>
        %get3A_994 = arith.constant 0 : i32
        %get3A_995 = arith.index_cast %get3A_994 : i32 to index
        %get3A_996 = arith.index_cast %add3A_927 : i32 to index
        %get3A_997 = arith.constant 48 : index
        %get3A_998 = tpu.vector_load %arg9[%get3A_995, %get3A_996, %get3A_997] {strides = array<i32>} : memref<2x80x128xf32, #tpu.memory_space<vmem>>, vector<1x1x16xf32>,
        %get3A_999 = vector.shape_cast %get3A_998 : vector<1x1x16xf32> to vector<16xf32>
        %mul3A_1000 = arith.mulf %get3A_993, %get3A_999 : vector<16xf32>
        %swap3A_1001 = arith.constant 0 : i32
        %swap3A_1002 = arith.index_cast %swap3A_1001 : i32 to index
        %swap3A_1003 = arith.index_cast %add3A_927 : i32 to index
        %swap3A_1004 = arith.constant 48 : index
        %swap3A_1005 = tpu.vector_load %arg10[%swap3A_1002, %swap3A_1003, %swap3A_1004] {strides = array<i32>} : memref<2x80x128xf32, #tpu.memory_space<vmem>>, vector<1x1x16xf32>,
        %swap3A_1006 = vector.shape_cast %swap3A_1005 : vector<1x1x16xf32> to vector<16xf32>
        %swap3A_1007 = vector.shape_cast %mul3A_1000 : vector<16xf32> to vector<1x1x16xf32>
        tpu.vector_store %arg10[%swap3A_1002, %swap3A_1003, %swap3A_1004], %swap3A_1007 {strides = array<i32>} : memref<2x80x128xf32, #tpu.memory_space<vmem>>, vector<1x1x16xf32>,
        %get3A_1008 = arith.constant 0 : i32
        %get3A_1009 = arith.index_cast %get3A_1008 : i32 to index
        %get3A_1010 = arith.index_cast %add3A_927 : i32 to index
        %get3A_1011 = arith.constant 64 : index
        %get3A_1012 = tpu.vector_load %arg10[%get3A_1009, %get3A_1010, %get3A_1011] {strides = array<i32>} : memref<2x80x128xf32, #tpu.memory_space<vmem>>, vector<1x1x16xf32>,
        %get3A_1013 = vector.shape_cast %get3A_1012 : vector<1x1x16xf32> to vector<16xf32>
        %get3A_1014 = arith.constant 0 : i32
        %get3A_1015 = arith.index_cast %get3A_1014 : i32 to index
        %get3A_1016 = arith.index_cast %add3A_927 : i32 to index
        %get3A_1017 = arith.constant 64 : index
        %get3A_1018 = tpu.vector_load %arg9[%get3A_1015, %get3A_1016, %get3A_1017] {strides = array<i32>} : memref<2x80x128xf32, #tpu.memory_space<vmem>>, vector<1x1x16xf32>,
        %get3A_1019 = vector.shape_cast %get3A_1018 : vector<1x1x16xf32> to vector<16xf32>
        %mul3A_1020 = arith.mulf %get3A_1013, %get3A_1019 : vector<16xf32>
        %swap3A_1021 = arith.constant 0 : i32
        %swap3A_1022 = arith.index_cast %swap3A_1021 : i32 to index
        %swap3A_1023 = arith.index_cast %add3A_927 : i32 to index
        %swap3A_1024 = arith.constant 64 : index
        %swap3A_1025 = tpu.vector_load %arg10[%swap3A_1022, %swap3A_1023, %swap3A_1024] {strides = array<i32>} : memref<2x80x128xf32, #tpu.memory_space<vmem>>, vector<1x1x16xf32>,
        %swap3A_1026 = vector.shape_cast %swap3A_1025 : vector<1x1x16xf32> to vector<16xf32>
        %swap3A_1027 = vector.shape_cast %mul3A_1020 : vector<16xf32> to vector<1x1x16xf32>
        tpu.vector_store %arg10[%swap3A_1022, %swap3A_1023, %swap3A_1024], %swap3A_1027 {strides = array<i32>} : memref<2x80x128xf32, #tpu.memory_space<vmem>>, vector<1x1x16xf32>,
        %get3A_1028 = arith.constant 0 : i32
        %get3A_1029 = arith.index_cast %get3A_1028 : i32 to index
        %get3A_1030 = arith.index_cast %add3A_927 : i32 to index
        %get3A_1031 = arith.constant 80 : index
        %get3A_1032 = tpu.vector_load %arg10[%get3A_1029, %get3A_1030, %get3A_1031] {strides = array<i32>} : memref<2x80x128xf32, #tpu.memory_space<vmem>>, vector<1x1x16xf32>,
        %get3A_1033 = vector.shape_cast %get3A_1032 : vector<1x1x16xf32> to vector<16xf32>
        %get3A_1034 = arith.constant 0 : i32
        %get3A_1035 = arith.index_cast %get3A_1034 : i32 to index
        %get3A_1036 = arith.index_cast %add3A_927 : i32 to index
        %get3A_1037 = arith.constant 80 : index
        %get3A_1038 = tpu.vector_load %arg9[%get3A_1035, %get3A_1036, %get3A_1037] {strides = array<i32>} : memref<2x80x128xf32, #tpu.memory_space<vmem>>, vector<1x1x16xf32>,
        %get3A_1039 = vector.shape_cast %get3A_1038 : vector<1x1x16xf32> to vector<16xf32>
        %mul3A_1040 = arith.mulf %get3A_1033, %get3A_1039 : vector<16xf32>
        %swap3A_1041 = arith.constant 0 : i32
        %swap3A_1042 = arith.index_cast %swap3A_1041 : i32 to index
        %swap3A_1043 = arith.index_cast %add3A_927 : i32 to index
        %swap3A_1044 = arith.constant 80 : index
        %swap3A_1045 = tpu.vector_load %arg10[%swap3A_1042, %swap3A_1043, %swap3A_1044] {strides = array<i32>} : memref<2x80x128xf32, #tpu.memory_space<vmem>>, vector<1x1x16xf32>,
        %swap3A_1046 = vector.shape_cast %swap3A_1045 : vector<1x1x16xf32> to vector<16xf32>
        %swap3A_1047 = vector.shape_cast %mul3A_1040 : vector<16xf32> to vector<1x1x16xf32>
        tpu.vector_store %arg10[%swap3A_1042, %swap3A_1043, %swap3A_1044], %swap3A_1047 {strides = array<i32>} : memref<2x80x128xf32, #tpu.memory_space<vmem>>, vector<1x1x16xf32>,
        %get3A_1048 = arith.constant 0 : i32
        %get3A_1049 = arith.index_cast %get3A_1048 : i32 to index
        %get3A_1050 = arith.index_cast %add3A_927 : i32 to index
        %get3A_1051 = arith.constant 96 : index
        %get3A_1052 = tpu.vector_load %arg10[%get3A_1049, %get3A_1050, %get3A_1051] {strides = array<i32>} : memref<2x80x128xf32, #tpu.memory_space<vmem>>, vector<1x1x16xf32>,
        %get3A_1053 = vector.shape_cast %get3A_1052 : vector<1x1x16xf32> to vector<16xf32>
        %get3A_1054 = arith.constant 0 : i32
        %get3A_1055 = arith.index_cast %get3A_1054 : i32 to index
        %get3A_1056 = arith.index_cast %add3A_927 : i32 to index
        %get3A_1057 = arith.constant 96 : index
        %get3A_1058 = tpu.vector_load %arg9[%get3A_1055, %get3A_1056, %get3A_1057] {strides = array<i32>} : memref<2x80x128xf32, #tpu.memory_space<vmem>>, vector<1x1x16xf32>,
        %get3A_1059 = vector.shape_cast %get3A_1058 : vector<1x1x16xf32> to vector<16xf32>
        %mul3A_1060 = arith.mulf %get3A_1053, %get3A_1059 : vector<16xf32>
        %swap3A_1061 = arith.constant 0 : i32
        %swap3A_1062 = arith.index_cast %swap3A_1061 : i32 to index
        %swap3A_1063 = arith.index_cast %add3A_927 : i32 to index
        %swap3A_1064 = arith.constant 96 : index
        %swap3A_1065 = tpu.vector_load %arg10[%swap3A_1062, %swap3A_1063, %swap3A_1064] {strides = array<i32>} : memref<2x80x128xf32, #tpu.memory_space<vmem>>, vector<1x1x16xf32>,
        %swap3A_1066 = vector.shape_cast %swap3A_1065 : vector<1x1x16xf32> to vector<16xf32>
        %swap3A_1067 = vector.shape_cast %mul3A_1060 : vector<16xf32> to vector<1x1x16xf32>
        tpu.vector_store %arg10[%swap3A_1062, %swap3A_1063, %swap3A_1064], %swap3A_1067 {strides = array<i32>} : memref<2x80x128xf32, #tpu.memory_space<vmem>>, vector<1x1x16xf32>,
        %get3A_1068 = arith.constant 0 : i32
        %get3A_1069 = arith.index_cast %get3A_1068 : i32 to index
        %get3A_1070 = arith.index_cast %add3A_927 : i32 to index
        %get3A_1071 = arith.constant 112 : index
        %get3A_1072 = tpu.vector_load %arg10[%get3A_1069, %get3A_1070, %get3A_1071] {strides = array<i32>} : memref<2x80x128xf32, #tpu.memory_space<vmem>>, vector<1x1x16xf32>,
        %get3A_1073 = vector.shape_cast %get3A_1072 : vector<1x1x16xf32> to vector<16xf32>
        %get3A_1074 = arith.constant 0 : i32
        %get3A_1075 = arith.index_cast %get3A_1074 : i32 to index
        %get3A_1076 = arith.index_cast %add3A_927 : i32 to index
        %get3A_1077 = arith.constant 112 : index
        %get3A_1078 = tpu.vector_load %arg9[%get3A_1075, %get3A_1076, %get3A_1077] {strides = array<i32>} : memref<2x80x128xf32, #tpu.memory_space<vmem>>, vector<1x1x16xf32>,
        %get3A_1079 = vector.shape_cast %get3A_1078 : vector<1x1x16xf32> to vector<16xf32>
        %mul3A_1080 = arith.mulf %get3A_1073, %get3A_1079 : vector<16xf32>
        %swap3A_1081 = arith.constant 0 : i32
        %swap3A_1082 = arith.index_cast %swap3A_1081 : i32 to index
        %swap3A_1083 = arith.index_cast %add3A_927 : i32 to index
        %swap3A_1084 = arith.constant 112 : index
        %swap3A_1085 = tpu.vector_load %arg10[%swap3A_1082, %swap3A_1083, %swap3A_1084] {strides = array<i32>} : memref<2x80x128xf32, #tpu.memory_space<vmem>>, vector<1x1x16xf32>,
        %swap3A_1086 = vector.shape_cast %swap3A_1085 : vector<1x1x16xf32> to vector<16xf32>
        %swap3A_1087 = vector.shape_cast %mul3A_1080 : vector<16xf32> to vector<1x1x16xf32>
        tpu.vector_store %arg10[%swap3A_1082, %swap3A_1083, %swap3A_1084], %swap3A_1087 {strides = array<i32>} : memref<2x80x128xf32, #tpu.memory_space<vmem>>, vector<1x1x16xf32>,
        %scan3A_1088 = arith.constant 0 : i32
        scf.yield %scan3A_1088 : i32
      }
      %scan3A_601 = arith.constant 40 : i32
      %dma_start3A_602 = arith.constant 0 : i32
      %dma_start3A_603 = arith.constant 2 : i32
      %dma_start3A_604 = arith.constant 0 : i32
      %dma_start3A_605 = arith.constant 0 : i32
      %dma_start3A_606 = arith.constant 0 : i32
      %dma_start3A_607 = tpu.memref_slice %arg10[%dma_start3A_602, %dma_start3A_605, %dma_start3A_606] : memref<2x80x128xf32, #tpu.memory_space<vmem>> -> memref<1x80x128xf32, #tpu.memory_space<vmem>>
      %dma_start3A_608 = tpu.memref_squeeze %dma_start3A_607 : memref<1x80x128xf32, #tpu.memory_space<vmem>> -> memref<80x128xf32, #tpu.memory_space<vmem>>
      %dma_start3A_609 = arith.constant 0 : i32
      %dma_start3A_610 = tpu.memref_slice %arg8[%dma_start3A_603, %dma_start3A_609] : memref<4x80xi32, #tpu.memory_space<vmem>> -> memref<1x80xi32, #tpu.memory_space<vmem>>
      %dma_start3A_611 = tpu.memref_squeeze %dma_start3A_610 : memref<1x80xi32, #tpu.memory_space<vmem>> -> memref<80xi32, #tpu.memory_space<vmem>>
      %dma_start3A_612 = arith.constant 0 : i32
      %dma_start3A_613 = arith.constant 0 : i32
      %dma_start3A_614 = tpu.memref_slice %arg11[%dma_start3A_612, %dma_start3A_613] : memref<10000x128xf32, #tpu.memory_space<vmem_shared>> -> memref<10000x128xf32, #tpu.memory_space<vmem_shared>>
      %dma_start3A_615 = tpu.memref_slice %arg15[%dma_start3A_604] : memref<2x!tpu.dma_semaphore, #tpu.memory_space<semaphore_mem>> -> memref<1x!tpu.dma_semaphore, #tpu.memory_space<semaphore_mem>>
      %dma_start3A_616 = tpu.memref_squeeze %dma_start3A_615 : memref<1x!tpu.dma_semaphore, #tpu.memory_space<semaphore_mem>> -> memref<!tpu.dma_semaphore, #tpu.memory_space<semaphore_mem>>
      tpu.enqueue_indirect_dma source(%dma_start3A_608 : memref<80x128xf32, #tpu.memory_space<vmem>>) target(%dma_start3A_614 : memref<10000x128xf32, #tpu.memory_space<vmem_shared>>) offsets(%dma_start3A_611 : memref<80xi32, #tpu.memory_space<vmem>>) semaphore(%dma_start3A_616 : memref<!tpu.dma_semaphore, #tpu.memory_space<semaphore_mem>>) {add = true}
      %add3A_617 = arith.constant 3 : i32
      %add3A_618 = arith.addi %add3A_492, %add3A_617 : i32
      %le3A_619 = arith.constant 124 : i32
      %le3A_620 = arith.cmpi sle, %add3A_618, %le3A_619 : i32
      %convert_element_type3A_621 = arith.extui %le3A_620 : i1 to i32
      %cond3A_622 = arith.constant 0 : i32
      %cond3A_623 = arith.cmpi ne, %convert_element_type3A_621, %cond3A_622 : i32
      scf.if %cond3A_623 {
        %add3A_760 = arith.constant 3 : i32
        %add3A_761 = arith.addi %add3A_492, %add3A_760 : i32
        %mul3A_762 = arith.constant 80 : i32
        %mul3A_763 = arith.muli %add3A_761, %mul3A_762 : i32
        %add3A_764 = arith.addi %mul3A_35, %mul3A_763 : i32
        %dma_start3A_765 = arith.constant 1 : i32
        %dma_start3A_766 = arith.constant 1 : i32
        %dma_start3A_767 = arith.constant 0 : i32
        %dma_start3A_768 = tpu.memref_slice %arg7[%dma_start3A_765, %dma_start3A_767] : memref<4x80xi32, #tpu.memory_space<vmem>> -> memref<1x80xi32, #tpu.memory_space<vmem>>
        %dma_start3A_769 = tpu.memref_squeeze %dma_start3A_768 : memref<1x80xi32, #tpu.memory_space<vmem>> -> memref<80xi32, #tpu.memory_space<vmem>>
        %dma_start3A_770 = tpu.memref_slice %arg4[%add3A_764] : memref<320000xi32, #tpu.memory_space<hbm>> -> memref<80xi32, #tpu.memory_space<hbm>>
        %dma_start3A_771 = tpu.memref_slice %arg12[%dma_start3A_766] : memref<4x!tpu.dma_semaphore, #tpu.memory_space<semaphore_mem>> -> memref<1x!tpu.dma_semaphore, #tpu.memory_space<semaphore_mem>>
        %dma_start3A_772 = tpu.memref_squeeze %dma_start3A_771 : memref<1x!tpu.dma_semaphore, #tpu.memory_space<semaphore_mem>> -> memref<!tpu.dma_semaphore, #tpu.memory_space<semaphore_mem>>
        %dma_start3A_773 = arith.constant 0 : i32
        %dma_start3A_774 = tpu.memref_slice %arg7[%dma_start3A_765, %dma_start3A_773] : memref<4x80xi32, #tpu.memory_space<vmem>> -> memref<1x80xi32, #tpu.memory_space<vmem>>
        %dma_start3A_775 = tpu.memref_squeeze %dma_start3A_774 : memref<1x80xi32, #tpu.memory_space<vmem>> -> memref<80xi32, #tpu.memory_space<vmem>>
        %dma_start3A_776 = tpu.memref_slice %arg4[%add3A_764] : memref<320000xi32, #tpu.memory_space<hbm>> -> memref<80xi32, #tpu.memory_space<hbm>>
        tpu.enqueue_dma source(%dma_start3A_776 : memref<80xi32, #tpu.memory_space<hbm>>) target(%dma_start3A_775 : memref<80xi32, #tpu.memory_space<vmem>>) target_semaphore(%dma_start3A_772 : memref<!tpu.dma_semaphore, #tpu.memory_space<semaphore_mem>>)
        %dma_start3A_777 = arith.constant 1 : i32
        %dma_start3A_778 = arith.constant 1 : i32
        %dma_start3A_779 = arith.constant 0 : i32
        %dma_start3A_780 = tpu.memref_slice %arg8[%dma_start3A_777, %dma_start3A_779] : memref<4x80xi32, #tpu.memory_space<vmem>> -> memref<1x80xi32, #tpu.memory_space<vmem>>
        %dma_start3A_781 = tpu.memref_squeeze %dma_start3A_780 : memref<1x80xi32, #tpu.memory_space<vmem>> -> memref<80xi32, #tpu.memory_space<vmem>>
        %dma_start3A_782 = tpu.memref_slice %arg5[%add3A_764] : memref<320000xi32, #tpu.memory_space<hbm>> -> memref<80xi32, #tpu.memory_space<hbm>>
        %dma_start3A_783 = tpu.memref_slice %arg12[%dma_start3A_778] : memref<4x!tpu.dma_semaphore, #tpu.memory_space<semaphore_mem>> -> memref<1x!tpu.dma_semaphore, #tpu.memory_space<semaphore_mem>>
        %dma_start3A_784 = tpu.memref_squeeze %dma_start3A_783 : memref<1x!tpu.dma_semaphore, #tpu.memory_space<semaphore_mem>> -> memref<!tpu.dma_semaphore, #tpu.memory_space<semaphore_mem>>
        %dma_start3A_785 = arith.constant 0 : i32
        %dma_start3A_786 = tpu.memref_slice %arg8[%dma_start3A_777, %dma_start3A_785] : memref<4x80xi32, #tpu.memory_space<vmem>> -> memref<1x80xi32, #tpu.memory_space<vmem>>
        %dma_start3A_787 = tpu.memref_squeeze %dma_start3A_786 : memref<1x80xi32, #tpu.memory_space<vmem>> -> memref<80xi32, #tpu.memory_space<vmem>>
        %dma_start3A_788 = tpu.memref_slice %arg5[%add3A_764] : memref<320000xi32, #tpu.memory_space<hbm>> -> memref<80xi32, #tpu.memory_space<hbm>>
        tpu.enqueue_dma source(%dma_start3A_788 : memref<80xi32, #tpu.memory_space<hbm>>) target(%dma_start3A_787 : memref<80xi32, #tpu.memory_space<vmem>>) target_semaphore(%dma_start3A_784 : memref<!tpu.dma_semaphore, #tpu.memory_space<semaphore_mem>>)
      } else {
      }
      %mul3A_624 = arith.constant 4 : i32
      %mul3A_625 = arith.muli %scan3A_219, %mul3A_624 : i32
      %add3A_626 = arith.constant 3 : i32
      %add3A_627 = arith.addi %mul3A_625, %add3A_626 : i32
      %dma_wait3A_628 = arith.constant 1 : i32
      %dma_wait3A_629 = arith.constant 1 : i32
      %dma_wait3A_630 = arith.constant 0 : i32
      %dma_wait3A_631 = arith.constant 0 : i32
      %dma_wait3A_632 = tpu.memref_slice %arg9[%dma_wait3A_628, %dma_wait3A_630, %dma_wait3A_631] : memref<2x80x128xf32, #tpu.memory_space<vmem>> -> memref<1x80x128xf32, #tpu.memory_space<vmem>>
      %dma_wait3A_633 = tpu.memref_squeeze %dma_wait3A_632 : memref<1x80x128xf32, #tpu.memory_space<vmem>> -> memref<80x128xf32, #tpu.memory_space<vmem>>
      %dma_wait3A_634 = arith.constant 0 : i32
      %dma_wait3A_635 = arith.constant 0 : i32
      %dma_wait3A_636 = tpu.memref_slice %arg3[%dma_wait3A_634, %dma_wait3A_635] : memref<320000x128xf32, #tpu.memory_space<hbm>> -> memref<80x128xf32, #tpu.memory_space<hbm>>
      %dma_wait3A_637 = tpu.memref_slice %arg14[%dma_wait3A_629] : memref<2x!tpu.dma_semaphore, #tpu.memory_space<semaphore_mem>> -> memref<1x!tpu.dma_semaphore, #tpu.memory_space<semaphore_mem>>
      %dma_wait3A_638 = tpu.memref_squeeze %dma_wait3A_637 : memref<1x!tpu.dma_semaphore, #tpu.memory_space<semaphore_mem>> -> memref<!tpu.dma_semaphore, #tpu.memory_space<semaphore_mem>>
      %dma_wait3A_639 = arith.constant 0 : i32
      %dma_wait3A_640 = arith.constant 0 : i32
      %dma_wait3A_641 = tpu.memref_slice %arg9[%dma_wait3A_628, %dma_wait3A_639, %dma_wait3A_640] : memref<2x80x128xf32, #tpu.memory_space<vmem>> -> memref<1x80x128xf32, #tpu.memory_space<vmem>>
      %dma_wait3A_642 = tpu.memref_squeeze %dma_wait3A_641 : memref<1x80x128xf32, #tpu.memory_space<vmem>> -> memref<80x128xf32, #tpu.memory_space<vmem>>
      %dma_wait3A_643 = arith.constant 0 : i32
      %dma_wait3A_644 = arith.constant 0 : i32
      %dma_wait3A_645 = tpu.memref_slice %arg3[%dma_wait3A_643, %dma_wait3A_644] : memref<320000x128xf32, #tpu.memory_space<hbm>> -> memref<80x128xf32, #tpu.memory_space<hbm>>
      tpu.wait_dma2 semaphore(%dma_wait3A_638 : memref<!tpu.dma_semaphore, #tpu.memory_space<semaphore_mem>>) src(%dma_wait3A_645 : memref<80x128xf32, #tpu.memory_space<hbm>>) dst(%dma_wait3A_642 : memref<80x128xf32, #tpu.memory_space<vmem>>)
      %dma_wait3A_646 = arith.constant 3 : i32
      %dma_wait3A_647 = arith.constant 1 : i32
      %dma_wait3A_648 = arith.constant 1 : i32
      %dma_wait3A_649 = arith.constant 0 : i32
      %dma_wait3A_650 = arith.constant 0 : i32
      %dma_wait3A_651 = tpu.memref_slice %arg10[%dma_wait3A_647, %dma_wait3A_649, %dma_wait3A_650] : memref<2x80x128xf32, #tpu.memory_space<vmem>> -> memref<1x80x128xf32, #tpu.memory_space<vmem>>
      %dma_wait3A_652 = tpu.memref_squeeze %dma_wait3A_651 : memref<1x80x128xf32, #tpu.memory_space<vmem>> -> memref<80x128xf32, #tpu.memory_space<vmem>>
      %dma_wait3A_653 = arith.constant 0 : i32
      %dma_wait3A_654 = tpu.memref_slice %arg7[%dma_wait3A_646, %dma_wait3A_653] : memref<4x80xi32, #tpu.memory_space<vmem>> -> memref<1x80xi32, #tpu.memory_space<vmem>>
      %dma_wait3A_655 = tpu.memref_squeeze %dma_wait3A_654 : memref<1x80xi32, #tpu.memory_space<vmem>> -> memref<80xi32, #tpu.memory_space<vmem>>
      %dma_wait3A_656 = arith.constant 0 : i32
      %dma_wait3A_657 = arith.constant 0 : i32
      %dma_wait3A_658 = tpu.memref_slice %arg2[%dma_wait3A_656, %dma_wait3A_657] : memref<10000x128xf32, #tpu.memory_space<hbm>> -> memref<10000x128xf32, #tpu.memory_space<hbm>>
      %dma_wait3A_659 = tpu.memref_slice %arg13[%dma_wait3A_648] : memref<2x!tpu.dma_semaphore, #tpu.memory_space<semaphore_mem>> -> memref<1x!tpu.dma_semaphore, #tpu.memory_space<semaphore_mem>>
      %dma_wait3A_660 = tpu.memref_squeeze %dma_wait3A_659 : memref<1x!tpu.dma_semaphore, #tpu.memory_space<semaphore_mem>> -> memref<!tpu.dma_semaphore, #tpu.memory_space<semaphore_mem>>
      tpu.wait_indirect_dma semaphore(%dma_wait3A_660 : memref<!tpu.dma_semaphore, #tpu.memory_space<semaphore_mem>>) src(%dma_wait3A_658 : memref<10000x128xf32, #tpu.memory_space<hbm>>) dst(%dma_wait3A_652 : memref<80x128xf32, #tpu.memory_space<vmem>>)
      %ge3A_661 = arith.constant 1 : i32
      %ge3A_662 = arith.cmpi sge, %add3A_627, %ge3A_661 : i32
      %convert_element_type3A_663 = arith.extui %ge3A_662 : i1 to i32
      %cond3A_664 = arith.constant 0 : i32
      %cond3A_665 = arith.cmpi ne, %convert_element_type3A_663, %cond3A_664 : i32
      scf.if %cond3A_665 {
        %dma_wait3A_760 = arith.constant 0 : i32
        %dma_wait3A_761 = arith.constant 2 : i32
        %dma_wait3A_762 = arith.constant 0 : i32
        %dma_wait3A_763 = arith.constant 0 : i32
        %dma_wait3A_764 = arith.constant 0 : i32
        %dma_wait3A_765 = tpu.memref_slice %arg10[%dma_wait3A_760, %dma_wait3A_763, %dma_wait3A_764] : memref<2x80x128xf32, #tpu.memory_space<vmem>> -> memref<1x80x128xf32, #tpu.memory_space<vmem>>
        %dma_wait3A_766 = tpu.memref_squeeze %dma_wait3A_765 : memref<1x80x128xf32, #tpu.memory_space<vmem>> -> memref<80x128xf32, #tpu.memory_space<vmem>>
        %dma_wait3A_767 = arith.constant 0 : i32
        %dma_wait3A_768 = tpu.memref_slice %arg8[%dma_wait3A_761, %dma_wait3A_767] : memref<4x80xi32, #tpu.memory_space<vmem>> -> memref<1x80xi32, #tpu.memory_space<vmem>>
        %dma_wait3A_769 = tpu.memref_squeeze %dma_wait3A_768 : memref<1x80xi32, #tpu.memory_space<vmem>> -> memref<80xi32, #tpu.memory_space<vmem>>
        %dma_wait3A_770 = arith.constant 0 : i32
        %dma_wait3A_771 = arith.constant 0 : i32
        %dma_wait3A_772 = tpu.memref_slice %arg11[%dma_wait3A_770, %dma_wait3A_771] : memref<10000x128xf32, #tpu.memory_space<vmem_shared>> -> memref<10000x128xf32, #tpu.memory_space<vmem_shared>>
        %dma_wait3A_773 = tpu.memref_slice %arg15[%dma_wait3A_762] : memref<2x!tpu.dma_semaphore, #tpu.memory_space<semaphore_mem>> -> memref<1x!tpu.dma_semaphore, #tpu.memory_space<semaphore_mem>>
        %dma_wait3A_774 = tpu.memref_squeeze %dma_wait3A_773 : memref<1x!tpu.dma_semaphore, #tpu.memory_space<semaphore_mem>> -> memref<!tpu.dma_semaphore, #tpu.memory_space<semaphore_mem>>
        tpu.wait_indirect_dma semaphore(%dma_wait3A_774 : memref<!tpu.dma_semaphore, #tpu.memory_space<semaphore_mem>>) src(%dma_wait3A_766 : memref<80x128xf32, #tpu.memory_space<vmem>>) dst(%dma_wait3A_772 : memref<10000x128xf32, #tpu.memory_space<vmem_shared>>)
      } else {
      }
      %dma_wait3A_666 = arith.constant 0 : i32
      %dma_wait3A_667 = arith.constant 0 : i32
      %dma_wait3A_668 = arith.constant 0 : i32
      %dma_wait3A_669 = tpu.memref_slice %arg7[%dma_wait3A_666, %dma_wait3A_668] : memref<4x80xi32, #tpu.memory_space<vmem>> -> memref<1x80xi32, #tpu.memory_space<vmem>>
      %dma_wait3A_670 = tpu.memref_squeeze %dma_wait3A_669 : memref<1x80xi32, #tpu.memory_space<vmem>> -> memref<80xi32, #tpu.memory_space<vmem>>
      %dma_wait3A_671 = arith.constant 0 : i32
      %dma_wait3A_672 = tpu.memref_slice %arg4[%dma_wait3A_671] : memref<320000xi32, #tpu.memory_space<hbm>> -> memref<80xi32, #tpu.memory_space<hbm>>
      %dma_wait3A_673 = tpu.memref_slice %arg12[%dma_wait3A_667] : memref<4x!tpu.dma_semaphore, #tpu.memory_space<semaphore_mem>> -> memref<1x!tpu.dma_semaphore, #tpu.memory_space<semaphore_mem>>
      %dma_wait3A_674 = tpu.memref_squeeze %dma_wait3A_673 : memref<1x!tpu.dma_semaphore, #tpu.memory_space<semaphore_mem>> -> memref<!tpu.dma_semaphore, #tpu.memory_space<semaphore_mem>>
      %dma_wait3A_675 = arith.constant 0 : i32
      %dma_wait3A_676 = tpu.memref_slice %arg7[%dma_wait3A_666, %dma_wait3A_675] : memref<4x80xi32, #tpu.memory_space<vmem>> -> memref<1x80xi32, #tpu.memory_space<vmem>>
      %dma_wait3A_677 = tpu.memref_squeeze %dma_wait3A_676 : memref<1x80xi32, #tpu.memory_space<vmem>> -> memref<80xi32, #tpu.memory_space<vmem>>
      %dma_wait3A_678 = arith.constant 0 : i32
      %dma_wait3A_679 = tpu.memref_slice %arg4[%dma_wait3A_678] : memref<320000xi32, #tpu.memory_space<hbm>> -> memref<80xi32, #tpu.memory_space<hbm>>
      tpu.wait_dma2 semaphore(%dma_wait3A_674 : memref<!tpu.dma_semaphore, #tpu.memory_space<semaphore_mem>>) src(%dma_wait3A_679 : memref<80xi32, #tpu.memory_space<hbm>>) dst(%dma_wait3A_677 : memref<80xi32, #tpu.memory_space<vmem>>)
      %dma_wait3A_680 = arith.constant 0 : i32
      %dma_wait3A_681 = arith.constant 0 : i32
      %dma_wait3A_682 = arith.constant 0 : i32
      %dma_wait3A_683 = tpu.memref_slice %arg8[%dma_wait3A_680, %dma_wait3A_682] : memref<4x80xi32, #tpu.memory_space<vmem>> -> memref<1x80xi32, #tpu.memory_space<vmem>>
      %dma_wait3A_684 = tpu.memref_squeeze %dma_wait3A_683 : memref<1x80xi32, #tpu.memory_space<vmem>> -> memref<80xi32, #tpu.memory_space<vmem>>
      %dma_wait3A_685 = arith.constant 0 : i32
      %dma_wait3A_686 = tpu.memref_slice %arg5[%dma_wait3A_685] : memref<320000xi32, #tpu.memory_space<hbm>> -> memref<80xi32, #tpu.memory_space<hbm>>
      %dma_wait3A_687 = tpu.memref_slice %arg12[%dma_wait3A_681] : memref<4x!tpu.dma_semaphore, #tpu.memory_space<semaphore_mem>> -> memref<1x!tpu.dma_semaphore, #tpu.memory_space<semaphore_mem>>
      %dma_wait3A_688 = tpu.memref_squeeze %dma_wait3A_687 : memref<1x!tpu.dma_semaphore, #tpu.memory_space<semaphore_mem>> -> memref<!tpu.dma_semaphore, #tpu.memory_space<semaphore_mem>>
      %dma_wait3A_689 = arith.constant 0 : i32
      %dma_wait3A_690 = tpu.memref_slice %arg8[%dma_wait3A_680, %dma_wait3A_689] : memref<4x80xi32, #tpu.memory_space<vmem>> -> memref<1x80xi32, #tpu.memory_space<vmem>>
      %dma_wait3A_691 = tpu.memref_squeeze %dma_wait3A_690 : memref<1x80xi32, #tpu.memory_space<vmem>> -> memref<80xi32, #tpu.memory_space<vmem>>
      %dma_wait3A_692 = arith.constant 0 : i32
      %dma_wait3A_693 = tpu.memref_slice %arg5[%dma_wait3A_692] : memref<320000xi32, #tpu.memory_space<hbm>> -> memref<80xi32, #tpu.memory_space<hbm>>
      tpu.wait_dma2 semaphore(%dma_wait3A_688 : memref<!tpu.dma_semaphore, #tpu.memory_space<semaphore_mem>>) src(%dma_wait3A_693 : memref<80xi32, #tpu.memory_space<hbm>>) dst(%dma_wait3A_691 : memref<80xi32, #tpu.memory_space<vmem>>)
      %add3A_694 = arith.constant 1 : i32
      %add3A_695 = arith.addi %add3A_627, %add3A_694 : i32
      %mul3A_696 = arith.constant 80 : i32
      %mul3A_697 = arith.muli %add3A_695, %mul3A_696 : i32
      %add3A_698 = arith.addi %mul3A_35, %mul3A_697 : i32
      %dma_start3A_699 = arith.constant 0 : i32
      %dma_start3A_700 = arith.constant 0 : i32
      %dma_start3A_701 = arith.constant 0 : i32
      %dma_start3A_702 = arith.constant 0 : i32
      %dma_start3A_703 = tpu.memref_slice %arg9[%dma_start3A_699, %dma_start3A_701, %dma_start3A_702] : memref<2x80x128xf32, #tpu.memory_space<vmem>> -> memref<1x80x128xf32, #tpu.memory_space<vmem>>
      %dma_start3A_704 = tpu.memref_squeeze %dma_start3A_703 : memref<1x80x128xf32, #tpu.memory_space<vmem>> -> memref<80x128xf32, #tpu.memory_space<vmem>>
      %dma_start3A_705 = arith.constant 0 : i32
      %dma_start3A_706 = tpu.memref_slice %arg3[%add3A_698, %dma_start3A_705] : memref<320000x128xf32, #tpu.memory_space<hbm>> -> memref<80x128xf32, #tpu.memory_space<hbm>>
      %dma_start3A_707 = tpu.memref_slice %arg14[%dma_start3A_700] : memref<2x!tpu.dma_semaphore, #tpu.memory_space<semaphore_mem>> -> memref<1x!tpu.dma_semaphore, #tpu.memory_space<semaphore_mem>>
      %dma_start3A_708 = tpu.memref_squeeze %dma_start3A_707 : memref<1x!tpu.dma_semaphore, #tpu.memory_space<semaphore_mem>> -> memref<!tpu.dma_semaphore, #tpu.memory_space<semaphore_mem>>
      %dma_start3A_709 = arith.constant 0 : i32
      %dma_start3A_710 = arith.constant 0 : i32
      %dma_start3A_711 = tpu.memref_slice %arg9[%dma_start3A_699, %dma_start3A_709, %dma_start3A_710] : memref<2x80x128xf32, #tpu.memory_space<vmem>> -> memref<1x80x128xf32, #tpu.memory_space<vmem>>
      %dma_start3A_712 = tpu.memref_squeeze %dma_start3A_711 : memref<1x80x128xf32, #tpu.memory_space<vmem>> -> memref<80x128xf32, #tpu.memory_space<vmem>>
      %dma_start3A_713 = arith.constant 0 : i32
      %dma_start3A_714 = tpu.memref_slice %arg3[%add3A_698, %dma_start3A_713] : memref<320000x128xf32, #tpu.memory_space<hbm>> -> memref<80x128xf32, #tpu.memory_space<hbm>>
      tpu.enqueue_dma source(%dma_start3A_714 : memref<80x128xf32, #tpu.memory_space<hbm>>) target(%dma_start3A_712 : memref<80x128xf32, #tpu.memory_space<vmem>>) target_semaphore(%dma_start3A_708 : memref<!tpu.dma_semaphore, #tpu.memory_space<semaphore_mem>>)
      %dma_start3A_715 = arith.constant 0 : i32
      %dma_start3A_716 = arith.constant 0 : i32
      %dma_start3A_717 = arith.constant 0 : i32
      %dma_start3A_718 = arith.constant 0 : i32
      %dma_start3A_719 = arith.constant 0 : i32
      %dma_start3A_720 = tpu.memref_slice %arg10[%dma_start3A_716, %dma_start3A_718, %dma_start3A_719] : memref<2x80x128xf32, #tpu.memory_space<vmem>> -> memref<1x80x128xf32, #tpu.memory_space<vmem>>
      %dma_start3A_721 = tpu.memref_squeeze %dma_start3A_720 : memref<1x80x128xf32, #tpu.memory_space<vmem>> -> memref<80x128xf32, #tpu.memory_space<vmem>>
      %dma_start3A_722 = arith.constant 0 : i32
      %dma_start3A_723 = tpu.memref_slice %arg7[%dma_start3A_715, %dma_start3A_722] : memref<4x80xi32, #tpu.memory_space<vmem>> -> memref<1x80xi32, #tpu.memory_space<vmem>>
      %dma_start3A_724 = tpu.memref_squeeze %dma_start3A_723 : memref<1x80xi32, #tpu.memory_space<vmem>> -> memref<80xi32, #tpu.memory_space<vmem>>
      %dma_start3A_725 = arith.constant 0 : i32
      %dma_start3A_726 = arith.constant 0 : i32
      %dma_start3A_727 = tpu.memref_slice %arg2[%dma_start3A_725, %dma_start3A_726] : memref<10000x128xf32, #tpu.memory_space<hbm>> -> memref<10000x128xf32, #tpu.memory_space<hbm>>
      %dma_start3A_728 = tpu.memref_slice %arg13[%dma_start3A_717] : memref<2x!tpu.dma_semaphore, #tpu.memory_space<semaphore_mem>> -> memref<1x!tpu.dma_semaphore, #tpu.memory_space<semaphore_mem>>
      %dma_start3A_729 = tpu.memref_squeeze %dma_start3A_728 : memref<1x!tpu.dma_semaphore, #tpu.memory_space<semaphore_mem>> -> memref<!tpu.dma_semaphore, #tpu.memory_space<semaphore_mem>>
      tpu.enqueue_indirect_dma source(%dma_start3A_727 : memref<10000x128xf32, #tpu.memory_space<hbm>>) target(%dma_start3A_721 : memref<80x128xf32, #tpu.memory_space<vmem>>) offsets(%dma_start3A_724 : memref<80xi32, #tpu.memory_space<vmem>>) semaphore(%dma_start3A_729 : memref<!tpu.dma_semaphore, #tpu.memory_space<semaphore_mem>>)
      %scan3A_730 = arith.constant 0 : i32
      %scan3A_731 = arith.constant 0 : i32
      %scan3A_732 = arith.constant 40 : i32
      %scan3A_733 = arith.addi %scan3A_731, %scan3A_732 : i32
      %scan3A_734 = arith.constant 1 : i32
      %scan3A_735 = scf.for %scan3A_760 = %scan3A_731 to %scan3A_733 step %scan3A_734 iter_args(%scan3A_761 = %scan3A_730) -> (i32)  : i32 {
        %mul3A_762 = arith.constant 2 : i32
        %mul3A_763 = arith.muli %scan3A_760, %mul3A_762 : i32
        %add3A_764 = arith.constant 0 : i32
        %add3A_765 = arith.addi %mul3A_763, %add3A_764 : i32
        %get3A = arith.constant 1 : i32
        %get3A_766 = arith.index_cast %get3A : i32 to index
        %get3A_767 = arith.index_cast %add3A_765 : i32 to index
        %get3A_768 = arith.constant 0 : index
        %get3A_769 = tpu.vector_load %arg10[%get3A_766, %get3A_767, %get3A_768] {strides = array<i32>} : memref<2x80x128xf32, #tpu.memory_space<vmem>>, vector<1x1x16xf32>,
        %get3A_770 = vector.shape_cast %get3A_769 : vector<1x1x16xf32> to vector<16xf32>
        %get3A_771 = arith.constant 1 : i32
        %get3A_772 = arith.index_cast %get3A_771 : i32 to index
        %get3A_773 = arith.index_cast %add3A_765 : i32 to index
        %get3A_774 = arith.constant 0 : index
        %get3A_775 = tpu.vector_load %arg9[%get3A_772, %get3A_773, %get3A_774] {strides = array<i32>} : memref<2x80x128xf32, #tpu.memory_space<vmem>>, vector<1x1x16xf32>,
        %get3A_776 = vector.shape_cast %get3A_775 : vector<1x1x16xf32> to vector<16xf32>
        %mul3A_777 = arith.mulf %get3A_770, %get3A_776 : vector<16xf32>
        %swap3A = arith.constant 1 : i32
        %swap3A_778 = arith.index_cast %swap3A : i32 to index
        %swap3A_779 = arith.index_cast %add3A_765 : i32 to index
        %swap3A_780 = arith.constant 0 : index
        %swap3A_781 = tpu.vector_load %arg10[%swap3A_778, %swap3A_779, %swap3A_780] {strides = array<i32>} : memref<2x80x128xf32, #tpu.memory_space<vmem>>, vector<1x1x16xf32>,
        %swap3A_782 = vector.shape_cast %swap3A_781 : vector<1x1x16xf32> to vector<16xf32>
        %swap3A_783 = vector.shape_cast %mul3A_777 : vector<16xf32> to vector<1x1x16xf32>
        tpu.vector_store %arg10[%swap3A_778, %swap3A_779, %swap3A_780], %swap3A_783 {strides = array<i32>} : memref<2x80x128xf32, #tpu.memory_space<vmem>>, vector<1x1x16xf32>,
        %get3A_784 = arith.constant 1 : i32
        %get3A_785 = arith.index_cast %get3A_784 : i32 to index
        %get3A_786 = arith.index_cast %add3A_765 : i32 to index
        %get3A_787 = arith.constant 16 : index
        %get3A_788 = tpu.vector_load %arg10[%get3A_785, %get3A_786, %get3A_787] {strides = array<i32>} : memref<2x80x128xf32, #tpu.memory_space<vmem>>, vector<1x1x16xf32>,
        %get3A_789 = vector.shape_cast %get3A_788 : vector<1x1x16xf32> to vector<16xf32>
        %get3A_790 = arith.constant 1 : i32
        %get3A_791 = arith.index_cast %get3A_790 : i32 to index
        %get3A_792 = arith.index_cast %add3A_765 : i32 to index
        %get3A_793 = arith.constant 16 : index
        %get3A_794 = tpu.vector_load %arg9[%get3A_791, %get3A_792, %get3A_793] {strides = array<i32>} : memref<2x80x128xf32, #tpu.memory_space<vmem>>, vector<1x1x16xf32>,
        %get3A_795 = vector.shape_cast %get3A_794 : vector<1x1x16xf32> to vector<16xf32>
        %mul3A_796 = arith.mulf %get3A_789, %get3A_795 : vector<16xf32>
        %swap3A_797 = arith.constant 1 : i32
        %swap3A_798 = arith.index_cast %swap3A_797 : i32 to index
        %swap3A_799 = arith.index_cast %add3A_765 : i32 to index
        %swap3A_800 = arith.constant 16 : index
        %swap3A_801 = tpu.vector_load %arg10[%swap3A_798, %swap3A_799, %swap3A_800] {strides = array<i32>} : memref<2x80x128xf32, #tpu.memory_space<vmem>>, vector<1x1x16xf32>,
        %swap3A_802 = vector.shape_cast %swap3A_801 : vector<1x1x16xf32> to vector<16xf32>
        %swap3A_803 = vector.shape_cast %mul3A_796 : vector<16xf32> to vector<1x1x16xf32>
        tpu.vector_store %arg10[%swap3A_798, %swap3A_799, %swap3A_800], %swap3A_803 {strides = array<i32>} : memref<2x80x128xf32, #tpu.memory_space<vmem>>, vector<1x1x16xf32>,
        %get3A_804 = arith.constant 1 : i32
        %get3A_805 = arith.index_cast %get3A_804 : i32 to index
        %get3A_806 = arith.index_cast %add3A_765 : i32 to index
        %get3A_807 = arith.constant 32 : index
        %get3A_808 = tpu.vector_load %arg10[%get3A_805, %get3A_806, %get3A_807] {strides = array<i32>} : memref<2x80x128xf32, #tpu.memory_space<vmem>>, vector<1x1x16xf32>,
        %get3A_809 = vector.shape_cast %get3A_808 : vector<1x1x16xf32> to vector<16xf32>
        %get3A_810 = arith.constant 1 : i32
        %get3A_811 = arith.index_cast %get3A_810 : i32 to index
        %get3A_812 = arith.index_cast %add3A_765 : i32 to index
        %get3A_813 = arith.constant 32 : index
        %get3A_814 = tpu.vector_load %arg9[%get3A_811, %get3A_812, %get3A_813] {strides = array<i32>} : memref<2x80x128xf32, #tpu.memory_space<vmem>>, vector<1x1x16xf32>,
        %get3A_815 = vector.shape_cast %get3A_814 : vector<1x1x16xf32> to vector<16xf32>
        %mul3A_816 = arith.mulf %get3A_809, %get3A_815 : vector<16xf32>
        %swap3A_817 = arith.constant 1 : i32
        %swap3A_818 = arith.index_cast %swap3A_817 : i32 to index
        %swap3A_819 = arith.index_cast %add3A_765 : i32 to index
        %swap3A_820 = arith.constant 32 : index
        %swap3A_821 = tpu.vector_load %arg10[%swap3A_818, %swap3A_819, %swap3A_820] {strides = array<i32>} : memref<2x80x128xf32, #tpu.memory_space<vmem>>, vector<1x1x16xf32>,
        %swap3A_822 = vector.shape_cast %swap3A_821 : vector<1x1x16xf32> to vector<16xf32>
        %swap3A_823 = vector.shape_cast %mul3A_816 : vector<16xf32> to vector<1x1x16xf32>
        tpu.vector_store %arg10[%swap3A_818, %swap3A_819, %swap3A_820], %swap3A_823 {strides = array<i32>} : memref<2x80x128xf32, #tpu.memory_space<vmem>>, vector<1x1x16xf32>,
        %get3A_824 = arith.constant 1 : i32
        %get3A_825 = arith.index_cast %get3A_824 : i32 to index
        %get3A_826 = arith.index_cast %add3A_765 : i32 to index
        %get3A_827 = arith.constant 48 : index
        %get3A_828 = tpu.vector_load %arg10[%get3A_825, %get3A_826, %get3A_827] {strides = array<i32>} : memref<2x80x128xf32, #tpu.memory_space<vmem>>, vector<1x1x16xf32>,
        %get3A_829 = vector.shape_cast %get3A_828 : vector<1x1x16xf32> to vector<16xf32>
        %get3A_830 = arith.constant 1 : i32
        %get3A_831 = arith.index_cast %get3A_830 : i32 to index
        %get3A_832 = arith.index_cast %add3A_765 : i32 to index
        %get3A_833 = arith.constant 48 : index
        %get3A_834 = tpu.vector_load %arg9[%get3A_831, %get3A_832, %get3A_833] {strides = array<i32>} : memref<2x80x128xf32, #tpu.memory_space<vmem>>, vector<1x1x16xf32>,
        %get3A_835 = vector.shape_cast %get3A_834 : vector<1x1x16xf32> to vector<16xf32>
        %mul3A_836 = arith.mulf %get3A_829, %get3A_835 : vector<16xf32>
        %swap3A_837 = arith.constant 1 : i32
        %swap3A_838 = arith.index_cast %swap3A_837 : i32 to index
        %swap3A_839 = arith.index_cast %add3A_765 : i32 to index
        %swap3A_840 = arith.constant 48 : index
        %swap3A_841 = tpu.vector_load %arg10[%swap3A_838, %swap3A_839, %swap3A_840] {strides = array<i32>} : memref<2x80x128xf32, #tpu.memory_space<vmem>>, vector<1x1x16xf32>,
        %swap3A_842 = vector.shape_cast %swap3A_841 : vector<1x1x16xf32> to vector<16xf32>
        %swap3A_843 = vector.shape_cast %mul3A_836 : vector<16xf32> to vector<1x1x16xf32>
        tpu.vector_store %arg10[%swap3A_838, %swap3A_839, %swap3A_840], %swap3A_843 {strides = array<i32>} : memref<2x80x128xf32, #tpu.memory_space<vmem>>, vector<1x1x16xf32>,
        %get3A_844 = arith.constant 1 : i32
        %get3A_845 = arith.index_cast %get3A_844 : i32 to index
        %get3A_846 = arith.index_cast %add3A_765 : i32 to index
        %get3A_847 = arith.constant 64 : index
        %get3A_848 = tpu.vector_load %arg10[%get3A_845, %get3A_846, %get3A_847] {strides = array<i32>} : memref<2x80x128xf32, #tpu.memory_space<vmem>>, vector<1x1x16xf32>,
        %get3A_849 = vector.shape_cast %get3A_848 : vector<1x1x16xf32> to vector<16xf32>
        %get3A_850 = arith.constant 1 : i32
        %get3A_851 = arith.index_cast %get3A_850 : i32 to index
        %get3A_852 = arith.index_cast %add3A_765 : i32 to index
        %get3A_853 = arith.constant 64 : index
        %get3A_854 = tpu.vector_load %arg9[%get3A_851, %get3A_852, %get3A_853] {strides = array<i32>} : memref<2x80x128xf32, #tpu.memory_space<vmem>>, vector<1x1x16xf32>,
        %get3A_855 = vector.shape_cast %get3A_854 : vector<1x1x16xf32> to vector<16xf32>
        %mul3A_856 = arith.mulf %get3A_849, %get3A_855 : vector<16xf32>
        %swap3A_857 = arith.constant 1 : i32
        %swap3A_858 = arith.index_cast %swap3A_857 : i32 to index
        %swap3A_859 = arith.index_cast %add3A_765 : i32 to index
        %swap3A_860 = arith.constant 64 : index
        %swap3A_861 = tpu.vector_load %arg10[%swap3A_858, %swap3A_859, %swap3A_860] {strides = array<i32>} : memref<2x80x128xf32, #tpu.memory_space<vmem>>, vector<1x1x16xf32>,
        %swap3A_862 = vector.shape_cast %swap3A_861 : vector<1x1x16xf32> to vector<16xf32>
        %swap3A_863 = vector.shape_cast %mul3A_856 : vector<16xf32> to vector<1x1x16xf32>
        tpu.vector_store %arg10[%swap3A_858, %swap3A_859, %swap3A_860], %swap3A_863 {strides = array<i32>} : memref<2x80x128xf32, #tpu.memory_space<vmem>>, vector<1x1x16xf32>,
        %get3A_864 = arith.constant 1 : i32
        %get3A_865 = arith.index_cast %get3A_864 : i32 to index
        %get3A_866 = arith.index_cast %add3A_765 : i32 to index
        %get3A_867 = arith.constant 80 : index
        %get3A_868 = tpu.vector_load %arg10[%get3A_865, %get3A_866, %get3A_867] {strides = array<i32>} : memref<2x80x128xf32, #tpu.memory_space<vmem>>, vector<1x1x16xf32>,
        %get3A_869 = vector.shape_cast %get3A_868 : vector<1x1x16xf32> to vector<16xf32>
        %get3A_870 = arith.constant 1 : i32
        %get3A_871 = arith.index_cast %get3A_870 : i32 to index
        %get3A_872 = arith.index_cast %add3A_765 : i32 to index
        %get3A_873 = arith.constant 80 : index
        %get3A_874 = tpu.vector_load %arg9[%get3A_871, %get3A_872, %get3A_873] {strides = array<i32>} : memref<2x80x128xf32, #tpu.memory_space<vmem>>, vector<1x1x16xf32>,
        %get3A_875 = vector.shape_cast %get3A_874 : vector<1x1x16xf32> to vector<16xf32>
        %mul3A_876 = arith.mulf %get3A_869, %get3A_875 : vector<16xf32>
        %swap3A_877 = arith.constant 1 : i32
        %swap3A_878 = arith.index_cast %swap3A_877 : i32 to index
        %swap3A_879 = arith.index_cast %add3A_765 : i32 to index
        %swap3A_880 = arith.constant 80 : index
        %swap3A_881 = tpu.vector_load %arg10[%swap3A_878, %swap3A_879, %swap3A_880] {strides = array<i32>} : memref<2x80x128xf32, #tpu.memory_space<vmem>>, vector<1x1x16xf32>,
        %swap3A_882 = vector.shape_cast %swap3A_881 : vector<1x1x16xf32> to vector<16xf32>
        %swap3A_883 = vector.shape_cast %mul3A_876 : vector<16xf32> to vector<1x1x16xf32>
        tpu.vector_store %arg10[%swap3A_878, %swap3A_879, %swap3A_880], %swap3A_883 {strides = array<i32>} : memref<2x80x128xf32, #tpu.memory_space<vmem>>, vector<1x1x16xf32>,
        %get3A_884 = arith.constant 1 : i32
        %get3A_885 = arith.index_cast %get3A_884 : i32 to index
        %get3A_886 = arith.index_cast %add3A_765 : i32 to index
        %get3A_887 = arith.constant 96 : index
        %get3A_888 = tpu.vector_load %arg10[%get3A_885, %get3A_886, %get3A_887] {strides = array<i32>} : memref<2x80x128xf32, #tpu.memory_space<vmem>>, vector<1x1x16xf32>,
        %get3A_889 = vector.shape_cast %get3A_888 : vector<1x1x16xf32> to vector<16xf32>
        %get3A_890 = arith.constant 1 : i32
        %get3A_891 = arith.index_cast %get3A_890 : i32 to index
        %get3A_892 = arith.index_cast %add3A_765 : i32 to index
        %get3A_893 = arith.constant 96 : index
        %get3A_894 = tpu.vector_load %arg9[%get3A_891, %get3A_892, %get3A_893] {strides = array<i32>} : memref<2x80x128xf32, #tpu.memory_space<vmem>>, vector<1x1x16xf32>,
        %get3A_895 = vector.shape_cast %get3A_894 : vector<1x1x16xf32> to vector<16xf32>
        %mul3A_896 = arith.mulf %get3A_889, %get3A_895 : vector<16xf32>
        %swap3A_897 = arith.constant 1 : i32
        %swap3A_898 = arith.index_cast %swap3A_897 : i32 to index
        %swap3A_899 = arith.index_cast %add3A_765 : i32 to index
        %swap3A_900 = arith.constant 96 : index
        %swap3A_901 = tpu.vector_load %arg10[%swap3A_898, %swap3A_899, %swap3A_900] {strides = array<i32>} : memref<2x80x128xf32, #tpu.memory_space<vmem>>, vector<1x1x16xf32>,
        %swap3A_902 = vector.shape_cast %swap3A_901 : vector<1x1x16xf32> to vector<16xf32>
        %swap3A_903 = vector.shape_cast %mul3A_896 : vector<16xf32> to vector<1x1x16xf32>
        tpu.vector_store %arg10[%swap3A_898, %swap3A_899, %swap3A_900], %swap3A_903 {strides = array<i32>} : memref<2x80x128xf32, #tpu.memory_space<vmem>>, vector<1x1x16xf32>,
        %get3A_904 = arith.constant 1 : i32
        %get3A_905 = arith.index_cast %get3A_904 : i32 to index
        %get3A_906 = arith.index_cast %add3A_765 : i32 to index
        %get3A_907 = arith.constant 112 : index
        %get3A_908 = tpu.vector_load %arg10[%get3A_905, %get3A_906, %get3A_907] {strides = array<i32>} : memref<2x80x128xf32, #tpu.memory_space<vmem>>, vector<1x1x16xf32>,
        %get3A_909 = vector.shape_cast %get3A_908 : vector<1x1x16xf32> to vector<16xf32>
        %get3A_910 = arith.constant 1 : i32
        %get3A_911 = arith.index_cast %get3A_910 : i32 to index
        %get3A_912 = arith.index_cast %add3A_765 : i32 to index
        %get3A_913 = arith.constant 112 : index
        %get3A_914 = tpu.vector_load %arg9[%get3A_911, %get3A_912, %get3A_913] {strides = array<i32>} : memref<2x80x128xf32, #tpu.memory_space<vmem>>, vector<1x1x16xf32>,
        %get3A_915 = vector.shape_cast %get3A_914 : vector<1x1x16xf32> to vector<16xf32>
        %mul3A_916 = arith.mulf %get3A_909, %get3A_915 : vector<16xf32>
        %swap3A_917 = arith.constant 1 : i32
        %swap3A_918 = arith.index_cast %swap3A_917 : i32 to index
        %swap3A_919 = arith.index_cast %add3A_765 : i32 to index
        %swap3A_920 = arith.constant 112 : index
        %swap3A_921 = tpu.vector_load %arg10[%swap3A_918, %swap3A_919, %swap3A_920] {strides = array<i32>} : memref<2x80x128xf32, #tpu.memory_space<vmem>>, vector<1x1x16xf32>,
        %swap3A_922 = vector.shape_cast %swap3A_921 : vector<1x1x16xf32> to vector<16xf32>
        %swap3A_923 = vector.shape_cast %mul3A_916 : vector<16xf32> to vector<1x1x16xf32>
        tpu.vector_store %arg10[%swap3A_918, %swap3A_919, %swap3A_920], %swap3A_923 {strides = array<i32>} : memref<2x80x128xf32, #tpu.memory_space<vmem>>, vector<1x1x16xf32>,
        %mul3A_924 = arith.constant 2 : i32
        %mul3A_925 = arith.muli %scan3A_760, %mul3A_924 : i32
        %add3A_926 = arith.constant 1 : i32
        %add3A_927 = arith.addi %mul3A_925, %add3A_926 : i32
        %get3A_928 = arith.constant 1 : i32
        %get3A_929 = arith.index_cast %get3A_928 : i32 to index
        %get3A_930 = arith.index_cast %add3A_927 : i32 to index
        %get3A_931 = arith.constant 0 : index
        %get3A_932 = tpu.vector_load %arg10[%get3A_929, %get3A_930, %get3A_931] {strides = array<i32>} : memref<2x80x128xf32, #tpu.memory_space<vmem>>, vector<1x1x16xf32>,
        %get3A_933 = vector.shape_cast %get3A_932 : vector<1x1x16xf32> to vector<16xf32>
        %get3A_934 = arith.constant 1 : i32
        %get3A_935 = arith.index_cast %get3A_934 : i32 to index
        %get3A_936 = arith.index_cast %add3A_927 : i32 to index
        %get3A_937 = arith.constant 0 : index
        %get3A_938 = tpu.vector_load %arg9[%get3A_935, %get3A_936, %get3A_937] {strides = array<i32>} : memref<2x80x128xf32, #tpu.memory_space<vmem>>, vector<1x1x16xf32>,
        %get3A_939 = vector.shape_cast %get3A_938 : vector<1x1x16xf32> to vector<16xf32>
        %mul3A_940 = arith.mulf %get3A_933, %get3A_939 : vector<16xf32>
        %swap3A_941 = arith.constant 1 : i32
        %swap3A_942 = arith.index_cast %swap3A_941 : i32 to index
        %swap3A_943 = arith.index_cast %add3A_927 : i32 to index
        %swap3A_944 = arith.constant 0 : index
        %swap3A_945 = tpu.vector_load %arg10[%swap3A_942, %swap3A_943, %swap3A_944] {strides = array<i32>} : memref<2x80x128xf32, #tpu.memory_space<vmem>>, vector<1x1x16xf32>,
        %swap3A_946 = vector.shape_cast %swap3A_945 : vector<1x1x16xf32> to vector<16xf32>
        %swap3A_947 = vector.shape_cast %mul3A_940 : vector<16xf32> to vector<1x1x16xf32>
        tpu.vector_store %arg10[%swap3A_942, %swap3A_943, %swap3A_944], %swap3A_947 {strides = array<i32>} : memref<2x80x128xf32, #tpu.memory_space<vmem>>, vector<1x1x16xf32>,
        %get3A_948 = arith.constant 1 : i32
        %get3A_949 = arith.index_cast %get3A_948 : i32 to index
        %get3A_950 = arith.index_cast %add3A_927 : i32 to index
        %get3A_951 = arith.constant 16 : index
        %get3A_952 = tpu.vector_load %arg10[%get3A_949, %get3A_950, %get3A_951] {strides = array<i32>} : memref<2x80x128xf32, #tpu.memory_space<vmem>>, vector<1x1x16xf32>,
        %get3A_953 = vector.shape_cast %get3A_952 : vector<1x1x16xf32> to vector<16xf32>
        %get3A_954 = arith.constant 1 : i32
        %get3A_955 = arith.index_cast %get3A_954 : i32 to index
        %get3A_956 = arith.index_cast %add3A_927 : i32 to index
        %get3A_957 = arith.constant 16 : index
        %get3A_958 = tpu.vector_load %arg9[%get3A_955, %get3A_956, %get3A_957] {strides = array<i32>} : memref<2x80x128xf32, #tpu.memory_space<vmem>>, vector<1x1x16xf32>,
        %get3A_959 = vector.shape_cast %get3A_958 : vector<1x1x16xf32> to vector<16xf32>
        %mul3A_960 = arith.mulf %get3A_953, %get3A_959 : vector<16xf32>
        %swap3A_961 = arith.constant 1 : i32
        %swap3A_962 = arith.index_cast %swap3A_961 : i32 to index
        %swap3A_963 = arith.index_cast %add3A_927 : i32 to index
        %swap3A_964 = arith.constant 16 : index
        %swap3A_965 = tpu.vector_load %arg10[%swap3A_962, %swap3A_963, %swap3A_964] {strides = array<i32>} : memref<2x80x128xf32, #tpu.memory_space<vmem>>, vector<1x1x16xf32>,
        %swap3A_966 = vector.shape_cast %swap3A_965 : vector<1x1x16xf32> to vector<16xf32>
        %swap3A_967 = vector.shape_cast %mul3A_960 : vector<16xf32> to vector<1x1x16xf32>
        tpu.vector_store %arg10[%swap3A_962, %swap3A_963, %swap3A_964], %swap3A_967 {strides = array<i32>} : memref<2x80x128xf32, #tpu.memory_space<vmem>>, vector<1x1x16xf32>,
        %get3A_968 = arith.constant 1 : i32
        %get3A_969 = arith.index_cast %get3A_968 : i32 to index
        %get3A_970 = arith.index_cast %add3A_927 : i32 to index
        %get3A_971 = arith.constant 32 : index
        %get3A_972 = tpu.vector_load %arg10[%get3A_969, %get3A_970, %get3A_971] {strides = array<i32>} : memref<2x80x128xf32, #tpu.memory_space<vmem>>, vector<1x1x16xf32>,
        %get3A_973 = vector.shape_cast %get3A_972 : vector<1x1x16xf32> to vector<16xf32>
        %get3A_974 = arith.constant 1 : i32
        %get3A_975 = arith.index_cast %get3A_974 : i32 to index
        %get3A_976 = arith.index_cast %add3A_927 : i32 to index
        %get3A_977 = arith.constant 32 : index
        %get3A_978 = tpu.vector_load %arg9[%get3A_975, %get3A_976, %get3A_977] {strides = array<i32>} : memref<2x80x128xf32, #tpu.memory_space<vmem>>, vector<1x1x16xf32>,
        %get3A_979 = vector.shape_cast %get3A_978 : vector<1x1x16xf32> to vector<16xf32>
        %mul3A_980 = arith.mulf %get3A_973, %get3A_979 : vector<16xf32>
        %swap3A_981 = arith.constant 1 : i32
        %swap3A_982 = arith.index_cast %swap3A_981 : i32 to index
        %swap3A_983 = arith.index_cast %add3A_927 : i32 to index
        %swap3A_984 = arith.constant 32 : index
        %swap3A_985 = tpu.vector_load %arg10[%swap3A_982, %swap3A_983, %swap3A_984] {strides = array<i32>} : memref<2x80x128xf32, #tpu.memory_space<vmem>>, vector<1x1x16xf32>,
        %swap3A_986 = vector.shape_cast %swap3A_985 : vector<1x1x16xf32> to vector<16xf32>
        %swap3A_987 = vector.shape_cast %mul3A_980 : vector<16xf32> to vector<1x1x16xf32>
        tpu.vector_store %arg10[%swap3A_982, %swap3A_983, %swap3A_984], %swap3A_987 {strides = array<i32>} : memref<2x80x128xf32, #tpu.memory_space<vmem>>, vector<1x1x16xf32>,
        %get3A_988 = arith.constant 1 : i32
        %get3A_989 = arith.index_cast %get3A_988 : i32 to index
        %get3A_990 = arith.index_cast %add3A_927 : i32 to index
        %get3A_991 = arith.constant 48 : index
        %get3A_992 = tpu.vector_load %arg10[%get3A_989, %get3A_990, %get3A_991] {strides = array<i32>} : memref<2x80x128xf32, #tpu.memory_space<vmem>>, vector<1x1x16xf32>,
        %get3A_993 = vector.shape_cast %get3A_992 : vector<1x1x16xf32> to vector<16xf32>
        %get3A_994 = arith.constant 1 : i32
        %get3A_995 = arith.index_cast %get3A_994 : i32 to index
        %get3A_996 = arith.index_cast %add3A_927 : i32 to index
        %get3A_997 = arith.constant 48 : index
        %get3A_998 = tpu.vector_load %arg9[%get3A_995, %get3A_996, %get3A_997] {strides = array<i32>} : memref<2x80x128xf32, #tpu.memory_space<vmem>>, vector<1x1x16xf32>,
        %get3A_999 = vector.shape_cast %get3A_998 : vector<1x1x16xf32> to vector<16xf32>
        %mul3A_1000 = arith.mulf %get3A_993, %get3A_999 : vector<16xf32>
        %swap3A_1001 = arith.constant 1 : i32
        %swap3A_1002 = arith.index_cast %swap3A_1001 : i32 to index
        %swap3A_1003 = arith.index_cast %add3A_927 : i32 to index
        %swap3A_1004 = arith.constant 48 : index
        %swap3A_1005 = tpu.vector_load %arg10[%swap3A_1002, %swap3A_1003, %swap3A_1004] {strides = array<i32>} : memref<2x80x128xf32, #tpu.memory_space<vmem>>, vector<1x1x16xf32>,
        %swap3A_1006 = vector.shape_cast %swap3A_1005 : vector<1x1x16xf32> to vector<16xf32>
        %swap3A_1007 = vector.shape_cast %mul3A_1000 : vector<16xf32> to vector<1x1x16xf32>
        tpu.vector_store %arg10[%swap3A_1002, %swap3A_1003, %swap3A_1004], %swap3A_1007 {strides = array<i32>} : memref<2x80x128xf32, #tpu.memory_space<vmem>>, vector<1x1x16xf32>,
        %get3A_1008 = arith.constant 1 : i32
        %get3A_1009 = arith.index_cast %get3A_1008 : i32 to index
        %get3A_1010 = arith.index_cast %add3A_927 : i32 to index
        %get3A_1011 = arith.constant 64 : index
        %get3A_1012 = tpu.vector_load %arg10[%get3A_1009, %get3A_1010, %get3A_1011] {strides = array<i32>} : memref<2x80x128xf32, #tpu.memory_space<vmem>>, vector<1x1x16xf32>,
        %get3A_1013 = vector.shape_cast %get3A_1012 : vector<1x1x16xf32> to vector<16xf32>
        %get3A_1014 = arith.constant 1 : i32
        %get3A_1015 = arith.index_cast %get3A_1014 : i32 to index
        %get3A_1016 = arith.index_cast %add3A_927 : i32 to index
        %get3A_1017 = arith.constant 64 : index
        %get3A_1018 = tpu.vector_load %arg9[%get3A_1015, %get3A_1016, %get3A_1017] {strides = array<i32>} : memref<2x80x128xf32, #tpu.memory_space<vmem>>, vector<1x1x16xf32>,
        %get3A_1019 = vector.shape_cast %get3A_1018 : vector<1x1x16xf32> to vector<16xf32>
        %mul3A_1020 = arith.mulf %get3A_1013, %get3A_1019 : vector<16xf32>
        %swap3A_1021 = arith.constant 1 : i32
        %swap3A_1022 = arith.index_cast %swap3A_1021 : i32 to index
        %swap3A_1023 = arith.index_cast %add3A_927 : i32 to index
        %swap3A_1024 = arith.constant 64 : index
        %swap3A_1025 = tpu.vector_load %arg10[%swap3A_1022, %swap3A_1023, %swap3A_1024] {strides = array<i32>} : memref<2x80x128xf32, #tpu.memory_space<vmem>>, vector<1x1x16xf32>,
        %swap3A_1026 = vector.shape_cast %swap3A_1025 : vector<1x1x16xf32> to vector<16xf32>
        %swap3A_1027 = vector.shape_cast %mul3A_1020 : vector<16xf32> to vector<1x1x16xf32>
        tpu.vector_store %arg10[%swap3A_1022, %swap3A_1023, %swap3A_1024], %swap3A_1027 {strides = array<i32>} : memref<2x80x128xf32, #tpu.memory_space<vmem>>, vector<1x1x16xf32>,
        %get3A_1028 = arith.constant 1 : i32
        %get3A_1029 = arith.index_cast %get3A_1028 : i32 to index
        %get3A_1030 = arith.index_cast %add3A_927 : i32 to index
        %get3A_1031 = arith.constant 80 : index
        %get3A_1032 = tpu.vector_load %arg10[%get3A_1029, %get3A_1030, %get3A_1031] {strides = array<i32>} : memref<2x80x128xf32, #tpu.memory_space<vmem>>, vector<1x1x16xf32>,
        %get3A_1033 = vector.shape_cast %get3A_1032 : vector<1x1x16xf32> to vector<16xf32>
        %get3A_1034 = arith.constant 1 : i32
        %get3A_1035 = arith.index_cast %get3A_1034 : i32 to index
        %get3A_1036 = arith.index_cast %add3A_927 : i32 to index
        %get3A_1037 = arith.constant 80 : index
        %get3A_1038 = tpu.vector_load %arg9[%get3A_1035, %get3A_1036, %get3A_1037] {strides = array<i32>} : memref<2x80x128xf32, #tpu.memory_space<vmem>>, vector<1x1x16xf32>,
        %get3A_1039 = vector.shape_cast %get3A_1038 : vector<1x1x16xf32> to vector<16xf32>
        %mul3A_1040 = arith.mulf %get3A_1033, %get3A_1039 : vector<16xf32>
        %swap3A_1041 = arith.constant 1 : i32
        %swap3A_1042 = arith.index_cast %swap3A_1041 : i32 to index
        %swap3A_1043 = arith.index_cast %add3A_927 : i32 to index
        %swap3A_1044 = arith.constant 80 : index
        %swap3A_1045 = tpu.vector_load %arg10[%swap3A_1042, %swap3A_1043, %swap3A_1044] {strides = array<i32>} : memref<2x80x128xf32, #tpu.memory_space<vmem>>, vector<1x1x16xf32>,
        %swap3A_1046 = vector.shape_cast %swap3A_1045 : vector<1x1x16xf32> to vector<16xf32>
        %swap3A_1047 = vector.shape_cast %mul3A_1040 : vector<16xf32> to vector<1x1x16xf32>
        tpu.vector_store %arg10[%swap3A_1042, %swap3A_1043, %swap3A_1044], %swap3A_1047 {strides = array<i32>} : memref<2x80x128xf32, #tpu.memory_space<vmem>>, vector<1x1x16xf32>,
        %get3A_1048 = arith.constant 1 : i32
        %get3A_1049 = arith.index_cast %get3A_1048 : i32 to index
        %get3A_1050 = arith.index_cast %add3A_927 : i32 to index
        %get3A_1051 = arith.constant 96 : index
        %get3A_1052 = tpu.vector_load %arg10[%get3A_1049, %get3A_1050, %get3A_1051] {strides = array<i32>} : memref<2x80x128xf32, #tpu.memory_space<vmem>>, vector<1x1x16xf32>,
        %get3A_1053 = vector.shape_cast %get3A_1052 : vector<1x1x16xf32> to vector<16xf32>
        %get3A_1054 = arith.constant 1 : i32
        %get3A_1055 = arith.index_cast %get3A_1054 : i32 to index
        %get3A_1056 = arith.index_cast %add3A_927 : i32 to index
        %get3A_1057 = arith.constant 96 : index
        %get3A_1058 = tpu.vector_load %arg9[%get3A_1055, %get3A_1056, %get3A_1057] {strides = array<i32>} : memref<2x80x128xf32, #tpu.memory_space<vmem>>, vector<1x1x16xf32>,
        %get3A_1059 = vector.shape_cast %get3A_1058 : vector<1x1x16xf32> to vector<16xf32>
        %mul3A_1060 = arith.mulf %get3A_1053, %get3A_1059 : vector<16xf32>
        %swap3A_1061 = arith.constant 1 : i32
        %swap3A_1062 = arith.index_cast %swap3A_1061 : i32 to index
        %swap3A_1063 = arith.index_cast %add3A_927 : i32 to index
        %swap3A_1064 = arith.constant 96 : index
        %swap3A_1065 = tpu.vector_load %arg10[%swap3A_1062, %swap3A_1063, %swap3A_1064] {strides = array<i32>} : memref<2x80x128xf32, #tpu.memory_space<vmem>>, vector<1x1x16xf32>,
        %swap3A_1066 = vector.shape_cast %swap3A_1065 : vector<1x1x16xf32> to vector<16xf32>
        %swap3A_1067 = vector.shape_cast %mul3A_1060 : vector<16xf32> to vector<1x1x16xf32>
        tpu.vector_store %arg10[%swap3A_1062, %swap3A_1063, %swap3A_1064], %swap3A_1067 {strides = array<i32>} : memref<2x80x128xf32, #tpu.memory_space<vmem>>, vector<1x1x16xf32>,
        %get3A_1068 = arith.constant 1 : i32
        %get3A_1069 = arith.index_cast %get3A_1068 : i32 to index
        %get3A_1070 = arith.index_cast %add3A_927 : i32 to index
        %get3A_1071 = arith.constant 112 : index
        %get3A_1072 = tpu.vector_load %arg10[%get3A_1069, %get3A_1070, %get3A_1071] {strides = array<i32>} : memref<2x80x128xf32, #tpu.memory_space<vmem>>, vector<1x1x16xf32>,
        %get3A_1073 = vector.shape_cast %get3A_1072 : vector<1x1x16xf32> to vector<16xf32>
        %get3A_1074 = arith.constant 1 : i32
        %get3A_1075 = arith.index_cast %get3A_1074 : i32 to index
        %get3A_1076 = arith.index_cast %add3A_927 : i32 to index
        %get3A_1077 = arith.constant 112 : index
        %get3A_1078 = tpu.vector_load %arg9[%get3A_1075, %get3A_1076, %get3A_1077] {strides = array<i32>} : memref<2x80x128xf32, #tpu.memory_space<vmem>>, vector<1x1x16xf32>,
        %get3A_1079 = vector.shape_cast %get3A_1078 : vector<1x1x16xf32> to vector<16xf32>
        %mul3A_1080 = arith.mulf %get3A_1073, %get3A_1079 : vector<16xf32>
        %swap3A_1081 = arith.constant 1 : i32
        %swap3A_1082 = arith.index_cast %swap3A_1081 : i32 to index
        %swap3A_1083 = arith.index_cast %add3A_927 : i32 to index
        %swap3A_1084 = arith.constant 112 : index
        %swap3A_1085 = tpu.vector_load %arg10[%swap3A_1082, %swap3A_1083, %swap3A_1084] {strides = array<i32>} : memref<2x80x128xf32, #tpu.memory_space<vmem>>, vector<1x1x16xf32>,
        %swap3A_1086 = vector.shape_cast %swap3A_1085 : vector<1x1x16xf32> to vector<16xf32>
        %swap3A_1087 = vector.shape_cast %mul3A_1080 : vector<16xf32> to vector<1x1x16xf32>
        tpu.vector_store %arg10[%swap3A_1082, %swap3A_1083, %swap3A_1084], %swap3A_1087 {strides = array<i32>} : memref<2x80x128xf32, #tpu.memory_space<vmem>>, vector<1x1x16xf32>,
        %scan3A_1088 = arith.constant 0 : i32
        scf.yield %scan3A_1088 : i32
      }
      %scan3A_736 = arith.constant 40 : i32
      %dma_start3A_737 = arith.constant 1 : i32
      %dma_start3A_738 = arith.constant 3 : i32
      %dma_start3A_739 = arith.constant 1 : i32
      %dma_start3A_740 = arith.constant 0 : i32
      %dma_start3A_741 = arith.constant 0 : i32
      %dma_start3A_742 = tpu.memref_slice %arg10[%dma_start3A_737, %dma_start3A_740, %dma_start3A_741] : memref<2x80x128xf32, #tpu.memory_space<vmem>> -> memref<1x80x128xf32, #tpu.memory_space<vmem>>
      %dma_start3A_743 = tpu.memref_squeeze %dma_start3A_742 : memref<1x80x128xf32, #tpu.memory_space<vmem>> -> memref<80x128xf32, #tpu.memory_space<vmem>>
      %dma_start3A_744 = arith.constant 0 : i32
      %dma_start3A_745 = tpu.memref_slice %arg8[%dma_start3A_738, %dma_start3A_744] : memref<4x80xi32, #tpu.memory_space<vmem>> -> memref<1x80xi32, #tpu.memory_space<vmem>>
      %dma_start3A_746 = tpu.memref_squeeze %dma_start3A_745 : memref<1x80xi32, #tpu.memory_space<vmem>> -> memref<80xi32, #tpu.memory_space<vmem>>
      %dma_start3A_747 = arith.constant 0 : i32
      %dma_start3A_748 = arith.constant 0 : i32
      %dma_start3A_749 = tpu.memref_slice %arg11[%dma_start3A_747, %dma_start3A_748] : memref<10000x128xf32, #tpu.memory_space<vmem_shared>> -> memref<10000x128xf32, #tpu.memory_space<vmem_shared>>
      %dma_start3A_750 = tpu.memref_slice %arg15[%dma_start3A_739] : memref<2x!tpu.dma_semaphore, #tpu.memory_space<semaphore_mem>> -> memref<1x!tpu.dma_semaphore, #tpu.memory_space<semaphore_mem>>
      %dma_start3A_751 = tpu.memref_squeeze %dma_start3A_750 : memref<1x!tpu.dma_semaphore, #tpu.memory_space<semaphore_mem>> -> memref<!tpu.dma_semaphore, #tpu.memory_space<semaphore_mem>>
      tpu.enqueue_indirect_dma source(%dma_start3A_743 : memref<80x128xf32, #tpu.memory_space<vmem>>) target(%dma_start3A_749 : memref<10000x128xf32, #tpu.memory_space<vmem_shared>>) offsets(%dma_start3A_746 : memref<80xi32, #tpu.memory_space<vmem>>) semaphore(%dma_start3A_751 : memref<!tpu.dma_semaphore, #tpu.memory_space<semaphore_mem>>) {add = true}
      %add3A_752 = arith.constant 3 : i32
      %add3A_753 = arith.addi %add3A_627, %add3A_752 : i32
      %le3A_754 = arith.constant 124 : i32
      %le3A_755 = arith.cmpi sle, %add3A_753, %le3A_754 : i32
      %convert_element_type3A_756 = arith.extui %le3A_755 : i1 to i32
      %cond3A_757 = arith.constant 0 : i32
      %cond3A_758 = arith.cmpi ne, %convert_element_type3A_756, %cond3A_757 : i32
      scf.if %cond3A_758 {
        %add3A_760 = arith.constant 3 : i32
        %add3A_761 = arith.addi %add3A_627, %add3A_760 : i32
        %mul3A_762 = arith.constant 80 : i32
        %mul3A_763 = arith.muli %add3A_761, %mul3A_762 : i32
        %add3A_764 = arith.addi %mul3A_35, %mul3A_763 : i32
        %dma_start3A_765 = arith.constant 2 : i32
        %dma_start3A_766 = arith.constant 2 : i32
        %dma_start3A_767 = arith.constant 0 : i32
        %dma_start3A_768 = tpu.memref_slice %arg7[%dma_start3A_765, %dma_start3A_767] : memref<4x80xi32, #tpu.memory_space<vmem>> -> memref<1x80xi32, #tpu.memory_space<vmem>>
        %dma_start3A_769 = tpu.memref_squeeze %dma_start3A_768 : memref<1x80xi32, #tpu.memory_space<vmem>> -> memref<80xi32, #tpu.memory_space<vmem>>
        %dma_start3A_770 = tpu.memref_slice %arg4[%add3A_764] : memref<320000xi32, #tpu.memory_space<hbm>> -> memref<80xi32, #tpu.memory_space<hbm>>
        %dma_start3A_771 = tpu.memref_slice %arg12[%dma_start3A_766] : memref<4x!tpu.dma_semaphore, #tpu.memory_space<semaphore_mem>> -> memref<1x!tpu.dma_semaphore, #tpu.memory_space<semaphore_mem>>
        %dma_start3A_772 = tpu.memref_squeeze %dma_start3A_771 : memref<1x!tpu.dma_semaphore, #tpu.memory_space<semaphore_mem>> -> memref<!tpu.dma_semaphore, #tpu.memory_space<semaphore_mem>>
        %dma_start3A_773 = arith.constant 0 : i32
        %dma_start3A_774 = tpu.memref_slice %arg7[%dma_start3A_765, %dma_start3A_773] : memref<4x80xi32, #tpu.memory_space<vmem>> -> memref<1x80xi32, #tpu.memory_space<vmem>>
        %dma_start3A_775 = tpu.memref_squeeze %dma_start3A_774 : memref<1x80xi32, #tpu.memory_space<vmem>> -> memref<80xi32, #tpu.memory_space<vmem>>
        %dma_start3A_776 = tpu.memref_slice %arg4[%add3A_764] : memref<320000xi32, #tpu.memory_space<hbm>> -> memref<80xi32, #tpu.memory_space<hbm>>
        tpu.enqueue_dma source(%dma_start3A_776 : memref<80xi32, #tpu.memory_space<hbm>>) target(%dma_start3A_775 : memref<80xi32, #tpu.memory_space<vmem>>) target_semaphore(%dma_start3A_772 : memref<!tpu.dma_semaphore, #tpu.memory_space<semaphore_mem>>)
        %dma_start3A_777 = arith.constant 2 : i32
        %dma_start3A_778 = arith.constant 2 : i32
        %dma_start3A_779 = arith.constant 0 : i32
        %dma_start3A_780 = tpu.memref_slice %arg8[%dma_start3A_777, %dma_start3A_779] : memref<4x80xi32, #tpu.memory_space<vmem>> -> memref<1x80xi32, #tpu.memory_space<vmem>>
        %dma_start3A_781 = tpu.memref_squeeze %dma_start3A_780 : memref<1x80xi32, #tpu.memory_space<vmem>> -> memref<80xi32, #tpu.memory_space<vmem>>
        %dma_start3A_782 = tpu.memref_slice %arg5[%add3A_764] : memref<320000xi32, #tpu.memory_space<hbm>> -> memref<80xi32, #tpu.memory_space<hbm>>
        %dma_start3A_783 = tpu.memref_slice %arg12[%dma_start3A_778] : memref<4x!tpu.dma_semaphore, #tpu.memory_space<semaphore_mem>> -> memref<1x!tpu.dma_semaphore, #tpu.memory_space<semaphore_mem>>
        %dma_start3A_784 = tpu.memref_squeeze %dma_start3A_783 : memref<1x!tpu.dma_semaphore, #tpu.memory_space<semaphore_mem>> -> memref<!tpu.dma_semaphore, #tpu.memory_space<semaphore_mem>>
        %dma_start3A_785 = arith.constant 0 : i32
        %dma_start3A_786 = tpu.memref_slice %arg8[%dma_start3A_777, %dma_start3A_785] : memref<4x80xi32, #tpu.memory_space<vmem>> -> memref<1x80xi32, #tpu.memory_space<vmem>>
        %dma_start3A_787 = tpu.memref_squeeze %dma_start3A_786 : memref<1x80xi32, #tpu.memory_space<vmem>> -> memref<80xi32, #tpu.memory_space<vmem>>
        %dma_start3A_788 = tpu.memref_slice %arg5[%add3A_764] : memref<320000xi32, #tpu.memory_space<hbm>> -> memref<80xi32, #tpu.memory_space<hbm>>
        tpu.enqueue_dma source(%dma_start3A_788 : memref<80xi32, #tpu.memory_space<hbm>>) target(%dma_start3A_787 : memref<80xi32, #tpu.memory_space<vmem>>) target_semaphore(%dma_start3A_784 : memref<!tpu.dma_semaphore, #tpu.memory_space<semaphore_mem>>)
      } else {
      }
      %scan3A_759 = arith.constant 0 : i32
      scf.yield %scan3A_759 : i32
    }
    %scan3A_128 = arith.constant 31 : i32
    %dma_wait3A = arith.constant 1 : i32
    %dma_wait3A_129 = arith.constant 3 : i32
    %dma_wait3A_130 = arith.constant 1 : i32
    %dma_wait3A_131 = arith.constant 0 : i32
    %dma_wait3A_132 = arith.constant 0 : i32
    %dma_wait3A_133 = tpu.memref_slice %arg10[%dma_wait3A, %dma_wait3A_131, %dma_wait3A_132] : memref<2x80x128xf32, #tpu.memory_space<vmem>> -> memref<1x80x128xf32, #tpu.memory_space<vmem>>
    %dma_wait3A_134 = tpu.memref_squeeze %dma_wait3A_133 : memref<1x80x128xf32, #tpu.memory_space<vmem>> -> memref<80x128xf32, #tpu.memory_space<vmem>>
    %dma_wait3A_135 = arith.constant 0 : i32
    %dma_wait3A_136 = tpu.memref_slice %arg8[%dma_wait3A_129, %dma_wait3A_135] : memref<4x80xi32, #tpu.memory_space<vmem>> -> memref<1x80xi32, #tpu.memory_space<vmem>>
    %dma_wait3A_137 = tpu.memref_squeeze %dma_wait3A_136 : memref<1x80xi32, #tpu.memory_space<vmem>> -> memref<80xi32, #tpu.memory_space<vmem>>
    %dma_wait3A_138 = arith.constant 0 : i32
    %dma_wait3A_139 = arith.constant 0 : i32
    %dma_wait3A_140 = tpu.memref_slice %arg11[%dma_wait3A_138, %dma_wait3A_139] : memref<10000x128xf32, #tpu.memory_space<vmem_shared>> -> memref<10000x128xf32, #tpu.memory_space<vmem_shared>>
    %dma_wait3A_141 = tpu.memref_slice %arg15[%dma_wait3A_130] : memref<2x!tpu.dma_semaphore, #tpu.memory_space<semaphore_mem>> -> memref<1x!tpu.dma_semaphore, #tpu.memory_space<semaphore_mem>>
    %dma_wait3A_142 = tpu.memref_squeeze %dma_wait3A_141 : memref<1x!tpu.dma_semaphore, #tpu.memory_space<semaphore_mem>> -> memref<!tpu.dma_semaphore, #tpu.memory_space<semaphore_mem>>
    tpu.wait_indirect_dma semaphore(%dma_wait3A_142 : memref<!tpu.dma_semaphore, #tpu.memory_space<semaphore_mem>>) src(%dma_wait3A_134 : memref<80x128xf32, #tpu.memory_space<vmem>>) dst(%dma_wait3A_140 : memref<10000x128xf32, #tpu.memory_space<vmem_shared>>)
    %dma_wait3A_143 = arith.constant 0 : i32
    %dma_wait3A_144 = arith.constant 0 : i32
    %dma_wait3A_145 = arith.constant 0 : i32
    %dma_wait3A_146 = arith.constant 0 : i32
    %dma_wait3A_147 = tpu.memref_slice %arg9[%dma_wait3A_143, %dma_wait3A_145, %dma_wait3A_146] : memref<2x80x128xf32, #tpu.memory_space<vmem>> -> memref<1x80x128xf32, #tpu.memory_space<vmem>>
    %dma_wait3A_148 = tpu.memref_squeeze %dma_wait3A_147 : memref<1x80x128xf32, #tpu.memory_space<vmem>> -> memref<80x128xf32, #tpu.memory_space<vmem>>
    %dma_wait3A_149 = arith.constant 0 : i32
    %dma_wait3A_150 = arith.constant 0 : i32
    %dma_wait3A_151 = tpu.memref_slice %arg3[%dma_wait3A_149, %dma_wait3A_150] : memref<320000x128xf32, #tpu.memory_space<hbm>> -> memref<80x128xf32, #tpu.memory_space<hbm>>
    %dma_wait3A_152 = tpu.memref_slice %arg14[%dma_wait3A_144] : memref<2x!tpu.dma_semaphore, #tpu.memory_space<semaphore_mem>> -> memref<1x!tpu.dma_semaphore, #tpu.memory_space<semaphore_mem>>
    %dma_wait3A_153 = tpu.memref_squeeze %dma_wait3A_152 : memref<1x!tpu.dma_semaphore, #tpu.memory_space<semaphore_mem>> -> memref<!tpu.dma_semaphore, #tpu.memory_space<semaphore_mem>>
    %dma_wait3A_154 = arith.constant 0 : i32
    %dma_wait3A_155 = arith.constant 0 : i32
    %dma_wait3A_156 = tpu.memref_slice %arg9[%dma_wait3A_143, %dma_wait3A_154, %dma_wait3A_155] : memref<2x80x128xf32, #tpu.memory_space<vmem>> -> memref<1x80x128xf32, #tpu.memory_space<vmem>>
    %dma_wait3A_157 = tpu.memref_squeeze %dma_wait3A_156 : memref<1x80x128xf32, #tpu.memory_space<vmem>> -> memref<80x128xf32, #tpu.memory_space<vmem>>
    %dma_wait3A_158 = arith.constant 0 : i32
    %dma_wait3A_159 = arith.constant 0 : i32
    %dma_wait3A_160 = tpu.memref_slice %arg3[%dma_wait3A_158, %dma_wait3A_159] : memref<320000x128xf32, #tpu.memory_space<hbm>> -> memref<80x128xf32, #tpu.memory_space<hbm>>
    tpu.wait_dma2 semaphore(%dma_wait3A_153 : memref<!tpu.dma_semaphore, #tpu.memory_space<semaphore_mem>>) src(%dma_wait3A_160 : memref<80x128xf32, #tpu.memory_space<hbm>>) dst(%dma_wait3A_157 : memref<80x128xf32, #tpu.memory_space<vmem>>)
    %dma_wait3A_161 = arith.constant 0 : i32
    %dma_wait3A_162 = arith.constant 0 : i32
    %dma_wait3A_163 = arith.constant 0 : i32
    %dma_wait3A_164 = arith.constant 0 : i32
    %dma_wait3A_165 = arith.constant 0 : i32
    %dma_wait3A_166 = tpu.memref_slice %arg10[%dma_wait3A_162, %dma_wait3A_164, %dma_wait3A_165] : memref<2x80x128xf32, #tpu.memory_space<vmem>> -> memref<1x80x128xf32, #tpu.memory_space<vmem>>
    %dma_wait3A_167 = tpu.memref_squeeze %dma_wait3A_166 : memref<1x80x128xf32, #tpu.memory_space<vmem>> -> memref<80x128xf32, #tpu.memory_space<vmem>>
    %dma_wait3A_168 = arith.constant 0 : i32
    %dma_wait3A_169 = tpu.memref_slice %arg7[%dma_wait3A_161, %dma_wait3A_168] : memref<4x80xi32, #tpu.memory_space<vmem>> -> memref<1x80xi32, #tpu.memory_space<vmem>>
    %dma_wait3A_170 = tpu.memref_squeeze %dma_wait3A_169 : memref<1x80xi32, #tpu.memory_space<vmem>> -> memref<80xi32, #tpu.memory_space<vmem>>
    %dma_wait3A_171 = arith.constant 0 : i32
    %dma_wait3A_172 = arith.constant 0 : i32
    %dma_wait3A_173 = tpu.memref_slice %arg2[%dma_wait3A_171, %dma_wait3A_172] : memref<10000x128xf32, #tpu.memory_space<hbm>> -> memref<10000x128xf32, #tpu.memory_space<hbm>>
    %dma_wait3A_174 = tpu.memref_slice %arg13[%dma_wait3A_163] : memref<2x!tpu.dma_semaphore, #tpu.memory_space<semaphore_mem>> -> memref<1x!tpu.dma_semaphore, #tpu.memory_space<semaphore_mem>>
    %dma_wait3A_175 = tpu.memref_squeeze %dma_wait3A_174 : memref<1x!tpu.dma_semaphore, #tpu.memory_space<semaphore_mem>> -> memref<!tpu.dma_semaphore, #tpu.memory_space<semaphore_mem>>
    tpu.wait_indirect_dma semaphore(%dma_wait3A_175 : memref<!tpu.dma_semaphore, #tpu.memory_space<semaphore_mem>>) src(%dma_wait3A_173 : memref<10000x128xf32, #tpu.memory_space<hbm>>) dst(%dma_wait3A_167 : memref<80x128xf32, #tpu.memory_space<vmem>>)
    %scan3A_176 = arith.constant 0 : i32
    %scan3A_177 = arith.constant 0 : i32
    %scan3A_178 = arith.constant 40 : i32
    %scan3A_179 = arith.addi %scan3A_177, %scan3A_178 : i32
    %scan3A_180 = arith.constant 1 : i32
    %scan3A_181 = scf.for %scan3A_219 = %scan3A_177 to %scan3A_179 step %scan3A_180 iter_args(%scan3A_220 = %scan3A_176) -> (i32)  : i32 {
      %mul3A_221 = arith.constant 2 : i32
      %mul3A_222 = arith.muli %scan3A_219, %mul3A_221 : i32
      %add3A_223 = arith.constant 0 : i32
      %add3A_224 = arith.addi %mul3A_222, %add3A_223 : i32
      %get3A = arith.constant 0 : i32
      %get3A_225 = arith.index_cast %get3A : i32 to index
      %get3A_226 = arith.index_cast %add3A_224 : i32 to index
      %get3A_227 = arith.constant 0 : index
      %get3A_228 = tpu.vector_load %arg10[%get3A_225, %get3A_226, %get3A_227] {strides = array<i32>} : memref<2x80x128xf32, #tpu.memory_space<vmem>>, vector<1x1x16xf32>,
      %get3A_229 = vector.shape_cast %get3A_228 : vector<1x1x16xf32> to vector<16xf32>
      %get3A_230 = arith.constant 0 : i32
      %get3A_231 = arith.index_cast %get3A_230 : i32 to index
      %get3A_232 = arith.index_cast %add3A_224 : i32 to index
      %get3A_233 = arith.constant 0 : index
      %get3A_234 = tpu.vector_load %arg9[%get3A_231, %get3A_232, %get3A_233] {strides = array<i32>} : memref<2x80x128xf32, #tpu.memory_space<vmem>>, vector<1x1x16xf32>,
      %get3A_235 = vector.shape_cast %get3A_234 : vector<1x1x16xf32> to vector<16xf32>
      %mul3A_236 = arith.mulf %get3A_229, %get3A_235 : vector<16xf32>
      %swap3A = arith.constant 0 : i32
      %swap3A_237 = arith.index_cast %swap3A : i32 to index
      %swap3A_238 = arith.index_cast %add3A_224 : i32 to index
      %swap3A_239 = arith.constant 0 : index
      %swap3A_240 = tpu.vector_load %arg10[%swap3A_237, %swap3A_238, %swap3A_239] {strides = array<i32>} : memref<2x80x128xf32, #tpu.memory_space<vmem>>, vector<1x1x16xf32>,
      %swap3A_241 = vector.shape_cast %swap3A_240 : vector<1x1x16xf32> to vector<16xf32>
      %swap3A_242 = vector.shape_cast %mul3A_236 : vector<16xf32> to vector<1x1x16xf32>
      tpu.vector_store %arg10[%swap3A_237, %swap3A_238, %swap3A_239], %swap3A_242 {strides = array<i32>} : memref<2x80x128xf32, #tpu.memory_space<vmem>>, vector<1x1x16xf32>,
      %get3A_243 = arith.constant 0 : i32
      %get3A_244 = arith.index_cast %get3A_243 : i32 to index
      %get3A_245 = arith.index_cast %add3A_224 : i32 to index
      %get3A_246 = arith.constant 16 : index
      %get3A_247 = tpu.vector_load %arg10[%get3A_244, %get3A_245, %get3A_246] {strides = array<i32>} : memref<2x80x128xf32, #tpu.memory_space<vmem>>, vector<1x1x16xf32>,
      %get3A_248 = vector.shape_cast %get3A_247 : vector<1x1x16xf32> to vector<16xf32>
      %get3A_249 = arith.constant 0 : i32
      %get3A_250 = arith.index_cast %get3A_249 : i32 to index
      %get3A_251 = arith.index_cast %add3A_224 : i32 to index
      %get3A_252 = arith.constant 16 : index
      %get3A_253 = tpu.vector_load %arg9[%get3A_250, %get3A_251, %get3A_252] {strides = array<i32>} : memref<2x80x128xf32, #tpu.memory_space<vmem>>, vector<1x1x16xf32>,
      %get3A_254 = vector.shape_cast %get3A_253 : vector<1x1x16xf32> to vector<16xf32>
      %mul3A_255 = arith.mulf %get3A_248, %get3A_254 : vector<16xf32>
      %swap3A_256 = arith.constant 0 : i32
      %swap3A_257 = arith.index_cast %swap3A_256 : i32 to index
      %swap3A_258 = arith.index_cast %add3A_224 : i32 to index
      %swap3A_259 = arith.constant 16 : index
      %swap3A_260 = tpu.vector_load %arg10[%swap3A_257, %swap3A_258, %swap3A_259] {strides = array<i32>} : memref<2x80x128xf32, #tpu.memory_space<vmem>>, vector<1x1x16xf32>,
      %swap3A_261 = vector.shape_cast %swap3A_260 : vector<1x1x16xf32> to vector<16xf32>
      %swap3A_262 = vector.shape_cast %mul3A_255 : vector<16xf32> to vector<1x1x16xf32>
      tpu.vector_store %arg10[%swap3A_257, %swap3A_258, %swap3A_259], %swap3A_262 {strides = array<i32>} : memref<2x80x128xf32, #tpu.memory_space<vmem>>, vector<1x1x16xf32>,
      %get3A_263 = arith.constant 0 : i32
      %get3A_264 = arith.index_cast %get3A_263 : i32 to index
      %get3A_265 = arith.index_cast %add3A_224 : i32 to index
      %get3A_266 = arith.constant 32 : index
      %get3A_267 = tpu.vector_load %arg10[%get3A_264, %get3A_265, %get3A_266] {strides = array<i32>} : memref<2x80x128xf32, #tpu.memory_space<vmem>>, vector<1x1x16xf32>,
      %get3A_268 = vector.shape_cast %get3A_267 : vector<1x1x16xf32> to vector<16xf32>
      %get3A_269 = arith.constant 0 : i32
      %get3A_270 = arith.index_cast %get3A_269 : i32 to index
      %get3A_271 = arith.index_cast %add3A_224 : i32 to index
      %get3A_272 = arith.constant 32 : index
      %get3A_273 = tpu.vector_load %arg9[%get3A_270, %get3A_271, %get3A_272] {strides = array<i32>} : memref<2x80x128xf32, #tpu.memory_space<vmem>>, vector<1x1x16xf32>,
      %get3A_274 = vector.shape_cast %get3A_273 : vector<1x1x16xf32> to vector<16xf32>
      %mul3A_275 = arith.mulf %get3A_268, %get3A_274 : vector<16xf32>
      %swap3A_276 = arith.constant 0 : i32
      %swap3A_277 = arith.index_cast %swap3A_276 : i32 to index
      %swap3A_278 = arith.index_cast %add3A_224 : i32 to index
      %swap3A_279 = arith.constant 32 : index
      %swap3A_280 = tpu.vector_load %arg10[%swap3A_277, %swap3A_278, %swap3A_279] {strides = array<i32>} : memref<2x80x128xf32, #tpu.memory_space<vmem>>, vector<1x1x16xf32>,
      %swap3A_281 = vector.shape_cast %swap3A_280 : vector<1x1x16xf32> to vector<16xf32>
      %swap3A_282 = vector.shape_cast %mul3A_275 : vector<16xf32> to vector<1x1x16xf32>
      tpu.vector_store %arg10[%swap3A_277, %swap3A_278, %swap3A_279], %swap3A_282 {strides = array<i32>} : memref<2x80x128xf32, #tpu.memory_space<vmem>>, vector<1x1x16xf32>,
      %get3A_283 = arith.constant 0 : i32
      %get3A_284 = arith.index_cast %get3A_283 : i32 to index
      %get3A_285 = arith.index_cast %add3A_224 : i32 to index
      %get3A_286 = arith.constant 48 : index
      %get3A_287 = tpu.vector_load %arg10[%get3A_284, %get3A_285, %get3A_286] {strides = array<i32>} : memref<2x80x128xf32, #tpu.memory_space<vmem>>, vector<1x1x16xf32>,
      %get3A_288 = vector.shape_cast %get3A_287 : vector<1x1x16xf32> to vector<16xf32>
      %get3A_289 = arith.constant 0 : i32
      %get3A_290 = arith.index_cast %get3A_289 : i32 to index
      %get3A_291 = arith.index_cast %add3A_224 : i32 to index
      %get3A_292 = arith.constant 48 : index
      %get3A_293 = tpu.vector_load %arg9[%get3A_290, %get3A_291, %get3A_292] {strides = array<i32>} : memref<2x80x128xf32, #tpu.memory_space<vmem>>, vector<1x1x16xf32>,
      %get3A_294 = vector.shape_cast %get3A_293 : vector<1x1x16xf32> to vector<16xf32>
      %mul3A_295 = arith.mulf %get3A_288, %get3A_294 : vector<16xf32>
      %swap3A_296 = arith.constant 0 : i32
      %swap3A_297 = arith.index_cast %swap3A_296 : i32 to index
      %swap3A_298 = arith.index_cast %add3A_224 : i32 to index
      %swap3A_299 = arith.constant 48 : index
      %swap3A_300 = tpu.vector_load %arg10[%swap3A_297, %swap3A_298, %swap3A_299] {strides = array<i32>} : memref<2x80x128xf32, #tpu.memory_space<vmem>>, vector<1x1x16xf32>,
      %swap3A_301 = vector.shape_cast %swap3A_300 : vector<1x1x16xf32> to vector<16xf32>
      %swap3A_302 = vector.shape_cast %mul3A_295 : vector<16xf32> to vector<1x1x16xf32>
      tpu.vector_store %arg10[%swap3A_297, %swap3A_298, %swap3A_299], %swap3A_302 {strides = array<i32>} : memref<2x80x128xf32, #tpu.memory_space<vmem>>, vector<1x1x16xf32>,
      %get3A_303 = arith.constant 0 : i32
      %get3A_304 = arith.index_cast %get3A_303 : i32 to index
      %get3A_305 = arith.index_cast %add3A_224 : i32 to index
      %get3A_306 = arith.constant 64 : index
      %get3A_307 = tpu.vector_load %arg10[%get3A_304, %get3A_305, %get3A_306] {strides = array<i32>} : memref<2x80x128xf32, #tpu.memory_space<vmem>>, vector<1x1x16xf32>,
      %get3A_308 = vector.shape_cast %get3A_307 : vector<1x1x16xf32> to vector<16xf32>
      %get3A_309 = arith.constant 0 : i32
      %get3A_310 = arith.index_cast %get3A_309 : i32 to index
      %get3A_311 = arith.index_cast %add3A_224 : i32 to index
      %get3A_312 = arith.constant 64 : index
      %get3A_313 = tpu.vector_load %arg9[%get3A_310, %get3A_311, %get3A_312] {strides = array<i32>} : memref<2x80x128xf32, #tpu.memory_space<vmem>>, vector<1x1x16xf32>,
      %get3A_314 = vector.shape_cast %get3A_313 : vector<1x1x16xf32> to vector<16xf32>
      %mul3A_315 = arith.mulf %get3A_308, %get3A_314 : vector<16xf32>
      %swap3A_316 = arith.constant 0 : i32
      %swap3A_317 = arith.index_cast %swap3A_316 : i32 to index
      %swap3A_318 = arith.index_cast %add3A_224 : i32 to index
      %swap3A_319 = arith.constant 64 : index
      %swap3A_320 = tpu.vector_load %arg10[%swap3A_317, %swap3A_318, %swap3A_319] {strides = array<i32>} : memref<2x80x128xf32, #tpu.memory_space<vmem>>, vector<1x1x16xf32>,
      %swap3A_321 = vector.shape_cast %swap3A_320 : vector<1x1x16xf32> to vector<16xf32>
      %swap3A_322 = vector.shape_cast %mul3A_315 : vector<16xf32> to vector<1x1x16xf32>
      tpu.vector_store %arg10[%swap3A_317, %swap3A_318, %swap3A_319], %swap3A_322 {strides = array<i32>} : memref<2x80x128xf32, #tpu.memory_space<vmem>>, vector<1x1x16xf32>,
      %get3A_323 = arith.constant 0 : i32
      %get3A_324 = arith.index_cast %get3A_323 : i32 to index
      %get3A_325 = arith.index_cast %add3A_224 : i32 to index
      %get3A_326 = arith.constant 80 : index
      %get3A_327 = tpu.vector_load %arg10[%get3A_324, %get3A_325, %get3A_326] {strides = array<i32>} : memref<2x80x128xf32, #tpu.memory_space<vmem>>, vector<1x1x16xf32>,
      %get3A_328 = vector.shape_cast %get3A_327 : vector<1x1x16xf32> to vector<16xf32>
      %get3A_329 = arith.constant 0 : i32
      %get3A_330 = arith.index_cast %get3A_329 : i32 to index
      %get3A_331 = arith.index_cast %add3A_224 : i32 to index
      %get3A_332 = arith.constant 80 : index
      %get3A_333 = tpu.vector_load %arg9[%get3A_330, %get3A_331, %get3A_332] {strides = array<i32>} : memref<2x80x128xf32, #tpu.memory_space<vmem>>, vector<1x1x16xf32>,
      %get3A_334 = vector.shape_cast %get3A_333 : vector<1x1x16xf32> to vector<16xf32>
      %mul3A_335 = arith.mulf %get3A_328, %get3A_334 : vector<16xf32>
      %swap3A_336 = arith.constant 0 : i32
      %swap3A_337 = arith.index_cast %swap3A_336 : i32 to index
      %swap3A_338 = arith.index_cast %add3A_224 : i32 to index
      %swap3A_339 = arith.constant 80 : index
      %swap3A_340 = tpu.vector_load %arg10[%swap3A_337, %swap3A_338, %swap3A_339] {strides = array<i32>} : memref<2x80x128xf32, #tpu.memory_space<vmem>>, vector<1x1x16xf32>,
      %swap3A_341 = vector.shape_cast %swap3A_340 : vector<1x1x16xf32> to vector<16xf32>
      %swap3A_342 = vector.shape_cast %mul3A_335 : vector<16xf32> to vector<1x1x16xf32>
      tpu.vector_store %arg10[%swap3A_337, %swap3A_338, %swap3A_339], %swap3A_342 {strides = array<i32>} : memref<2x80x128xf32, #tpu.memory_space<vmem>>, vector<1x1x16xf32>,
      %get3A_343 = arith.constant 0 : i32
      %get3A_344 = arith.index_cast %get3A_343 : i32 to index
      %get3A_345 = arith.index_cast %add3A_224 : i32 to index
      %get3A_346 = arith.constant 96 : index
      %get3A_347 = tpu.vector_load %arg10[%get3A_344, %get3A_345, %get3A_346] {strides = array<i32>} : memref<2x80x128xf32, #tpu.memory_space<vmem>>, vector<1x1x16xf32>,
      %get3A_348 = vector.shape_cast %get3A_347 : vector<1x1x16xf32> to vector<16xf32>
      %get3A_349 = arith.constant 0 : i32
      %get3A_350 = arith.index_cast %get3A_349 : i32 to index
      %get3A_351 = arith.index_cast %add3A_224 : i32 to index
      %get3A_352 = arith.constant 96 : index
      %get3A_353 = tpu.vector_load %arg9[%get3A_350, %get3A_351, %get3A_352] {strides = array<i32>} : memref<2x80x128xf32, #tpu.memory_space<vmem>>, vector<1x1x16xf32>,
      %get3A_354 = vector.shape_cast %get3A_353 : vector<1x1x16xf32> to vector<16xf32>
      %mul3A_355 = arith.mulf %get3A_348, %get3A_354 : vector<16xf32>
      %swap3A_356 = arith.constant 0 : i32
      %swap3A_357 = arith.index_cast %swap3A_356 : i32 to index
      %swap3A_358 = arith.index_cast %add3A_224 : i32 to index
      %swap3A_359 = arith.constant 96 : index
      %swap3A_360 = tpu.vector_load %arg10[%swap3A_357, %swap3A_358, %swap3A_359] {strides = array<i32>} : memref<2x80x128xf32, #tpu.memory_space<vmem>>, vector<1x1x16xf32>,
      %swap3A_361 = vector.shape_cast %swap3A_360 : vector<1x1x16xf32> to vector<16xf32>
      %swap3A_362 = vector.shape_cast %mul3A_355 : vector<16xf32> to vector<1x1x16xf32>
      tpu.vector_store %arg10[%swap3A_357, %swap3A_358, %swap3A_359], %swap3A_362 {strides = array<i32>} : memref<2x80x128xf32, #tpu.memory_space<vmem>>, vector<1x1x16xf32>,
      %get3A_363 = arith.constant 0 : i32
      %get3A_364 = arith.index_cast %get3A_363 : i32 to index
      %get3A_365 = arith.index_cast %add3A_224 : i32 to index
      %get3A_366 = arith.constant 112 : index
      %get3A_367 = tpu.vector_load %arg10[%get3A_364, %get3A_365, %get3A_366] {strides = array<i32>} : memref<2x80x128xf32, #tpu.memory_space<vmem>>, vector<1x1x16xf32>,
      %get3A_368 = vector.shape_cast %get3A_367 : vector<1x1x16xf32> to vector<16xf32>
      %get3A_369 = arith.constant 0 : i32
      %get3A_370 = arith.index_cast %get3A_369 : i32 to index
      %get3A_371 = arith.index_cast %add3A_224 : i32 to index
      %get3A_372 = arith.constant 112 : index
      %get3A_373 = tpu.vector_load %arg9[%get3A_370, %get3A_371, %get3A_372] {strides = array<i32>} : memref<2x80x128xf32, #tpu.memory_space<vmem>>, vector<1x1x16xf32>,
      %get3A_374 = vector.shape_cast %get3A_373 : vector<1x1x16xf32> to vector<16xf32>
      %mul3A_375 = arith.mulf %get3A_368, %get3A_374 : vector<16xf32>
      %swap3A_376 = arith.constant 0 : i32
      %swap3A_377 = arith.index_cast %swap3A_376 : i32 to index
      %swap3A_378 = arith.index_cast %add3A_224 : i32 to index
      %swap3A_379 = arith.constant 112 : index
      %swap3A_380 = tpu.vector_load %arg10[%swap3A_377, %swap3A_378, %swap3A_379] {strides = array<i32>} : memref<2x80x128xf32, #tpu.memory_space<vmem>>, vector<1x1x16xf32>,
      %swap3A_381 = vector.shape_cast %swap3A_380 : vector<1x1x16xf32> to vector<16xf32>
      %swap3A_382 = vector.shape_cast %mul3A_375 : vector<16xf32> to vector<1x1x16xf32>
      tpu.vector_store %arg10[%swap3A_377, %swap3A_378, %swap3A_379], %swap3A_382 {strides = array<i32>} : memref<2x80x128xf32, #tpu.memory_space<vmem>>, vector<1x1x16xf32>,
      %mul3A_383 = arith.constant 2 : i32
      %mul3A_384 = arith.muli %scan3A_219, %mul3A_383 : i32
      %add3A_385 = arith.constant 1 : i32
      %add3A_386 = arith.addi %mul3A_384, %add3A_385 : i32
      %get3A_387 = arith.constant 0 : i32
      %get3A_388 = arith.index_cast %get3A_387 : i32 to index
      %get3A_389 = arith.index_cast %add3A_386 : i32 to index
      %get3A_390 = arith.constant 0 : index
      %get3A_391 = tpu.vector_load %arg10[%get3A_388, %get3A_389, %get3A_390] {strides = array<i32>} : memref<2x80x128xf32, #tpu.memory_space<vmem>>, vector<1x1x16xf32>,
      %get3A_392 = vector.shape_cast %get3A_391 : vector<1x1x16xf32> to vector<16xf32>
      %get3A_393 = arith.constant 0 : i32
      %get3A_394 = arith.index_cast %get3A_393 : i32 to index
      %get3A_395 = arith.index_cast %add3A_386 : i32 to index
      %get3A_396 = arith.constant 0 : index
      %get3A_397 = tpu.vector_load %arg9[%get3A_394, %get3A_395, %get3A_396] {strides = array<i32>} : memref<2x80x128xf32, #tpu.memory_space<vmem>>, vector<1x1x16xf32>,
      %get3A_398 = vector.shape_cast %get3A_397 : vector<1x1x16xf32> to vector<16xf32>
      %mul3A_399 = arith.mulf %get3A_392, %get3A_398 : vector<16xf32>
      %swap3A_400 = arith.constant 0 : i32
      %swap3A_401 = arith.index_cast %swap3A_400 : i32 to index
      %swap3A_402 = arith.index_cast %add3A_386 : i32 to index
      %swap3A_403 = arith.constant 0 : index
      %swap3A_404 = tpu.vector_load %arg10[%swap3A_401, %swap3A_402, %swap3A_403] {strides = array<i32>} : memref<2x80x128xf32, #tpu.memory_space<vmem>>, vector<1x1x16xf32>,
      %swap3A_405 = vector.shape_cast %swap3A_404 : vector<1x1x16xf32> to vector<16xf32>
      %swap3A_406 = vector.shape_cast %mul3A_399 : vector<16xf32> to vector<1x1x16xf32>
      tpu.vector_store %arg10[%swap3A_401, %swap3A_402, %swap3A_403], %swap3A_406 {strides = array<i32>} : memref<2x80x128xf32, #tpu.memory_space<vmem>>, vector<1x1x16xf32>,
      %get3A_407 = arith.constant 0 : i32
      %get3A_408 = arith.index_cast %get3A_407 : i32 to index
      %get3A_409 = arith.index_cast %add3A_386 : i32 to index
      %get3A_410 = arith.constant 16 : index
      %get3A_411 = tpu.vector_load %arg10[%get3A_408, %get3A_409, %get3A_410] {strides = array<i32>} : memref<2x80x128xf32, #tpu.memory_space<vmem>>, vector<1x1x16xf32>,
      %get3A_412 = vector.shape_cast %get3A_411 : vector<1x1x16xf32> to vector<16xf32>
      %get3A_413 = arith.constant 0 : i32
      %get3A_414 = arith.index_cast %get3A_413 : i32 to index
      %get3A_415 = arith.index_cast %add3A_386 : i32 to index
      %get3A_416 = arith.constant 16 : index
      %get3A_417 = tpu.vector_load %arg9[%get3A_414, %get3A_415, %get3A_416] {strides = array<i32>} : memref<2x80x128xf32, #tpu.memory_space<vmem>>, vector<1x1x16xf32>,
      %get3A_418 = vector.shape_cast %get3A_417 : vector<1x1x16xf32> to vector<16xf32>
      %mul3A_419 = arith.mulf %get3A_412, %get3A_418 : vector<16xf32>
      %swap3A_420 = arith.constant 0 : i32
      %swap3A_421 = arith.index_cast %swap3A_420 : i32 to index
      %swap3A_422 = arith.index_cast %add3A_386 : i32 to index
      %swap3A_423 = arith.constant 16 : index
      %swap3A_424 = tpu.vector_load %arg10[%swap3A_421, %swap3A_422, %swap3A_423] {strides = array<i32>} : memref<2x80x128xf32, #tpu.memory_space<vmem>>, vector<1x1x16xf32>,
      %swap3A_425 = vector.shape_cast %swap3A_424 : vector<1x1x16xf32> to vector<16xf32>
      %swap3A_426 = vector.shape_cast %mul3A_419 : vector<16xf32> to vector<1x1x16xf32>
      tpu.vector_store %arg10[%swap3A_421, %swap3A_422, %swap3A_423], %swap3A_426 {strides = array<i32>} : memref<2x80x128xf32, #tpu.memory_space<vmem>>, vector<1x1x16xf32>,
      %get3A_427 = arith.constant 0 : i32
      %get3A_428 = arith.index_cast %get3A_427 : i32 to index
      %get3A_429 = arith.index_cast %add3A_386 : i32 to index
      %get3A_430 = arith.constant 32 : index
      %get3A_431 = tpu.vector_load %arg10[%get3A_428, %get3A_429, %get3A_430] {strides = array<i32>} : memref<2x80x128xf32, #tpu.memory_space<vmem>>, vector<1x1x16xf32>,
      %get3A_432 = vector.shape_cast %get3A_431 : vector<1x1x16xf32> to vector<16xf32>
      %get3A_433 = arith.constant 0 : i32
      %get3A_434 = arith.index_cast %get3A_433 : i32 to index
      %get3A_435 = arith.index_cast %add3A_386 : i32 to index
      %get3A_436 = arith.constant 32 : index
      %get3A_437 = tpu.vector_load %arg9[%get3A_434, %get3A_435, %get3A_436] {strides = array<i32>} : memref<2x80x128xf32, #tpu.memory_space<vmem>>, vector<1x1x16xf32>,
      %get3A_438 = vector.shape_cast %get3A_437 : vector<1x1x16xf32> to vector<16xf32>
      %mul3A_439 = arith.mulf %get3A_432, %get3A_438 : vector<16xf32>
      %swap3A_440 = arith.constant 0 : i32
      %swap3A_441 = arith.index_cast %swap3A_440 : i32 to index
      %swap3A_442 = arith.index_cast %add3A_386 : i32 to index
      %swap3A_443 = arith.constant 32 : index
      %swap3A_444 = tpu.vector_load %arg10[%swap3A_441, %swap3A_442, %swap3A_443] {strides = array<i32>} : memref<2x80x128xf32, #tpu.memory_space<vmem>>, vector<1x1x16xf32>,
      %swap3A_445 = vector.shape_cast %swap3A_444 : vector<1x1x16xf32> to vector<16xf32>
      %swap3A_446 = vector.shape_cast %mul3A_439 : vector<16xf32> to vector<1x1x16xf32>
      tpu.vector_store %arg10[%swap3A_441, %swap3A_442, %swap3A_443], %swap3A_446 {strides = array<i32>} : memref<2x80x128xf32, #tpu.memory_space<vmem>>, vector<1x1x16xf32>,
      %get3A_447 = arith.constant 0 : i32
      %get3A_448 = arith.index_cast %get3A_447 : i32 to index
      %get3A_449 = arith.index_cast %add3A_386 : i32 to index
      %get3A_450 = arith.constant 48 : index
      %get3A_451 = tpu.vector_load %arg10[%get3A_448, %get3A_449, %get3A_450] {strides = array<i32>} : memref<2x80x128xf32, #tpu.memory_space<vmem>>, vector<1x1x16xf32>,
      %get3A_452 = vector.shape_cast %get3A_451 : vector<1x1x16xf32> to vector<16xf32>
      %get3A_453 = arith.constant 0 : i32
      %get3A_454 = arith.index_cast %get3A_453 : i32 to index
      %get3A_455 = arith.index_cast %add3A_386 : i32 to index
      %get3A_456 = arith.constant 48 : index
      %get3A_457 = tpu.vector_load %arg9[%get3A_454, %get3A_455, %get3A_456] {strides = array<i32>} : memref<2x80x128xf32, #tpu.memory_space<vmem>>, vector<1x1x16xf32>,
      %get3A_458 = vector.shape_cast %get3A_457 : vector<1x1x16xf32> to vector<16xf32>
      %mul3A_459 = arith.mulf %get3A_452, %get3A_458 : vector<16xf32>
      %swap3A_460 = arith.constant 0 : i32
      %swap3A_461 = arith.index_cast %swap3A_460 : i32 to index
      %swap3A_462 = arith.index_cast %add3A_386 : i32 to index
      %swap3A_463 = arith.constant 48 : index
      %swap3A_464 = tpu.vector_load %arg10[%swap3A_461, %swap3A_462, %swap3A_463] {strides = array<i32>} : memref<2x80x128xf32, #tpu.memory_space<vmem>>, vector<1x1x16xf32>,
      %swap3A_465 = vector.shape_cast %swap3A_464 : vector<1x1x16xf32> to vector<16xf32>
      %swap3A_466 = vector.shape_cast %mul3A_459 : vector<16xf32> to vector<1x1x16xf32>
      tpu.vector_store %arg10[%swap3A_461, %swap3A_462, %swap3A_463], %swap3A_466 {strides = array<i32>} : memref<2x80x128xf32, #tpu.memory_space<vmem>>, vector<1x1x16xf32>,
      %get3A_467 = arith.constant 0 : i32
      %get3A_468 = arith.index_cast %get3A_467 : i32 to index
      %get3A_469 = arith.index_cast %add3A_386 : i32 to index
      %get3A_470 = arith.constant 64 : index
      %get3A_471 = tpu.vector_load %arg10[%get3A_468, %get3A_469, %get3A_470] {strides = array<i32>} : memref<2x80x128xf32, #tpu.memory_space<vmem>>, vector<1x1x16xf32>,
      %get3A_472 = vector.shape_cast %get3A_471 : vector<1x1x16xf32> to vector<16xf32>
      %get3A_473 = arith.constant 0 : i32
      %get3A_474 = arith.index_cast %get3A_473 : i32 to index
      %get3A_475 = arith.index_cast %add3A_386 : i32 to index
      %get3A_476 = arith.constant 64 : index
      %get3A_477 = tpu.vector_load %arg9[%get3A_474, %get3A_475, %get3A_476] {strides = array<i32>} : memref<2x80x128xf32, #tpu.memory_space<vmem>>, vector<1x1x16xf32>,
      %get3A_478 = vector.shape_cast %get3A_477 : vector<1x1x16xf32> to vector<16xf32>
      %mul3A_479 = arith.mulf %get3A_472, %get3A_478 : vector<16xf32>
      %swap3A_480 = arith.constant 0 : i32
      %swap3A_481 = arith.index_cast %swap3A_480 : i32 to index
      %swap3A_482 = arith.index_cast %add3A_386 : i32 to index
      %swap3A_483 = arith.constant 64 : index
      %swap3A_484 = tpu.vector_load %arg10[%swap3A_481, %swap3A_482, %swap3A_483] {strides = array<i32>} : memref<2x80x128xf32, #tpu.memory_space<vmem>>, vector<1x1x16xf32>,
      %swap3A_485 = vector.shape_cast %swap3A_484 : vector<1x1x16xf32> to vector<16xf32>
      %swap3A_486 = vector.shape_cast %mul3A_479 : vector<16xf32> to vector<1x1x16xf32>
      tpu.vector_store %arg10[%swap3A_481, %swap3A_482, %swap3A_483], %swap3A_486 {strides = array<i32>} : memref<2x80x128xf32, #tpu.memory_space<vmem>>, vector<1x1x16xf32>,
      %get3A_487 = arith.constant 0 : i32
      %get3A_488 = arith.index_cast %get3A_487 : i32 to index
      %get3A_489 = arith.index_cast %add3A_386 : i32 to index
      %get3A_490 = arith.constant 80 : index
      %get3A_491 = tpu.vector_load %arg10[%get3A_488, %get3A_489, %get3A_490] {strides = array<i32>} : memref<2x80x128xf32, #tpu.memory_space<vmem>>, vector<1x1x16xf32>,
      %get3A_492 = vector.shape_cast %get3A_491 : vector<1x1x16xf32> to vector<16xf32>
      %get3A_493 = arith.constant 0 : i32
      %get3A_494 = arith.index_cast %get3A_493 : i32 to index
      %get3A_495 = arith.index_cast %add3A_386 : i32 to index
      %get3A_496 = arith.constant 80 : index
      %get3A_497 = tpu.vector_load %arg9[%get3A_494, %get3A_495, %get3A_496] {strides = array<i32>} : memref<2x80x128xf32, #tpu.memory_space<vmem>>, vector<1x1x16xf32>,
      %get3A_498 = vector.shape_cast %get3A_497 : vector<1x1x16xf32> to vector<16xf32>
      %mul3A_499 = arith.mulf %get3A_492, %get3A_498 : vector<16xf32>
      %swap3A_500 = arith.constant 0 : i32
      %swap3A_501 = arith.index_cast %swap3A_500 : i32 to index
      %swap3A_502 = arith.index_cast %add3A_386 : i32 to index
      %swap3A_503 = arith.constant 80 : index
      %swap3A_504 = tpu.vector_load %arg10[%swap3A_501, %swap3A_502, %swap3A_503] {strides = array<i32>} : memref<2x80x128xf32, #tpu.memory_space<vmem>>, vector<1x1x16xf32>,
      %swap3A_505 = vector.shape_cast %swap3A_504 : vector<1x1x16xf32> to vector<16xf32>
      %swap3A_506 = vector.shape_cast %mul3A_499 : vector<16xf32> to vector<1x1x16xf32>
      tpu.vector_store %arg10[%swap3A_501, %swap3A_502, %swap3A_503], %swap3A_506 {strides = array<i32>} : memref<2x80x128xf32, #tpu.memory_space<vmem>>, vector<1x1x16xf32>,
      %get3A_507 = arith.constant 0 : i32
      %get3A_508 = arith.index_cast %get3A_507 : i32 to index
      %get3A_509 = arith.index_cast %add3A_386 : i32 to index
      %get3A_510 = arith.constant 96 : index
      %get3A_511 = tpu.vector_load %arg10[%get3A_508, %get3A_509, %get3A_510] {strides = array<i32>} : memref<2x80x128xf32, #tpu.memory_space<vmem>>, vector<1x1x16xf32>,
      %get3A_512 = vector.shape_cast %get3A_511 : vector<1x1x16xf32> to vector<16xf32>
      %get3A_513 = arith.constant 0 : i32
      %get3A_514 = arith.index_cast %get3A_513 : i32 to index
      %get3A_515 = arith.index_cast %add3A_386 : i32 to index
      %get3A_516 = arith.constant 96 : index
      %get3A_517 = tpu.vector_load %arg9[%get3A_514, %get3A_515, %get3A_516] {strides = array<i32>} : memref<2x80x128xf32, #tpu.memory_space<vmem>>, vector<1x1x16xf32>,
      %get3A_518 = vector.shape_cast %get3A_517 : vector<1x1x16xf32> to vector<16xf32>
      %mul3A_519 = arith.mulf %get3A_512, %get3A_518 : vector<16xf32>
      %swap3A_520 = arith.constant 0 : i32
      %swap3A_521 = arith.index_cast %swap3A_520 : i32 to index
      %swap3A_522 = arith.index_cast %add3A_386 : i32 to index
      %swap3A_523 = arith.constant 96 : index
      %swap3A_524 = tpu.vector_load %arg10[%swap3A_521, %swap3A_522, %swap3A_523] {strides = array<i32>} : memref<2x80x128xf32, #tpu.memory_space<vmem>>, vector<1x1x16xf32>,
      %swap3A_525 = vector.shape_cast %swap3A_524 : vector<1x1x16xf32> to vector<16xf32>
      %swap3A_526 = vector.shape_cast %mul3A_519 : vector<16xf32> to vector<1x1x16xf32>
      tpu.vector_store %arg10[%swap3A_521, %swap3A_522, %swap3A_523], %swap3A_526 {strides = array<i32>} : memref<2x80x128xf32, #tpu.memory_space<vmem>>, vector<1x1x16xf32>,
      %get3A_527 = arith.constant 0 : i32
      %get3A_528 = arith.index_cast %get3A_527 : i32 to index
      %get3A_529 = arith.index_cast %add3A_386 : i32 to index
      %get3A_530 = arith.constant 112 : index
      %get3A_531 = tpu.vector_load %arg10[%get3A_528, %get3A_529, %get3A_530] {strides = array<i32>} : memref<2x80x128xf32, #tpu.memory_space<vmem>>, vector<1x1x16xf32>,
      %get3A_532 = vector.shape_cast %get3A_531 : vector<1x1x16xf32> to vector<16xf32>
      %get3A_533 = arith.constant 0 : i32
      %get3A_534 = arith.index_cast %get3A_533 : i32 to index
      %get3A_535 = arith.index_cast %add3A_386 : i32 to index
      %get3A_536 = arith.constant 112 : index
      %get3A_537 = tpu.vector_load %arg9[%get3A_534, %get3A_535, %get3A_536] {strides = array<i32>} : memref<2x80x128xf32, #tpu.memory_space<vmem>>, vector<1x1x16xf32>,
      %get3A_538 = vector.shape_cast %get3A_537 : vector<1x1x16xf32> to vector<16xf32>
      %mul3A_539 = arith.mulf %get3A_532, %get3A_538 : vector<16xf32>
      %swap3A_540 = arith.constant 0 : i32
      %swap3A_541 = arith.index_cast %swap3A_540 : i32 to index
      %swap3A_542 = arith.index_cast %add3A_386 : i32 to index
      %swap3A_543 = arith.constant 112 : index
      %swap3A_544 = tpu.vector_load %arg10[%swap3A_541, %swap3A_542, %swap3A_543] {strides = array<i32>} : memref<2x80x128xf32, #tpu.memory_space<vmem>>, vector<1x1x16xf32>,
      %swap3A_545 = vector.shape_cast %swap3A_544 : vector<1x1x16xf32> to vector<16xf32>
      %swap3A_546 = vector.shape_cast %mul3A_539 : vector<16xf32> to vector<1x1x16xf32>
      tpu.vector_store %arg10[%swap3A_541, %swap3A_542, %swap3A_543], %swap3A_546 {strides = array<i32>} : memref<2x80x128xf32, #tpu.memory_space<vmem>>, vector<1x1x16xf32>,
      %scan3A_547 = arith.constant 0 : i32
      scf.yield %scan3A_547 : i32
    }
    %scan3A_182 = arith.constant 40 : i32
    %dma_start3A_183 = arith.constant 0 : i32
    %dma_start3A_184 = arith.constant 0 : i32
    %dma_start3A_185 = arith.constant 0 : i32
    %dma_start3A_186 = arith.constant 0 : i32
    %dma_start3A_187 = arith.constant 0 : i32
    %dma_start3A_188 = tpu.memref_slice %arg10[%dma_start3A_183, %dma_start3A_186, %dma_start3A_187] : memref<2x80x128xf32, #tpu.memory_space<vmem>> -> memref<1x80x128xf32, #tpu.memory_space<vmem>>
    %dma_start3A_189 = tpu.memref_squeeze %dma_start3A_188 : memref<1x80x128xf32, #tpu.memory_space<vmem>> -> memref<80x128xf32, #tpu.memory_space<vmem>>
    %dma_start3A_190 = arith.constant 0 : i32
    %dma_start3A_191 = tpu.memref_slice %arg8[%dma_start3A_184, %dma_start3A_190] : memref<4x80xi32, #tpu.memory_space<vmem>> -> memref<1x80xi32, #tpu.memory_space<vmem>>
    %dma_start3A_192 = tpu.memref_squeeze %dma_start3A_191 : memref<1x80xi32, #tpu.memory_space<vmem>> -> memref<80xi32, #tpu.memory_space<vmem>>
    %dma_start3A_193 = arith.constant 0 : i32
    %dma_start3A_194 = arith.constant 0 : i32
    %dma_start3A_195 = tpu.memref_slice %arg11[%dma_start3A_193, %dma_start3A_194] : memref<10000x128xf32, #tpu.memory_space<vmem_shared>> -> memref<10000x128xf32, #tpu.memory_space<vmem_shared>>
    %dma_start3A_196 = tpu.memref_slice %arg15[%dma_start3A_185] : memref<2x!tpu.dma_semaphore, #tpu.memory_space<semaphore_mem>> -> memref<1x!tpu.dma_semaphore, #tpu.memory_space<semaphore_mem>>
    %dma_start3A_197 = tpu.memref_squeeze %dma_start3A_196 : memref<1x!tpu.dma_semaphore, #tpu.memory_space<semaphore_mem>> -> memref<!tpu.dma_semaphore, #tpu.memory_space<semaphore_mem>>
    tpu.enqueue_indirect_dma source(%dma_start3A_189 : memref<80x128xf32, #tpu.memory_space<vmem>>) target(%dma_start3A_195 : memref<10000x128xf32, #tpu.memory_space<vmem_shared>>) offsets(%dma_start3A_192 : memref<80xi32, #tpu.memory_space<vmem>>) semaphore(%dma_start3A_197 : memref<!tpu.dma_semaphore, #tpu.memory_space<semaphore_mem>>) {add = true}
    %dma_wait3A_198 = arith.constant 0 : i32
    %dma_wait3A_199 = arith.constant 0 : i32
    %dma_wait3A_200 = arith.constant 0 : i32
    %dma_wait3A_201 = arith.constant 0 : i32
    %dma_wait3A_202 = arith.constant 0 : i32
    %dma_wait3A_203 = tpu.memref_slice %arg10[%dma_wait3A_198, %dma_wait3A_201, %dma_wait3A_202] : memref<2x80x128xf32, #tpu.memory_space<vmem>> -> memref<1x80x128xf32, #tpu.memory_space<vmem>>
    %dma_wait3A_204 = tpu.memref_squeeze %dma_wait3A_203 : memref<1x80x128xf32, #tpu.memory_space<vmem>> -> memref<80x128xf32, #tpu.memory_space<vmem>>
    %dma_wait3A_205 = arith.constant 0 : i32
    %dma_wait3A_206 = tpu.memref_slice %arg8[%dma_wait3A_199, %dma_wait3A_205] : memref<4x80xi32, #tpu.memory_space<vmem>> -> memref<1x80xi32, #tpu.memory_space<vmem>>
    %dma_wait3A_207 = tpu.memref_squeeze %dma_wait3A_206 : memref<1x80xi32, #tpu.memory_space<vmem>> -> memref<80xi32, #tpu.memory_space<vmem>>
    %dma_wait3A_208 = arith.constant 0 : i32
    %dma_wait3A_209 = arith.constant 0 : i32
    %dma_wait3A_210 = tpu.memref_slice %arg11[%dma_wait3A_208, %dma_wait3A_209] : memref<10000x128xf32, #tpu.memory_space<vmem_shared>> -> memref<10000x128xf32, #tpu.memory_space<vmem_shared>>
    %dma_wait3A_211 = tpu.memref_slice %arg15[%dma_wait3A_200] : memref<2x!tpu.dma_semaphore, #tpu.memory_space<semaphore_mem>> -> memref<1x!tpu.dma_semaphore, #tpu.memory_space<semaphore_mem>>
    %dma_wait3A_212 = tpu.memref_squeeze %dma_wait3A_211 : memref<1x!tpu.dma_semaphore, #tpu.memory_space<semaphore_mem>> -> memref<!tpu.dma_semaphore, #tpu.memory_space<semaphore_mem>>
    tpu.wait_indirect_dma semaphore(%dma_wait3A_212 : memref<!tpu.dma_semaphore, #tpu.memory_space<semaphore_mem>>) src(%dma_wait3A_204 : memref<80x128xf32, #tpu.memory_space<vmem>>) dst(%dma_wait3A_210 : memref<10000x128xf32, #tpu.memory_space<vmem_shared>>)
    %barrier3A_213 = arith.constant 0 : index
    tpu.barrier barrier_id(%barrier3A_213)
    "tpu.region"() ({
      %run_scoped3A_219 = tpu.sem_alloc : memref<!tpu.dma_semaphore, #tpu.memory_space<semaphore_mem>>
      %dma_start3A_220 = arith.constant 0 : i32
      %dma_start3A_221 = tpu.memref_slice %arg6[%arg0, %mul3A_6, %dma_start3A_220] : memref<2x10000x128xf32, #tpu.memory_space<hbm>> -> memref<1x624x128xf32, #tpu.memory_space<hbm>>
      %dma_start3A_222 = tpu.memref_squeeze %dma_start3A_221 : memref<1x624x128xf32, #tpu.memory_space<hbm>> -> memref<624x128xf32, #tpu.memory_space<hbm>>
      %dma_start3A_223 = arith.constant 0 : i32
      %dma_start3A_224 = tpu.memref_slice %arg11[%mul3A_6, %dma_start3A_223] : memref<10000x128xf32, #tpu.memory_space<vmem_shared>> -> memref<624x128xf32, #tpu.memory_space<vmem_shared>>
      tpu.enqueue_dma source(%dma_start3A_224 : memref<624x128xf32, #tpu.memory_space<vmem_shared>>) target(%dma_start3A_222 : memref<624x128xf32, #tpu.memory_space<hbm>>) target_semaphore(%run_scoped3A_219 : memref<!tpu.dma_semaphore, #tpu.memory_space<semaphore_mem>>)
      %dma_wait3A_225 = arith.constant 0 : i32
      %dma_wait3A_226 = tpu.memref_slice %arg6[%arg0, %mul3A_6, %dma_wait3A_225] : memref<2x10000x128xf32, #tpu.memory_space<hbm>> -> memref<1x624x128xf32, #tpu.memory_space<hbm>>
      %dma_wait3A_227 = tpu.memref_squeeze %dma_wait3A_226 : memref<1x624x128xf32, #tpu.memory_space<hbm>> -> memref<624x128xf32, #tpu.memory_space<hbm>>
      %dma_wait3A_228 = arith.constant 0 : i32
      %dma_wait3A_229 = tpu.memref_slice %arg11[%mul3A_6, %dma_wait3A_228] : memref<10000x128xf32, #tpu.memory_space<vmem_shared>> -> memref<624x128xf32, #tpu.memory_space<vmem_shared>>
      tpu.wait_dma2 semaphore(%run_scoped3A_219 : memref<!tpu.dma_semaphore, #tpu.memory_space<semaphore_mem>>) src(%dma_wait3A_229 : memref<624x128xf32, #tpu.memory_space<vmem_shared>>) dst(%dma_wait3A_227 : memref<624x128xf32, #tpu.memory_space<hbm>>)
      tpu.yield
    }) : () -> ()
    %eq3A_214 = arith.constant 15 : i32
    %eq3A_215 = arith.cmpi eq, %arg1, %eq3A_214 : i32
    %convert_element_type3A_216 = arith.extui %eq3A_215 : i1 to i32
    %cond3A_217 = arith.constant 0 : i32
    %cond3A_218 = arith.cmpi ne, %convert_element_type3A_216, %cond3A_217 : i32
    scf.if %cond3A_218 {
      "tpu.region"() ({
        %run_scoped3A_219 = tpu.sem_alloc : memref<!tpu.dma_semaphore, #tpu.memory_space<semaphore_mem>>
        %dma_start3A_220 = arith.constant 9984 : i32
        %dma_start3A_221 = arith.constant 0 : i32
        %dma_start3A_222 = tpu.memref_slice %arg6[%arg0, %dma_start3A_220, %dma_start3A_221] : memref<2x10000x128xf32, #tpu.memory_space<hbm>> -> memref<1x16x128xf32, #tpu.memory_space<hbm>>
        %dma_start3A_223 = tpu.memref_squeeze %dma_start3A_222 : memref<1x16x128xf32, #tpu.memory_space<hbm>> -> memref<16x128xf32, #tpu.memory_space<hbm>>
        %dma_start3A_224 = arith.constant 9984 : i32
        %dma_start3A_225 = arith.constant 0 : i32
        %dma_start3A_226 = tpu.memref_slice %arg11[%dma_start3A_224, %dma_start3A_225] : memref<10000x128xf32, #tpu.memory_space<vmem_shared>> -> memref<16x128xf32, #tpu.memory_space<vmem_shared>>
        tpu.enqueue_dma source(%dma_start3A_226 : memref<16x128xf32, #tpu.memory_space<vmem_shared>>) target(%dma_start3A_223 : memref<16x128xf32, #tpu.memory_space<hbm>>) target_semaphore(%run_scoped3A_219 : memref<!tpu.dma_semaphore, #tpu.memory_space<semaphore_mem>>)
        %dma_wait3A_227 = arith.constant 9984 : i32
        %dma_wait3A_228 = arith.constant 0 : i32
        %dma_wait3A_229 = tpu.memref_slice %arg6[%arg0, %dma_wait3A_227, %dma_wait3A_228] : memref<2x10000x128xf32, #tpu.memory_space<hbm>> -> memref<1x16x128xf32, #tpu.memory_space<hbm>>
        %dma_wait3A_230 = tpu.memref_squeeze %dma_wait3A_229 : memref<1x16x128xf32, #tpu.memory_space<hbm>> -> memref<16x128xf32, #tpu.memory_space<hbm>>
        %dma_wait3A_231 = arith.constant 9984 : i32
        %dma_wait3A_232 = arith.constant 0 : i32
        %dma_wait3A_233 = tpu.memref_slice %arg11[%dma_wait3A_231, %dma_wait3A_232] : memref<10000x128xf32, #tpu.memory_space<vmem_shared>> -> memref<16x128xf32, #tpu.memory_space<vmem_shared>>
        tpu.wait_dma2 semaphore(%run_scoped3A_219 : memref<!tpu.dma_semaphore, #tpu.memory_space<semaphore_mem>>) src(%dma_wait3A_233 : memref<16x128xf32, #tpu.memory_space<vmem_shared>>) dst(%dma_wait3A_230 : memref<16x128xf32, #tpu.memory_space<hbm>>)
        tpu.yield
      }) : () -> ()
    } else {
    }
    return
  }
}

module attributes {stable_mosaic.version = 14 : i64} {
  func.func @_emb_body(%arg0: i32, %arg1: memref<2000x1xi32, #tpu.memory_space<vmem>>, %arg2: memref<100x128xf32, #tpu.memory_space<vmem>>, %arg3: memref<2000x128xf32, #tpu.memory_space<vmem>>) attributes {dimension_semantics = [#tpu.dimension_semantics<arbitrary>], iteration_bounds = array<i64: 5>, scalar_prefetch = 0 : i64, scratch_operands = 0 : i64, tpu.core_type = #tpu.core_type<tc>, window_params = [{transform_indices = @transform_0, window_bounds = array<i64: 2000, 1>}, {pipeline_mode = #tpu.pipeline_mode<synchronous>, transform_indices = @transform_1, window_bounds = array<i64: 100, 128>}, {transform_indices = @transform_2, window_bounds = array<i64: 2000, 128>}]} {
    %get3A = arith.constant 0 : index
    %get3A_0 = arith.constant 0 : index
    %get3A_1 = vector.load %arg1[%get3A, %get3A_0] : memref<2000x1xi32, #tpu.memory_space<vmem>>, vector<2000x1xi32>
    %iota3A = tpu.iota {dimensions = array<i32: 1>} : vector<2000x100xi32>
    %eq3A = vector.broadcast %get3A_1 : vector<2000x1xi32> to vector<2000x100xi32>
    %eq3A_2 = arith.cmpi eq, %eq3A, %iota3A : vector<2000x100xi32>
    %convert_element_type3A = arith.extui %eq3A_2 : vector<2000x100xi1> to vector<2000x100xi32>
    %convert_element_type3A_3 = arith.sitofp %convert_element_type3A : vector<2000x100xi32> to vector<2000x100xf32>
    %get3A_4 = arith.constant 0 : index
    %get3A_5 = arith.constant 0 : index
    %get3A_6 = vector.load %arg2[%get3A_4, %get3A_5] : memref<100x128xf32, #tpu.memory_space<vmem>>, vector<100x128xf32>
    %dot_general3A = arith.constant dense<0.000000e+00> : vector<2000x128xf32>
    %dot_general3A_7 = tpu.matmul %convert_element_type3A_3, %get3A_6, %dot_general3A {dimension_numbers = #tpu.dot_dimension_numbers<[1], [0], [0], [1], [0, 0, 1, 1], [], []>, transpose_lhs_hint = false} : vector<2000x100xf32>, vector<100x128xf32>, vector<2000x128xf32> -> vector<2000x128xf32>
    %swap3A = arith.constant 0 : index
    %swap3A_8 = arith.constant 0 : index
    %swap3A_9 = vector.load %arg3[%swap3A, %swap3A_8] : memref<2000x128xf32, #tpu.memory_space<vmem>>, vector<2000x128xf32>
    tpu.vector_store %arg3[%swap3A, %swap3A_8], %dot_general3A_7 {strides = array<i32>} : memref<2000x128xf32, #tpu.memory_space<vmem>>, vector<2000x128xf32>,
    return
  }
  func.func @transform_0(%arg0: i32) -> (i32, i32) {
    %c0_i32 = arith.constant 0 : i32
    %c0_i32_0 = arith.constant 0 : i32
    return %arg0, %c0_i32 : i32, i32
  }
  func.func @transform_1(%arg0: i32) -> (i32, i32) {
    %c0_i32 = arith.constant 0 : i32
    %c0_i32_0 = arith.constant 0 : i32
    %c0_i32_1 = arith.constant 0 : i32
    return %c0_i32, %c0_i32_0 : i32, i32
  }
  func.func @transform_2(%arg0: i32) -> (i32, i32) {
    %c0_i32 = arith.constant 0 : i32
    %c0_i32_0 = arith.constant 0 : i32
    return %arg0, %c0_i32 : i32, i32
  }
}

module attributes {stable_mosaic.version = 14 : i64} {
  func.func @_edge_w_body(%arg0: i32, %arg1: memref<16x12800xf32, #tpu.memory_space<vmem>>, %arg2: memref<1x100x128xf32, #tpu.memory_space<vmem>>, %arg3: memref<16x128xf32, #tpu.memory_space<vmem>>, %arg4: memref<1x128xf32, #tpu.memory_space<vmem>>, %arg5: memref<12800x128xf32, #tpu.memory_space<vmem>>) attributes {dimension_semantics = [#tpu.dimension_semantics<arbitrary>], iteration_bounds = array<i64: 25>, scalar_prefetch = 0 : i64, scratch_operands = 0 : i64, tpu.core_type = #tpu.core_type<tc>, window_params = [{transform_indices = @transform_0, window_bounds = array<i64: 16, 12800>}, {transform_indices = @transform_1, window_bounds = array<i64: 1, 100, 128>}, {pipeline_mode = #tpu.pipeline_mode<synchronous>, transform_indices = @transform_2, window_bounds = array<i64: 16, 128>}, {pipeline_mode = #tpu.pipeline_mode<synchronous>, transform_indices = @transform_3, window_bounds = array<i64: 1, 128>}, {transform_indices = @transform_4, window_bounds = array<i64: 12800, 128>}]} {
    %get3A = arith.constant 0 : index
    %get3A_0 = arith.constant 0 : index
    %get3A_1 = arith.constant 0 : index
    %get3A_2 = vector.load %arg2[%get3A, %get3A_0, %get3A_1] : memref<1x100x128xf32, #tpu.memory_space<vmem>>, vector<1x100x128xf32>
    %get3A_3 = vector.shape_cast %get3A_2 : vector<1x100x128xf32> to vector<100x128xf32>
    %mul3A = arith.constant 0.628318548 : f32
    %mul3A_4 = vector.broadcast %mul3A : f32 to vector<100x128xf32>
    %mul3A_5 = arith.mulf %get3A_3, %mul3A_4 : vector<100x128xf32>
    %cos3A = math.cos %mul3A_5 : vector<100x128xf32>
    %add3A = arith.constant 1.000000e+00 : f32
    %add3A_6 = vector.broadcast %add3A : f32 to vector<100x128xf32>
    %add3A_7 = arith.addf %cos3A, %add3A_6 : vector<100x128xf32>
    %mul3A_8 = arith.constant 5.000000e-01 : f32
    %mul3A_9 = vector.broadcast %mul3A_8 : f32 to vector<100x128xf32>
    %mul3A_10 = arith.mulf %mul3A_9, %add3A_7 : vector<100x128xf32>
    %lt3A = arith.constant 5.000000e+00 : f32
    %lt3A_11 = vector.broadcast %lt3A : f32 to vector<100x128xf32>
    %lt3A_12 = arith.cmpf olt, %get3A_3, %lt3A_11 : vector<100x128xf32>
    %jit3A = arith.constant 0.000000e+00 : f32
    %broadcast_in_dim3A = vector.broadcast %jit3A : f32 to vector<100x128xf32>
    %select_n3A = arith.select %lt3A_12, %mul3A_10, %broadcast_in_dim3A : vector<100x128xi1>, vector<100x128xf32>
    %iota3A = tpu.iota {dimensions = array<i32: 0>} : vector<128x128xi32>
    %iota3A_13 = tpu.iota {dimensions = array<i32: 1>} : vector<128x128xi32>
    %eq3A = arith.cmpi eq, %iota3A, %iota3A_13 : vector<128x128xi32>
    %convert_element_type3A = arith.extui %eq3A : vector<128x128xi1> to vector<128x128xi32>
    %convert_element_type3A_14 = arith.sitofp %convert_element_type3A : vector<128x128xi32> to vector<128x128xf32>
    %dot_general3A = arith.constant dense<0.000000e+00> : vector<128x100xf32>
    %dot_general3A_15 = tpu.matmul %convert_element_type3A_14, %select_n3A, %dot_general3A {dimension_numbers = #tpu.dot_dimension_numbers<[1], [1], [0], [0], [0, 0, 1, 0], [], []>, transpose_lhs_hint = false} : vector<128x128xf32>, vector<100x128xf32>, vector<128x100xf32> -> vector<128x100xf32>
    %get3A_16 = arith.constant 0 : index
    %get3A_17 = arith.constant 0 : index
    %get3A_18 = vector.load %arg3[%get3A_16, %get3A_17] : memref<16x128xf32, #tpu.memory_space<vmem>>, vector<16x128xf32>
    %get3A_19 = arith.constant 0 : index
    %get3A_20 = arith.constant 0 : index
    %get3A_21 = vector.load %arg4[%get3A_19, %get3A_20] : memref<1x128xf32, #tpu.memory_space<vmem>>, vector<1x128xf32>
    %get3A_22 = arith.constant 0 : index
    %get3A_23 = arith.constant 0 : index
    %get3A_24 = vector.load %arg1[%get3A_22, %get3A_23] : memref<16x12800xf32, #tpu.memory_space<vmem>>, vector<16x128xf32>
    %dot_general3A_25 = arith.constant dense<0.000000e+00> : vector<128x128xf32>
    %dot_general3A_26 = tpu.matmul %get3A_24, %get3A_18, %dot_general3A_25 {dimension_numbers = #tpu.dot_dimension_numbers<[0], [0], [1], [1], [0, 1, 1, 1], [], []>, transpose_lhs_hint = false} : vector<16x128xf32>, vector<16x128xf32>, vector<128x128xf32> -> vector<128x128xf32>
    %add3A_27 = vector.broadcast %get3A_21 : vector<1x128xf32> to vector<128x128xf32>
    %add3A_28 = arith.addf %dot_general3A_26, %add3A_27 : vector<128x128xf32>
    %slice3A = vector.extract_strided_slice %dot_general3A_15 {offsets = [0, 0], sizes = [128, 1], strides = [1, 1]} : vector<128x100xf32> to vector<128x1xf32>
    %mul3A_29 = vector.broadcast %slice3A : vector<128x1xf32> to vector<128x128xf32>
    %mul3A_30 = arith.mulf %add3A_28, %mul3A_29 : vector<128x128xf32>
    %swap3A = arith.constant 0 : index
    %swap3A_31 = arith.constant 0 : index
    %swap3A_32 = vector.load %arg5[%swap3A, %swap3A_31] : memref<12800x128xf32, #tpu.memory_space<vmem>>, vector<128x128xf32>
    tpu.vector_store %arg5[%swap3A, %swap3A_31], %mul3A_30 {strides = array<i32>} : memref<12800x128xf32, #tpu.memory_space<vmem>>, vector<128x128xf32>,
    %get3A_33 = arith.constant 0 : index
    %get3A_34 = arith.constant 128 : index
    %get3A_35 = vector.load %arg1[%get3A_33, %get3A_34] : memref<16x12800xf32, #tpu.memory_space<vmem>>, vector<16x128xf32>
    %dot_general3A_36 = arith.constant dense<0.000000e+00> : vector<128x128xf32>
    %dot_general3A_37 = tpu.matmul %get3A_35, %get3A_18, %dot_general3A_36 {dimension_numbers = #tpu.dot_dimension_numbers<[0], [0], [1], [1], [0, 1, 1, 1], [], []>, transpose_lhs_hint = false} : vector<16x128xf32>, vector<16x128xf32>, vector<128x128xf32> -> vector<128x128xf32>
    %add3A_38 = vector.broadcast %get3A_21 : vector<1x128xf32> to vector<128x128xf32>
    %add3A_39 = arith.addf %dot_general3A_37, %add3A_38 : vector<128x128xf32>
    %slice3A_40 = vector.extract_strided_slice %dot_general3A_15 {offsets = [0, 1], sizes = [128, 1], strides = [1, 1]} : vector<128x100xf32> to vector<128x1xf32>
    %mul3A_41 = vector.broadcast %slice3A_40 : vector<128x1xf32> to vector<128x128xf32>
    %mul3A_42 = arith.mulf %add3A_39, %mul3A_41 : vector<128x128xf32>
    %swap3A_43 = arith.constant 128 : index
    %swap3A_44 = arith.constant 0 : index
    %swap3A_45 = vector.load %arg5[%swap3A_43, %swap3A_44] : memref<12800x128xf32, #tpu.memory_space<vmem>>, vector<128x128xf32>
    tpu.vector_store %arg5[%swap3A_43, %swap3A_44], %mul3A_42 {strides = array<i32>} : memref<12800x128xf32, #tpu.memory_space<vmem>>, vector<128x128xf32>,
    %get3A_46 = arith.constant 0 : index
    %get3A_47 = arith.constant 256 : index
    %get3A_48 = vector.load %arg1[%get3A_46, %get3A_47] : memref<16x12800xf32, #tpu.memory_space<vmem>>, vector<16x128xf32>
    %dot_general3A_49 = arith.constant dense<0.000000e+00> : vector<128x128xf32>
    %dot_general3A_50 = tpu.matmul %get3A_48, %get3A_18, %dot_general3A_49 {dimension_numbers = #tpu.dot_dimension_numbers<[0], [0], [1], [1], [0, 1, 1, 1], [], []>, transpose_lhs_hint = false} : vector<16x128xf32>, vector<16x128xf32>, vector<128x128xf32> -> vector<128x128xf32>
    %add3A_51 = vector.broadcast %get3A_21 : vector<1x128xf32> to vector<128x128xf32>
    %add3A_52 = arith.addf %dot_general3A_50, %add3A_51 : vector<128x128xf32>
    %slice3A_53 = vector.extract_strided_slice %dot_general3A_15 {offsets = [0, 2], sizes = [128, 1], strides = [1, 1]} : vector<128x100xf32> to vector<128x1xf32>
    %mul3A_54 = vector.broadcast %slice3A_53 : vector<128x1xf32> to vector<128x128xf32>
    %mul3A_55 = arith.mulf %add3A_52, %mul3A_54 : vector<128x128xf32>
    %swap3A_56 = arith.constant 256 : index
    %swap3A_57 = arith.constant 0 : index
    %swap3A_58 = vector.load %arg5[%swap3A_56, %swap3A_57] : memref<12800x128xf32, #tpu.memory_space<vmem>>, vector<128x128xf32>
    tpu.vector_store %arg5[%swap3A_56, %swap3A_57], %mul3A_55 {strides = array<i32>} : memref<12800x128xf32, #tpu.memory_space<vmem>>, vector<128x128xf32>,
    %get3A_59 = arith.constant 0 : index
    %get3A_60 = arith.constant 384 : index
    %get3A_61 = vector.load %arg1[%get3A_59, %get3A_60] : memref<16x12800xf32, #tpu.memory_space<vmem>>, vector<16x128xf32>
    %dot_general3A_62 = arith.constant dense<0.000000e+00> : vector<128x128xf32>
    %dot_general3A_63 = tpu.matmul %get3A_61, %get3A_18, %dot_general3A_62 {dimension_numbers = #tpu.dot_dimension_numbers<[0], [0], [1], [1], [0, 1, 1, 1], [], []>, transpose_lhs_hint = false} : vector<16x128xf32>, vector<16x128xf32>, vector<128x128xf32> -> vector<128x128xf32>
    %add3A_64 = vector.broadcast %get3A_21 : vector<1x128xf32> to vector<128x128xf32>
    %add3A_65 = arith.addf %dot_general3A_63, %add3A_64 : vector<128x128xf32>
    %slice3A_66 = vector.extract_strided_slice %dot_general3A_15 {offsets = [0, 3], sizes = [128, 1], strides = [1, 1]} : vector<128x100xf32> to vector<128x1xf32>
    %mul3A_67 = vector.broadcast %slice3A_66 : vector<128x1xf32> to vector<128x128xf32>
    %mul3A_68 = arith.mulf %add3A_65, %mul3A_67 : vector<128x128xf32>
    %swap3A_69 = arith.constant 384 : index
    %swap3A_70 = arith.constant 0 : index
    %swap3A_71 = vector.load %arg5[%swap3A_69, %swap3A_70] : memref<12800x128xf32, #tpu.memory_space<vmem>>, vector<128x128xf32>
    tpu.vector_store %arg5[%swap3A_69, %swap3A_70], %mul3A_68 {strides = array<i32>} : memref<12800x128xf32, #tpu.memory_space<vmem>>, vector<128x128xf32>,
    %get3A_72 = arith.constant 0 : index
    %get3A_73 = arith.constant 512 : index
    %get3A_74 = vector.load %arg1[%get3A_72, %get3A_73] : memref<16x12800xf32, #tpu.memory_space<vmem>>, vector<16x128xf32>
    %dot_general3A_75 = arith.constant dense<0.000000e+00> : vector<128x128xf32>
    %dot_general3A_76 = tpu.matmul %get3A_74, %get3A_18, %dot_general3A_75 {dimension_numbers = #tpu.dot_dimension_numbers<[0], [0], [1], [1], [0, 1, 1, 1], [], []>, transpose_lhs_hint = false} : vector<16x128xf32>, vector<16x128xf32>, vector<128x128xf32> -> vector<128x128xf32>
    %add3A_77 = vector.broadcast %get3A_21 : vector<1x128xf32> to vector<128x128xf32>
    %add3A_78 = arith.addf %dot_general3A_76, %add3A_77 : vector<128x128xf32>
    %slice3A_79 = vector.extract_strided_slice %dot_general3A_15 {offsets = [0, 4], sizes = [128, 1], strides = [1, 1]} : vector<128x100xf32> to vector<128x1xf32>
    %mul3A_80 = vector.broadcast %slice3A_79 : vector<128x1xf32> to vector<128x128xf32>
    %mul3A_81 = arith.mulf %add3A_78, %mul3A_80 : vector<128x128xf32>
    %swap3A_82 = arith.constant 512 : index
    %swap3A_83 = arith.constant 0 : index
    %swap3A_84 = vector.load %arg5[%swap3A_82, %swap3A_83] : memref<12800x128xf32, #tpu.memory_space<vmem>>, vector<128x128xf32>
    tpu.vector_store %arg5[%swap3A_82, %swap3A_83], %mul3A_81 {strides = array<i32>} : memref<12800x128xf32, #tpu.memory_space<vmem>>, vector<128x128xf32>,
    %get3A_85 = arith.constant 0 : index
    %get3A_86 = arith.constant 640 : index
    %get3A_87 = vector.load %arg1[%get3A_85, %get3A_86] : memref<16x12800xf32, #tpu.memory_space<vmem>>, vector<16x128xf32>
    %dot_general3A_88 = arith.constant dense<0.000000e+00> : vector<128x128xf32>
    %dot_general3A_89 = tpu.matmul %get3A_87, %get3A_18, %dot_general3A_88 {dimension_numbers = #tpu.dot_dimension_numbers<[0], [0], [1], [1], [0, 1, 1, 1], [], []>, transpose_lhs_hint = false} : vector<16x128xf32>, vector<16x128xf32>, vector<128x128xf32> -> vector<128x128xf32>
    %add3A_90 = vector.broadcast %get3A_21 : vector<1x128xf32> to vector<128x128xf32>
    %add3A_91 = arith.addf %dot_general3A_89, %add3A_90 : vector<128x128xf32>
    %slice3A_92 = vector.extract_strided_slice %dot_general3A_15 {offsets = [0, 5], sizes = [128, 1], strides = [1, 1]} : vector<128x100xf32> to vector<128x1xf32>
    %mul3A_93 = vector.broadcast %slice3A_92 : vector<128x1xf32> to vector<128x128xf32>
    %mul3A_94 = arith.mulf %add3A_91, %mul3A_93 : vector<128x128xf32>
    %swap3A_95 = arith.constant 640 : index
    %swap3A_96 = arith.constant 0 : index
    %swap3A_97 = vector.load %arg5[%swap3A_95, %swap3A_96] : memref<12800x128xf32, #tpu.memory_space<vmem>>, vector<128x128xf32>
    tpu.vector_store %arg5[%swap3A_95, %swap3A_96], %mul3A_94 {strides = array<i32>} : memref<12800x128xf32, #tpu.memory_space<vmem>>, vector<128x128xf32>,
    %get3A_98 = arith.constant 0 : index
    %get3A_99 = arith.constant 768 : index
    %get3A_100 = vector.load %arg1[%get3A_98, %get3A_99] : memref<16x12800xf32, #tpu.memory_space<vmem>>, vector<16x128xf32>
    %dot_general3A_101 = arith.constant dense<0.000000e+00> : vector<128x128xf32>
    %dot_general3A_102 = tpu.matmul %get3A_100, %get3A_18, %dot_general3A_101 {dimension_numbers = #tpu.dot_dimension_numbers<[0], [0], [1], [1], [0, 1, 1, 1], [], []>, transpose_lhs_hint = false} : vector<16x128xf32>, vector<16x128xf32>, vector<128x128xf32> -> vector<128x128xf32>
    %add3A_103 = vector.broadcast %get3A_21 : vector<1x128xf32> to vector<128x128xf32>
    %add3A_104 = arith.addf %dot_general3A_102, %add3A_103 : vector<128x128xf32>
    %slice3A_105 = vector.extract_strided_slice %dot_general3A_15 {offsets = [0, 6], sizes = [128, 1], strides = [1, 1]} : vector<128x100xf32> to vector<128x1xf32>
    %mul3A_106 = vector.broadcast %slice3A_105 : vector<128x1xf32> to vector<128x128xf32>
    %mul3A_107 = arith.mulf %add3A_104, %mul3A_106 : vector<128x128xf32>
    %swap3A_108 = arith.constant 768 : index
    %swap3A_109 = arith.constant 0 : index
    %swap3A_110 = vector.load %arg5[%swap3A_108, %swap3A_109] : memref<12800x128xf32, #tpu.memory_space<vmem>>, vector<128x128xf32>
    tpu.vector_store %arg5[%swap3A_108, %swap3A_109], %mul3A_107 {strides = array<i32>} : memref<12800x128xf32, #tpu.memory_space<vmem>>, vector<128x128xf32>,
    %get3A_111 = arith.constant 0 : index
    %get3A_112 = arith.constant 896 : index
    %get3A_113 = vector.load %arg1[%get3A_111, %get3A_112] : memref<16x12800xf32, #tpu.memory_space<vmem>>, vector<16x128xf32>
    %dot_general3A_114 = arith.constant dense<0.000000e+00> : vector<128x128xf32>
    %dot_general3A_115 = tpu.matmul %get3A_113, %get3A_18, %dot_general3A_114 {dimension_numbers = #tpu.dot_dimension_numbers<[0], [0], [1], [1], [0, 1, 1, 1], [], []>, transpose_lhs_hint = false} : vector<16x128xf32>, vector<16x128xf32>, vector<128x128xf32> -> vector<128x128xf32>
    %add3A_116 = vector.broadcast %get3A_21 : vector<1x128xf32> to vector<128x128xf32>
    %add3A_117 = arith.addf %dot_general3A_115, %add3A_116 : vector<128x128xf32>
    %slice3A_118 = vector.extract_strided_slice %dot_general3A_15 {offsets = [0, 7], sizes = [128, 1], strides = [1, 1]} : vector<128x100xf32> to vector<128x1xf32>
    %mul3A_119 = vector.broadcast %slice3A_118 : vector<128x1xf32> to vector<128x128xf32>
    %mul3A_120 = arith.mulf %add3A_117, %mul3A_119 : vector<128x128xf32>
    %swap3A_121 = arith.constant 896 : index
    %swap3A_122 = arith.constant 0 : index
    %swap3A_123 = vector.load %arg5[%swap3A_121, %swap3A_122] : memref<12800x128xf32, #tpu.memory_space<vmem>>, vector<128x128xf32>
    tpu.vector_store %arg5[%swap3A_121, %swap3A_122], %mul3A_120 {strides = array<i32>} : memref<12800x128xf32, #tpu.memory_space<vmem>>, vector<128x128xf32>,
    %get3A_124 = arith.constant 0 : index
    %get3A_125 = arith.constant 1024 : index
    %get3A_126 = vector.load %arg1[%get3A_124, %get3A_125] : memref<16x12800xf32, #tpu.memory_space<vmem>>, vector<16x128xf32>
    %dot_general3A_127 = arith.constant dense<0.000000e+00> : vector<128x128xf32>
    %dot_general3A_128 = tpu.matmul %get3A_126, %get3A_18, %dot_general3A_127 {dimension_numbers = #tpu.dot_dimension_numbers<[0], [0], [1], [1], [0, 1, 1, 1], [], []>, transpose_lhs_hint = false} : vector<16x128xf32>, vector<16x128xf32>, vector<128x128xf32> -> vector<128x128xf32>
    %add3A_129 = vector.broadcast %get3A_21 : vector<1x128xf32> to vector<128x128xf32>
    %add3A_130 = arith.addf %dot_general3A_128, %add3A_129 : vector<128x128xf32>
    %slice3A_131 = vector.extract_strided_slice %dot_general3A_15 {offsets = [0, 8], sizes = [128, 1], strides = [1, 1]} : vector<128x100xf32> to vector<128x1xf32>
    %mul3A_132 = vector.broadcast %slice3A_131 : vector<128x1xf32> to vector<128x128xf32>
    %mul3A_133 = arith.mulf %add3A_130, %mul3A_132 : vector<128x128xf32>
    %swap3A_134 = arith.constant 1024 : index
    %swap3A_135 = arith.constant 0 : index
    %swap3A_136 = vector.load %arg5[%swap3A_134, %swap3A_135] : memref<12800x128xf32, #tpu.memory_space<vmem>>, vector<128x128xf32>
    tpu.vector_store %arg5[%swap3A_134, %swap3A_135], %mul3A_133 {strides = array<i32>} : memref<12800x128xf32, #tpu.memory_space<vmem>>, vector<128x128xf32>,
    %get3A_137 = arith.constant 0 : index
    %get3A_138 = arith.constant 1152 : index
    %get3A_139 = vector.load %arg1[%get3A_137, %get3A_138] : memref<16x12800xf32, #tpu.memory_space<vmem>>, vector<16x128xf32>
    %dot_general3A_140 = arith.constant dense<0.000000e+00> : vector<128x128xf32>
    %dot_general3A_141 = tpu.matmul %get3A_139, %get3A_18, %dot_general3A_140 {dimension_numbers = #tpu.dot_dimension_numbers<[0], [0], [1], [1], [0, 1, 1, 1], [], []>, transpose_lhs_hint = false} : vector<16x128xf32>, vector<16x128xf32>, vector<128x128xf32> -> vector<128x128xf32>
    %add3A_142 = vector.broadcast %get3A_21 : vector<1x128xf32> to vector<128x128xf32>
    %add3A_143 = arith.addf %dot_general3A_141, %add3A_142 : vector<128x128xf32>
    %slice3A_144 = vector.extract_strided_slice %dot_general3A_15 {offsets = [0, 9], sizes = [128, 1], strides = [1, 1]} : vector<128x100xf32> to vector<128x1xf32>
    %mul3A_145 = vector.broadcast %slice3A_144 : vector<128x1xf32> to vector<128x128xf32>
    %mul3A_146 = arith.mulf %add3A_143, %mul3A_145 : vector<128x128xf32>
    %swap3A_147 = arith.constant 1152 : index
    %swap3A_148 = arith.constant 0 : index
    %swap3A_149 = vector.load %arg5[%swap3A_147, %swap3A_148] : memref<12800x128xf32, #tpu.memory_space<vmem>>, vector<128x128xf32>
    tpu.vector_store %arg5[%swap3A_147, %swap3A_148], %mul3A_146 {strides = array<i32>} : memref<12800x128xf32, #tpu.memory_space<vmem>>, vector<128x128xf32>,
    %get3A_150 = arith.constant 0 : index
    %get3A_151 = arith.constant 1280 : index
    %get3A_152 = vector.load %arg1[%get3A_150, %get3A_151] : memref<16x12800xf32, #tpu.memory_space<vmem>>, vector<16x128xf32>
    %dot_general3A_153 = arith.constant dense<0.000000e+00> : vector<128x128xf32>
    %dot_general3A_154 = tpu.matmul %get3A_152, %get3A_18, %dot_general3A_153 {dimension_numbers = #tpu.dot_dimension_numbers<[0], [0], [1], [1], [0, 1, 1, 1], [], []>, transpose_lhs_hint = false} : vector<16x128xf32>, vector<16x128xf32>, vector<128x128xf32> -> vector<128x128xf32>
    %add3A_155 = vector.broadcast %get3A_21 : vector<1x128xf32> to vector<128x128xf32>
    %add3A_156 = arith.addf %dot_general3A_154, %add3A_155 : vector<128x128xf32>
    %slice3A_157 = vector.extract_strided_slice %dot_general3A_15 {offsets = [0, 10], sizes = [128, 1], strides = [1, 1]} : vector<128x100xf32> to vector<128x1xf32>
    %mul3A_158 = vector.broadcast %slice3A_157 : vector<128x1xf32> to vector<128x128xf32>
    %mul3A_159 = arith.mulf %add3A_156, %mul3A_158 : vector<128x128xf32>
    %swap3A_160 = arith.constant 1280 : index
    %swap3A_161 = arith.constant 0 : index
    %swap3A_162 = vector.load %arg5[%swap3A_160, %swap3A_161] : memref<12800x128xf32, #tpu.memory_space<vmem>>, vector<128x128xf32>
    tpu.vector_store %arg5[%swap3A_160, %swap3A_161], %mul3A_159 {strides = array<i32>} : memref<12800x128xf32, #tpu.memory_space<vmem>>, vector<128x128xf32>,
    %get3A_163 = arith.constant 0 : index
    %get3A_164 = arith.constant 1408 : index
    %get3A_165 = vector.load %arg1[%get3A_163, %get3A_164] : memref<16x12800xf32, #tpu.memory_space<vmem>>, vector<16x128xf32>
    %dot_general3A_166 = arith.constant dense<0.000000e+00> : vector<128x128xf32>
    %dot_general3A_167 = tpu.matmul %get3A_165, %get3A_18, %dot_general3A_166 {dimension_numbers = #tpu.dot_dimension_numbers<[0], [0], [1], [1], [0, 1, 1, 1], [], []>, transpose_lhs_hint = false} : vector<16x128xf32>, vector<16x128xf32>, vector<128x128xf32> -> vector<128x128xf32>
    %add3A_168 = vector.broadcast %get3A_21 : vector<1x128xf32> to vector<128x128xf32>
    %add3A_169 = arith.addf %dot_general3A_167, %add3A_168 : vector<128x128xf32>
    %slice3A_170 = vector.extract_strided_slice %dot_general3A_15 {offsets = [0, 11], sizes = [128, 1], strides = [1, 1]} : vector<128x100xf32> to vector<128x1xf32>
    %mul3A_171 = vector.broadcast %slice3A_170 : vector<128x1xf32> to vector<128x128xf32>
    %mul3A_172 = arith.mulf %add3A_169, %mul3A_171 : vector<128x128xf32>
    %swap3A_173 = arith.constant 1408 : index
    %swap3A_174 = arith.constant 0 : index
    %swap3A_175 = vector.load %arg5[%swap3A_173, %swap3A_174] : memref<12800x128xf32, #tpu.memory_space<vmem>>, vector<128x128xf32>
    tpu.vector_store %arg5[%swap3A_173, %swap3A_174], %mul3A_172 {strides = array<i32>} : memref<12800x128xf32, #tpu.memory_space<vmem>>, vector<128x128xf32>,
    %get3A_176 = arith.constant 0 : index
    %get3A_177 = arith.constant 1536 : index
    %get3A_178 = vector.load %arg1[%get3A_176, %get3A_177] : memref<16x12800xf32, #tpu.memory_space<vmem>>, vector<16x128xf32>
    %dot_general3A_179 = arith.constant dense<0.000000e+00> : vector<128x128xf32>
    %dot_general3A_180 = tpu.matmul %get3A_178, %get3A_18, %dot_general3A_179 {dimension_numbers = #tpu.dot_dimension_numbers<[0], [0], [1], [1], [0, 1, 1, 1], [], []>, transpose_lhs_hint = false} : vector<16x128xf32>, vector<16x128xf32>, vector<128x128xf32> -> vector<128x128xf32>
    %add3A_181 = vector.broadcast %get3A_21 : vector<1x128xf32> to vector<128x128xf32>
    %add3A_182 = arith.addf %dot_general3A_180, %add3A_181 : vector<128x128xf32>
    %slice3A_183 = vector.extract_strided_slice %dot_general3A_15 {offsets = [0, 12], sizes = [128, 1], strides = [1, 1]} : vector<128x100xf32> to vector<128x1xf32>
    %mul3A_184 = vector.broadcast %slice3A_183 : vector<128x1xf32> to vector<128x128xf32>
    %mul3A_185 = arith.mulf %add3A_182, %mul3A_184 : vector<128x128xf32>
    %swap3A_186 = arith.constant 1536 : index
    %swap3A_187 = arith.constant 0 : index
    %swap3A_188 = vector.load %arg5[%swap3A_186, %swap3A_187] : memref<12800x128xf32, #tpu.memory_space<vmem>>, vector<128x128xf32>
    tpu.vector_store %arg5[%swap3A_186, %swap3A_187], %mul3A_185 {strides = array<i32>} : memref<12800x128xf32, #tpu.memory_space<vmem>>, vector<128x128xf32>,
    %get3A_189 = arith.constant 0 : index
    %get3A_190 = arith.constant 1664 : index
    %get3A_191 = vector.load %arg1[%get3A_189, %get3A_190] : memref<16x12800xf32, #tpu.memory_space<vmem>>, vector<16x128xf32>
    %dot_general3A_192 = arith.constant dense<0.000000e+00> : vector<128x128xf32>
    %dot_general3A_193 = tpu.matmul %get3A_191, %get3A_18, %dot_general3A_192 {dimension_numbers = #tpu.dot_dimension_numbers<[0], [0], [1], [1], [0, 1, 1, 1], [], []>, transpose_lhs_hint = false} : vector<16x128xf32>, vector<16x128xf32>, vector<128x128xf32> -> vector<128x128xf32>
    %add3A_194 = vector.broadcast %get3A_21 : vector<1x128xf32> to vector<128x128xf32>
    %add3A_195 = arith.addf %dot_general3A_193, %add3A_194 : vector<128x128xf32>
    %slice3A_196 = vector.extract_strided_slice %dot_general3A_15 {offsets = [0, 13], sizes = [128, 1], strides = [1, 1]} : vector<128x100xf32> to vector<128x1xf32>
    %mul3A_197 = vector.broadcast %slice3A_196 : vector<128x1xf32> to vector<128x128xf32>
    %mul3A_198 = arith.mulf %add3A_195, %mul3A_197 : vector<128x128xf32>
    %swap3A_199 = arith.constant 1664 : index
    %swap3A_200 = arith.constant 0 : index
    %swap3A_201 = vector.load %arg5[%swap3A_199, %swap3A_200] : memref<12800x128xf32, #tpu.memory_space<vmem>>, vector<128x128xf32>
    tpu.vector_store %arg5[%swap3A_199, %swap3A_200], %mul3A_198 {strides = array<i32>} : memref<12800x128xf32, #tpu.memory_space<vmem>>, vector<128x128xf32>,
    %get3A_202 = arith.constant 0 : index
    %get3A_203 = arith.constant 1792 : index
    %get3A_204 = vector.load %arg1[%get3A_202, %get3A_203] : memref<16x12800xf32, #tpu.memory_space<vmem>>, vector<16x128xf32>
    %dot_general3A_205 = arith.constant dense<0.000000e+00> : vector<128x128xf32>
    %dot_general3A_206 = tpu.matmul %get3A_204, %get3A_18, %dot_general3A_205 {dimension_numbers = #tpu.dot_dimension_numbers<[0], [0], [1], [1], [0, 1, 1, 1], [], []>, transpose_lhs_hint = false} : vector<16x128xf32>, vector<16x128xf32>, vector<128x128xf32> -> vector<128x128xf32>
    %add3A_207 = vector.broadcast %get3A_21 : vector<1x128xf32> to vector<128x128xf32>
    %add3A_208 = arith.addf %dot_general3A_206, %add3A_207 : vector<128x128xf32>
    %slice3A_209 = vector.extract_strided_slice %dot_general3A_15 {offsets = [0, 14], sizes = [128, 1], strides = [1, 1]} : vector<128x100xf32> to vector<128x1xf32>
    %mul3A_210 = vector.broadcast %slice3A_209 : vector<128x1xf32> to vector<128x128xf32>
    %mul3A_211 = arith.mulf %add3A_208, %mul3A_210 : vector<128x128xf32>
    %swap3A_212 = arith.constant 1792 : index
    %swap3A_213 = arith.constant 0 : index
    %swap3A_214 = vector.load %arg5[%swap3A_212, %swap3A_213] : memref<12800x128xf32, #tpu.memory_space<vmem>>, vector<128x128xf32>
    tpu.vector_store %arg5[%swap3A_212, %swap3A_213], %mul3A_211 {strides = array<i32>} : memref<12800x128xf32, #tpu.memory_space<vmem>>, vector<128x128xf32>,
    %get3A_215 = arith.constant 0 : index
    %get3A_216 = arith.constant 1920 : index
    %get3A_217 = vector.load %arg1[%get3A_215, %get3A_216] : memref<16x12800xf32, #tpu.memory_space<vmem>>, vector<16x128xf32>
    %dot_general3A_218 = arith.constant dense<0.000000e+00> : vector<128x128xf32>
    %dot_general3A_219 = tpu.matmul %get3A_217, %get3A_18, %dot_general3A_218 {dimension_numbers = #tpu.dot_dimension_numbers<[0], [0], [1], [1], [0, 1, 1, 1], [], []>, transpose_lhs_hint = false} : vector<16x128xf32>, vector<16x128xf32>, vector<128x128xf32> -> vector<128x128xf32>
    %add3A_220 = vector.broadcast %get3A_21 : vector<1x128xf32> to vector<128x128xf32>
    %add3A_221 = arith.addf %dot_general3A_219, %add3A_220 : vector<128x128xf32>
    %slice3A_222 = vector.extract_strided_slice %dot_general3A_15 {offsets = [0, 15], sizes = [128, 1], strides = [1, 1]} : vector<128x100xf32> to vector<128x1xf32>
    %mul3A_223 = vector.broadcast %slice3A_222 : vector<128x1xf32> to vector<128x128xf32>
    %mul3A_224 = arith.mulf %add3A_221, %mul3A_223 : vector<128x128xf32>
    %swap3A_225 = arith.constant 1920 : index
    %swap3A_226 = arith.constant 0 : index
    %swap3A_227 = vector.load %arg5[%swap3A_225, %swap3A_226] : memref<12800x128xf32, #tpu.memory_space<vmem>>, vector<128x128xf32>
    tpu.vector_store %arg5[%swap3A_225, %swap3A_226], %mul3A_224 {strides = array<i32>} : memref<12800x128xf32, #tpu.memory_space<vmem>>, vector<128x128xf32>,
    %get3A_228 = arith.constant 0 : index
    %get3A_229 = arith.constant 2048 : index
    %get3A_230 = vector.load %arg1[%get3A_228, %get3A_229] : memref<16x12800xf32, #tpu.memory_space<vmem>>, vector<16x128xf32>
    %dot_general3A_231 = arith.constant dense<0.000000e+00> : vector<128x128xf32>
    %dot_general3A_232 = tpu.matmul %get3A_230, %get3A_18, %dot_general3A_231 {dimension_numbers = #tpu.dot_dimension_numbers<[0], [0], [1], [1], [0, 1, 1, 1], [], []>, transpose_lhs_hint = false} : vector<16x128xf32>, vector<16x128xf32>, vector<128x128xf32> -> vector<128x128xf32>
    %add3A_233 = vector.broadcast %get3A_21 : vector<1x128xf32> to vector<128x128xf32>
    %add3A_234 = arith.addf %dot_general3A_232, %add3A_233 : vector<128x128xf32>
    %slice3A_235 = vector.extract_strided_slice %dot_general3A_15 {offsets = [0, 16], sizes = [128, 1], strides = [1, 1]} : vector<128x100xf32> to vector<128x1xf32>
    %mul3A_236 = vector.broadcast %slice3A_235 : vector<128x1xf32> to vector<128x128xf32>
    %mul3A_237 = arith.mulf %add3A_234, %mul3A_236 : vector<128x128xf32>
    %swap3A_238 = arith.constant 2048 : index
    %swap3A_239 = arith.constant 0 : index
    %swap3A_240 = vector.load %arg5[%swap3A_238, %swap3A_239] : memref<12800x128xf32, #tpu.memory_space<vmem>>, vector<128x128xf32>
    tpu.vector_store %arg5[%swap3A_238, %swap3A_239], %mul3A_237 {strides = array<i32>} : memref<12800x128xf32, #tpu.memory_space<vmem>>, vector<128x128xf32>,
    %get3A_241 = arith.constant 0 : index
    %get3A_242 = arith.constant 2176 : index
    %get3A_243 = vector.load %arg1[%get3A_241, %get3A_242] : memref<16x12800xf32, #tpu.memory_space<vmem>>, vector<16x128xf32>
    %dot_general3A_244 = arith.constant dense<0.000000e+00> : vector<128x128xf32>
    %dot_general3A_245 = tpu.matmul %get3A_243, %get3A_18, %dot_general3A_244 {dimension_numbers = #tpu.dot_dimension_numbers<[0], [0], [1], [1], [0, 1, 1, 1], [], []>, transpose_lhs_hint = false} : vector<16x128xf32>, vector<16x128xf32>, vector<128x128xf32> -> vector<128x128xf32>
    %add3A_246 = vector.broadcast %get3A_21 : vector<1x128xf32> to vector<128x128xf32>
    %add3A_247 = arith.addf %dot_general3A_245, %add3A_246 : vector<128x128xf32>
    %slice3A_248 = vector.extract_strided_slice %dot_general3A_15 {offsets = [0, 17], sizes = [128, 1], strides = [1, 1]} : vector<128x100xf32> to vector<128x1xf32>
    %mul3A_249 = vector.broadcast %slice3A_248 : vector<128x1xf32> to vector<128x128xf32>
    %mul3A_250 = arith.mulf %add3A_247, %mul3A_249 : vector<128x128xf32>
    %swap3A_251 = arith.constant 2176 : index
    %swap3A_252 = arith.constant 0 : index
    %swap3A_253 = vector.load %arg5[%swap3A_251, %swap3A_252] : memref<12800x128xf32, #tpu.memory_space<vmem>>, vector<128x128xf32>
    tpu.vector_store %arg5[%swap3A_251, %swap3A_252], %mul3A_250 {strides = array<i32>} : memref<12800x128xf32, #tpu.memory_space<vmem>>, vector<128x128xf32>,
    %get3A_254 = arith.constant 0 : index
    %get3A_255 = arith.constant 2304 : index
    %get3A_256 = vector.load %arg1[%get3A_254, %get3A_255] : memref<16x12800xf32, #tpu.memory_space<vmem>>, vector<16x128xf32>
    %dot_general3A_257 = arith.constant dense<0.000000e+00> : vector<128x128xf32>
    %dot_general3A_258 = tpu.matmul %get3A_256, %get3A_18, %dot_general3A_257 {dimension_numbers = #tpu.dot_dimension_numbers<[0], [0], [1], [1], [0, 1, 1, 1], [], []>, transpose_lhs_hint = false} : vector<16x128xf32>, vector<16x128xf32>, vector<128x128xf32> -> vector<128x128xf32>
    %add3A_259 = vector.broadcast %get3A_21 : vector<1x128xf32> to vector<128x128xf32>
    %add3A_260 = arith.addf %dot_general3A_258, %add3A_259 : vector<128x128xf32>
    %slice3A_261 = vector.extract_strided_slice %dot_general3A_15 {offsets = [0, 18], sizes = [128, 1], strides = [1, 1]} : vector<128x100xf32> to vector<128x1xf32>
    %mul3A_262 = vector.broadcast %slice3A_261 : vector<128x1xf32> to vector<128x128xf32>
    %mul3A_263 = arith.mulf %add3A_260, %mul3A_262 : vector<128x128xf32>
    %swap3A_264 = arith.constant 2304 : index
    %swap3A_265 = arith.constant 0 : index
    %swap3A_266 = vector.load %arg5[%swap3A_264, %swap3A_265] : memref<12800x128xf32, #tpu.memory_space<vmem>>, vector<128x128xf32>
    tpu.vector_store %arg5[%swap3A_264, %swap3A_265], %mul3A_263 {strides = array<i32>} : memref<12800x128xf32, #tpu.memory_space<vmem>>, vector<128x128xf32>,
    %get3A_267 = arith.constant 0 : index
    %get3A_268 = arith.constant 2432 : index
    %get3A_269 = vector.load %arg1[%get3A_267, %get3A_268] : memref<16x12800xf32, #tpu.memory_space<vmem>>, vector<16x128xf32>
    %dot_general3A_270 = arith.constant dense<0.000000e+00> : vector<128x128xf32>
    %dot_general3A_271 = tpu.matmul %get3A_269, %get3A_18, %dot_general3A_270 {dimension_numbers = #tpu.dot_dimension_numbers<[0], [0], [1], [1], [0, 1, 1, 1], [], []>, transpose_lhs_hint = false} : vector<16x128xf32>, vector<16x128xf32>, vector<128x128xf32> -> vector<128x128xf32>
    %add3A_272 = vector.broadcast %get3A_21 : vector<1x128xf32> to vector<128x128xf32>
    %add3A_273 = arith.addf %dot_general3A_271, %add3A_272 : vector<128x128xf32>
    %slice3A_274 = vector.extract_strided_slice %dot_general3A_15 {offsets = [0, 19], sizes = [128, 1], strides = [1, 1]} : vector<128x100xf32> to vector<128x1xf32>
    %mul3A_275 = vector.broadcast %slice3A_274 : vector<128x1xf32> to vector<128x128xf32>
    %mul3A_276 = arith.mulf %add3A_273, %mul3A_275 : vector<128x128xf32>
    %swap3A_277 = arith.constant 2432 : index
    %swap3A_278 = arith.constant 0 : index
    %swap3A_279 = vector.load %arg5[%swap3A_277, %swap3A_278] : memref<12800x128xf32, #tpu.memory_space<vmem>>, vector<128x128xf32>
    tpu.vector_store %arg5[%swap3A_277, %swap3A_278], %mul3A_276 {strides = array<i32>} : memref<12800x128xf32, #tpu.memory_space<vmem>>, vector<128x128xf32>,
    %get3A_280 = arith.constant 0 : index
    %get3A_281 = arith.constant 2560 : index
    %get3A_282 = vector.load %arg1[%get3A_280, %get3A_281] : memref<16x12800xf32, #tpu.memory_space<vmem>>, vector<16x128xf32>
    %dot_general3A_283 = arith.constant dense<0.000000e+00> : vector<128x128xf32>
    %dot_general3A_284 = tpu.matmul %get3A_282, %get3A_18, %dot_general3A_283 {dimension_numbers = #tpu.dot_dimension_numbers<[0], [0], [1], [1], [0, 1, 1, 1], [], []>, transpose_lhs_hint = false} : vector<16x128xf32>, vector<16x128xf32>, vector<128x128xf32> -> vector<128x128xf32>
    %add3A_285 = vector.broadcast %get3A_21 : vector<1x128xf32> to vector<128x128xf32>
    %add3A_286 = arith.addf %dot_general3A_284, %add3A_285 : vector<128x128xf32>
    %slice3A_287 = vector.extract_strided_slice %dot_general3A_15 {offsets = [0, 20], sizes = [128, 1], strides = [1, 1]} : vector<128x100xf32> to vector<128x1xf32>
    %mul3A_288 = vector.broadcast %slice3A_287 : vector<128x1xf32> to vector<128x128xf32>
    %mul3A_289 = arith.mulf %add3A_286, %mul3A_288 : vector<128x128xf32>
    %swap3A_290 = arith.constant 2560 : index
    %swap3A_291 = arith.constant 0 : index
    %swap3A_292 = vector.load %arg5[%swap3A_290, %swap3A_291] : memref<12800x128xf32, #tpu.memory_space<vmem>>, vector<128x128xf32>
    tpu.vector_store %arg5[%swap3A_290, %swap3A_291], %mul3A_289 {strides = array<i32>} : memref<12800x128xf32, #tpu.memory_space<vmem>>, vector<128x128xf32>,
    %get3A_293 = arith.constant 0 : index
    %get3A_294 = arith.constant 2688 : index
    %get3A_295 = vector.load %arg1[%get3A_293, %get3A_294] : memref<16x12800xf32, #tpu.memory_space<vmem>>, vector<16x128xf32>
    %dot_general3A_296 = arith.constant dense<0.000000e+00> : vector<128x128xf32>
    %dot_general3A_297 = tpu.matmul %get3A_295, %get3A_18, %dot_general3A_296 {dimension_numbers = #tpu.dot_dimension_numbers<[0], [0], [1], [1], [0, 1, 1, 1], [], []>, transpose_lhs_hint = false} : vector<16x128xf32>, vector<16x128xf32>, vector<128x128xf32> -> vector<128x128xf32>
    %add3A_298 = vector.broadcast %get3A_21 : vector<1x128xf32> to vector<128x128xf32>
    %add3A_299 = arith.addf %dot_general3A_297, %add3A_298 : vector<128x128xf32>
    %slice3A_300 = vector.extract_strided_slice %dot_general3A_15 {offsets = [0, 21], sizes = [128, 1], strides = [1, 1]} : vector<128x100xf32> to vector<128x1xf32>
    %mul3A_301 = vector.broadcast %slice3A_300 : vector<128x1xf32> to vector<128x128xf32>
    %mul3A_302 = arith.mulf %add3A_299, %mul3A_301 : vector<128x128xf32>
    %swap3A_303 = arith.constant 2688 : index
    %swap3A_304 = arith.constant 0 : index
    %swap3A_305 = vector.load %arg5[%swap3A_303, %swap3A_304] : memref<12800x128xf32, #tpu.memory_space<vmem>>, vector<128x128xf32>
    tpu.vector_store %arg5[%swap3A_303, %swap3A_304], %mul3A_302 {strides = array<i32>} : memref<12800x128xf32, #tpu.memory_space<vmem>>, vector<128x128xf32>,
    %get3A_306 = arith.constant 0 : index
    %get3A_307 = arith.constant 2816 : index
    %get3A_308 = vector.load %arg1[%get3A_306, %get3A_307] : memref<16x12800xf32, #tpu.memory_space<vmem>>, vector<16x128xf32>
    %dot_general3A_309 = arith.constant dense<0.000000e+00> : vector<128x128xf32>
    %dot_general3A_310 = tpu.matmul %get3A_308, %get3A_18, %dot_general3A_309 {dimension_numbers = #tpu.dot_dimension_numbers<[0], [0], [1], [1], [0, 1, 1, 1], [], []>, transpose_lhs_hint = false} : vector<16x128xf32>, vector<16x128xf32>, vector<128x128xf32> -> vector<128x128xf32>
    %add3A_311 = vector.broadcast %get3A_21 : vector<1x128xf32> to vector<128x128xf32>
    %add3A_312 = arith.addf %dot_general3A_310, %add3A_311 : vector<128x128xf32>
    %slice3A_313 = vector.extract_strided_slice %dot_general3A_15 {offsets = [0, 22], sizes = [128, 1], strides = [1, 1]} : vector<128x100xf32> to vector<128x1xf32>
    %mul3A_314 = vector.broadcast %slice3A_313 : vector<128x1xf32> to vector<128x128xf32>
    %mul3A_315 = arith.mulf %add3A_312, %mul3A_314 : vector<128x128xf32>
    %swap3A_316 = arith.constant 2816 : index
    %swap3A_317 = arith.constant 0 : index
    %swap3A_318 = vector.load %arg5[%swap3A_316, %swap3A_317] : memref<12800x128xf32, #tpu.memory_space<vmem>>, vector<128x128xf32>
    tpu.vector_store %arg5[%swap3A_316, %swap3A_317], %mul3A_315 {strides = array<i32>} : memref<12800x128xf32, #tpu.memory_space<vmem>>, vector<128x128xf32>,
    %get3A_319 = arith.constant 0 : index
    %get3A_320 = arith.constant 2944 : index
    %get3A_321 = vector.load %arg1[%get3A_319, %get3A_320] : memref<16x12800xf32, #tpu.memory_space<vmem>>, vector<16x128xf32>
    %dot_general3A_322 = arith.constant dense<0.000000e+00> : vector<128x128xf32>
    %dot_general3A_323 = tpu.matmul %get3A_321, %get3A_18, %dot_general3A_322 {dimension_numbers = #tpu.dot_dimension_numbers<[0], [0], [1], [1], [0, 1, 1, 1], [], []>, transpose_lhs_hint = false} : vector<16x128xf32>, vector<16x128xf32>, vector<128x128xf32> -> vector<128x128xf32>
    %add3A_324 = vector.broadcast %get3A_21 : vector<1x128xf32> to vector<128x128xf32>
    %add3A_325 = arith.addf %dot_general3A_323, %add3A_324 : vector<128x128xf32>
    %slice3A_326 = vector.extract_strided_slice %dot_general3A_15 {offsets = [0, 23], sizes = [128, 1], strides = [1, 1]} : vector<128x100xf32> to vector<128x1xf32>
    %mul3A_327 = vector.broadcast %slice3A_326 : vector<128x1xf32> to vector<128x128xf32>
    %mul3A_328 = arith.mulf %add3A_325, %mul3A_327 : vector<128x128xf32>
    %swap3A_329 = arith.constant 2944 : index
    %swap3A_330 = arith.constant 0 : index
    %swap3A_331 = vector.load %arg5[%swap3A_329, %swap3A_330] : memref<12800x128xf32, #tpu.memory_space<vmem>>, vector<128x128xf32>
    tpu.vector_store %arg5[%swap3A_329, %swap3A_330], %mul3A_328 {strides = array<i32>} : memref<12800x128xf32, #tpu.memory_space<vmem>>, vector<128x128xf32>,
    %get3A_332 = arith.constant 0 : index
    %get3A_333 = arith.constant 3072 : index
    %get3A_334 = vector.load %arg1[%get3A_332, %get3A_333] : memref<16x12800xf32, #tpu.memory_space<vmem>>, vector<16x128xf32>
    %dot_general3A_335 = arith.constant dense<0.000000e+00> : vector<128x128xf32>
    %dot_general3A_336 = tpu.matmul %get3A_334, %get3A_18, %dot_general3A_335 {dimension_numbers = #tpu.dot_dimension_numbers<[0], [0], [1], [1], [0, 1, 1, 1], [], []>, transpose_lhs_hint = false} : vector<16x128xf32>, vector<16x128xf32>, vector<128x128xf32> -> vector<128x128xf32>
    %add3A_337 = vector.broadcast %get3A_21 : vector<1x128xf32> to vector<128x128xf32>
    %add3A_338 = arith.addf %dot_general3A_336, %add3A_337 : vector<128x128xf32>
    %slice3A_339 = vector.extract_strided_slice %dot_general3A_15 {offsets = [0, 24], sizes = [128, 1], strides = [1, 1]} : vector<128x100xf32> to vector<128x1xf32>
    %mul3A_340 = vector.broadcast %slice3A_339 : vector<128x1xf32> to vector<128x128xf32>
    %mul3A_341 = arith.mulf %add3A_338, %mul3A_340 : vector<128x128xf32>
    %swap3A_342 = arith.constant 3072 : index
    %swap3A_343 = arith.constant 0 : index
    %swap3A_344 = vector.load %arg5[%swap3A_342, %swap3A_343] : memref<12800x128xf32, #tpu.memory_space<vmem>>, vector<128x128xf32>
    tpu.vector_store %arg5[%swap3A_342, %swap3A_343], %mul3A_341 {strides = array<i32>} : memref<12800x128xf32, #tpu.memory_space<vmem>>, vector<128x128xf32>,
    %get3A_345 = arith.constant 0 : index
    %get3A_346 = arith.constant 3200 : index
    %get3A_347 = vector.load %arg1[%get3A_345, %get3A_346] : memref<16x12800xf32, #tpu.memory_space<vmem>>, vector<16x128xf32>
    %dot_general3A_348 = arith.constant dense<0.000000e+00> : vector<128x128xf32>
    %dot_general3A_349 = tpu.matmul %get3A_347, %get3A_18, %dot_general3A_348 {dimension_numbers = #tpu.dot_dimension_numbers<[0], [0], [1], [1], [0, 1, 1, 1], [], []>, transpose_lhs_hint = false} : vector<16x128xf32>, vector<16x128xf32>, vector<128x128xf32> -> vector<128x128xf32>
    %add3A_350 = vector.broadcast %get3A_21 : vector<1x128xf32> to vector<128x128xf32>
    %add3A_351 = arith.addf %dot_general3A_349, %add3A_350 : vector<128x128xf32>
    %slice3A_352 = vector.extract_strided_slice %dot_general3A_15 {offsets = [0, 25], sizes = [128, 1], strides = [1, 1]} : vector<128x100xf32> to vector<128x1xf32>
    %mul3A_353 = vector.broadcast %slice3A_352 : vector<128x1xf32> to vector<128x128xf32>
    %mul3A_354 = arith.mulf %add3A_351, %mul3A_353 : vector<128x128xf32>
    %swap3A_355 = arith.constant 3200 : index
    %swap3A_356 = arith.constant 0 : index
    %swap3A_357 = vector.load %arg5[%swap3A_355, %swap3A_356] : memref<12800x128xf32, #tpu.memory_space<vmem>>, vector<128x128xf32>
    tpu.vector_store %arg5[%swap3A_355, %swap3A_356], %mul3A_354 {strides = array<i32>} : memref<12800x128xf32, #tpu.memory_space<vmem>>, vector<128x128xf32>,
    %get3A_358 = arith.constant 0 : index
    %get3A_359 = arith.constant 3328 : index
    %get3A_360 = vector.load %arg1[%get3A_358, %get3A_359] : memref<16x12800xf32, #tpu.memory_space<vmem>>, vector<16x128xf32>
    %dot_general3A_361 = arith.constant dense<0.000000e+00> : vector<128x128xf32>
    %dot_general3A_362 = tpu.matmul %get3A_360, %get3A_18, %dot_general3A_361 {dimension_numbers = #tpu.dot_dimension_numbers<[0], [0], [1], [1], [0, 1, 1, 1], [], []>, transpose_lhs_hint = false} : vector<16x128xf32>, vector<16x128xf32>, vector<128x128xf32> -> vector<128x128xf32>
    %add3A_363 = vector.broadcast %get3A_21 : vector<1x128xf32> to vector<128x128xf32>
    %add3A_364 = arith.addf %dot_general3A_362, %add3A_363 : vector<128x128xf32>
    %slice3A_365 = vector.extract_strided_slice %dot_general3A_15 {offsets = [0, 26], sizes = [128, 1], strides = [1, 1]} : vector<128x100xf32> to vector<128x1xf32>
    %mul3A_366 = vector.broadcast %slice3A_365 : vector<128x1xf32> to vector<128x128xf32>
    %mul3A_367 = arith.mulf %add3A_364, %mul3A_366 : vector<128x128xf32>
    %swap3A_368 = arith.constant 3328 : index
    %swap3A_369 = arith.constant 0 : index
    %swap3A_370 = vector.load %arg5[%swap3A_368, %swap3A_369] : memref<12800x128xf32, #tpu.memory_space<vmem>>, vector<128x128xf32>
    tpu.vector_store %arg5[%swap3A_368, %swap3A_369], %mul3A_367 {strides = array<i32>} : memref<12800x128xf32, #tpu.memory_space<vmem>>, vector<128x128xf32>,
    %get3A_371 = arith.constant 0 : index
    %get3A_372 = arith.constant 3456 : index
    %get3A_373 = vector.load %arg1[%get3A_371, %get3A_372] : memref<16x12800xf32, #tpu.memory_space<vmem>>, vector<16x128xf32>
    %dot_general3A_374 = arith.constant dense<0.000000e+00> : vector<128x128xf32>
    %dot_general3A_375 = tpu.matmul %get3A_373, %get3A_18, %dot_general3A_374 {dimension_numbers = #tpu.dot_dimension_numbers<[0], [0], [1], [1], [0, 1, 1, 1], [], []>, transpose_lhs_hint = false} : vector<16x128xf32>, vector<16x128xf32>, vector<128x128xf32> -> vector<128x128xf32>
    %add3A_376 = vector.broadcast %get3A_21 : vector<1x128xf32> to vector<128x128xf32>
    %add3A_377 = arith.addf %dot_general3A_375, %add3A_376 : vector<128x128xf32>
    %slice3A_378 = vector.extract_strided_slice %dot_general3A_15 {offsets = [0, 27], sizes = [128, 1], strides = [1, 1]} : vector<128x100xf32> to vector<128x1xf32>
    %mul3A_379 = vector.broadcast %slice3A_378 : vector<128x1xf32> to vector<128x128xf32>
    %mul3A_380 = arith.mulf %add3A_377, %mul3A_379 : vector<128x128xf32>
    %swap3A_381 = arith.constant 3456 : index
    %swap3A_382 = arith.constant 0 : index
    %swap3A_383 = vector.load %arg5[%swap3A_381, %swap3A_382] : memref<12800x128xf32, #tpu.memory_space<vmem>>, vector<128x128xf32>
    tpu.vector_store %arg5[%swap3A_381, %swap3A_382], %mul3A_380 {strides = array<i32>} : memref<12800x128xf32, #tpu.memory_space<vmem>>, vector<128x128xf32>,
    %get3A_384 = arith.constant 0 : index
    %get3A_385 = arith.constant 3584 : index
    %get3A_386 = vector.load %arg1[%get3A_384, %get3A_385] : memref<16x12800xf32, #tpu.memory_space<vmem>>, vector<16x128xf32>
    %dot_general3A_387 = arith.constant dense<0.000000e+00> : vector<128x128xf32>
    %dot_general3A_388 = tpu.matmul %get3A_386, %get3A_18, %dot_general3A_387 {dimension_numbers = #tpu.dot_dimension_numbers<[0], [0], [1], [1], [0, 1, 1, 1], [], []>, transpose_lhs_hint = false} : vector<16x128xf32>, vector<16x128xf32>, vector<128x128xf32> -> vector<128x128xf32>
    %add3A_389 = vector.broadcast %get3A_21 : vector<1x128xf32> to vector<128x128xf32>
    %add3A_390 = arith.addf %dot_general3A_388, %add3A_389 : vector<128x128xf32>
    %slice3A_391 = vector.extract_strided_slice %dot_general3A_15 {offsets = [0, 28], sizes = [128, 1], strides = [1, 1]} : vector<128x100xf32> to vector<128x1xf32>
    %mul3A_392 = vector.broadcast %slice3A_391 : vector<128x1xf32> to vector<128x128xf32>
    %mul3A_393 = arith.mulf %add3A_390, %mul3A_392 : vector<128x128xf32>
    %swap3A_394 = arith.constant 3584 : index
    %swap3A_395 = arith.constant 0 : index
    %swap3A_396 = vector.load %arg5[%swap3A_394, %swap3A_395] : memref<12800x128xf32, #tpu.memory_space<vmem>>, vector<128x128xf32>
    tpu.vector_store %arg5[%swap3A_394, %swap3A_395], %mul3A_393 {strides = array<i32>} : memref<12800x128xf32, #tpu.memory_space<vmem>>, vector<128x128xf32>,
    %get3A_397 = arith.constant 0 : index
    %get3A_398 = arith.constant 3712 : index
    %get3A_399 = vector.load %arg1[%get3A_397, %get3A_398] : memref<16x12800xf32, #tpu.memory_space<vmem>>, vector<16x128xf32>
    %dot_general3A_400 = arith.constant dense<0.000000e+00> : vector<128x128xf32>
    %dot_general3A_401 = tpu.matmul %get3A_399, %get3A_18, %dot_general3A_400 {dimension_numbers = #tpu.dot_dimension_numbers<[0], [0], [1], [1], [0, 1, 1, 1], [], []>, transpose_lhs_hint = false} : vector<16x128xf32>, vector<16x128xf32>, vector<128x128xf32> -> vector<128x128xf32>
    %add3A_402 = vector.broadcast %get3A_21 : vector<1x128xf32> to vector<128x128xf32>
    %add3A_403 = arith.addf %dot_general3A_401, %add3A_402 : vector<128x128xf32>
    %slice3A_404 = vector.extract_strided_slice %dot_general3A_15 {offsets = [0, 29], sizes = [128, 1], strides = [1, 1]} : vector<128x100xf32> to vector<128x1xf32>
    %mul3A_405 = vector.broadcast %slice3A_404 : vector<128x1xf32> to vector<128x128xf32>
    %mul3A_406 = arith.mulf %add3A_403, %mul3A_405 : vector<128x128xf32>
    %swap3A_407 = arith.constant 3712 : index
    %swap3A_408 = arith.constant 0 : index
    %swap3A_409 = vector.load %arg5[%swap3A_407, %swap3A_408] : memref<12800x128xf32, #tpu.memory_space<vmem>>, vector<128x128xf32>
    tpu.vector_store %arg5[%swap3A_407, %swap3A_408], %mul3A_406 {strides = array<i32>} : memref<12800x128xf32, #tpu.memory_space<vmem>>, vector<128x128xf32>,
    %get3A_410 = arith.constant 0 : index
    %get3A_411 = arith.constant 3840 : index
    %get3A_412 = vector.load %arg1[%get3A_410, %get3A_411] : memref<16x12800xf32, #tpu.memory_space<vmem>>, vector<16x128xf32>
    %dot_general3A_413 = arith.constant dense<0.000000e+00> : vector<128x128xf32>
    %dot_general3A_414 = tpu.matmul %get3A_412, %get3A_18, %dot_general3A_413 {dimension_numbers = #tpu.dot_dimension_numbers<[0], [0], [1], [1], [0, 1, 1, 1], [], []>, transpose_lhs_hint = false} : vector<16x128xf32>, vector<16x128xf32>, vector<128x128xf32> -> vector<128x128xf32>
    %add3A_415 = vector.broadcast %get3A_21 : vector<1x128xf32> to vector<128x128xf32>
    %add3A_416 = arith.addf %dot_general3A_414, %add3A_415 : vector<128x128xf32>
    %slice3A_417 = vector.extract_strided_slice %dot_general3A_15 {offsets = [0, 30], sizes = [128, 1], strides = [1, 1]} : vector<128x100xf32> to vector<128x1xf32>
    %mul3A_418 = vector.broadcast %slice3A_417 : vector<128x1xf32> to vector<128x128xf32>
    %mul3A_419 = arith.mulf %add3A_416, %mul3A_418 : vector<128x128xf32>
    %swap3A_420 = arith.constant 3840 : index
    %swap3A_421 = arith.constant 0 : index
    %swap3A_422 = vector.load %arg5[%swap3A_420, %swap3A_421] : memref<12800x128xf32, #tpu.memory_space<vmem>>, vector<128x128xf32>
    tpu.vector_store %arg5[%swap3A_420, %swap3A_421], %mul3A_419 {strides = array<i32>} : memref<12800x128xf32, #tpu.memory_space<vmem>>, vector<128x128xf32>,
    %get3A_423 = arith.constant 0 : index
    %get3A_424 = arith.constant 3968 : index
    %get3A_425 = vector.load %arg1[%get3A_423, %get3A_424] : memref<16x12800xf32, #tpu.memory_space<vmem>>, vector<16x128xf32>
    %dot_general3A_426 = arith.constant dense<0.000000e+00> : vector<128x128xf32>
    %dot_general3A_427 = tpu.matmul %get3A_425, %get3A_18, %dot_general3A_426 {dimension_numbers = #tpu.dot_dimension_numbers<[0], [0], [1], [1], [0, 1, 1, 1], [], []>, transpose_lhs_hint = false} : vector<16x128xf32>, vector<16x128xf32>, vector<128x128xf32> -> vector<128x128xf32>
    %add3A_428 = vector.broadcast %get3A_21 : vector<1x128xf32> to vector<128x128xf32>
    %add3A_429 = arith.addf %dot_general3A_427, %add3A_428 : vector<128x128xf32>
    %slice3A_430 = vector.extract_strided_slice %dot_general3A_15 {offsets = [0, 31], sizes = [128, 1], strides = [1, 1]} : vector<128x100xf32> to vector<128x1xf32>
    %mul3A_431 = vector.broadcast %slice3A_430 : vector<128x1xf32> to vector<128x128xf32>
    %mul3A_432 = arith.mulf %add3A_429, %mul3A_431 : vector<128x128xf32>
    %swap3A_433 = arith.constant 3968 : index
    %swap3A_434 = arith.constant 0 : index
    %swap3A_435 = vector.load %arg5[%swap3A_433, %swap3A_434] : memref<12800x128xf32, #tpu.memory_space<vmem>>, vector<128x128xf32>
    tpu.vector_store %arg5[%swap3A_433, %swap3A_434], %mul3A_432 {strides = array<i32>} : memref<12800x128xf32, #tpu.memory_space<vmem>>, vector<128x128xf32>,
    %get3A_436 = arith.constant 0 : index
    %get3A_437 = arith.constant 4096 : index
    %get3A_438 = vector.load %arg1[%get3A_436, %get3A_437] : memref<16x12800xf32, #tpu.memory_space<vmem>>, vector<16x128xf32>
    %dot_general3A_439 = arith.constant dense<0.000000e+00> : vector<128x128xf32>
    %dot_general3A_440 = tpu.matmul %get3A_438, %get3A_18, %dot_general3A_439 {dimension_numbers = #tpu.dot_dimension_numbers<[0], [0], [1], [1], [0, 1, 1, 1], [], []>, transpose_lhs_hint = false} : vector<16x128xf32>, vector<16x128xf32>, vector<128x128xf32> -> vector<128x128xf32>
    %add3A_441 = vector.broadcast %get3A_21 : vector<1x128xf32> to vector<128x128xf32>
    %add3A_442 = arith.addf %dot_general3A_440, %add3A_441 : vector<128x128xf32>
    %slice3A_443 = vector.extract_strided_slice %dot_general3A_15 {offsets = [0, 32], sizes = [128, 1], strides = [1, 1]} : vector<128x100xf32> to vector<128x1xf32>
    %mul3A_444 = vector.broadcast %slice3A_443 : vector<128x1xf32> to vector<128x128xf32>
    %mul3A_445 = arith.mulf %add3A_442, %mul3A_444 : vector<128x128xf32>
    %swap3A_446 = arith.constant 4096 : index
    %swap3A_447 = arith.constant 0 : index
    %swap3A_448 = vector.load %arg5[%swap3A_446, %swap3A_447] : memref<12800x128xf32, #tpu.memory_space<vmem>>, vector<128x128xf32>
    tpu.vector_store %arg5[%swap3A_446, %swap3A_447], %mul3A_445 {strides = array<i32>} : memref<12800x128xf32, #tpu.memory_space<vmem>>, vector<128x128xf32>,
    %get3A_449 = arith.constant 0 : index
    %get3A_450 = arith.constant 4224 : index
    %get3A_451 = vector.load %arg1[%get3A_449, %get3A_450] : memref<16x12800xf32, #tpu.memory_space<vmem>>, vector<16x128xf32>
    %dot_general3A_452 = arith.constant dense<0.000000e+00> : vector<128x128xf32>
    %dot_general3A_453 = tpu.matmul %get3A_451, %get3A_18, %dot_general3A_452 {dimension_numbers = #tpu.dot_dimension_numbers<[0], [0], [1], [1], [0, 1, 1, 1], [], []>, transpose_lhs_hint = false} : vector<16x128xf32>, vector<16x128xf32>, vector<128x128xf32> -> vector<128x128xf32>
    %add3A_454 = vector.broadcast %get3A_21 : vector<1x128xf32> to vector<128x128xf32>
    %add3A_455 = arith.addf %dot_general3A_453, %add3A_454 : vector<128x128xf32>
    %slice3A_456 = vector.extract_strided_slice %dot_general3A_15 {offsets = [0, 33], sizes = [128, 1], strides = [1, 1]} : vector<128x100xf32> to vector<128x1xf32>
    %mul3A_457 = vector.broadcast %slice3A_456 : vector<128x1xf32> to vector<128x128xf32>
    %mul3A_458 = arith.mulf %add3A_455, %mul3A_457 : vector<128x128xf32>
    %swap3A_459 = arith.constant 4224 : index
    %swap3A_460 = arith.constant 0 : index
    %swap3A_461 = vector.load %arg5[%swap3A_459, %swap3A_460] : memref<12800x128xf32, #tpu.memory_space<vmem>>, vector<128x128xf32>
    tpu.vector_store %arg5[%swap3A_459, %swap3A_460], %mul3A_458 {strides = array<i32>} : memref<12800x128xf32, #tpu.memory_space<vmem>>, vector<128x128xf32>,
    %get3A_462 = arith.constant 0 : index
    %get3A_463 = arith.constant 4352 : index
    %get3A_464 = vector.load %arg1[%get3A_462, %get3A_463] : memref<16x12800xf32, #tpu.memory_space<vmem>>, vector<16x128xf32>
    %dot_general3A_465 = arith.constant dense<0.000000e+00> : vector<128x128xf32>
    %dot_general3A_466 = tpu.matmul %get3A_464, %get3A_18, %dot_general3A_465 {dimension_numbers = #tpu.dot_dimension_numbers<[0], [0], [1], [1], [0, 1, 1, 1], [], []>, transpose_lhs_hint = false} : vector<16x128xf32>, vector<16x128xf32>, vector<128x128xf32> -> vector<128x128xf32>
    %add3A_467 = vector.broadcast %get3A_21 : vector<1x128xf32> to vector<128x128xf32>
    %add3A_468 = arith.addf %dot_general3A_466, %add3A_467 : vector<128x128xf32>
    %slice3A_469 = vector.extract_strided_slice %dot_general3A_15 {offsets = [0, 34], sizes = [128, 1], strides = [1, 1]} : vector<128x100xf32> to vector<128x1xf32>
    %mul3A_470 = vector.broadcast %slice3A_469 : vector<128x1xf32> to vector<128x128xf32>
    %mul3A_471 = arith.mulf %add3A_468, %mul3A_470 : vector<128x128xf32>
    %swap3A_472 = arith.constant 4352 : index
    %swap3A_473 = arith.constant 0 : index
    %swap3A_474 = vector.load %arg5[%swap3A_472, %swap3A_473] : memref<12800x128xf32, #tpu.memory_space<vmem>>, vector<128x128xf32>
    tpu.vector_store %arg5[%swap3A_472, %swap3A_473], %mul3A_471 {strides = array<i32>} : memref<12800x128xf32, #tpu.memory_space<vmem>>, vector<128x128xf32>,
    %get3A_475 = arith.constant 0 : index
    %get3A_476 = arith.constant 4480 : index
    %get3A_477 = vector.load %arg1[%get3A_475, %get3A_476] : memref<16x12800xf32, #tpu.memory_space<vmem>>, vector<16x128xf32>
    %dot_general3A_478 = arith.constant dense<0.000000e+00> : vector<128x128xf32>
    %dot_general3A_479 = tpu.matmul %get3A_477, %get3A_18, %dot_general3A_478 {dimension_numbers = #tpu.dot_dimension_numbers<[0], [0], [1], [1], [0, 1, 1, 1], [], []>, transpose_lhs_hint = false} : vector<16x128xf32>, vector<16x128xf32>, vector<128x128xf32> -> vector<128x128xf32>
    %add3A_480 = vector.broadcast %get3A_21 : vector<1x128xf32> to vector<128x128xf32>
    %add3A_481 = arith.addf %dot_general3A_479, %add3A_480 : vector<128x128xf32>
    %slice3A_482 = vector.extract_strided_slice %dot_general3A_15 {offsets = [0, 35], sizes = [128, 1], strides = [1, 1]} : vector<128x100xf32> to vector<128x1xf32>
    %mul3A_483 = vector.broadcast %slice3A_482 : vector<128x1xf32> to vector<128x128xf32>
    %mul3A_484 = arith.mulf %add3A_481, %mul3A_483 : vector<128x128xf32>
    %swap3A_485 = arith.constant 4480 : index
    %swap3A_486 = arith.constant 0 : index
    %swap3A_487 = vector.load %arg5[%swap3A_485, %swap3A_486] : memref<12800x128xf32, #tpu.memory_space<vmem>>, vector<128x128xf32>
    tpu.vector_store %arg5[%swap3A_485, %swap3A_486], %mul3A_484 {strides = array<i32>} : memref<12800x128xf32, #tpu.memory_space<vmem>>, vector<128x128xf32>,
    %get3A_488 = arith.constant 0 : index
    %get3A_489 = arith.constant 4608 : index
    %get3A_490 = vector.load %arg1[%get3A_488, %get3A_489] : memref<16x12800xf32, #tpu.memory_space<vmem>>, vector<16x128xf32>
    %dot_general3A_491 = arith.constant dense<0.000000e+00> : vector<128x128xf32>
    %dot_general3A_492 = tpu.matmul %get3A_490, %get3A_18, %dot_general3A_491 {dimension_numbers = #tpu.dot_dimension_numbers<[0], [0], [1], [1], [0, 1, 1, 1], [], []>, transpose_lhs_hint = false} : vector<16x128xf32>, vector<16x128xf32>, vector<128x128xf32> -> vector<128x128xf32>
    %add3A_493 = vector.broadcast %get3A_21 : vector<1x128xf32> to vector<128x128xf32>
    %add3A_494 = arith.addf %dot_general3A_492, %add3A_493 : vector<128x128xf32>
    %slice3A_495 = vector.extract_strided_slice %dot_general3A_15 {offsets = [0, 36], sizes = [128, 1], strides = [1, 1]} : vector<128x100xf32> to vector<128x1xf32>
    %mul3A_496 = vector.broadcast %slice3A_495 : vector<128x1xf32> to vector<128x128xf32>
    %mul3A_497 = arith.mulf %add3A_494, %mul3A_496 : vector<128x128xf32>
    %swap3A_498 = arith.constant 4608 : index
    %swap3A_499 = arith.constant 0 : index
    %swap3A_500 = vector.load %arg5[%swap3A_498, %swap3A_499] : memref<12800x128xf32, #tpu.memory_space<vmem>>, vector<128x128xf32>
    tpu.vector_store %arg5[%swap3A_498, %swap3A_499], %mul3A_497 {strides = array<i32>} : memref<12800x128xf32, #tpu.memory_space<vmem>>, vector<128x128xf32>,
    %get3A_501 = arith.constant 0 : index
    %get3A_502 = arith.constant 4736 : index
    %get3A_503 = vector.load %arg1[%get3A_501, %get3A_502] : memref<16x12800xf32, #tpu.memory_space<vmem>>, vector<16x128xf32>
    %dot_general3A_504 = arith.constant dense<0.000000e+00> : vector<128x128xf32>
    %dot_general3A_505 = tpu.matmul %get3A_503, %get3A_18, %dot_general3A_504 {dimension_numbers = #tpu.dot_dimension_numbers<[0], [0], [1], [1], [0, 1, 1, 1], [], []>, transpose_lhs_hint = false} : vector<16x128xf32>, vector<16x128xf32>, vector<128x128xf32> -> vector<128x128xf32>
    %add3A_506 = vector.broadcast %get3A_21 : vector<1x128xf32> to vector<128x128xf32>
    %add3A_507 = arith.addf %dot_general3A_505, %add3A_506 : vector<128x128xf32>
    %slice3A_508 = vector.extract_strided_slice %dot_general3A_15 {offsets = [0, 37], sizes = [128, 1], strides = [1, 1]} : vector<128x100xf32> to vector<128x1xf32>
    %mul3A_509 = vector.broadcast %slice3A_508 : vector<128x1xf32> to vector<128x128xf32>
    %mul3A_510 = arith.mulf %add3A_507, %mul3A_509 : vector<128x128xf32>
    %swap3A_511 = arith.constant 4736 : index
    %swap3A_512 = arith.constant 0 : index
    %swap3A_513 = vector.load %arg5[%swap3A_511, %swap3A_512] : memref<12800x128xf32, #tpu.memory_space<vmem>>, vector<128x128xf32>
    tpu.vector_store %arg5[%swap3A_511, %swap3A_512], %mul3A_510 {strides = array<i32>} : memref<12800x128xf32, #tpu.memory_space<vmem>>, vector<128x128xf32>,
    %get3A_514 = arith.constant 0 : index
    %get3A_515 = arith.constant 4864 : index
    %get3A_516 = vector.load %arg1[%get3A_514, %get3A_515] : memref<16x12800xf32, #tpu.memory_space<vmem>>, vector<16x128xf32>
    %dot_general3A_517 = arith.constant dense<0.000000e+00> : vector<128x128xf32>
    %dot_general3A_518 = tpu.matmul %get3A_516, %get3A_18, %dot_general3A_517 {dimension_numbers = #tpu.dot_dimension_numbers<[0], [0], [1], [1], [0, 1, 1, 1], [], []>, transpose_lhs_hint = false} : vector<16x128xf32>, vector<16x128xf32>, vector<128x128xf32> -> vector<128x128xf32>
    %add3A_519 = vector.broadcast %get3A_21 : vector<1x128xf32> to vector<128x128xf32>
    %add3A_520 = arith.addf %dot_general3A_518, %add3A_519 : vector<128x128xf32>
    %slice3A_521 = vector.extract_strided_slice %dot_general3A_15 {offsets = [0, 38], sizes = [128, 1], strides = [1, 1]} : vector<128x100xf32> to vector<128x1xf32>
    %mul3A_522 = vector.broadcast %slice3A_521 : vector<128x1xf32> to vector<128x128xf32>
    %mul3A_523 = arith.mulf %add3A_520, %mul3A_522 : vector<128x128xf32>
    %swap3A_524 = arith.constant 4864 : index
    %swap3A_525 = arith.constant 0 : index
    %swap3A_526 = vector.load %arg5[%swap3A_524, %swap3A_525] : memref<12800x128xf32, #tpu.memory_space<vmem>>, vector<128x128xf32>
    tpu.vector_store %arg5[%swap3A_524, %swap3A_525], %mul3A_523 {strides = array<i32>} : memref<12800x128xf32, #tpu.memory_space<vmem>>, vector<128x128xf32>,
    %get3A_527 = arith.constant 0 : index
    %get3A_528 = arith.constant 4992 : index
    %get3A_529 = vector.load %arg1[%get3A_527, %get3A_528] : memref<16x12800xf32, #tpu.memory_space<vmem>>, vector<16x128xf32>
    %dot_general3A_530 = arith.constant dense<0.000000e+00> : vector<128x128xf32>
    %dot_general3A_531 = tpu.matmul %get3A_529, %get3A_18, %dot_general3A_530 {dimension_numbers = #tpu.dot_dimension_numbers<[0], [0], [1], [1], [0, 1, 1, 1], [], []>, transpose_lhs_hint = false} : vector<16x128xf32>, vector<16x128xf32>, vector<128x128xf32> -> vector<128x128xf32>
    %add3A_532 = vector.broadcast %get3A_21 : vector<1x128xf32> to vector<128x128xf32>
    %add3A_533 = arith.addf %dot_general3A_531, %add3A_532 : vector<128x128xf32>
    %slice3A_534 = vector.extract_strided_slice %dot_general3A_15 {offsets = [0, 39], sizes = [128, 1], strides = [1, 1]} : vector<128x100xf32> to vector<128x1xf32>
    %mul3A_535 = vector.broadcast %slice3A_534 : vector<128x1xf32> to vector<128x128xf32>
    %mul3A_536 = arith.mulf %add3A_533, %mul3A_535 : vector<128x128xf32>
    %swap3A_537 = arith.constant 4992 : index
    %swap3A_538 = arith.constant 0 : index
    %swap3A_539 = vector.load %arg5[%swap3A_537, %swap3A_538] : memref<12800x128xf32, #tpu.memory_space<vmem>>, vector<128x128xf32>
    tpu.vector_store %arg5[%swap3A_537, %swap3A_538], %mul3A_536 {strides = array<i32>} : memref<12800x128xf32, #tpu.memory_space<vmem>>, vector<128x128xf32>,
    %get3A_540 = arith.constant 0 : index
    %get3A_541 = arith.constant 5120 : index
    %get3A_542 = vector.load %arg1[%get3A_540, %get3A_541] : memref<16x12800xf32, #tpu.memory_space<vmem>>, vector<16x128xf32>
    %dot_general3A_543 = arith.constant dense<0.000000e+00> : vector<128x128xf32>
    %dot_general3A_544 = tpu.matmul %get3A_542, %get3A_18, %dot_general3A_543 {dimension_numbers = #tpu.dot_dimension_numbers<[0], [0], [1], [1], [0, 1, 1, 1], [], []>, transpose_lhs_hint = false} : vector<16x128xf32>, vector<16x128xf32>, vector<128x128xf32> -> vector<128x128xf32>
    %add3A_545 = vector.broadcast %get3A_21 : vector<1x128xf32> to vector<128x128xf32>
    %add3A_546 = arith.addf %dot_general3A_544, %add3A_545 : vector<128x128xf32>
    %slice3A_547 = vector.extract_strided_slice %dot_general3A_15 {offsets = [0, 40], sizes = [128, 1], strides = [1, 1]} : vector<128x100xf32> to vector<128x1xf32>
    %mul3A_548 = vector.broadcast %slice3A_547 : vector<128x1xf32> to vector<128x128xf32>
    %mul3A_549 = arith.mulf %add3A_546, %mul3A_548 : vector<128x128xf32>
    %swap3A_550 = arith.constant 5120 : index
    %swap3A_551 = arith.constant 0 : index
    %swap3A_552 = vector.load %arg5[%swap3A_550, %swap3A_551] : memref<12800x128xf32, #tpu.memory_space<vmem>>, vector<128x128xf32>
    tpu.vector_store %arg5[%swap3A_550, %swap3A_551], %mul3A_549 {strides = array<i32>} : memref<12800x128xf32, #tpu.memory_space<vmem>>, vector<128x128xf32>,
    %get3A_553 = arith.constant 0 : index
    %get3A_554 = arith.constant 5248 : index
    %get3A_555 = vector.load %arg1[%get3A_553, %get3A_554] : memref<16x12800xf32, #tpu.memory_space<vmem>>, vector<16x128xf32>
    %dot_general3A_556 = arith.constant dense<0.000000e+00> : vector<128x128xf32>
    %dot_general3A_557 = tpu.matmul %get3A_555, %get3A_18, %dot_general3A_556 {dimension_numbers = #tpu.dot_dimension_numbers<[0], [0], [1], [1], [0, 1, 1, 1], [], []>, transpose_lhs_hint = false} : vector<16x128xf32>, vector<16x128xf32>, vector<128x128xf32> -> vector<128x128xf32>
    %add3A_558 = vector.broadcast %get3A_21 : vector<1x128xf32> to vector<128x128xf32>
    %add3A_559 = arith.addf %dot_general3A_557, %add3A_558 : vector<128x128xf32>
    %slice3A_560 = vector.extract_strided_slice %dot_general3A_15 {offsets = [0, 41], sizes = [128, 1], strides = [1, 1]} : vector<128x100xf32> to vector<128x1xf32>
    %mul3A_561 = vector.broadcast %slice3A_560 : vector<128x1xf32> to vector<128x128xf32>
    %mul3A_562 = arith.mulf %add3A_559, %mul3A_561 : vector<128x128xf32>
    %swap3A_563 = arith.constant 5248 : index
    %swap3A_564 = arith.constant 0 : index
    %swap3A_565 = vector.load %arg5[%swap3A_563, %swap3A_564] : memref<12800x128xf32, #tpu.memory_space<vmem>>, vector<128x128xf32>
    tpu.vector_store %arg5[%swap3A_563, %swap3A_564], %mul3A_562 {strides = array<i32>} : memref<12800x128xf32, #tpu.memory_space<vmem>>, vector<128x128xf32>,
    %get3A_566 = arith.constant 0 : index
    %get3A_567 = arith.constant 5376 : index
    %get3A_568 = vector.load %arg1[%get3A_566, %get3A_567] : memref<16x12800xf32, #tpu.memory_space<vmem>>, vector<16x128xf32>
    %dot_general3A_569 = arith.constant dense<0.000000e+00> : vector<128x128xf32>
    %dot_general3A_570 = tpu.matmul %get3A_568, %get3A_18, %dot_general3A_569 {dimension_numbers = #tpu.dot_dimension_numbers<[0], [0], [1], [1], [0, 1, 1, 1], [], []>, transpose_lhs_hint = false} : vector<16x128xf32>, vector<16x128xf32>, vector<128x128xf32> -> vector<128x128xf32>
    %add3A_571 = vector.broadcast %get3A_21 : vector<1x128xf32> to vector<128x128xf32>
    %add3A_572 = arith.addf %dot_general3A_570, %add3A_571 : vector<128x128xf32>
    %slice3A_573 = vector.extract_strided_slice %dot_general3A_15 {offsets = [0, 42], sizes = [128, 1], strides = [1, 1]} : vector<128x100xf32> to vector<128x1xf32>
    %mul3A_574 = vector.broadcast %slice3A_573 : vector<128x1xf32> to vector<128x128xf32>
    %mul3A_575 = arith.mulf %add3A_572, %mul3A_574 : vector<128x128xf32>
    %swap3A_576 = arith.constant 5376 : index
    %swap3A_577 = arith.constant 0 : index
    %swap3A_578 = vector.load %arg5[%swap3A_576, %swap3A_577] : memref<12800x128xf32, #tpu.memory_space<vmem>>, vector<128x128xf32>
    tpu.vector_store %arg5[%swap3A_576, %swap3A_577], %mul3A_575 {strides = array<i32>} : memref<12800x128xf32, #tpu.memory_space<vmem>>, vector<128x128xf32>,
    %get3A_579 = arith.constant 0 : index
    %get3A_580 = arith.constant 5504 : index
    %get3A_581 = vector.load %arg1[%get3A_579, %get3A_580] : memref<16x12800xf32, #tpu.memory_space<vmem>>, vector<16x128xf32>
    %dot_general3A_582 = arith.constant dense<0.000000e+00> : vector<128x128xf32>
    %dot_general3A_583 = tpu.matmul %get3A_581, %get3A_18, %dot_general3A_582 {dimension_numbers = #tpu.dot_dimension_numbers<[0], [0], [1], [1], [0, 1, 1, 1], [], []>, transpose_lhs_hint = false} : vector<16x128xf32>, vector<16x128xf32>, vector<128x128xf32> -> vector<128x128xf32>
    %add3A_584 = vector.broadcast %get3A_21 : vector<1x128xf32> to vector<128x128xf32>
    %add3A_585 = arith.addf %dot_general3A_583, %add3A_584 : vector<128x128xf32>
    %slice3A_586 = vector.extract_strided_slice %dot_general3A_15 {offsets = [0, 43], sizes = [128, 1], strides = [1, 1]} : vector<128x100xf32> to vector<128x1xf32>
    %mul3A_587 = vector.broadcast %slice3A_586 : vector<128x1xf32> to vector<128x128xf32>
    %mul3A_588 = arith.mulf %add3A_585, %mul3A_587 : vector<128x128xf32>
    %swap3A_589 = arith.constant 5504 : index
    %swap3A_590 = arith.constant 0 : index
    %swap3A_591 = vector.load %arg5[%swap3A_589, %swap3A_590] : memref<12800x128xf32, #tpu.memory_space<vmem>>, vector<128x128xf32>
    tpu.vector_store %arg5[%swap3A_589, %swap3A_590], %mul3A_588 {strides = array<i32>} : memref<12800x128xf32, #tpu.memory_space<vmem>>, vector<128x128xf32>,
    %get3A_592 = arith.constant 0 : index
    %get3A_593 = arith.constant 5632 : index
    %get3A_594 = vector.load %arg1[%get3A_592, %get3A_593] : memref<16x12800xf32, #tpu.memory_space<vmem>>, vector<16x128xf32>
    %dot_general3A_595 = arith.constant dense<0.000000e+00> : vector<128x128xf32>
    %dot_general3A_596 = tpu.matmul %get3A_594, %get3A_18, %dot_general3A_595 {dimension_numbers = #tpu.dot_dimension_numbers<[0], [0], [1], [1], [0, 1, 1, 1], [], []>, transpose_lhs_hint = false} : vector<16x128xf32>, vector<16x128xf32>, vector<128x128xf32> -> vector<128x128xf32>
    %add3A_597 = vector.broadcast %get3A_21 : vector<1x128xf32> to vector<128x128xf32>
    %add3A_598 = arith.addf %dot_general3A_596, %add3A_597 : vector<128x128xf32>
    %slice3A_599 = vector.extract_strided_slice %dot_general3A_15 {offsets = [0, 44], sizes = [128, 1], strides = [1, 1]} : vector<128x100xf32> to vector<128x1xf32>
    %mul3A_600 = vector.broadcast %slice3A_599 : vector<128x1xf32> to vector<128x128xf32>
    %mul3A_601 = arith.mulf %add3A_598, %mul3A_600 : vector<128x128xf32>
    %swap3A_602 = arith.constant 5632 : index
    %swap3A_603 = arith.constant 0 : index
    %swap3A_604 = vector.load %arg5[%swap3A_602, %swap3A_603] : memref<12800x128xf32, #tpu.memory_space<vmem>>, vector<128x128xf32>
    tpu.vector_store %arg5[%swap3A_602, %swap3A_603], %mul3A_601 {strides = array<i32>} : memref<12800x128xf32, #tpu.memory_space<vmem>>, vector<128x128xf32>,
    %get3A_605 = arith.constant 0 : index
    %get3A_606 = arith.constant 5760 : index
    %get3A_607 = vector.load %arg1[%get3A_605, %get3A_606] : memref<16x12800xf32, #tpu.memory_space<vmem>>, vector<16x128xf32>
    %dot_general3A_608 = arith.constant dense<0.000000e+00> : vector<128x128xf32>
    %dot_general3A_609 = tpu.matmul %get3A_607, %get3A_18, %dot_general3A_608 {dimension_numbers = #tpu.dot_dimension_numbers<[0], [0], [1], [1], [0, 1, 1, 1], [], []>, transpose_lhs_hint = false} : vector<16x128xf32>, vector<16x128xf32>, vector<128x128xf32> -> vector<128x128xf32>
    %add3A_610 = vector.broadcast %get3A_21 : vector<1x128xf32> to vector<128x128xf32>
    %add3A_611 = arith.addf %dot_general3A_609, %add3A_610 : vector<128x128xf32>
    %slice3A_612 = vector.extract_strided_slice %dot_general3A_15 {offsets = [0, 45], sizes = [128, 1], strides = [1, 1]} : vector<128x100xf32> to vector<128x1xf32>
    %mul3A_613 = vector.broadcast %slice3A_612 : vector<128x1xf32> to vector<128x128xf32>
    %mul3A_614 = arith.mulf %add3A_611, %mul3A_613 : vector<128x128xf32>
    %swap3A_615 = arith.constant 5760 : index
    %swap3A_616 = arith.constant 0 : index
    %swap3A_617 = vector.load %arg5[%swap3A_615, %swap3A_616] : memref<12800x128xf32, #tpu.memory_space<vmem>>, vector<128x128xf32>
    tpu.vector_store %arg5[%swap3A_615, %swap3A_616], %mul3A_614 {strides = array<i32>} : memref<12800x128xf32, #tpu.memory_space<vmem>>, vector<128x128xf32>,
    %get3A_618 = arith.constant 0 : index
    %get3A_619 = arith.constant 5888 : index
    %get3A_620 = vector.load %arg1[%get3A_618, %get3A_619] : memref<16x12800xf32, #tpu.memory_space<vmem>>, vector<16x128xf32>
    %dot_general3A_621 = arith.constant dense<0.000000e+00> : vector<128x128xf32>
    %dot_general3A_622 = tpu.matmul %get3A_620, %get3A_18, %dot_general3A_621 {dimension_numbers = #tpu.dot_dimension_numbers<[0], [0], [1], [1], [0, 1, 1, 1], [], []>, transpose_lhs_hint = false} : vector<16x128xf32>, vector<16x128xf32>, vector<128x128xf32> -> vector<128x128xf32>
    %add3A_623 = vector.broadcast %get3A_21 : vector<1x128xf32> to vector<128x128xf32>
    %add3A_624 = arith.addf %dot_general3A_622, %add3A_623 : vector<128x128xf32>
    %slice3A_625 = vector.extract_strided_slice %dot_general3A_15 {offsets = [0, 46], sizes = [128, 1], strides = [1, 1]} : vector<128x100xf32> to vector<128x1xf32>
    %mul3A_626 = vector.broadcast %slice3A_625 : vector<128x1xf32> to vector<128x128xf32>
    %mul3A_627 = arith.mulf %add3A_624, %mul3A_626 : vector<128x128xf32>
    %swap3A_628 = arith.constant 5888 : index
    %swap3A_629 = arith.constant 0 : index
    %swap3A_630 = vector.load %arg5[%swap3A_628, %swap3A_629] : memref<12800x128xf32, #tpu.memory_space<vmem>>, vector<128x128xf32>
    tpu.vector_store %arg5[%swap3A_628, %swap3A_629], %mul3A_627 {strides = array<i32>} : memref<12800x128xf32, #tpu.memory_space<vmem>>, vector<128x128xf32>,
    %get3A_631 = arith.constant 0 : index
    %get3A_632 = arith.constant 6016 : index
    %get3A_633 = vector.load %arg1[%get3A_631, %get3A_632] : memref<16x12800xf32, #tpu.memory_space<vmem>>, vector<16x128xf32>
    %dot_general3A_634 = arith.constant dense<0.000000e+00> : vector<128x128xf32>
    %dot_general3A_635 = tpu.matmul %get3A_633, %get3A_18, %dot_general3A_634 {dimension_numbers = #tpu.dot_dimension_numbers<[0], [0], [1], [1], [0, 1, 1, 1], [], []>, transpose_lhs_hint = false} : vector<16x128xf32>, vector<16x128xf32>, vector<128x128xf32> -> vector<128x128xf32>
    %add3A_636 = vector.broadcast %get3A_21 : vector<1x128xf32> to vector<128x128xf32>
    %add3A_637 = arith.addf %dot_general3A_635, %add3A_636 : vector<128x128xf32>
    %slice3A_638 = vector.extract_strided_slice %dot_general3A_15 {offsets = [0, 47], sizes = [128, 1], strides = [1, 1]} : vector<128x100xf32> to vector<128x1xf32>
    %mul3A_639 = vector.broadcast %slice3A_638 : vector<128x1xf32> to vector<128x128xf32>
    %mul3A_640 = arith.mulf %add3A_637, %mul3A_639 : vector<128x128xf32>
    %swap3A_641 = arith.constant 6016 : index
    %swap3A_642 = arith.constant 0 : index
    %swap3A_643 = vector.load %arg5[%swap3A_641, %swap3A_642] : memref<12800x128xf32, #tpu.memory_space<vmem>>, vector<128x128xf32>
    tpu.vector_store %arg5[%swap3A_641, %swap3A_642], %mul3A_640 {strides = array<i32>} : memref<12800x128xf32, #tpu.memory_space<vmem>>, vector<128x128xf32>,
    %get3A_644 = arith.constant 0 : index
    %get3A_645 = arith.constant 6144 : index
    %get3A_646 = vector.load %arg1[%get3A_644, %get3A_645] : memref<16x12800xf32, #tpu.memory_space<vmem>>, vector<16x128xf32>
    %dot_general3A_647 = arith.constant dense<0.000000e+00> : vector<128x128xf32>
    %dot_general3A_648 = tpu.matmul %get3A_646, %get3A_18, %dot_general3A_647 {dimension_numbers = #tpu.dot_dimension_numbers<[0], [0], [1], [1], [0, 1, 1, 1], [], []>, transpose_lhs_hint = false} : vector<16x128xf32>, vector<16x128xf32>, vector<128x128xf32> -> vector<128x128xf32>
    %add3A_649 = vector.broadcast %get3A_21 : vector<1x128xf32> to vector<128x128xf32>
    %add3A_650 = arith.addf %dot_general3A_648, %add3A_649 : vector<128x128xf32>
    %slice3A_651 = vector.extract_strided_slice %dot_general3A_15 {offsets = [0, 48], sizes = [128, 1], strides = [1, 1]} : vector<128x100xf32> to vector<128x1xf32>
    %mul3A_652 = vector.broadcast %slice3A_651 : vector<128x1xf32> to vector<128x128xf32>
    %mul3A_653 = arith.mulf %add3A_650, %mul3A_652 : vector<128x128xf32>
    %swap3A_654 = arith.constant 6144 : index
    %swap3A_655 = arith.constant 0 : index
    %swap3A_656 = vector.load %arg5[%swap3A_654, %swap3A_655] : memref<12800x128xf32, #tpu.memory_space<vmem>>, vector<128x128xf32>
    tpu.vector_store %arg5[%swap3A_654, %swap3A_655], %mul3A_653 {strides = array<i32>} : memref<12800x128xf32, #tpu.memory_space<vmem>>, vector<128x128xf32>,
    %get3A_657 = arith.constant 0 : index
    %get3A_658 = arith.constant 6272 : index
    %get3A_659 = vector.load %arg1[%get3A_657, %get3A_658] : memref<16x12800xf32, #tpu.memory_space<vmem>>, vector<16x128xf32>
    %dot_general3A_660 = arith.constant dense<0.000000e+00> : vector<128x128xf32>
    %dot_general3A_661 = tpu.matmul %get3A_659, %get3A_18, %dot_general3A_660 {dimension_numbers = #tpu.dot_dimension_numbers<[0], [0], [1], [1], [0, 1, 1, 1], [], []>, transpose_lhs_hint = false} : vector<16x128xf32>, vector<16x128xf32>, vector<128x128xf32> -> vector<128x128xf32>
    %add3A_662 = vector.broadcast %get3A_21 : vector<1x128xf32> to vector<128x128xf32>
    %add3A_663 = arith.addf %dot_general3A_661, %add3A_662 : vector<128x128xf32>
    %slice3A_664 = vector.extract_strided_slice %dot_general3A_15 {offsets = [0, 49], sizes = [128, 1], strides = [1, 1]} : vector<128x100xf32> to vector<128x1xf32>
    %mul3A_665 = vector.broadcast %slice3A_664 : vector<128x1xf32> to vector<128x128xf32>
    %mul3A_666 = arith.mulf %add3A_663, %mul3A_665 : vector<128x128xf32>
    %swap3A_667 = arith.constant 6272 : index
    %swap3A_668 = arith.constant 0 : index
    %swap3A_669 = vector.load %arg5[%swap3A_667, %swap3A_668] : memref<12800x128xf32, #tpu.memory_space<vmem>>, vector<128x128xf32>
    tpu.vector_store %arg5[%swap3A_667, %swap3A_668], %mul3A_666 {strides = array<i32>} : memref<12800x128xf32, #tpu.memory_space<vmem>>, vector<128x128xf32>,
    %get3A_670 = arith.constant 0 : index
    %get3A_671 = arith.constant 6400 : index
    %get3A_672 = vector.load %arg1[%get3A_670, %get3A_671] : memref<16x12800xf32, #tpu.memory_space<vmem>>, vector<16x128xf32>
    %dot_general3A_673 = arith.constant dense<0.000000e+00> : vector<128x128xf32>
    %dot_general3A_674 = tpu.matmul %get3A_672, %get3A_18, %dot_general3A_673 {dimension_numbers = #tpu.dot_dimension_numbers<[0], [0], [1], [1], [0, 1, 1, 1], [], []>, transpose_lhs_hint = false} : vector<16x128xf32>, vector<16x128xf32>, vector<128x128xf32> -> vector<128x128xf32>
    %add3A_675 = vector.broadcast %get3A_21 : vector<1x128xf32> to vector<128x128xf32>
    %add3A_676 = arith.addf %dot_general3A_674, %add3A_675 : vector<128x128xf32>
    %slice3A_677 = vector.extract_strided_slice %dot_general3A_15 {offsets = [0, 50], sizes = [128, 1], strides = [1, 1]} : vector<128x100xf32> to vector<128x1xf32>
    %mul3A_678 = vector.broadcast %slice3A_677 : vector<128x1xf32> to vector<128x128xf32>
    %mul3A_679 = arith.mulf %add3A_676, %mul3A_678 : vector<128x128xf32>
    %swap3A_680 = arith.constant 6400 : index
    %swap3A_681 = arith.constant 0 : index
    %swap3A_682 = vector.load %arg5[%swap3A_680, %swap3A_681] : memref<12800x128xf32, #tpu.memory_space<vmem>>, vector<128x128xf32>
    tpu.vector_store %arg5[%swap3A_680, %swap3A_681], %mul3A_679 {strides = array<i32>} : memref<12800x128xf32, #tpu.memory_space<vmem>>, vector<128x128xf32>,
    %get3A_683 = arith.constant 0 : index
    %get3A_684 = arith.constant 6528 : index
    %get3A_685 = vector.load %arg1[%get3A_683, %get3A_684] : memref<16x12800xf32, #tpu.memory_space<vmem>>, vector<16x128xf32>
    %dot_general3A_686 = arith.constant dense<0.000000e+00> : vector<128x128xf32>
    %dot_general3A_687 = tpu.matmul %get3A_685, %get3A_18, %dot_general3A_686 {dimension_numbers = #tpu.dot_dimension_numbers<[0], [0], [1], [1], [0, 1, 1, 1], [], []>, transpose_lhs_hint = false} : vector<16x128xf32>, vector<16x128xf32>, vector<128x128xf32> -> vector<128x128xf32>
    %add3A_688 = vector.broadcast %get3A_21 : vector<1x128xf32> to vector<128x128xf32>
    %add3A_689 = arith.addf %dot_general3A_687, %add3A_688 : vector<128x128xf32>
    %slice3A_690 = vector.extract_strided_slice %dot_general3A_15 {offsets = [0, 51], sizes = [128, 1], strides = [1, 1]} : vector<128x100xf32> to vector<128x1xf32>
    %mul3A_691 = vector.broadcast %slice3A_690 : vector<128x1xf32> to vector<128x128xf32>
    %mul3A_692 = arith.mulf %add3A_689, %mul3A_691 : vector<128x128xf32>
    %swap3A_693 = arith.constant 6528 : index
    %swap3A_694 = arith.constant 0 : index
    %swap3A_695 = vector.load %arg5[%swap3A_693, %swap3A_694] : memref<12800x128xf32, #tpu.memory_space<vmem>>, vector<128x128xf32>
    tpu.vector_store %arg5[%swap3A_693, %swap3A_694], %mul3A_692 {strides = array<i32>} : memref<12800x128xf32, #tpu.memory_space<vmem>>, vector<128x128xf32>,
    %get3A_696 = arith.constant 0 : index
    %get3A_697 = arith.constant 6656 : index
    %get3A_698 = vector.load %arg1[%get3A_696, %get3A_697] : memref<16x12800xf32, #tpu.memory_space<vmem>>, vector<16x128xf32>
    %dot_general3A_699 = arith.constant dense<0.000000e+00> : vector<128x128xf32>
    %dot_general3A_700 = tpu.matmul %get3A_698, %get3A_18, %dot_general3A_699 {dimension_numbers = #tpu.dot_dimension_numbers<[0], [0], [1], [1], [0, 1, 1, 1], [], []>, transpose_lhs_hint = false} : vector<16x128xf32>, vector<16x128xf32>, vector<128x128xf32> -> vector<128x128xf32>
    %add3A_701 = vector.broadcast %get3A_21 : vector<1x128xf32> to vector<128x128xf32>
    %add3A_702 = arith.addf %dot_general3A_700, %add3A_701 : vector<128x128xf32>
    %slice3A_703 = vector.extract_strided_slice %dot_general3A_15 {offsets = [0, 52], sizes = [128, 1], strides = [1, 1]} : vector<128x100xf32> to vector<128x1xf32>
    %mul3A_704 = vector.broadcast %slice3A_703 : vector<128x1xf32> to vector<128x128xf32>
    %mul3A_705 = arith.mulf %add3A_702, %mul3A_704 : vector<128x128xf32>
    %swap3A_706 = arith.constant 6656 : index
    %swap3A_707 = arith.constant 0 : index
    %swap3A_708 = vector.load %arg5[%swap3A_706, %swap3A_707] : memref<12800x128xf32, #tpu.memory_space<vmem>>, vector<128x128xf32>
    tpu.vector_store %arg5[%swap3A_706, %swap3A_707], %mul3A_705 {strides = array<i32>} : memref<12800x128xf32, #tpu.memory_space<vmem>>, vector<128x128xf32>,
    %get3A_709 = arith.constant 0 : index
    %get3A_710 = arith.constant 6784 : index
    %get3A_711 = vector.load %arg1[%get3A_709, %get3A_710] : memref<16x12800xf32, #tpu.memory_space<vmem>>, vector<16x128xf32>
    %dot_general3A_712 = arith.constant dense<0.000000e+00> : vector<128x128xf32>
    %dot_general3A_713 = tpu.matmul %get3A_711, %get3A_18, %dot_general3A_712 {dimension_numbers = #tpu.dot_dimension_numbers<[0], [0], [1], [1], [0, 1, 1, 1], [], []>, transpose_lhs_hint = false} : vector<16x128xf32>, vector<16x128xf32>, vector<128x128xf32> -> vector<128x128xf32>
    %add3A_714 = vector.broadcast %get3A_21 : vector<1x128xf32> to vector<128x128xf32>
    %add3A_715 = arith.addf %dot_general3A_713, %add3A_714 : vector<128x128xf32>
    %slice3A_716 = vector.extract_strided_slice %dot_general3A_15 {offsets = [0, 53], sizes = [128, 1], strides = [1, 1]} : vector<128x100xf32> to vector<128x1xf32>
    %mul3A_717 = vector.broadcast %slice3A_716 : vector<128x1xf32> to vector<128x128xf32>
    %mul3A_718 = arith.mulf %add3A_715, %mul3A_717 : vector<128x128xf32>
    %swap3A_719 = arith.constant 6784 : index
    %swap3A_720 = arith.constant 0 : index
    %swap3A_721 = vector.load %arg5[%swap3A_719, %swap3A_720] : memref<12800x128xf32, #tpu.memory_space<vmem>>, vector<128x128xf32>
    tpu.vector_store %arg5[%swap3A_719, %swap3A_720], %mul3A_718 {strides = array<i32>} : memref<12800x128xf32, #tpu.memory_space<vmem>>, vector<128x128xf32>,
    %get3A_722 = arith.constant 0 : index
    %get3A_723 = arith.constant 6912 : index
    %get3A_724 = vector.load %arg1[%get3A_722, %get3A_723] : memref<16x12800xf32, #tpu.memory_space<vmem>>, vector<16x128xf32>
    %dot_general3A_725 = arith.constant dense<0.000000e+00> : vector<128x128xf32>
    %dot_general3A_726 = tpu.matmul %get3A_724, %get3A_18, %dot_general3A_725 {dimension_numbers = #tpu.dot_dimension_numbers<[0], [0], [1], [1], [0, 1, 1, 1], [], []>, transpose_lhs_hint = false} : vector<16x128xf32>, vector<16x128xf32>, vector<128x128xf32> -> vector<128x128xf32>
    %add3A_727 = vector.broadcast %get3A_21 : vector<1x128xf32> to vector<128x128xf32>
    %add3A_728 = arith.addf %dot_general3A_726, %add3A_727 : vector<128x128xf32>
    %slice3A_729 = vector.extract_strided_slice %dot_general3A_15 {offsets = [0, 54], sizes = [128, 1], strides = [1, 1]} : vector<128x100xf32> to vector<128x1xf32>
    %mul3A_730 = vector.broadcast %slice3A_729 : vector<128x1xf32> to vector<128x128xf32>
    %mul3A_731 = arith.mulf %add3A_728, %mul3A_730 : vector<128x128xf32>
    %swap3A_732 = arith.constant 6912 : index
    %swap3A_733 = arith.constant 0 : index
    %swap3A_734 = vector.load %arg5[%swap3A_732, %swap3A_733] : memref<12800x128xf32, #tpu.memory_space<vmem>>, vector<128x128xf32>
    tpu.vector_store %arg5[%swap3A_732, %swap3A_733], %mul3A_731 {strides = array<i32>} : memref<12800x128xf32, #tpu.memory_space<vmem>>, vector<128x128xf32>,
    %get3A_735 = arith.constant 0 : index
    %get3A_736 = arith.constant 7040 : index
    %get3A_737 = vector.load %arg1[%get3A_735, %get3A_736] : memref<16x12800xf32, #tpu.memory_space<vmem>>, vector<16x128xf32>
    %dot_general3A_738 = arith.constant dense<0.000000e+00> : vector<128x128xf32>
    %dot_general3A_739 = tpu.matmul %get3A_737, %get3A_18, %dot_general3A_738 {dimension_numbers = #tpu.dot_dimension_numbers<[0], [0], [1], [1], [0, 1, 1, 1], [], []>, transpose_lhs_hint = false} : vector<16x128xf32>, vector<16x128xf32>, vector<128x128xf32> -> vector<128x128xf32>
    %add3A_740 = vector.broadcast %get3A_21 : vector<1x128xf32> to vector<128x128xf32>
    %add3A_741 = arith.addf %dot_general3A_739, %add3A_740 : vector<128x128xf32>
    %slice3A_742 = vector.extract_strided_slice %dot_general3A_15 {offsets = [0, 55], sizes = [128, 1], strides = [1, 1]} : vector<128x100xf32> to vector<128x1xf32>
    %mul3A_743 = vector.broadcast %slice3A_742 : vector<128x1xf32> to vector<128x128xf32>
    %mul3A_744 = arith.mulf %add3A_741, %mul3A_743 : vector<128x128xf32>
    %swap3A_745 = arith.constant 7040 : index
    %swap3A_746 = arith.constant 0 : index
    %swap3A_747 = vector.load %arg5[%swap3A_745, %swap3A_746] : memref<12800x128xf32, #tpu.memory_space<vmem>>, vector<128x128xf32>
    tpu.vector_store %arg5[%swap3A_745, %swap3A_746], %mul3A_744 {strides = array<i32>} : memref<12800x128xf32, #tpu.memory_space<vmem>>, vector<128x128xf32>,
    %get3A_748 = arith.constant 0 : index
    %get3A_749 = arith.constant 7168 : index
    %get3A_750 = vector.load %arg1[%get3A_748, %get3A_749] : memref<16x12800xf32, #tpu.memory_space<vmem>>, vector<16x128xf32>
    %dot_general3A_751 = arith.constant dense<0.000000e+00> : vector<128x128xf32>
    %dot_general3A_752 = tpu.matmul %get3A_750, %get3A_18, %dot_general3A_751 {dimension_numbers = #tpu.dot_dimension_numbers<[0], [0], [1], [1], [0, 1, 1, 1], [], []>, transpose_lhs_hint = false} : vector<16x128xf32>, vector<16x128xf32>, vector<128x128xf32> -> vector<128x128xf32>
    %add3A_753 = vector.broadcast %get3A_21 : vector<1x128xf32> to vector<128x128xf32>
    %add3A_754 = arith.addf %dot_general3A_752, %add3A_753 : vector<128x128xf32>
    %slice3A_755 = vector.extract_strided_slice %dot_general3A_15 {offsets = [0, 56], sizes = [128, 1], strides = [1, 1]} : vector<128x100xf32> to vector<128x1xf32>
    %mul3A_756 = vector.broadcast %slice3A_755 : vector<128x1xf32> to vector<128x128xf32>
    %mul3A_757 = arith.mulf %add3A_754, %mul3A_756 : vector<128x128xf32>
    %swap3A_758 = arith.constant 7168 : index
    %swap3A_759 = arith.constant 0 : index
    %swap3A_760 = vector.load %arg5[%swap3A_758, %swap3A_759] : memref<12800x128xf32, #tpu.memory_space<vmem>>, vector<128x128xf32>
    tpu.vector_store %arg5[%swap3A_758, %swap3A_759], %mul3A_757 {strides = array<i32>} : memref<12800x128xf32, #tpu.memory_space<vmem>>, vector<128x128xf32>,
    %get3A_761 = arith.constant 0 : index
    %get3A_762 = arith.constant 7296 : index
    %get3A_763 = vector.load %arg1[%get3A_761, %get3A_762] : memref<16x12800xf32, #tpu.memory_space<vmem>>, vector<16x128xf32>
    %dot_general3A_764 = arith.constant dense<0.000000e+00> : vector<128x128xf32>
    %dot_general3A_765 = tpu.matmul %get3A_763, %get3A_18, %dot_general3A_764 {dimension_numbers = #tpu.dot_dimension_numbers<[0], [0], [1], [1], [0, 1, 1, 1], [], []>, transpose_lhs_hint = false} : vector<16x128xf32>, vector<16x128xf32>, vector<128x128xf32> -> vector<128x128xf32>
    %add3A_766 = vector.broadcast %get3A_21 : vector<1x128xf32> to vector<128x128xf32>
    %add3A_767 = arith.addf %dot_general3A_765, %add3A_766 : vector<128x128xf32>
    %slice3A_768 = vector.extract_strided_slice %dot_general3A_15 {offsets = [0, 57], sizes = [128, 1], strides = [1, 1]} : vector<128x100xf32> to vector<128x1xf32>
    %mul3A_769 = vector.broadcast %slice3A_768 : vector<128x1xf32> to vector<128x128xf32>
    %mul3A_770 = arith.mulf %add3A_767, %mul3A_769 : vector<128x128xf32>
    %swap3A_771 = arith.constant 7296 : index
    %swap3A_772 = arith.constant 0 : index
    %swap3A_773 = vector.load %arg5[%swap3A_771, %swap3A_772] : memref<12800x128xf32, #tpu.memory_space<vmem>>, vector<128x128xf32>
    tpu.vector_store %arg5[%swap3A_771, %swap3A_772], %mul3A_770 {strides = array<i32>} : memref<12800x128xf32, #tpu.memory_space<vmem>>, vector<128x128xf32>,
    %get3A_774 = arith.constant 0 : index
    %get3A_775 = arith.constant 7424 : index
    %get3A_776 = vector.load %arg1[%get3A_774, %get3A_775] : memref<16x12800xf32, #tpu.memory_space<vmem>>, vector<16x128xf32>
    %dot_general3A_777 = arith.constant dense<0.000000e+00> : vector<128x128xf32>
    %dot_general3A_778 = tpu.matmul %get3A_776, %get3A_18, %dot_general3A_777 {dimension_numbers = #tpu.dot_dimension_numbers<[0], [0], [1], [1], [0, 1, 1, 1], [], []>, transpose_lhs_hint = false} : vector<16x128xf32>, vector<16x128xf32>, vector<128x128xf32> -> vector<128x128xf32>
    %add3A_779 = vector.broadcast %get3A_21 : vector<1x128xf32> to vector<128x128xf32>
    %add3A_780 = arith.addf %dot_general3A_778, %add3A_779 : vector<128x128xf32>
    %slice3A_781 = vector.extract_strided_slice %dot_general3A_15 {offsets = [0, 58], sizes = [128, 1], strides = [1, 1]} : vector<128x100xf32> to vector<128x1xf32>
    %mul3A_782 = vector.broadcast %slice3A_781 : vector<128x1xf32> to vector<128x128xf32>
    %mul3A_783 = arith.mulf %add3A_780, %mul3A_782 : vector<128x128xf32>
    %swap3A_784 = arith.constant 7424 : index
    %swap3A_785 = arith.constant 0 : index
    %swap3A_786 = vector.load %arg5[%swap3A_784, %swap3A_785] : memref<12800x128xf32, #tpu.memory_space<vmem>>, vector<128x128xf32>
    tpu.vector_store %arg5[%swap3A_784, %swap3A_785], %mul3A_783 {strides = array<i32>} : memref<12800x128xf32, #tpu.memory_space<vmem>>, vector<128x128xf32>,
    %get3A_787 = arith.constant 0 : index
    %get3A_788 = arith.constant 7552 : index
    %get3A_789 = vector.load %arg1[%get3A_787, %get3A_788] : memref<16x12800xf32, #tpu.memory_space<vmem>>, vector<16x128xf32>
    %dot_general3A_790 = arith.constant dense<0.000000e+00> : vector<128x128xf32>
    %dot_general3A_791 = tpu.matmul %get3A_789, %get3A_18, %dot_general3A_790 {dimension_numbers = #tpu.dot_dimension_numbers<[0], [0], [1], [1], [0, 1, 1, 1], [], []>, transpose_lhs_hint = false} : vector<16x128xf32>, vector<16x128xf32>, vector<128x128xf32> -> vector<128x128xf32>
    %add3A_792 = vector.broadcast %get3A_21 : vector<1x128xf32> to vector<128x128xf32>
    %add3A_793 = arith.addf %dot_general3A_791, %add3A_792 : vector<128x128xf32>
    %slice3A_794 = vector.extract_strided_slice %dot_general3A_15 {offsets = [0, 59], sizes = [128, 1], strides = [1, 1]} : vector<128x100xf32> to vector<128x1xf32>
    %mul3A_795 = vector.broadcast %slice3A_794 : vector<128x1xf32> to vector<128x128xf32>
    %mul3A_796 = arith.mulf %add3A_793, %mul3A_795 : vector<128x128xf32>
    %swap3A_797 = arith.constant 7552 : index
    %swap3A_798 = arith.constant 0 : index
    %swap3A_799 = vector.load %arg5[%swap3A_797, %swap3A_798] : memref<12800x128xf32, #tpu.memory_space<vmem>>, vector<128x128xf32>
    tpu.vector_store %arg5[%swap3A_797, %swap3A_798], %mul3A_796 {strides = array<i32>} : memref<12800x128xf32, #tpu.memory_space<vmem>>, vector<128x128xf32>,
    %get3A_800 = arith.constant 0 : index
    %get3A_801 = arith.constant 7680 : index
    %get3A_802 = vector.load %arg1[%get3A_800, %get3A_801] : memref<16x12800xf32, #tpu.memory_space<vmem>>, vector<16x128xf32>
    %dot_general3A_803 = arith.constant dense<0.000000e+00> : vector<128x128xf32>
    %dot_general3A_804 = tpu.matmul %get3A_802, %get3A_18, %dot_general3A_803 {dimension_numbers = #tpu.dot_dimension_numbers<[0], [0], [1], [1], [0, 1, 1, 1], [], []>, transpose_lhs_hint = false} : vector<16x128xf32>, vector<16x128xf32>, vector<128x128xf32> -> vector<128x128xf32>
    %add3A_805 = vector.broadcast %get3A_21 : vector<1x128xf32> to vector<128x128xf32>
    %add3A_806 = arith.addf %dot_general3A_804, %add3A_805 : vector<128x128xf32>
    %slice3A_807 = vector.extract_strided_slice %dot_general3A_15 {offsets = [0, 60], sizes = [128, 1], strides = [1, 1]} : vector<128x100xf32> to vector<128x1xf32>
    %mul3A_808 = vector.broadcast %slice3A_807 : vector<128x1xf32> to vector<128x128xf32>
    %mul3A_809 = arith.mulf %add3A_806, %mul3A_808 : vector<128x128xf32>
    %swap3A_810 = arith.constant 7680 : index
    %swap3A_811 = arith.constant 0 : index
    %swap3A_812 = vector.load %arg5[%swap3A_810, %swap3A_811] : memref<12800x128xf32, #tpu.memory_space<vmem>>, vector<128x128xf32>
    tpu.vector_store %arg5[%swap3A_810, %swap3A_811], %mul3A_809 {strides = array<i32>} : memref<12800x128xf32, #tpu.memory_space<vmem>>, vector<128x128xf32>,
    %get3A_813 = arith.constant 0 : index
    %get3A_814 = arith.constant 7808 : index
    %get3A_815 = vector.load %arg1[%get3A_813, %get3A_814] : memref<16x12800xf32, #tpu.memory_space<vmem>>, vector<16x128xf32>
    %dot_general3A_816 = arith.constant dense<0.000000e+00> : vector<128x128xf32>
    %dot_general3A_817 = tpu.matmul %get3A_815, %get3A_18, %dot_general3A_816 {dimension_numbers = #tpu.dot_dimension_numbers<[0], [0], [1], [1], [0, 1, 1, 1], [], []>, transpose_lhs_hint = false} : vector<16x128xf32>, vector<16x128xf32>, vector<128x128xf32> -> vector<128x128xf32>
    %add3A_818 = vector.broadcast %get3A_21 : vector<1x128xf32> to vector<128x128xf32>
    %add3A_819 = arith.addf %dot_general3A_817, %add3A_818 : vector<128x128xf32>
    %slice3A_820 = vector.extract_strided_slice %dot_general3A_15 {offsets = [0, 61], sizes = [128, 1], strides = [1, 1]} : vector<128x100xf32> to vector<128x1xf32>
    %mul3A_821 = vector.broadcast %slice3A_820 : vector<128x1xf32> to vector<128x128xf32>
    %mul3A_822 = arith.mulf %add3A_819, %mul3A_821 : vector<128x128xf32>
    %swap3A_823 = arith.constant 7808 : index
    %swap3A_824 = arith.constant 0 : index
    %swap3A_825 = vector.load %arg5[%swap3A_823, %swap3A_824] : memref<12800x128xf32, #tpu.memory_space<vmem>>, vector<128x128xf32>
    tpu.vector_store %arg5[%swap3A_823, %swap3A_824], %mul3A_822 {strides = array<i32>} : memref<12800x128xf32, #tpu.memory_space<vmem>>, vector<128x128xf32>,
    %get3A_826 = arith.constant 0 : index
    %get3A_827 = arith.constant 7936 : index
    %get3A_828 = vector.load %arg1[%get3A_826, %get3A_827] : memref<16x12800xf32, #tpu.memory_space<vmem>>, vector<16x128xf32>
    %dot_general3A_829 = arith.constant dense<0.000000e+00> : vector<128x128xf32>
    %dot_general3A_830 = tpu.matmul %get3A_828, %get3A_18, %dot_general3A_829 {dimension_numbers = #tpu.dot_dimension_numbers<[0], [0], [1], [1], [0, 1, 1, 1], [], []>, transpose_lhs_hint = false} : vector<16x128xf32>, vector<16x128xf32>, vector<128x128xf32> -> vector<128x128xf32>
    %add3A_831 = vector.broadcast %get3A_21 : vector<1x128xf32> to vector<128x128xf32>
    %add3A_832 = arith.addf %dot_general3A_830, %add3A_831 : vector<128x128xf32>
    %slice3A_833 = vector.extract_strided_slice %dot_general3A_15 {offsets = [0, 62], sizes = [128, 1], strides = [1, 1]} : vector<128x100xf32> to vector<128x1xf32>
    %mul3A_834 = vector.broadcast %slice3A_833 : vector<128x1xf32> to vector<128x128xf32>
    %mul3A_835 = arith.mulf %add3A_832, %mul3A_834 : vector<128x128xf32>
    %swap3A_836 = arith.constant 7936 : index
    %swap3A_837 = arith.constant 0 : index
    %swap3A_838 = vector.load %arg5[%swap3A_836, %swap3A_837] : memref<12800x128xf32, #tpu.memory_space<vmem>>, vector<128x128xf32>
    tpu.vector_store %arg5[%swap3A_836, %swap3A_837], %mul3A_835 {strides = array<i32>} : memref<12800x128xf32, #tpu.memory_space<vmem>>, vector<128x128xf32>,
    %get3A_839 = arith.constant 0 : index
    %get3A_840 = arith.constant 8064 : index
    %get3A_841 = vector.load %arg1[%get3A_839, %get3A_840] : memref<16x12800xf32, #tpu.memory_space<vmem>>, vector<16x128xf32>
    %dot_general3A_842 = arith.constant dense<0.000000e+00> : vector<128x128xf32>
    %dot_general3A_843 = tpu.matmul %get3A_841, %get3A_18, %dot_general3A_842 {dimension_numbers = #tpu.dot_dimension_numbers<[0], [0], [1], [1], [0, 1, 1, 1], [], []>, transpose_lhs_hint = false} : vector<16x128xf32>, vector<16x128xf32>, vector<128x128xf32> -> vector<128x128xf32>
    %add3A_844 = vector.broadcast %get3A_21 : vector<1x128xf32> to vector<128x128xf32>
    %add3A_845 = arith.addf %dot_general3A_843, %add3A_844 : vector<128x128xf32>
    %slice3A_846 = vector.extract_strided_slice %dot_general3A_15 {offsets = [0, 63], sizes = [128, 1], strides = [1, 1]} : vector<128x100xf32> to vector<128x1xf32>
    %mul3A_847 = vector.broadcast %slice3A_846 : vector<128x1xf32> to vector<128x128xf32>
    %mul3A_848 = arith.mulf %add3A_845, %mul3A_847 : vector<128x128xf32>
    %swap3A_849 = arith.constant 8064 : index
    %swap3A_850 = arith.constant 0 : index
    %swap3A_851 = vector.load %arg5[%swap3A_849, %swap3A_850] : memref<12800x128xf32, #tpu.memory_space<vmem>>, vector<128x128xf32>
    tpu.vector_store %arg5[%swap3A_849, %swap3A_850], %mul3A_848 {strides = array<i32>} : memref<12800x128xf32, #tpu.memory_space<vmem>>, vector<128x128xf32>,
    %get3A_852 = arith.constant 0 : index
    %get3A_853 = arith.constant 8192 : index
    %get3A_854 = vector.load %arg1[%get3A_852, %get3A_853] : memref<16x12800xf32, #tpu.memory_space<vmem>>, vector<16x128xf32>
    %dot_general3A_855 = arith.constant dense<0.000000e+00> : vector<128x128xf32>
    %dot_general3A_856 = tpu.matmul %get3A_854, %get3A_18, %dot_general3A_855 {dimension_numbers = #tpu.dot_dimension_numbers<[0], [0], [1], [1], [0, 1, 1, 1], [], []>, transpose_lhs_hint = false} : vector<16x128xf32>, vector<16x128xf32>, vector<128x128xf32> -> vector<128x128xf32>
    %add3A_857 = vector.broadcast %get3A_21 : vector<1x128xf32> to vector<128x128xf32>
    %add3A_858 = arith.addf %dot_general3A_856, %add3A_857 : vector<128x128xf32>
    %slice3A_859 = vector.extract_strided_slice %dot_general3A_15 {offsets = [0, 64], sizes = [128, 1], strides = [1, 1]} : vector<128x100xf32> to vector<128x1xf32>
    %mul3A_860 = vector.broadcast %slice3A_859 : vector<128x1xf32> to vector<128x128xf32>
    %mul3A_861 = arith.mulf %add3A_858, %mul3A_860 : vector<128x128xf32>
    %swap3A_862 = arith.constant 8192 : index
    %swap3A_863 = arith.constant 0 : index
    %swap3A_864 = vector.load %arg5[%swap3A_862, %swap3A_863] : memref<12800x128xf32, #tpu.memory_space<vmem>>, vector<128x128xf32>
    tpu.vector_store %arg5[%swap3A_862, %swap3A_863], %mul3A_861 {strides = array<i32>} : memref<12800x128xf32, #tpu.memory_space<vmem>>, vector<128x128xf32>,
    %get3A_865 = arith.constant 0 : index
    %get3A_866 = arith.constant 8320 : index
    %get3A_867 = vector.load %arg1[%get3A_865, %get3A_866] : memref<16x12800xf32, #tpu.memory_space<vmem>>, vector<16x128xf32>
    %dot_general3A_868 = arith.constant dense<0.000000e+00> : vector<128x128xf32>
    %dot_general3A_869 = tpu.matmul %get3A_867, %get3A_18, %dot_general3A_868 {dimension_numbers = #tpu.dot_dimension_numbers<[0], [0], [1], [1], [0, 1, 1, 1], [], []>, transpose_lhs_hint = false} : vector<16x128xf32>, vector<16x128xf32>, vector<128x128xf32> -> vector<128x128xf32>
    %add3A_870 = vector.broadcast %get3A_21 : vector<1x128xf32> to vector<128x128xf32>
    %add3A_871 = arith.addf %dot_general3A_869, %add3A_870 : vector<128x128xf32>
    %slice3A_872 = vector.extract_strided_slice %dot_general3A_15 {offsets = [0, 65], sizes = [128, 1], strides = [1, 1]} : vector<128x100xf32> to vector<128x1xf32>
    %mul3A_873 = vector.broadcast %slice3A_872 : vector<128x1xf32> to vector<128x128xf32>
    %mul3A_874 = arith.mulf %add3A_871, %mul3A_873 : vector<128x128xf32>
    %swap3A_875 = arith.constant 8320 : index
    %swap3A_876 = arith.constant 0 : index
    %swap3A_877 = vector.load %arg5[%swap3A_875, %swap3A_876] : memref<12800x128xf32, #tpu.memory_space<vmem>>, vector<128x128xf32>
    tpu.vector_store %arg5[%swap3A_875, %swap3A_876], %mul3A_874 {strides = array<i32>} : memref<12800x128xf32, #tpu.memory_space<vmem>>, vector<128x128xf32>,
    %get3A_878 = arith.constant 0 : index
    %get3A_879 = arith.constant 8448 : index
    %get3A_880 = vector.load %arg1[%get3A_878, %get3A_879] : memref<16x12800xf32, #tpu.memory_space<vmem>>, vector<16x128xf32>
    %dot_general3A_881 = arith.constant dense<0.000000e+00> : vector<128x128xf32>
    %dot_general3A_882 = tpu.matmul %get3A_880, %get3A_18, %dot_general3A_881 {dimension_numbers = #tpu.dot_dimension_numbers<[0], [0], [1], [1], [0, 1, 1, 1], [], []>, transpose_lhs_hint = false} : vector<16x128xf32>, vector<16x128xf32>, vector<128x128xf32> -> vector<128x128xf32>
    %add3A_883 = vector.broadcast %get3A_21 : vector<1x128xf32> to vector<128x128xf32>
    %add3A_884 = arith.addf %dot_general3A_882, %add3A_883 : vector<128x128xf32>
    %slice3A_885 = vector.extract_strided_slice %dot_general3A_15 {offsets = [0, 66], sizes = [128, 1], strides = [1, 1]} : vector<128x100xf32> to vector<128x1xf32>
    %mul3A_886 = vector.broadcast %slice3A_885 : vector<128x1xf32> to vector<128x128xf32>
    %mul3A_887 = arith.mulf %add3A_884, %mul3A_886 : vector<128x128xf32>
    %swap3A_888 = arith.constant 8448 : index
    %swap3A_889 = arith.constant 0 : index
    %swap3A_890 = vector.load %arg5[%swap3A_888, %swap3A_889] : memref<12800x128xf32, #tpu.memory_space<vmem>>, vector<128x128xf32>
    tpu.vector_store %arg5[%swap3A_888, %swap3A_889], %mul3A_887 {strides = array<i32>} : memref<12800x128xf32, #tpu.memory_space<vmem>>, vector<128x128xf32>,
    %get3A_891 = arith.constant 0 : index
    %get3A_892 = arith.constant 8576 : index
    %get3A_893 = vector.load %arg1[%get3A_891, %get3A_892] : memref<16x12800xf32, #tpu.memory_space<vmem>>, vector<16x128xf32>
    %dot_general3A_894 = arith.constant dense<0.000000e+00> : vector<128x128xf32>
    %dot_general3A_895 = tpu.matmul %get3A_893, %get3A_18, %dot_general3A_894 {dimension_numbers = #tpu.dot_dimension_numbers<[0], [0], [1], [1], [0, 1, 1, 1], [], []>, transpose_lhs_hint = false} : vector<16x128xf32>, vector<16x128xf32>, vector<128x128xf32> -> vector<128x128xf32>
    %add3A_896 = vector.broadcast %get3A_21 : vector<1x128xf32> to vector<128x128xf32>
    %add3A_897 = arith.addf %dot_general3A_895, %add3A_896 : vector<128x128xf32>
    %slice3A_898 = vector.extract_strided_slice %dot_general3A_15 {offsets = [0, 67], sizes = [128, 1], strides = [1, 1]} : vector<128x100xf32> to vector<128x1xf32>
    %mul3A_899 = vector.broadcast %slice3A_898 : vector<128x1xf32> to vector<128x128xf32>
    %mul3A_900 = arith.mulf %add3A_897, %mul3A_899 : vector<128x128xf32>
    %swap3A_901 = arith.constant 8576 : index
    %swap3A_902 = arith.constant 0 : index
    %swap3A_903 = vector.load %arg5[%swap3A_901, %swap3A_902] : memref<12800x128xf32, #tpu.memory_space<vmem>>, vector<128x128xf32>
    tpu.vector_store %arg5[%swap3A_901, %swap3A_902], %mul3A_900 {strides = array<i32>} : memref<12800x128xf32, #tpu.memory_space<vmem>>, vector<128x128xf32>,
    %get3A_904 = arith.constant 0 : index
    %get3A_905 = arith.constant 8704 : index
    %get3A_906 = vector.load %arg1[%get3A_904, %get3A_905] : memref<16x12800xf32, #tpu.memory_space<vmem>>, vector<16x128xf32>
    %dot_general3A_907 = arith.constant dense<0.000000e+00> : vector<128x128xf32>
    %dot_general3A_908 = tpu.matmul %get3A_906, %get3A_18, %dot_general3A_907 {dimension_numbers = #tpu.dot_dimension_numbers<[0], [0], [1], [1], [0, 1, 1, 1], [], []>, transpose_lhs_hint = false} : vector<16x128xf32>, vector<16x128xf32>, vector<128x128xf32> -> vector<128x128xf32>
    %add3A_909 = vector.broadcast %get3A_21 : vector<1x128xf32> to vector<128x128xf32>
    %add3A_910 = arith.addf %dot_general3A_908, %add3A_909 : vector<128x128xf32>
    %slice3A_911 = vector.extract_strided_slice %dot_general3A_15 {offsets = [0, 68], sizes = [128, 1], strides = [1, 1]} : vector<128x100xf32> to vector<128x1xf32>
    %mul3A_912 = vector.broadcast %slice3A_911 : vector<128x1xf32> to vector<128x128xf32>
    %mul3A_913 = arith.mulf %add3A_910, %mul3A_912 : vector<128x128xf32>
    %swap3A_914 = arith.constant 8704 : index
    %swap3A_915 = arith.constant 0 : index
    %swap3A_916 = vector.load %arg5[%swap3A_914, %swap3A_915] : memref<12800x128xf32, #tpu.memory_space<vmem>>, vector<128x128xf32>
    tpu.vector_store %arg5[%swap3A_914, %swap3A_915], %mul3A_913 {strides = array<i32>} : memref<12800x128xf32, #tpu.memory_space<vmem>>, vector<128x128xf32>,
    %get3A_917 = arith.constant 0 : index
    %get3A_918 = arith.constant 8832 : index
    %get3A_919 = vector.load %arg1[%get3A_917, %get3A_918] : memref<16x12800xf32, #tpu.memory_space<vmem>>, vector<16x128xf32>
    %dot_general3A_920 = arith.constant dense<0.000000e+00> : vector<128x128xf32>
    %dot_general3A_921 = tpu.matmul %get3A_919, %get3A_18, %dot_general3A_920 {dimension_numbers = #tpu.dot_dimension_numbers<[0], [0], [1], [1], [0, 1, 1, 1], [], []>, transpose_lhs_hint = false} : vector<16x128xf32>, vector<16x128xf32>, vector<128x128xf32> -> vector<128x128xf32>
    %add3A_922 = vector.broadcast %get3A_21 : vector<1x128xf32> to vector<128x128xf32>
    %add3A_923 = arith.addf %dot_general3A_921, %add3A_922 : vector<128x128xf32>
    %slice3A_924 = vector.extract_strided_slice %dot_general3A_15 {offsets = [0, 69], sizes = [128, 1], strides = [1, 1]} : vector<128x100xf32> to vector<128x1xf32>
    %mul3A_925 = vector.broadcast %slice3A_924 : vector<128x1xf32> to vector<128x128xf32>
    %mul3A_926 = arith.mulf %add3A_923, %mul3A_925 : vector<128x128xf32>
    %swap3A_927 = arith.constant 8832 : index
    %swap3A_928 = arith.constant 0 : index
    %swap3A_929 = vector.load %arg5[%swap3A_927, %swap3A_928] : memref<12800x128xf32, #tpu.memory_space<vmem>>, vector<128x128xf32>
    tpu.vector_store %arg5[%swap3A_927, %swap3A_928], %mul3A_926 {strides = array<i32>} : memref<12800x128xf32, #tpu.memory_space<vmem>>, vector<128x128xf32>,
    %get3A_930 = arith.constant 0 : index
    %get3A_931 = arith.constant 8960 : index
    %get3A_932 = vector.load %arg1[%get3A_930, %get3A_931] : memref<16x12800xf32, #tpu.memory_space<vmem>>, vector<16x128xf32>
    %dot_general3A_933 = arith.constant dense<0.000000e+00> : vector<128x128xf32>
    %dot_general3A_934 = tpu.matmul %get3A_932, %get3A_18, %dot_general3A_933 {dimension_numbers = #tpu.dot_dimension_numbers<[0], [0], [1], [1], [0, 1, 1, 1], [], []>, transpose_lhs_hint = false} : vector<16x128xf32>, vector<16x128xf32>, vector<128x128xf32> -> vector<128x128xf32>
    %add3A_935 = vector.broadcast %get3A_21 : vector<1x128xf32> to vector<128x128xf32>
    %add3A_936 = arith.addf %dot_general3A_934, %add3A_935 : vector<128x128xf32>
    %slice3A_937 = vector.extract_strided_slice %dot_general3A_15 {offsets = [0, 70], sizes = [128, 1], strides = [1, 1]} : vector<128x100xf32> to vector<128x1xf32>
    %mul3A_938 = vector.broadcast %slice3A_937 : vector<128x1xf32> to vector<128x128xf32>
    %mul3A_939 = arith.mulf %add3A_936, %mul3A_938 : vector<128x128xf32>
    %swap3A_940 = arith.constant 8960 : index
    %swap3A_941 = arith.constant 0 : index
    %swap3A_942 = vector.load %arg5[%swap3A_940, %swap3A_941] : memref<12800x128xf32, #tpu.memory_space<vmem>>, vector<128x128xf32>
    tpu.vector_store %arg5[%swap3A_940, %swap3A_941], %mul3A_939 {strides = array<i32>} : memref<12800x128xf32, #tpu.memory_space<vmem>>, vector<128x128xf32>,
    %get3A_943 = arith.constant 0 : index
    %get3A_944 = arith.constant 9088 : index
    %get3A_945 = vector.load %arg1[%get3A_943, %get3A_944] : memref<16x12800xf32, #tpu.memory_space<vmem>>, vector<16x128xf32>
    %dot_general3A_946 = arith.constant dense<0.000000e+00> : vector<128x128xf32>
    %dot_general3A_947 = tpu.matmul %get3A_945, %get3A_18, %dot_general3A_946 {dimension_numbers = #tpu.dot_dimension_numbers<[0], [0], [1], [1], [0, 1, 1, 1], [], []>, transpose_lhs_hint = false} : vector<16x128xf32>, vector<16x128xf32>, vector<128x128xf32> -> vector<128x128xf32>
    %add3A_948 = vector.broadcast %get3A_21 : vector<1x128xf32> to vector<128x128xf32>
    %add3A_949 = arith.addf %dot_general3A_947, %add3A_948 : vector<128x128xf32>
    %slice3A_950 = vector.extract_strided_slice %dot_general3A_15 {offsets = [0, 71], sizes = [128, 1], strides = [1, 1]} : vector<128x100xf32> to vector<128x1xf32>
    %mul3A_951 = vector.broadcast %slice3A_950 : vector<128x1xf32> to vector<128x128xf32>
    %mul3A_952 = arith.mulf %add3A_949, %mul3A_951 : vector<128x128xf32>
    %swap3A_953 = arith.constant 9088 : index
    %swap3A_954 = arith.constant 0 : index
    %swap3A_955 = vector.load %arg5[%swap3A_953, %swap3A_954] : memref<12800x128xf32, #tpu.memory_space<vmem>>, vector<128x128xf32>
    tpu.vector_store %arg5[%swap3A_953, %swap3A_954], %mul3A_952 {strides = array<i32>} : memref<12800x128xf32, #tpu.memory_space<vmem>>, vector<128x128xf32>,
    %get3A_956 = arith.constant 0 : index
    %get3A_957 = arith.constant 9216 : index
    %get3A_958 = vector.load %arg1[%get3A_956, %get3A_957] : memref<16x12800xf32, #tpu.memory_space<vmem>>, vector<16x128xf32>
    %dot_general3A_959 = arith.constant dense<0.000000e+00> : vector<128x128xf32>
    %dot_general3A_960 = tpu.matmul %get3A_958, %get3A_18, %dot_general3A_959 {dimension_numbers = #tpu.dot_dimension_numbers<[0], [0], [1], [1], [0, 1, 1, 1], [], []>, transpose_lhs_hint = false} : vector<16x128xf32>, vector<16x128xf32>, vector<128x128xf32> -> vector<128x128xf32>
    %add3A_961 = vector.broadcast %get3A_21 : vector<1x128xf32> to vector<128x128xf32>
    %add3A_962 = arith.addf %dot_general3A_960, %add3A_961 : vector<128x128xf32>
    %slice3A_963 = vector.extract_strided_slice %dot_general3A_15 {offsets = [0, 72], sizes = [128, 1], strides = [1, 1]} : vector<128x100xf32> to vector<128x1xf32>
    %mul3A_964 = vector.broadcast %slice3A_963 : vector<128x1xf32> to vector<128x128xf32>
    %mul3A_965 = arith.mulf %add3A_962, %mul3A_964 : vector<128x128xf32>
    %swap3A_966 = arith.constant 9216 : index
    %swap3A_967 = arith.constant 0 : index
    %swap3A_968 = vector.load %arg5[%swap3A_966, %swap3A_967] : memref<12800x128xf32, #tpu.memory_space<vmem>>, vector<128x128xf32>
    tpu.vector_store %arg5[%swap3A_966, %swap3A_967], %mul3A_965 {strides = array<i32>} : memref<12800x128xf32, #tpu.memory_space<vmem>>, vector<128x128xf32>,
    %get3A_969 = arith.constant 0 : index
    %get3A_970 = arith.constant 9344 : index
    %get3A_971 = vector.load %arg1[%get3A_969, %get3A_970] : memref<16x12800xf32, #tpu.memory_space<vmem>>, vector<16x128xf32>
    %dot_general3A_972 = arith.constant dense<0.000000e+00> : vector<128x128xf32>
    %dot_general3A_973 = tpu.matmul %get3A_971, %get3A_18, %dot_general3A_972 {dimension_numbers = #tpu.dot_dimension_numbers<[0], [0], [1], [1], [0, 1, 1, 1], [], []>, transpose_lhs_hint = false} : vector<16x128xf32>, vector<16x128xf32>, vector<128x128xf32> -> vector<128x128xf32>
    %add3A_974 = vector.broadcast %get3A_21 : vector<1x128xf32> to vector<128x128xf32>
    %add3A_975 = arith.addf %dot_general3A_973, %add3A_974 : vector<128x128xf32>
    %slice3A_976 = vector.extract_strided_slice %dot_general3A_15 {offsets = [0, 73], sizes = [128, 1], strides = [1, 1]} : vector<128x100xf32> to vector<128x1xf32>
    %mul3A_977 = vector.broadcast %slice3A_976 : vector<128x1xf32> to vector<128x128xf32>
    %mul3A_978 = arith.mulf %add3A_975, %mul3A_977 : vector<128x128xf32>
    %swap3A_979 = arith.constant 9344 : index
    %swap3A_980 = arith.constant 0 : index
    %swap3A_981 = vector.load %arg5[%swap3A_979, %swap3A_980] : memref<12800x128xf32, #tpu.memory_space<vmem>>, vector<128x128xf32>
    tpu.vector_store %arg5[%swap3A_979, %swap3A_980], %mul3A_978 {strides = array<i32>} : memref<12800x128xf32, #tpu.memory_space<vmem>>, vector<128x128xf32>,
    %get3A_982 = arith.constant 0 : index
    %get3A_983 = arith.constant 9472 : index
    %get3A_984 = vector.load %arg1[%get3A_982, %get3A_983] : memref<16x12800xf32, #tpu.memory_space<vmem>>, vector<16x128xf32>
    %dot_general3A_985 = arith.constant dense<0.000000e+00> : vector<128x128xf32>
    %dot_general3A_986 = tpu.matmul %get3A_984, %get3A_18, %dot_general3A_985 {dimension_numbers = #tpu.dot_dimension_numbers<[0], [0], [1], [1], [0, 1, 1, 1], [], []>, transpose_lhs_hint = false} : vector<16x128xf32>, vector<16x128xf32>, vector<128x128xf32> -> vector<128x128xf32>
    %add3A_987 = vector.broadcast %get3A_21 : vector<1x128xf32> to vector<128x128xf32>
    %add3A_988 = arith.addf %dot_general3A_986, %add3A_987 : vector<128x128xf32>
    %slice3A_989 = vector.extract_strided_slice %dot_general3A_15 {offsets = [0, 74], sizes = [128, 1], strides = [1, 1]} : vector<128x100xf32> to vector<128x1xf32>
    %mul3A_990 = vector.broadcast %slice3A_989 : vector<128x1xf32> to vector<128x128xf32>
    %mul3A_991 = arith.mulf %add3A_988, %mul3A_990 : vector<128x128xf32>
    %swap3A_992 = arith.constant 9472 : index
    %swap3A_993 = arith.constant 0 : index
    %swap3A_994 = vector.load %arg5[%swap3A_992, %swap3A_993] : memref<12800x128xf32, #tpu.memory_space<vmem>>, vector<128x128xf32>
    tpu.vector_store %arg5[%swap3A_992, %swap3A_993], %mul3A_991 {strides = array<i32>} : memref<12800x128xf32, #tpu.memory_space<vmem>>, vector<128x128xf32>,
    %get3A_995 = arith.constant 0 : index
    %get3A_996 = arith.constant 9600 : index
    %get3A_997 = vector.load %arg1[%get3A_995, %get3A_996] : memref<16x12800xf32, #tpu.memory_space<vmem>>, vector<16x128xf32>
    %dot_general3A_998 = arith.constant dense<0.000000e+00> : vector<128x128xf32>
    %dot_general3A_999 = tpu.matmul %get3A_997, %get3A_18, %dot_general3A_998 {dimension_numbers = #tpu.dot_dimension_numbers<[0], [0], [1], [1], [0, 1, 1, 1], [], []>, transpose_lhs_hint = false} : vector<16x128xf32>, vector<16x128xf32>, vector<128x128xf32> -> vector<128x128xf32>
    %add3A_1000 = vector.broadcast %get3A_21 : vector<1x128xf32> to vector<128x128xf32>
    %add3A_1001 = arith.addf %dot_general3A_999, %add3A_1000 : vector<128x128xf32>
    %slice3A_1002 = vector.extract_strided_slice %dot_general3A_15 {offsets = [0, 75], sizes = [128, 1], strides = [1, 1]} : vector<128x100xf32> to vector<128x1xf32>
    %mul3A_1003 = vector.broadcast %slice3A_1002 : vector<128x1xf32> to vector<128x128xf32>
    %mul3A_1004 = arith.mulf %add3A_1001, %mul3A_1003 : vector<128x128xf32>
    %swap3A_1005 = arith.constant 9600 : index
    %swap3A_1006 = arith.constant 0 : index
    %swap3A_1007 = vector.load %arg5[%swap3A_1005, %swap3A_1006] : memref<12800x128xf32, #tpu.memory_space<vmem>>, vector<128x128xf32>
    tpu.vector_store %arg5[%swap3A_1005, %swap3A_1006], %mul3A_1004 {strides = array<i32>} : memref<12800x128xf32, #tpu.memory_space<vmem>>, vector<128x128xf32>,
    %get3A_1008 = arith.constant 0 : index
    %get3A_1009 = arith.constant 9728 : index
    %get3A_1010 = vector.load %arg1[%get3A_1008, %get3A_1009] : memref<16x12800xf32, #tpu.memory_space<vmem>>, vector<16x128xf32>
    %dot_general3A_1011 = arith.constant dense<0.000000e+00> : vector<128x128xf32>
    %dot_general3A_1012 = tpu.matmul %get3A_1010, %get3A_18, %dot_general3A_1011 {dimension_numbers = #tpu.dot_dimension_numbers<[0], [0], [1], [1], [0, 1, 1, 1], [], []>, transpose_lhs_hint = false} : vector<16x128xf32>, vector<16x128xf32>, vector<128x128xf32> -> vector<128x128xf32>
    %add3A_1013 = vector.broadcast %get3A_21 : vector<1x128xf32> to vector<128x128xf32>
    %add3A_1014 = arith.addf %dot_general3A_1012, %add3A_1013 : vector<128x128xf32>
    %slice3A_1015 = vector.extract_strided_slice %dot_general3A_15 {offsets = [0, 76], sizes = [128, 1], strides = [1, 1]} : vector<128x100xf32> to vector<128x1xf32>
    %mul3A_1016 = vector.broadcast %slice3A_1015 : vector<128x1xf32> to vector<128x128xf32>
    %mul3A_1017 = arith.mulf %add3A_1014, %mul3A_1016 : vector<128x128xf32>
    %swap3A_1018 = arith.constant 9728 : index
    %swap3A_1019 = arith.constant 0 : index
    %swap3A_1020 = vector.load %arg5[%swap3A_1018, %swap3A_1019] : memref<12800x128xf32, #tpu.memory_space<vmem>>, vector<128x128xf32>
    tpu.vector_store %arg5[%swap3A_1018, %swap3A_1019], %mul3A_1017 {strides = array<i32>} : memref<12800x128xf32, #tpu.memory_space<vmem>>, vector<128x128xf32>,
    %get3A_1021 = arith.constant 0 : index
    %get3A_1022 = arith.constant 9856 : index
    %get3A_1023 = vector.load %arg1[%get3A_1021, %get3A_1022] : memref<16x12800xf32, #tpu.memory_space<vmem>>, vector<16x128xf32>
    %dot_general3A_1024 = arith.constant dense<0.000000e+00> : vector<128x128xf32>
    %dot_general3A_1025 = tpu.matmul %get3A_1023, %get3A_18, %dot_general3A_1024 {dimension_numbers = #tpu.dot_dimension_numbers<[0], [0], [1], [1], [0, 1, 1, 1], [], []>, transpose_lhs_hint = false} : vector<16x128xf32>, vector<16x128xf32>, vector<128x128xf32> -> vector<128x128xf32>
    %add3A_1026 = vector.broadcast %get3A_21 : vector<1x128xf32> to vector<128x128xf32>
    %add3A_1027 = arith.addf %dot_general3A_1025, %add3A_1026 : vector<128x128xf32>
    %slice3A_1028 = vector.extract_strided_slice %dot_general3A_15 {offsets = [0, 77], sizes = [128, 1], strides = [1, 1]} : vector<128x100xf32> to vector<128x1xf32>
    %mul3A_1029 = vector.broadcast %slice3A_1028 : vector<128x1xf32> to vector<128x128xf32>
    %mul3A_1030 = arith.mulf %add3A_1027, %mul3A_1029 : vector<128x128xf32>
    %swap3A_1031 = arith.constant 9856 : index
    %swap3A_1032 = arith.constant 0 : index
    %swap3A_1033 = vector.load %arg5[%swap3A_1031, %swap3A_1032] : memref<12800x128xf32, #tpu.memory_space<vmem>>, vector<128x128xf32>
    tpu.vector_store %arg5[%swap3A_1031, %swap3A_1032], %mul3A_1030 {strides = array<i32>} : memref<12800x128xf32, #tpu.memory_space<vmem>>, vector<128x128xf32>,
    %get3A_1034 = arith.constant 0 : index
    %get3A_1035 = arith.constant 9984 : index
    %get3A_1036 = vector.load %arg1[%get3A_1034, %get3A_1035] : memref<16x12800xf32, #tpu.memory_space<vmem>>, vector<16x128xf32>
    %dot_general3A_1037 = arith.constant dense<0.000000e+00> : vector<128x128xf32>
    %dot_general3A_1038 = tpu.matmul %get3A_1036, %get3A_18, %dot_general3A_1037 {dimension_numbers = #tpu.dot_dimension_numbers<[0], [0], [1], [1], [0, 1, 1, 1], [], []>, transpose_lhs_hint = false} : vector<16x128xf32>, vector<16x128xf32>, vector<128x128xf32> -> vector<128x128xf32>
    %add3A_1039 = vector.broadcast %get3A_21 : vector<1x128xf32> to vector<128x128xf32>
    %add3A_1040 = arith.addf %dot_general3A_1038, %add3A_1039 : vector<128x128xf32>
    %slice3A_1041 = vector.extract_strided_slice %dot_general3A_15 {offsets = [0, 78], sizes = [128, 1], strides = [1, 1]} : vector<128x100xf32> to vector<128x1xf32>
    %mul3A_1042 = vector.broadcast %slice3A_1041 : vector<128x1xf32> to vector<128x128xf32>
    %mul3A_1043 = arith.mulf %add3A_1040, %mul3A_1042 : vector<128x128xf32>
    %swap3A_1044 = arith.constant 9984 : index
    %swap3A_1045 = arith.constant 0 : index
    %swap3A_1046 = vector.load %arg5[%swap3A_1044, %swap3A_1045] : memref<12800x128xf32, #tpu.memory_space<vmem>>, vector<128x128xf32>
    tpu.vector_store %arg5[%swap3A_1044, %swap3A_1045], %mul3A_1043 {strides = array<i32>} : memref<12800x128xf32, #tpu.memory_space<vmem>>, vector<128x128xf32>,
    %get3A_1047 = arith.constant 0 : index
    %get3A_1048 = arith.constant 10112 : index
    %get3A_1049 = vector.load %arg1[%get3A_1047, %get3A_1048] : memref<16x12800xf32, #tpu.memory_space<vmem>>, vector<16x128xf32>
    %dot_general3A_1050 = arith.constant dense<0.000000e+00> : vector<128x128xf32>
    %dot_general3A_1051 = tpu.matmul %get3A_1049, %get3A_18, %dot_general3A_1050 {dimension_numbers = #tpu.dot_dimension_numbers<[0], [0], [1], [1], [0, 1, 1, 1], [], []>, transpose_lhs_hint = false} : vector<16x128xf32>, vector<16x128xf32>, vector<128x128xf32> -> vector<128x128xf32>
    %add3A_1052 = vector.broadcast %get3A_21 : vector<1x128xf32> to vector<128x128xf32>
    %add3A_1053 = arith.addf %dot_general3A_1051, %add3A_1052 : vector<128x128xf32>
    %slice3A_1054 = vector.extract_strided_slice %dot_general3A_15 {offsets = [0, 79], sizes = [128, 1], strides = [1, 1]} : vector<128x100xf32> to vector<128x1xf32>
    %mul3A_1055 = vector.broadcast %slice3A_1054 : vector<128x1xf32> to vector<128x128xf32>
    %mul3A_1056 = arith.mulf %add3A_1053, %mul3A_1055 : vector<128x128xf32>
    %swap3A_1057 = arith.constant 10112 : index
    %swap3A_1058 = arith.constant 0 : index
    %swap3A_1059 = vector.load %arg5[%swap3A_1057, %swap3A_1058] : memref<12800x128xf32, #tpu.memory_space<vmem>>, vector<128x128xf32>
    tpu.vector_store %arg5[%swap3A_1057, %swap3A_1058], %mul3A_1056 {strides = array<i32>} : memref<12800x128xf32, #tpu.memory_space<vmem>>, vector<128x128xf32>,
    %get3A_1060 = arith.constant 0 : index
    %get3A_1061 = arith.constant 10240 : index
    %get3A_1062 = vector.load %arg1[%get3A_1060, %get3A_1061] : memref<16x12800xf32, #tpu.memory_space<vmem>>, vector<16x128xf32>
    %dot_general3A_1063 = arith.constant dense<0.000000e+00> : vector<128x128xf32>
    %dot_general3A_1064 = tpu.matmul %get3A_1062, %get3A_18, %dot_general3A_1063 {dimension_numbers = #tpu.dot_dimension_numbers<[0], [0], [1], [1], [0, 1, 1, 1], [], []>, transpose_lhs_hint = false} : vector<16x128xf32>, vector<16x128xf32>, vector<128x128xf32> -> vector<128x128xf32>
    %add3A_1065 = vector.broadcast %get3A_21 : vector<1x128xf32> to vector<128x128xf32>
    %add3A_1066 = arith.addf %dot_general3A_1064, %add3A_1065 : vector<128x128xf32>
    %slice3A_1067 = vector.extract_strided_slice %dot_general3A_15 {offsets = [0, 80], sizes = [128, 1], strides = [1, 1]} : vector<128x100xf32> to vector<128x1xf32>
    %mul3A_1068 = vector.broadcast %slice3A_1067 : vector<128x1xf32> to vector<128x128xf32>
    %mul3A_1069 = arith.mulf %add3A_1066, %mul3A_1068 : vector<128x128xf32>
    %swap3A_1070 = arith.constant 10240 : index
    %swap3A_1071 = arith.constant 0 : index
    %swap3A_1072 = vector.load %arg5[%swap3A_1070, %swap3A_1071] : memref<12800x128xf32, #tpu.memory_space<vmem>>, vector<128x128xf32>
    tpu.vector_store %arg5[%swap3A_1070, %swap3A_1071], %mul3A_1069 {strides = array<i32>} : memref<12800x128xf32, #tpu.memory_space<vmem>>, vector<128x128xf32>,
    %get3A_1073 = arith.constant 0 : index
    %get3A_1074 = arith.constant 10368 : index
    %get3A_1075 = vector.load %arg1[%get3A_1073, %get3A_1074] : memref<16x12800xf32, #tpu.memory_space<vmem>>, vector<16x128xf32>
    %dot_general3A_1076 = arith.constant dense<0.000000e+00> : vector<128x128xf32>
    %dot_general3A_1077 = tpu.matmul %get3A_1075, %get3A_18, %dot_general3A_1076 {dimension_numbers = #tpu.dot_dimension_numbers<[0], [0], [1], [1], [0, 1, 1, 1], [], []>, transpose_lhs_hint = false} : vector<16x128xf32>, vector<16x128xf32>, vector<128x128xf32> -> vector<128x128xf32>
    %add3A_1078 = vector.broadcast %get3A_21 : vector<1x128xf32> to vector<128x128xf32>
    %add3A_1079 = arith.addf %dot_general3A_1077, %add3A_1078 : vector<128x128xf32>
    %slice3A_1080 = vector.extract_strided_slice %dot_general3A_15 {offsets = [0, 81], sizes = [128, 1], strides = [1, 1]} : vector<128x100xf32> to vector<128x1xf32>
    %mul3A_1081 = vector.broadcast %slice3A_1080 : vector<128x1xf32> to vector<128x128xf32>
    %mul3A_1082 = arith.mulf %add3A_1079, %mul3A_1081 : vector<128x128xf32>
    %swap3A_1083 = arith.constant 10368 : index
    %swap3A_1084 = arith.constant 0 : index
    %swap3A_1085 = vector.load %arg5[%swap3A_1083, %swap3A_1084] : memref<12800x128xf32, #tpu.memory_space<vmem>>, vector<128x128xf32>
    tpu.vector_store %arg5[%swap3A_1083, %swap3A_1084], %mul3A_1082 {strides = array<i32>} : memref<12800x128xf32, #tpu.memory_space<vmem>>, vector<128x128xf32>,
    %get3A_1086 = arith.constant 0 : index
    %get3A_1087 = arith.constant 10496 : index
    %get3A_1088 = vector.load %arg1[%get3A_1086, %get3A_1087] : memref<16x12800xf32, #tpu.memory_space<vmem>>, vector<16x128xf32>
    %dot_general3A_1089 = arith.constant dense<0.000000e+00> : vector<128x128xf32>
    %dot_general3A_1090 = tpu.matmul %get3A_1088, %get3A_18, %dot_general3A_1089 {dimension_numbers = #tpu.dot_dimension_numbers<[0], [0], [1], [1], [0, 1, 1, 1], [], []>, transpose_lhs_hint = false} : vector<16x128xf32>, vector<16x128xf32>, vector<128x128xf32> -> vector<128x128xf32>
    %add3A_1091 = vector.broadcast %get3A_21 : vector<1x128xf32> to vector<128x128xf32>
    %add3A_1092 = arith.addf %dot_general3A_1090, %add3A_1091 : vector<128x128xf32>
    %slice3A_1093 = vector.extract_strided_slice %dot_general3A_15 {offsets = [0, 82], sizes = [128, 1], strides = [1, 1]} : vector<128x100xf32> to vector<128x1xf32>
    %mul3A_1094 = vector.broadcast %slice3A_1093 : vector<128x1xf32> to vector<128x128xf32>
    %mul3A_1095 = arith.mulf %add3A_1092, %mul3A_1094 : vector<128x128xf32>
    %swap3A_1096 = arith.constant 10496 : index
    %swap3A_1097 = arith.constant 0 : index
    %swap3A_1098 = vector.load %arg5[%swap3A_1096, %swap3A_1097] : memref<12800x128xf32, #tpu.memory_space<vmem>>, vector<128x128xf32>
    tpu.vector_store %arg5[%swap3A_1096, %swap3A_1097], %mul3A_1095 {strides = array<i32>} : memref<12800x128xf32, #tpu.memory_space<vmem>>, vector<128x128xf32>,
    %get3A_1099 = arith.constant 0 : index
    %get3A_1100 = arith.constant 10624 : index
    %get3A_1101 = vector.load %arg1[%get3A_1099, %get3A_1100] : memref<16x12800xf32, #tpu.memory_space<vmem>>, vector<16x128xf32>
    %dot_general3A_1102 = arith.constant dense<0.000000e+00> : vector<128x128xf32>
    %dot_general3A_1103 = tpu.matmul %get3A_1101, %get3A_18, %dot_general3A_1102 {dimension_numbers = #tpu.dot_dimension_numbers<[0], [0], [1], [1], [0, 1, 1, 1], [], []>, transpose_lhs_hint = false} : vector<16x128xf32>, vector<16x128xf32>, vector<128x128xf32> -> vector<128x128xf32>
    %add3A_1104 = vector.broadcast %get3A_21 : vector<1x128xf32> to vector<128x128xf32>
    %add3A_1105 = arith.addf %dot_general3A_1103, %add3A_1104 : vector<128x128xf32>
    %slice3A_1106 = vector.extract_strided_slice %dot_general3A_15 {offsets = [0, 83], sizes = [128, 1], strides = [1, 1]} : vector<128x100xf32> to vector<128x1xf32>
    %mul3A_1107 = vector.broadcast %slice3A_1106 : vector<128x1xf32> to vector<128x128xf32>
    %mul3A_1108 = arith.mulf %add3A_1105, %mul3A_1107 : vector<128x128xf32>
    %swap3A_1109 = arith.constant 10624 : index
    %swap3A_1110 = arith.constant 0 : index
    %swap3A_1111 = vector.load %arg5[%swap3A_1109, %swap3A_1110] : memref<12800x128xf32, #tpu.memory_space<vmem>>, vector<128x128xf32>
    tpu.vector_store %arg5[%swap3A_1109, %swap3A_1110], %mul3A_1108 {strides = array<i32>} : memref<12800x128xf32, #tpu.memory_space<vmem>>, vector<128x128xf32>,
    %get3A_1112 = arith.constant 0 : index
    %get3A_1113 = arith.constant 10752 : index
    %get3A_1114 = vector.load %arg1[%get3A_1112, %get3A_1113] : memref<16x12800xf32, #tpu.memory_space<vmem>>, vector<16x128xf32>
    %dot_general3A_1115 = arith.constant dense<0.000000e+00> : vector<128x128xf32>
    %dot_general3A_1116 = tpu.matmul %get3A_1114, %get3A_18, %dot_general3A_1115 {dimension_numbers = #tpu.dot_dimension_numbers<[0], [0], [1], [1], [0, 1, 1, 1], [], []>, transpose_lhs_hint = false} : vector<16x128xf32>, vector<16x128xf32>, vector<128x128xf32> -> vector<128x128xf32>
    %add3A_1117 = vector.broadcast %get3A_21 : vector<1x128xf32> to vector<128x128xf32>
    %add3A_1118 = arith.addf %dot_general3A_1116, %add3A_1117 : vector<128x128xf32>
    %slice3A_1119 = vector.extract_strided_slice %dot_general3A_15 {offsets = [0, 84], sizes = [128, 1], strides = [1, 1]} : vector<128x100xf32> to vector<128x1xf32>
    %mul3A_1120 = vector.broadcast %slice3A_1119 : vector<128x1xf32> to vector<128x128xf32>
    %mul3A_1121 = arith.mulf %add3A_1118, %mul3A_1120 : vector<128x128xf32>
    %swap3A_1122 = arith.constant 10752 : index
    %swap3A_1123 = arith.constant 0 : index
    %swap3A_1124 = vector.load %arg5[%swap3A_1122, %swap3A_1123] : memref<12800x128xf32, #tpu.memory_space<vmem>>, vector<128x128xf32>
    tpu.vector_store %arg5[%swap3A_1122, %swap3A_1123], %mul3A_1121 {strides = array<i32>} : memref<12800x128xf32, #tpu.memory_space<vmem>>, vector<128x128xf32>,
    %get3A_1125 = arith.constant 0 : index
    %get3A_1126 = arith.constant 10880 : index
    %get3A_1127 = vector.load %arg1[%get3A_1125, %get3A_1126] : memref<16x12800xf32, #tpu.memory_space<vmem>>, vector<16x128xf32>
    %dot_general3A_1128 = arith.constant dense<0.000000e+00> : vector<128x128xf32>
    %dot_general3A_1129 = tpu.matmul %get3A_1127, %get3A_18, %dot_general3A_1128 {dimension_numbers = #tpu.dot_dimension_numbers<[0], [0], [1], [1], [0, 1, 1, 1], [], []>, transpose_lhs_hint = false} : vector<16x128xf32>, vector<16x128xf32>, vector<128x128xf32> -> vector<128x128xf32>
    %add3A_1130 = vector.broadcast %get3A_21 : vector<1x128xf32> to vector<128x128xf32>
    %add3A_1131 = arith.addf %dot_general3A_1129, %add3A_1130 : vector<128x128xf32>
    %slice3A_1132 = vector.extract_strided_slice %dot_general3A_15 {offsets = [0, 85], sizes = [128, 1], strides = [1, 1]} : vector<128x100xf32> to vector<128x1xf32>
    %mul3A_1133 = vector.broadcast %slice3A_1132 : vector<128x1xf32> to vector<128x128xf32>
    %mul3A_1134 = arith.mulf %add3A_1131, %mul3A_1133 : vector<128x128xf32>
    %swap3A_1135 = arith.constant 10880 : index
    %swap3A_1136 = arith.constant 0 : index
    %swap3A_1137 = vector.load %arg5[%swap3A_1135, %swap3A_1136] : memref<12800x128xf32, #tpu.memory_space<vmem>>, vector<128x128xf32>
    tpu.vector_store %arg5[%swap3A_1135, %swap3A_1136], %mul3A_1134 {strides = array<i32>} : memref<12800x128xf32, #tpu.memory_space<vmem>>, vector<128x128xf32>,
    %get3A_1138 = arith.constant 0 : index
    %get3A_1139 = arith.constant 11008 : index
    %get3A_1140 = vector.load %arg1[%get3A_1138, %get3A_1139] : memref<16x12800xf32, #tpu.memory_space<vmem>>, vector<16x128xf32>
    %dot_general3A_1141 = arith.constant dense<0.000000e+00> : vector<128x128xf32>
    %dot_general3A_1142 = tpu.matmul %get3A_1140, %get3A_18, %dot_general3A_1141 {dimension_numbers = #tpu.dot_dimension_numbers<[0], [0], [1], [1], [0, 1, 1, 1], [], []>, transpose_lhs_hint = false} : vector<16x128xf32>, vector<16x128xf32>, vector<128x128xf32> -> vector<128x128xf32>
    %add3A_1143 = vector.broadcast %get3A_21 : vector<1x128xf32> to vector<128x128xf32>
    %add3A_1144 = arith.addf %dot_general3A_1142, %add3A_1143 : vector<128x128xf32>
    %slice3A_1145 = vector.extract_strided_slice %dot_general3A_15 {offsets = [0, 86], sizes = [128, 1], strides = [1, 1]} : vector<128x100xf32> to vector<128x1xf32>
    %mul3A_1146 = vector.broadcast %slice3A_1145 : vector<128x1xf32> to vector<128x128xf32>
    %mul3A_1147 = arith.mulf %add3A_1144, %mul3A_1146 : vector<128x128xf32>
    %swap3A_1148 = arith.constant 11008 : index
    %swap3A_1149 = arith.constant 0 : index
    %swap3A_1150 = vector.load %arg5[%swap3A_1148, %swap3A_1149] : memref<12800x128xf32, #tpu.memory_space<vmem>>, vector<128x128xf32>
    tpu.vector_store %arg5[%swap3A_1148, %swap3A_1149], %mul3A_1147 {strides = array<i32>} : memref<12800x128xf32, #tpu.memory_space<vmem>>, vector<128x128xf32>,
    %get3A_1151 = arith.constant 0 : index
    %get3A_1152 = arith.constant 11136 : index
    %get3A_1153 = vector.load %arg1[%get3A_1151, %get3A_1152] : memref<16x12800xf32, #tpu.memory_space<vmem>>, vector<16x128xf32>
    %dot_general3A_1154 = arith.constant dense<0.000000e+00> : vector<128x128xf32>
    %dot_general3A_1155 = tpu.matmul %get3A_1153, %get3A_18, %dot_general3A_1154 {dimension_numbers = #tpu.dot_dimension_numbers<[0], [0], [1], [1], [0, 1, 1, 1], [], []>, transpose_lhs_hint = false} : vector<16x128xf32>, vector<16x128xf32>, vector<128x128xf32> -> vector<128x128xf32>
    %add3A_1156 = vector.broadcast %get3A_21 : vector<1x128xf32> to vector<128x128xf32>
    %add3A_1157 = arith.addf %dot_general3A_1155, %add3A_1156 : vector<128x128xf32>
    %slice3A_1158 = vector.extract_strided_slice %dot_general3A_15 {offsets = [0, 87], sizes = [128, 1], strides = [1, 1]} : vector<128x100xf32> to vector<128x1xf32>
    %mul3A_1159 = vector.broadcast %slice3A_1158 : vector<128x1xf32> to vector<128x128xf32>
    %mul3A_1160 = arith.mulf %add3A_1157, %mul3A_1159 : vector<128x128xf32>
    %swap3A_1161 = arith.constant 11136 : index
    %swap3A_1162 = arith.constant 0 : index
    %swap3A_1163 = vector.load %arg5[%swap3A_1161, %swap3A_1162] : memref<12800x128xf32, #tpu.memory_space<vmem>>, vector<128x128xf32>
    tpu.vector_store %arg5[%swap3A_1161, %swap3A_1162], %mul3A_1160 {strides = array<i32>} : memref<12800x128xf32, #tpu.memory_space<vmem>>, vector<128x128xf32>,
    %get3A_1164 = arith.constant 0 : index
    %get3A_1165 = arith.constant 11264 : index
    %get3A_1166 = vector.load %arg1[%get3A_1164, %get3A_1165] : memref<16x12800xf32, #tpu.memory_space<vmem>>, vector<16x128xf32>
    %dot_general3A_1167 = arith.constant dense<0.000000e+00> : vector<128x128xf32>
    %dot_general3A_1168 = tpu.matmul %get3A_1166, %get3A_18, %dot_general3A_1167 {dimension_numbers = #tpu.dot_dimension_numbers<[0], [0], [1], [1], [0, 1, 1, 1], [], []>, transpose_lhs_hint = false} : vector<16x128xf32>, vector<16x128xf32>, vector<128x128xf32> -> vector<128x128xf32>
    %add3A_1169 = vector.broadcast %get3A_21 : vector<1x128xf32> to vector<128x128xf32>
    %add3A_1170 = arith.addf %dot_general3A_1168, %add3A_1169 : vector<128x128xf32>
    %slice3A_1171 = vector.extract_strided_slice %dot_general3A_15 {offsets = [0, 88], sizes = [128, 1], strides = [1, 1]} : vector<128x100xf32> to vector<128x1xf32>
    %mul3A_1172 = vector.broadcast %slice3A_1171 : vector<128x1xf32> to vector<128x128xf32>
    %mul3A_1173 = arith.mulf %add3A_1170, %mul3A_1172 : vector<128x128xf32>
    %swap3A_1174 = arith.constant 11264 : index
    %swap3A_1175 = arith.constant 0 : index
    %swap3A_1176 = vector.load %arg5[%swap3A_1174, %swap3A_1175] : memref<12800x128xf32, #tpu.memory_space<vmem>>, vector<128x128xf32>
    tpu.vector_store %arg5[%swap3A_1174, %swap3A_1175], %mul3A_1173 {strides = array<i32>} : memref<12800x128xf32, #tpu.memory_space<vmem>>, vector<128x128xf32>,
    %get3A_1177 = arith.constant 0 : index
    %get3A_1178 = arith.constant 11392 : index
    %get3A_1179 = vector.load %arg1[%get3A_1177, %get3A_1178] : memref<16x12800xf32, #tpu.memory_space<vmem>>, vector<16x128xf32>
    %dot_general3A_1180 = arith.constant dense<0.000000e+00> : vector<128x128xf32>
    %dot_general3A_1181 = tpu.matmul %get3A_1179, %get3A_18, %dot_general3A_1180 {dimension_numbers = #tpu.dot_dimension_numbers<[0], [0], [1], [1], [0, 1, 1, 1], [], []>, transpose_lhs_hint = false} : vector<16x128xf32>, vector<16x128xf32>, vector<128x128xf32> -> vector<128x128xf32>
    %add3A_1182 = vector.broadcast %get3A_21 : vector<1x128xf32> to vector<128x128xf32>
    %add3A_1183 = arith.addf %dot_general3A_1181, %add3A_1182 : vector<128x128xf32>
    %slice3A_1184 = vector.extract_strided_slice %dot_general3A_15 {offsets = [0, 89], sizes = [128, 1], strides = [1, 1]} : vector<128x100xf32> to vector<128x1xf32>
    %mul3A_1185 = vector.broadcast %slice3A_1184 : vector<128x1xf32> to vector<128x128xf32>
    %mul3A_1186 = arith.mulf %add3A_1183, %mul3A_1185 : vector<128x128xf32>
    %swap3A_1187 = arith.constant 11392 : index
    %swap3A_1188 = arith.constant 0 : index
    %swap3A_1189 = vector.load %arg5[%swap3A_1187, %swap3A_1188] : memref<12800x128xf32, #tpu.memory_space<vmem>>, vector<128x128xf32>
    tpu.vector_store %arg5[%swap3A_1187, %swap3A_1188], %mul3A_1186 {strides = array<i32>} : memref<12800x128xf32, #tpu.memory_space<vmem>>, vector<128x128xf32>,
    %get3A_1190 = arith.constant 0 : index
    %get3A_1191 = arith.constant 11520 : index
    %get3A_1192 = vector.load %arg1[%get3A_1190, %get3A_1191] : memref<16x12800xf32, #tpu.memory_space<vmem>>, vector<16x128xf32>
    %dot_general3A_1193 = arith.constant dense<0.000000e+00> : vector<128x128xf32>
    %dot_general3A_1194 = tpu.matmul %get3A_1192, %get3A_18, %dot_general3A_1193 {dimension_numbers = #tpu.dot_dimension_numbers<[0], [0], [1], [1], [0, 1, 1, 1], [], []>, transpose_lhs_hint = false} : vector<16x128xf32>, vector<16x128xf32>, vector<128x128xf32> -> vector<128x128xf32>
    %add3A_1195 = vector.broadcast %get3A_21 : vector<1x128xf32> to vector<128x128xf32>
    %add3A_1196 = arith.addf %dot_general3A_1194, %add3A_1195 : vector<128x128xf32>
    %slice3A_1197 = vector.extract_strided_slice %dot_general3A_15 {offsets = [0, 90], sizes = [128, 1], strides = [1, 1]} : vector<128x100xf32> to vector<128x1xf32>
    %mul3A_1198 = vector.broadcast %slice3A_1197 : vector<128x1xf32> to vector<128x128xf32>
    %mul3A_1199 = arith.mulf %add3A_1196, %mul3A_1198 : vector<128x128xf32>
    %swap3A_1200 = arith.constant 11520 : index
    %swap3A_1201 = arith.constant 0 : index
    %swap3A_1202 = vector.load %arg5[%swap3A_1200, %swap3A_1201] : memref<12800x128xf32, #tpu.memory_space<vmem>>, vector<128x128xf32>
    tpu.vector_store %arg5[%swap3A_1200, %swap3A_1201], %mul3A_1199 {strides = array<i32>} : memref<12800x128xf32, #tpu.memory_space<vmem>>, vector<128x128xf32>,
    %get3A_1203 = arith.constant 0 : index
    %get3A_1204 = arith.constant 11648 : index
    %get3A_1205 = vector.load %arg1[%get3A_1203, %get3A_1204] : memref<16x12800xf32, #tpu.memory_space<vmem>>, vector<16x128xf32>
    %dot_general3A_1206 = arith.constant dense<0.000000e+00> : vector<128x128xf32>
    %dot_general3A_1207 = tpu.matmul %get3A_1205, %get3A_18, %dot_general3A_1206 {dimension_numbers = #tpu.dot_dimension_numbers<[0], [0], [1], [1], [0, 1, 1, 1], [], []>, transpose_lhs_hint = false} : vector<16x128xf32>, vector<16x128xf32>, vector<128x128xf32> -> vector<128x128xf32>
    %add3A_1208 = vector.broadcast %get3A_21 : vector<1x128xf32> to vector<128x128xf32>
    %add3A_1209 = arith.addf %dot_general3A_1207, %add3A_1208 : vector<128x128xf32>
    %slice3A_1210 = vector.extract_strided_slice %dot_general3A_15 {offsets = [0, 91], sizes = [128, 1], strides = [1, 1]} : vector<128x100xf32> to vector<128x1xf32>
    %mul3A_1211 = vector.broadcast %slice3A_1210 : vector<128x1xf32> to vector<128x128xf32>
    %mul3A_1212 = arith.mulf %add3A_1209, %mul3A_1211 : vector<128x128xf32>
    %swap3A_1213 = arith.constant 11648 : index
    %swap3A_1214 = arith.constant 0 : index
    %swap3A_1215 = vector.load %arg5[%swap3A_1213, %swap3A_1214] : memref<12800x128xf32, #tpu.memory_space<vmem>>, vector<128x128xf32>
    tpu.vector_store %arg5[%swap3A_1213, %swap3A_1214], %mul3A_1212 {strides = array<i32>} : memref<12800x128xf32, #tpu.memory_space<vmem>>, vector<128x128xf32>,
    %get3A_1216 = arith.constant 0 : index
    %get3A_1217 = arith.constant 11776 : index
    %get3A_1218 = vector.load %arg1[%get3A_1216, %get3A_1217] : memref<16x12800xf32, #tpu.memory_space<vmem>>, vector<16x128xf32>
    %dot_general3A_1219 = arith.constant dense<0.000000e+00> : vector<128x128xf32>
    %dot_general3A_1220 = tpu.matmul %get3A_1218, %get3A_18, %dot_general3A_1219 {dimension_numbers = #tpu.dot_dimension_numbers<[0], [0], [1], [1], [0, 1, 1, 1], [], []>, transpose_lhs_hint = false} : vector<16x128xf32>, vector<16x128xf32>, vector<128x128xf32> -> vector<128x128xf32>
    %add3A_1221 = vector.broadcast %get3A_21 : vector<1x128xf32> to vector<128x128xf32>
    %add3A_1222 = arith.addf %dot_general3A_1220, %add3A_1221 : vector<128x128xf32>
    %slice3A_1223 = vector.extract_strided_slice %dot_general3A_15 {offsets = [0, 92], sizes = [128, 1], strides = [1, 1]} : vector<128x100xf32> to vector<128x1xf32>
    %mul3A_1224 = vector.broadcast %slice3A_1223 : vector<128x1xf32> to vector<128x128xf32>
    %mul3A_1225 = arith.mulf %add3A_1222, %mul3A_1224 : vector<128x128xf32>
    %swap3A_1226 = arith.constant 11776 : index
    %swap3A_1227 = arith.constant 0 : index
    %swap3A_1228 = vector.load %arg5[%swap3A_1226, %swap3A_1227] : memref<12800x128xf32, #tpu.memory_space<vmem>>, vector<128x128xf32>
    tpu.vector_store %arg5[%swap3A_1226, %swap3A_1227], %mul3A_1225 {strides = array<i32>} : memref<12800x128xf32, #tpu.memory_space<vmem>>, vector<128x128xf32>,
    %get3A_1229 = arith.constant 0 : index
    %get3A_1230 = arith.constant 11904 : index
    %get3A_1231 = vector.load %arg1[%get3A_1229, %get3A_1230] : memref<16x12800xf32, #tpu.memory_space<vmem>>, vector<16x128xf32>
    %dot_general3A_1232 = arith.constant dense<0.000000e+00> : vector<128x128xf32>
    %dot_general3A_1233 = tpu.matmul %get3A_1231, %get3A_18, %dot_general3A_1232 {dimension_numbers = #tpu.dot_dimension_numbers<[0], [0], [1], [1], [0, 1, 1, 1], [], []>, transpose_lhs_hint = false} : vector<16x128xf32>, vector<16x128xf32>, vector<128x128xf32> -> vector<128x128xf32>
    %add3A_1234 = vector.broadcast %get3A_21 : vector<1x128xf32> to vector<128x128xf32>
    %add3A_1235 = arith.addf %dot_general3A_1233, %add3A_1234 : vector<128x128xf32>
    %slice3A_1236 = vector.extract_strided_slice %dot_general3A_15 {offsets = [0, 93], sizes = [128, 1], strides = [1, 1]} : vector<128x100xf32> to vector<128x1xf32>
    %mul3A_1237 = vector.broadcast %slice3A_1236 : vector<128x1xf32> to vector<128x128xf32>
    %mul3A_1238 = arith.mulf %add3A_1235, %mul3A_1237 : vector<128x128xf32>
    %swap3A_1239 = arith.constant 11904 : index
    %swap3A_1240 = arith.constant 0 : index
    %swap3A_1241 = vector.load %arg5[%swap3A_1239, %swap3A_1240] : memref<12800x128xf32, #tpu.memory_space<vmem>>, vector<128x128xf32>
    tpu.vector_store %arg5[%swap3A_1239, %swap3A_1240], %mul3A_1238 {strides = array<i32>} : memref<12800x128xf32, #tpu.memory_space<vmem>>, vector<128x128xf32>,
    %get3A_1242 = arith.constant 0 : index
    %get3A_1243 = arith.constant 12032 : index
    %get3A_1244 = vector.load %arg1[%get3A_1242, %get3A_1243] : memref<16x12800xf32, #tpu.memory_space<vmem>>, vector<16x128xf32>
    %dot_general3A_1245 = arith.constant dense<0.000000e+00> : vector<128x128xf32>
    %dot_general3A_1246 = tpu.matmul %get3A_1244, %get3A_18, %dot_general3A_1245 {dimension_numbers = #tpu.dot_dimension_numbers<[0], [0], [1], [1], [0, 1, 1, 1], [], []>, transpose_lhs_hint = false} : vector<16x128xf32>, vector<16x128xf32>, vector<128x128xf32> -> vector<128x128xf32>
    %add3A_1247 = vector.broadcast %get3A_21 : vector<1x128xf32> to vector<128x128xf32>
    %add3A_1248 = arith.addf %dot_general3A_1246, %add3A_1247 : vector<128x128xf32>
    %slice3A_1249 = vector.extract_strided_slice %dot_general3A_15 {offsets = [0, 94], sizes = [128, 1], strides = [1, 1]} : vector<128x100xf32> to vector<128x1xf32>
    %mul3A_1250 = vector.broadcast %slice3A_1249 : vector<128x1xf32> to vector<128x128xf32>
    %mul3A_1251 = arith.mulf %add3A_1248, %mul3A_1250 : vector<128x128xf32>
    %swap3A_1252 = arith.constant 12032 : index
    %swap3A_1253 = arith.constant 0 : index
    %swap3A_1254 = vector.load %arg5[%swap3A_1252, %swap3A_1253] : memref<12800x128xf32, #tpu.memory_space<vmem>>, vector<128x128xf32>
    tpu.vector_store %arg5[%swap3A_1252, %swap3A_1253], %mul3A_1251 {strides = array<i32>} : memref<12800x128xf32, #tpu.memory_space<vmem>>, vector<128x128xf32>,
    %get3A_1255 = arith.constant 0 : index
    %get3A_1256 = arith.constant 12160 : index
    %get3A_1257 = vector.load %arg1[%get3A_1255, %get3A_1256] : memref<16x12800xf32, #tpu.memory_space<vmem>>, vector<16x128xf32>
    %dot_general3A_1258 = arith.constant dense<0.000000e+00> : vector<128x128xf32>
    %dot_general3A_1259 = tpu.matmul %get3A_1257, %get3A_18, %dot_general3A_1258 {dimension_numbers = #tpu.dot_dimension_numbers<[0], [0], [1], [1], [0, 1, 1, 1], [], []>, transpose_lhs_hint = false} : vector<16x128xf32>, vector<16x128xf32>, vector<128x128xf32> -> vector<128x128xf32>
    %add3A_1260 = vector.broadcast %get3A_21 : vector<1x128xf32> to vector<128x128xf32>
    %add3A_1261 = arith.addf %dot_general3A_1259, %add3A_1260 : vector<128x128xf32>
    %slice3A_1262 = vector.extract_strided_slice %dot_general3A_15 {offsets = [0, 95], sizes = [128, 1], strides = [1, 1]} : vector<128x100xf32> to vector<128x1xf32>
    %mul3A_1263 = vector.broadcast %slice3A_1262 : vector<128x1xf32> to vector<128x128xf32>
    %mul3A_1264 = arith.mulf %add3A_1261, %mul3A_1263 : vector<128x128xf32>
    %swap3A_1265 = arith.constant 12160 : index
    %swap3A_1266 = arith.constant 0 : index
    %swap3A_1267 = vector.load %arg5[%swap3A_1265, %swap3A_1266] : memref<12800x128xf32, #tpu.memory_space<vmem>>, vector<128x128xf32>
    tpu.vector_store %arg5[%swap3A_1265, %swap3A_1266], %mul3A_1264 {strides = array<i32>} : memref<12800x128xf32, #tpu.memory_space<vmem>>, vector<128x128xf32>,
    %get3A_1268 = arith.constant 0 : index
    %get3A_1269 = arith.constant 12288 : index
    %get3A_1270 = vector.load %arg1[%get3A_1268, %get3A_1269] : memref<16x12800xf32, #tpu.memory_space<vmem>>, vector<16x128xf32>
    %dot_general3A_1271 = arith.constant dense<0.000000e+00> : vector<128x128xf32>
    %dot_general3A_1272 = tpu.matmul %get3A_1270, %get3A_18, %dot_general3A_1271 {dimension_numbers = #tpu.dot_dimension_numbers<[0], [0], [1], [1], [0, 1, 1, 1], [], []>, transpose_lhs_hint = false} : vector<16x128xf32>, vector<16x128xf32>, vector<128x128xf32> -> vector<128x128xf32>
    %add3A_1273 = vector.broadcast %get3A_21 : vector<1x128xf32> to vector<128x128xf32>
    %add3A_1274 = arith.addf %dot_general3A_1272, %add3A_1273 : vector<128x128xf32>
    %slice3A_1275 = vector.extract_strided_slice %dot_general3A_15 {offsets = [0, 96], sizes = [128, 1], strides = [1, 1]} : vector<128x100xf32> to vector<128x1xf32>
    %mul3A_1276 = vector.broadcast %slice3A_1275 : vector<128x1xf32> to vector<128x128xf32>
    %mul3A_1277 = arith.mulf %add3A_1274, %mul3A_1276 : vector<128x128xf32>
    %swap3A_1278 = arith.constant 12288 : index
    %swap3A_1279 = arith.constant 0 : index
    %swap3A_1280 = vector.load %arg5[%swap3A_1278, %swap3A_1279] : memref<12800x128xf32, #tpu.memory_space<vmem>>, vector<128x128xf32>
    tpu.vector_store %arg5[%swap3A_1278, %swap3A_1279], %mul3A_1277 {strides = array<i32>} : memref<12800x128xf32, #tpu.memory_space<vmem>>, vector<128x128xf32>,
    %get3A_1281 = arith.constant 0 : index
    %get3A_1282 = arith.constant 12416 : index
    %get3A_1283 = vector.load %arg1[%get3A_1281, %get3A_1282] : memref<16x12800xf32, #tpu.memory_space<vmem>>, vector<16x128xf32>
    %dot_general3A_1284 = arith.constant dense<0.000000e+00> : vector<128x128xf32>
    %dot_general3A_1285 = tpu.matmul %get3A_1283, %get3A_18, %dot_general3A_1284 {dimension_numbers = #tpu.dot_dimension_numbers<[0], [0], [1], [1], [0, 1, 1, 1], [], []>, transpose_lhs_hint = false} : vector<16x128xf32>, vector<16x128xf32>, vector<128x128xf32> -> vector<128x128xf32>
    %add3A_1286 = vector.broadcast %get3A_21 : vector<1x128xf32> to vector<128x128xf32>
    %add3A_1287 = arith.addf %dot_general3A_1285, %add3A_1286 : vector<128x128xf32>
    %slice3A_1288 = vector.extract_strided_slice %dot_general3A_15 {offsets = [0, 97], sizes = [128, 1], strides = [1, 1]} : vector<128x100xf32> to vector<128x1xf32>
    %mul3A_1289 = vector.broadcast %slice3A_1288 : vector<128x1xf32> to vector<128x128xf32>
    %mul3A_1290 = arith.mulf %add3A_1287, %mul3A_1289 : vector<128x128xf32>
    %swap3A_1291 = arith.constant 12416 : index
    %swap3A_1292 = arith.constant 0 : index
    %swap3A_1293 = vector.load %arg5[%swap3A_1291, %swap3A_1292] : memref<12800x128xf32, #tpu.memory_space<vmem>>, vector<128x128xf32>
    tpu.vector_store %arg5[%swap3A_1291, %swap3A_1292], %mul3A_1290 {strides = array<i32>} : memref<12800x128xf32, #tpu.memory_space<vmem>>, vector<128x128xf32>,
    %get3A_1294 = arith.constant 0 : index
    %get3A_1295 = arith.constant 12544 : index
    %get3A_1296 = vector.load %arg1[%get3A_1294, %get3A_1295] : memref<16x12800xf32, #tpu.memory_space<vmem>>, vector<16x128xf32>
    %dot_general3A_1297 = arith.constant dense<0.000000e+00> : vector<128x128xf32>
    %dot_general3A_1298 = tpu.matmul %get3A_1296, %get3A_18, %dot_general3A_1297 {dimension_numbers = #tpu.dot_dimension_numbers<[0], [0], [1], [1], [0, 1, 1, 1], [], []>, transpose_lhs_hint = false} : vector<16x128xf32>, vector<16x128xf32>, vector<128x128xf32> -> vector<128x128xf32>
    %add3A_1299 = vector.broadcast %get3A_21 : vector<1x128xf32> to vector<128x128xf32>
    %add3A_1300 = arith.addf %dot_general3A_1298, %add3A_1299 : vector<128x128xf32>
    %slice3A_1301 = vector.extract_strided_slice %dot_general3A_15 {offsets = [0, 98], sizes = [128, 1], strides = [1, 1]} : vector<128x100xf32> to vector<128x1xf32>
    %mul3A_1302 = vector.broadcast %slice3A_1301 : vector<128x1xf32> to vector<128x128xf32>
    %mul3A_1303 = arith.mulf %add3A_1300, %mul3A_1302 : vector<128x128xf32>
    %swap3A_1304 = arith.constant 12544 : index
    %swap3A_1305 = arith.constant 0 : index
    %swap3A_1306 = vector.load %arg5[%swap3A_1304, %swap3A_1305] : memref<12800x128xf32, #tpu.memory_space<vmem>>, vector<128x128xf32>
    tpu.vector_store %arg5[%swap3A_1304, %swap3A_1305], %mul3A_1303 {strides = array<i32>} : memref<12800x128xf32, #tpu.memory_space<vmem>>, vector<128x128xf32>,
    %get3A_1307 = arith.constant 0 : index
    %get3A_1308 = arith.constant 12672 : index
    %get3A_1309 = vector.load %arg1[%get3A_1307, %get3A_1308] : memref<16x12800xf32, #tpu.memory_space<vmem>>, vector<16x128xf32>
    %dot_general3A_1310 = arith.constant dense<0.000000e+00> : vector<128x128xf32>
    %dot_general3A_1311 = tpu.matmul %get3A_1309, %get3A_18, %dot_general3A_1310 {dimension_numbers = #tpu.dot_dimension_numbers<[0], [0], [1], [1], [0, 1, 1, 1], [], []>, transpose_lhs_hint = false} : vector<16x128xf32>, vector<16x128xf32>, vector<128x128xf32> -> vector<128x128xf32>
    %add3A_1312 = vector.broadcast %get3A_21 : vector<1x128xf32> to vector<128x128xf32>
    %add3A_1313 = arith.addf %dot_general3A_1311, %add3A_1312 : vector<128x128xf32>
    %slice3A_1314 = vector.extract_strided_slice %dot_general3A_15 {offsets = [0, 99], sizes = [128, 1], strides = [1, 1]} : vector<128x100xf32> to vector<128x1xf32>
    %mul3A_1315 = vector.broadcast %slice3A_1314 : vector<128x1xf32> to vector<128x128xf32>
    %mul3A_1316 = arith.mulf %add3A_1313, %mul3A_1315 : vector<128x128xf32>
    %swap3A_1317 = arith.constant 12672 : index
    %swap3A_1318 = arith.constant 0 : index
    %swap3A_1319 = vector.load %arg5[%swap3A_1317, %swap3A_1318] : memref<12800x128xf32, #tpu.memory_space<vmem>>, vector<128x128xf32>
    tpu.vector_store %arg5[%swap3A_1317, %swap3A_1318], %mul3A_1316 {strides = array<i32>} : memref<12800x128xf32, #tpu.memory_space<vmem>>, vector<128x128xf32>,
    return
  }
  func.func @transform_0(%arg0: i32) -> (i32, i32) {
    %c0_i32 = arith.constant 0 : i32
    %c0_i32_0 = arith.constant 0 : i32
    return %c0_i32, %arg0 : i32, i32
  }
  func.func @transform_1(%arg0: i32) -> (i32, i32, i32) {
    %c0_i32 = arith.constant 0 : i32
    %c0_i32_0 = arith.constant 0 : i32
    %c0_i32_1 = arith.constant 0 : i32
    return %arg0, %c0_i32, %c0_i32_0 : i32, i32, i32
  }
  func.func @transform_2(%arg0: i32) -> (i32, i32) {
    %c0_i32 = arith.constant 0 : i32
    %c0_i32_0 = arith.constant 0 : i32
    %c0_i32_1 = arith.constant 0 : i32
    return %c0_i32, %c0_i32_0 : i32, i32
  }
  func.func @transform_3(%arg0: i32) -> (i32, i32) {
    %c0_i32 = arith.constant 0 : i32
    %c0_i32_0 = arith.constant 0 : i32
    %c0_i32_1 = arith.constant 0 : i32
    return %c0_i32, %c0_i32_0 : i32, i32
  }
  func.func @transform_4(%arg0: i32) -> (i32, i32) {
    %c0_i32 = arith.constant 0 : i32
    %c0_i32_0 = arith.constant 0 : i32
    return %arg0, %c0_i32 : i32, i32
  }
}

module attributes {stable_mosaic.version = 14 : i64} {
  func.func @_combine_body(%arg0: i32, %arg1: memref<2000x128xf32, #tpu.memory_space<vmem>>, %arg2: memref<2x2000x128xf32, #tpu.memory_space<vmem>>, %arg3: memref<128x128xf32, #tpu.memory_space<vmem>>, %arg4: memref<128x128xf32, #tpu.memory_space<vmem>>, %arg5: memref<1x128xf32, #tpu.memory_space<vmem>>, %arg6: memref<2000x128xf32, #tpu.memory_space<vmem>>) attributes {dimension_semantics = [#tpu.dimension_semantics<arbitrary>], iteration_bounds = array<i64: 5>, scalar_prefetch = 0 : i64, scratch_operands = 0 : i64, tpu.core_type = #tpu.core_type<tc>, window_params = [{transform_indices = @transform_0, window_bounds = array<i64: 2000, 128>}, {transform_indices = @transform_1, window_bounds = array<i64: 2, 2000, 128>}, {pipeline_mode = #tpu.pipeline_mode<synchronous>, transform_indices = @transform_2, window_bounds = array<i64: 128, 128>}, {pipeline_mode = #tpu.pipeline_mode<synchronous>, transform_indices = @transform_3, window_bounds = array<i64: 128, 128>}, {pipeline_mode = #tpu.pipeline_mode<synchronous>, transform_indices = @transform_4, window_bounds = array<i64: 1, 128>}, {transform_indices = @transform_5, window_bounds = array<i64: 2000, 128>}]} {
    %get3A = arith.constant 0 : index
    %get3A_0 = arith.constant 0 : index
    %get3A_1 = arith.constant 0 : index
    %get3A_2 = vector.load %arg2[%get3A, %get3A_0, %get3A_1] : memref<2x2000x128xf32, #tpu.memory_space<vmem>>, vector<1x2000x128xf32>
    %get3A_3 = vector.shape_cast %get3A_2 : vector<1x2000x128xf32> to vector<2000x128xf32>
    %get3A_4 = arith.constant 1 : index
    %get3A_5 = arith.constant 0 : index
    %get3A_6 = arith.constant 0 : index
    %get3A_7 = vector.load %arg2[%get3A_4, %get3A_5, %get3A_6] : memref<2x2000x128xf32, #tpu.memory_space<vmem>>, vector<1x2000x128xf32>
    %get3A_8 = vector.shape_cast %get3A_7 : vector<1x2000x128xf32> to vector<2000x128xf32>
    %add3A = arith.addf %get3A_3, %get3A_8 : vector<2000x128xf32>
    %get3A_9 = arith.constant 0 : index
    %get3A_10 = arith.constant 0 : index
    %get3A_11 = vector.load %arg1[%get3A_9, %get3A_10] : memref<2000x128xf32, #tpu.memory_space<vmem>>, vector<2000x128xf32>
    %get3A_12 = arith.constant 0 : index
    %get3A_13 = arith.constant 0 : index
    %get3A_14 = vector.load %arg3[%get3A_12, %get3A_13] : memref<128x128xf32, #tpu.memory_space<vmem>>, vector<128x128xf32>
    %dot_general3A = arith.constant dense<0.000000e+00> : vector<2000x128xf32>
    %dot_general3A_15 = tpu.matmul %get3A_11, %get3A_14, %dot_general3A {dimension_numbers = #tpu.dot_dimension_numbers<[1], [0], [0], [1], [0, 0, 1, 1], [], []>, transpose_lhs_hint = false} : vector<2000x128xf32>, vector<128x128xf32>, vector<2000x128xf32> -> vector<2000x128xf32>
    %get3A_16 = arith.constant 0 : index
    %get3A_17 = arith.constant 0 : index
    %get3A_18 = vector.load %arg4[%get3A_16, %get3A_17] : memref<128x128xf32, #tpu.memory_space<vmem>>, vector<128x128xf32>
    %dot_general3A_19 = arith.constant dense<0.000000e+00> : vector<2000x128xf32>
    %dot_general3A_20 = tpu.matmul %add3A, %get3A_18, %dot_general3A_19 {dimension_numbers = #tpu.dot_dimension_numbers<[1], [0], [0], [1], [0, 0, 1, 1], [], []>, transpose_lhs_hint = false} : vector<2000x128xf32>, vector<128x128xf32>, vector<2000x128xf32> -> vector<2000x128xf32>
    %add3A_21 = arith.addf %dot_general3A_15, %dot_general3A_20 : vector<2000x128xf32>
    %get3A_22 = arith.constant 0 : index
    %get3A_23 = arith.constant 0 : index
    %get3A_24 = vector.load %arg5[%get3A_22, %get3A_23] : memref<1x128xf32, #tpu.memory_space<vmem>>, vector<1x128xf32>
    %add3A_25 = vector.broadcast %get3A_24 : vector<1x128xf32> to vector<2000x128xf32>
    %add3A_26 = arith.addf %add3A_21, %add3A_25 : vector<2000x128xf32>
    %swap3A = arith.constant 0 : index
    %swap3A_27 = arith.constant 0 : index
    %swap3A_28 = vector.load %arg6[%swap3A, %swap3A_27] : memref<2000x128xf32, #tpu.memory_space<vmem>>, vector<2000x128xf32>
    tpu.vector_store %arg6[%swap3A, %swap3A_27], %add3A_26 {strides = array<i32>} : memref<2000x128xf32, #tpu.memory_space<vmem>>, vector<2000x128xf32>,
    return
  }
  func.func @transform_0(%arg0: i32) -> (i32, i32) {
    %c0_i32 = arith.constant 0 : i32
    %c0_i32_0 = arith.constant 0 : i32
    return %arg0, %c0_i32 : i32, i32
  }
  func.func @transform_1(%arg0: i32) -> (i32, i32, i32) {
    %c0_i32 = arith.constant 0 : i32
    %c0_i32_0 = arith.constant 0 : i32
    %c0_i32_1 = arith.constant 0 : i32
    return %c0_i32, %arg0, %c0_i32_0 : i32, i32, i32
  }
  func.func @transform_2(%arg0: i32) -> (i32, i32) {
    %c0_i32 = arith.constant 0 : i32
    %c0_i32_0 = arith.constant 0 : i32
    %c0_i32_1 = arith.constant 0 : i32
    return %c0_i32, %c0_i32_0 : i32, i32
  }
  func.func @transform_3(%arg0: i32) -> (i32, i32) {
    %c0_i32 = arith.constant 0 : i32
    %c0_i32_0 = arith.constant 0 : i32
    %c0_i32_1 = arith.constant 0 : i32
    return %c0_i32, %c0_i32_0 : i32, i32
  }
  func.func @transform_4(%arg0: i32) -> (i32, i32) {
    %c0_i32 = arith.constant 0 : i32
    %c0_i32_0 = arith.constant 0 : i32
    %c0_i32_1 = arith.constant 0 : i32
    return %c0_i32, %c0_i32_0 : i32, i32
  }
  func.func @transform_5(%arg0: i32) -> (i32, i32) {
    %c0_i32 = arith.constant 0 : i32
    %c0_i32_0 = arith.constant 0 : i32
    return %arg0, %c0_i32 : i32, i32
  }
}

</mosaic_0001>

<sc_bundles>
// kernel: kernel.6.cloned.1.call-start
scs
__scs_entry_jumppad:
0x0: {  	(pc) =	sbr.rel $0x88, $3  }
0x1: {  	(tag) =	ssettag $0x0;
	lr =	simm.s32 $0x1  }
0x2: {  	[smem:$0x3F96] =	sst lr;
	_ =	strace $0xD0000000  }
0x3: {  	_ = 	snop  }
0x4: {  	_ = 	snop  }
0x5: {  	_ = 	snop  }
0x6: {  	_ = 	snop  }
0x7: {  	_ = 	snop  }
__scs_overlays_trampoline_lowered:
0x8: {  	[smem:$0x3FA5] =	sst s0  }
0x9: {  	[smem:$0x3FA6] =	sst s1  }
0xa: {  	[smem:$0x3FA7] =	sst s2  }
0xb: {  	[smem:$0x3FA8] =	sst s3  }
0xc: {  	[smem:$0x3FA9] =	sst s4  }
0xd: {  	[smem:$0x3FAA] =	sst s5  }
0xe: {  	[smem:$0x3FAB] =	sst s6  }
0xf: {  	[smem:$0x3FAC] =	sst s7  }
0x10: {  	[smem:$0x3FAD] =	sst s8  }
0x11: {  	[smem:$0x3FAE] =	sst s9;
	s0 =	simm.s32 @!p0 $0x0  }
0x12: {  	s1 =	sld [smem:$0x3F94];
	s0 =	simm.s32 @p0 $0x1  }
0x13: {  	[smem:$0x3FAF] =	sst s0;
	s0 =	simm.s32 @!p1 $0x0  }
0x14: {  	s2 =	sld [smem:$0x3F93];
	s0 =	simm.s32 @p1 $0x1  }
0x15: {  	[smem:$0x3FB0] =	sst s0;
	s0 =	simm.s32 @!p2 $0x0  }
0x16: {  	s3 =	sld [smem:$0x3FDB];
	s0 =	simm.s32 @p2 $0x1  }
0x17: {  	s4 =	simm.s32 $0x1BF5;
	[smem:$0x3FB2] =	sst s0  }
0x18: {  	s0 =	sld [smem:$0x3F95];
	_ =	swait.ge [sflag:s4], $0x0  }
0x19: {  	s7 =	sld [smem:$0x3F96]  }
0x1a: {  	s8 =	sadd.s32 $0xFFFFE003, lr  }
0x1b: {  	s9 =	sadd.s32 $0xFFFFFEF7, lr;
	s5 =	simm.s32 $0xFFFFFFFF;
	p2 =	slt.u32 s8, $0xFFFFF086  }
0x1c: {  	p1 =	slt.u32 s9, $0xF7A;
	s5 =	simm.s32 @!p2 $0x0  }
0x1d: {  	s5 =	simm.s32 @p1 $0x1;
	p0 =	seq.s32 s7, s2  }
0x1e: {  	s7 =	smul.u32 @!p0 $0xF7A, s2;
	p2 =	seq.s32 @!p0 s5, $0x0  }
0x1f: {  	s9 =	smul.u32 $0xF7A, s1;
	s8 =	simm.s32 @!p0 $0x1BF5;
	p2 =	por !p2, p0  }
0x20: {  	[sflag:s8] =	ssyncset.s32 @!p0 $0xFFFFF086;
	s6 =	sadd.s32 @!p0 s3, s7;
	s7 =	simm.s32 @!p0 $0x108  }
0x21: {  	s3 =	sadd.s32 s3, s9;
	s6 =	sadd.s32 @!p0 $0x88, s6;
	s7 =	simm.s32 @p2 $0x1082  }
0x22: {  	[simem:s7], [sflag:s8] =	dma.local @!p0 [hbm:s6], $0xF7A  }
0x23: {  	s9 =	sor.u32 $0xD0000000, s2;
	s6 =	simm.s32 $0x108;
	_ =	swait.ge @!p0 [sflag:s8], $0x0  }
0x24: {  	s3 =	sadd.s32 $0x88, s3;
	s6 =	simm.s32 @!p1 $0x1082;
	[sflag:s4] =	ssyncset.s32 $0xFFFFF086  }
0x25: {  	[simem:s6], [sflag:s4] =	dma.local [hbm:s3], $0xF7A  }
0x26: {  	[smem:$0x3F96] =	sst s1;
	(tag) =	ssettag s2;
	_ =	strace s9  }
0x27: {  	s1 =	sld [smem:$0x3FA6]  }
0x28: {  	s2 =	sld [smem:$0x3FA7]  }
0x29: {  	s4 =	sld [smem:$0x3FA9]  }
0x2a: {  	p0 =	seq.s32 s5, $0x0;
	s5 =	sld [smem:$0x3FAA]  }
0x2b: {  	s6 =	sld [smem:$0x3FAB]  }
0x2c: {  	s7 =	sld [smem:$0x3FAC]  }
0x2d: {  	s3 =	simm.s32 $0x108;
	s8 =	sld [smem:$0x3FAD]  }
0x2e: {  	s3 =	simm.s32 @!p0 $0x1082;
	s9 =	sld [smem:$0x3FAE]  }
0x2f: {  	lr =	sadd.s32 s0, s3;
	s0 =	sld [smem:$0x3FA5]  }
0x30: {  	s3 =	sld [smem:$0x3FA8]  }
0x31: {  	[smem:$0x3FB1] =	sst s10  }
0x32: {  	s10 =	sld [smem:$0x3FAF];
	_ =	sdelay $0x3  }
0x33: {  	p0 =	seq.s32 s10, $0x1;
	s10 =	sld [smem:$0x3FB1];
	_ =	sdelay $0x3  }
0x34: {  	[smem:$0x3FB1] =	sst s10  }
0x35: {  	s10 =	sld [smem:$0x3FB0];
	_ =	sdelay $0x3  }
0x36: {  	p1 =	seq.s32 s10, $0x1;
	s10 =	sld [smem:$0x3FB1];
	_ =	sdelay $0x3  }
0x37: {  	[smem:$0x3FB1] =	sst s10  }
0x38: {  	s10 =	sld [smem:$0x3FB2]  }
0x39: {  	_ = 	snop;
	(pc) =	sbr.ind lr, $3  }
0x3a: {  	_ = 	snop  }
0x3b: {  	_ = 	snop  }
0x3c: {  	p2 =	seq.s32 s10, $0x1;
	s10 =	sld [smem:$0x3FB1]  }
0x3d: {  	_ =	shalt  }
0x3e: {  	_ =	shalt  }
0x3f: {  	_ =	shalt  }
0x40: {  	_ =	shalt  }
0x41: {  	_ =	shalt  }
0x42: {  	_ =	shalt  }
0x43: {  	_ =	shalt  }
0x44: {  	_ =	shalt  }
0x45: {  	_ =	shalt  }
0x46: {  	_ =	shalt  }
0x47: {  	_ =	shalt  }
0x48: {  	_ =	shalt  }
0x49: {  	_ =	shalt  }
0x4a: {  	_ =	shalt  }
0x4b: {  	_ =	shalt  }
0x4c: {  	_ =	shalt  }
0x4d: {  	_ =	shalt  }
0x4e: {  	_ =	shalt  }
0x4f: {  	_ =	shalt  }
0x50: {  	_ =	shalt  }
0x51: {  	_ =	shalt  }
0x52: {  	_ =	shalt  }
0x53: {  	_ =	shalt  }
0x54: {  	_ =	shalt  }
0x55: {  	_ =	shalt  }
0x56: {  	_ =	shalt  }
0x57: {  	_ =	shalt  }
0x58: {  	_ =	shalt  }
0x59: {  	_ =	shalt  }
0x5a: {  	_ =	shalt  }
0x5b: {  	_ =	shalt  }
0x5c: {  	_ =	shalt  }
0x5d: {  	_ =	shalt  }
0x5e: {  	_ =	shalt  }
0x5f: {  	_ =	shalt  }
0x60: {  	_ =	shalt  }
0x61: {  	_ =	shalt  }
0x62: {  	_ =	shalt  }
0x63: {  	_ =	shalt  }
0x64: {  	_ =	shalt  }
0x65: {  	_ =	shalt  }
0x66: {  	_ =	shalt  }
0x67: {  	_ =	shalt  }
0x68: {  	_ =	shalt  }
0x69: {  	_ =	shalt  }
0x6a: {  	_ =	shalt  }
0x6b: {  	_ =	shalt  }
0x6c: {  	_ =	shalt  }
0x6d: {  	_ =	shalt  }
0x6e: {  	_ =	shalt  }
0x6f: {  	_ =	shalt  }
0x70: {  	_ =	shalt  }
0x71: {  	_ =	shalt  }
0x72: {  	_ =	shalt  }
0x73: {  	_ =	shalt  }
0x74: {  	_ =	shalt  }
0x75: {  	_ =	shalt  }
0x76: {  	_ =	shalt  }
0x77: {  	_ =	shalt  }
0x78: {  	_ =	shalt  }
0x79: {  	_ =	shalt  }
0x7a: {  	_ =	shalt  }
0x7b: {  	_ =	shalt  }
0x7c: {  	_ =	shalt  }
0x7d: {  	_ =	shalt  }
0x7e: {  	_ =	shalt  }
0x7f: {  	_ =	shalt  }
0x80: {  	_ =	shalt  }
0x81: {  	_ =	shalt  }
0x82: {  	_ =	shalt  }
0x83: {  	_ =	shalt  }
0x84: {  	_ =	shalt  }
0x85: {  	_ =	shalt  }
0x86: {  	_ =	shalt  }
0x87: {  	_ =	shalt  }
.Lfunc_end0:
.L_simem_size_0:
called_computation_lowered:
.L_overlay_start_0:
0x88: {  	s2 =	sld [smem:$0x3FD9]  }
0x89: {  	s3 =	sld [smem:$0x3FFE];
	_ =	sdelay $0x1  }
0x8a: {  	s1 =	srdreg.scid  }
0x8b: {  	s0 =	sand.u32 $0x1, s1  }
0x8c: {  	s17 =	sshll.u32 s0, $0xA;
	s2 =	sadd.s32 s3, s2  }
0x8d: {  	s2 =	sadd.s32 s2, s17  }
0x8e: {  	[smem:$0x3FBD] =	sst s2  }
0x8f: {  	_ = 	snop  }
0x90: {  	s2 =	sld [smem:$0x3FC7]  }
0x91: {  	s18 =	sld [smem:$0x3FC6]  }
0x92: {  	s4 =	sld [smem:$0x3FD0];
	(tm) =	ssettm $0x1  }
0x93: {  	s5 =	sld [smem:$0x3FFB];
	_ =	sdelay $0x3  }
0x94: {  	_ =	strace s5  }
0x95: {  	s5 =	sld [smem:$0x3FFC];
	_ =	sdelay $0x3  }
0x96: {  	_ =	strace s5  }
0x97: {  	s5 =	sld [smem:$0x3FFD];
	_ =	sdelay $0x3  }
0x98: {  	_ =	strace s5  }
0x99: {  	_ =	strace $0x8FFFFFFF  }
0x9a: {  	s19 =	sld [smem:$0x3FDB];
	_ =	sdelay $0x1  }
0x9b: {  	s6 =	simm.s32 $_scs_section_size  }
0x9c: {  	s7 =	simm.s32 $_size__tile_overlayer_lowered;
	s8 =	simm.s32 $_tile_overlayer_lowered  }
0x9d: {  	s22 =	simm.s32 $0x1BFF;
	s21 =	sshll.u32 s8, $0x1;
	s5 =	sadd.s32 s6, s19  }
0x9e: {  	s9 =	simm.s32 $0x0;
	s20 =	sshll.u32 s7, $0x1;
	s7 =	sadd.s32 s21, s5  }
0x9f: {  	[timem:s9], [sflag:s22] =	dma.local [hbm:s7], s20  }
0xa0: {  	_ =	swait.ge [sflag:s22], s20  }
0xa1: {  	s6 =	ssub.s32 $0x0, s20;
	[sflag:s22] =	ssyncset.done $0x0  }
0xa2: {  	[sflag:s22] =	ssyncadd.s32 s6;
	_ =	sdelay $0x1  }
0xa3: {  	s23 =	simm.s32 $0x1B8B  }
0xa4: {  	_ =	swait.ge [sflag:s23], $0x1  }
0xa5: {  	[sflag:s23] =	ssyncset.done $0x0  }
0xa6: {  	s25 =	simm.s32 $0x1B8E;
	s24 =	sld [smem:$0x3FFE];
	[sflag:s23] =	ssyncadd.s32 $0xFFFFFFFF  }
0xa7: {  	s26 =	simm.s32 $execute0_lowered;
	[smem:$0x3FD2] =	sst s25  }
0xa8: {  	s7 =	sshll.u32 s26, $0x1;
	_ =	strace $0x80000046;
	[dreg:$0x1] =	wrdreg $0xFFFFFFFF  }
0xa9: {  	s28 =	simm.s32 $_size_execute0_lowered;
	s5 =	sadd.s32 s5, s7;
	[dreg:$0x0] =	wrdreg $0x0  }
0xaa: {  	s7 =	sshll.u32 s28, $0x1;
	[dreg:$0x2] =	wrdreg s5  }
0xab: {  	[dreg:$0x3] =	wrdreg s7  }
0xac: {  	[dreg:$0x4] =	wrdreg $0xC0  }
0xad: {  	_ =	task [dreg:s9], $0x5FFFF  }
0xae: {  	[dreg:$0x1] =	wrdreg $0xFFFFFFFF  }
0xaf: {  	[dreg:$0x0] =	wrdreg $0x60  }
0xb0: {  	[dreg:$0x2] =	wrdreg s4  }
0xb1: {  	[dreg:$0x3] =	wrdreg s24  }
0xb2: {  	[dreg:$0x4] =	wrdreg s2  }
0xb3: {  	[dreg:$0x5] =	wrdreg s18  }
0xb4: {  	[dreg:$0x6] =	wrdreg $0xA4000  }
0xb5: {  	[dreg:$0x7] =	wrdreg $0x9  }
0xb6: {  	_ =	task.clear_ibuf [dreg:s9], $0x8FFFF;
	_ =	strace $0x90000046  }
0xb7: {  	s29 =	simm.s32 $0x9;
	_ =	strace $0x80000048  }
0xb8: {  	_ =	swait.ge [sflag:s29], $0x1  }
0xb9: {  	[sflag:s29] =	ssyncadd.s32 $0xFFFFFFFF  }
0xba: {  	_ =	strace $0x90000048  }
0xbb: {  	_ =	sfence  }
0xbc: {  	s30 =	sld [smem:$0x0];
	_ =	sdelay $0x2  }
0xbd: {  	s31 =	sshll.u32 s1, $0xD;
	s1 =	sshrl.u32 s1, $0x2  }
0xbe: {  	s3 =	sand.u32 $0x4000, s31;
	s1 =	sadd.s32 s1, s30  }
0xbf: {  	s0 =	sor.u32 s3, s0;
	s1 =	sshll.u32 s1, $0x11  }
0xc0: {  	s0 =	sor.u32 s1, s0  }
0xc1: {  	s0 =	sadd.s32 $0x8F2B, s0  }
0xc2: {  	[sflag:s0] =	ssyncadd.remote.s32 $0x1  }
0xc3: {  	_ =	sfence.sel $0xFFFF  }
0xc4: {  	[dreg:$0x0] =	wrdreg $0xFFFFFFFF;
	(pc) =	sbr.abs _section_cstart, $3  }
0xc5: {  	[dreg:$0x1] =	wrdreg $0xFFFFFFFF  }
0xc6: {  	_ =	task.clear_ibuf [dreg:s9], $0x2FFFF;
	_ =	strace $0x9FFFFFFF  }
0xc7: {  	(tm) =	ssettm $0x7FFFFFFF  }
tec
execute0_lowered:
.L_overlay_start_1:
0x0: {  	(tag) =	ssettag $0x1  }
0x1: {  	s1 =	rddreg [dreg:$0x0]  }
0x2: {  	s0 =	rddreg [dreg:$0x1]  }
0x3: {  	s2 =	rddreg [dreg:$0x2]  }
0x4: {  	s3 =	rddreg [dreg:$0x3]  }
0x5: {  	s4 =	rddreg [dreg:$0x4];
	s5 =	simm.s32 $0x0  }
0x6: {  	s6 =	srdreg.scid;
	s13 =	stileid.u32;
	s28 =	simm.s32 $0x2C00  }
0x7: {  	s29 =	simm.s32 $0x7C00;
	s30 =	simm.s32 $0x180;
	s6 =	sand.u32 $0x1, s6  }
0x8: {  	s31 =	simm.s32 $0x380;
	s9 =	smul.u32 $0x4E000, s13;
	s7 =	sshll.u32 s6, $0x4  }
0x9: {  	[smem:$0x7FF] =	sst s5;
	s25 =	smul.u32 $0x13800, s13;
	s10 =	sor.u32 s13, s7  }
0xa: {  	p0 =	sne.s32 s13, $0xF;
	s9 =	sshrl.u32 s9, $0x2;
	s12 =	smul.u32 $0x2710, s10  }
0xb: {  	_ =	strace $0x80000047;
	s18 =	sadd.s32 s9, s4;
	s10 =	smul.u32 $0x27100, s10  }
0xc: {  	s7 =	sadd.s32 $0x1A00, s0;
	s20 =	sadd.s32 $0x2800, s18;
	[dreg:$0x6] =	wrdreg s18  }
0xd: {  	s8 =	ssub.s32 $0x2, s6;
	[dreg:$0x7] =	wrdreg s20;
	s22 =	sadd.s32 s7, s10  }
0xe: {  	s6 =	smul.u32 $0x138800, s6;
	s23 =	sadd.s32 $0x50, s12;
	[dreg:$0xa] =	wrdreg s22  }
0xf: {  	s11 =	sshrl.u32 s8, $0x1;
	s24 =	sadd.s32 $0xA0, s12;
	[dreg:$0xb] =	wrdreg s23  }
0x10: {  	s0 =	sadd.s32 $0x4E3A00, s0;
	s15 =	sadd.s32 $0x140, s12;
	[dreg:$0xc] =	wrdreg s24  }
0x11: {  	s8 =	ssub.s32 s8, s11;
	s16 =	sadd.s32 $0x190, s12;
	[dreg:$0x11] =	wrdreg s15  }
0x12: {  	s19 =	sshrl.u32 s12, $0x3;
	s17 =	sadd.s32 $0x1E0, s12;
	[dreg:$0x12] =	wrdreg s16  }
0x13: {  	s20 =	sadd.s32 $0xF0, s12;
	s12 =	simm.s32 $0x50;
	[dreg:$0x14] =	wrdreg s17  }
0x14: {  	s10 =	simm.s32 $0x3;
	s21 =	sadd.s32 s2, s19;
	[dreg:$0x17] =	wrdreg s20  }
0x15: {  	s9 =	sadd.s32 s3, s19;
	s26 =	sshrl.u32 s24, $0x3;
	[dreg:$0x8] =	wrdreg s21  }
0x16: {  	s19 =	smax.u32 s8, $0x1;
	s22 =	sadd.s32 $0x7800, s18;
	[dreg:$0x9] =	wrdreg s9  }
0x17: {  	s24 =	sadd.s32 $0xC800, s18;
	s20 =	sadd.s32 $0x138000, s4;
	[dreg:$0x16] =	wrdreg s19  }
0x18: {  	s15 =	simm.s32 $0x5400;
	s8 =	simm.s32 $0x9;
	[dreg:$0x19] =	wrdreg s22  }
0x19: {  	s16 =	simm.s32 $0xA;
	s17 =	simm.s32 $0x4;
	[dreg:$0x1b] =	wrdreg s24  }
0x1a: {  	s9 =	sshrl.u32 s23, $0x3;
	s11 =	sadd.s32 s2, s26;
	[dreg:$0x1e] =	wrdreg s20  }
0x1b: {  	s21 =	sadd.s32 $0x5000, s18;
	s23 =	sadd.s32 $0xA000, s18;
	[dreg:$0xf] =	wrdreg s11  }
0x1c: {  	s24 =	simm.s32 $0x5;
	s22 =	simm.s32 $0x1;
	[dreg:$0x18] =	wrdreg s21  }
0x1d: {  	s19 =	simm.s32 $0x0;
	s14 =	sadd.s32 s2, s9;
	[dreg:$0x1a] =	wrdreg s23  }
0x1e: {  	s9 =	sadd.s32 s3, s9;
	s11 =	simm.s32 $0x200;
	[dreg:$0xd] =	wrdreg s14  }
0x1f: {  	s21 =	simm.s32 $0x100;
	[dreg:$0xe] =	wrdreg s9;
	s9 =	sadd.s32 s3, s26  }
0x20: {  	s14 =	sadd.s32 s25, s6;
	s25 =	sadd.s32 $0xF000, s18;
	[dreg:$0x10] =	wrdreg s9  }
0x21: {  	s23 =	simm.s32 $0x7;
	s26 =	sadd.s32 $0x11800, s18;
	[dreg:$0x1c] =	wrdreg s25  }
0x22: {  	s6 =	sshrl.u32 s6, $0x3;
	s9 =	sshrl.u32 s14, $0x3;
	[dreg:$0x1d] =	wrdreg s26  }
0x23: {  	s26 =	simm.s32 $0x2;
	s9 =	sadd.s32 s0, s9;
	s0 =	sadd.s32 s0, s6  }
0x24: {  	s6 =	simm.s32 $0x6;
	[dreg:$0x13] =	wrdreg s9;
	s0 =	sadd.s32 $0x27000, s0  }
0x25: {  	v0 =	vimm.f32 $0.0e+00;
	s9 =	simm.s32 $0x400;
	[dreg:$0x15] =	wrdreg s0;
	s0 =	simm.s32 $0x8  }
.LBB2_1:
0x26: {  	s13 =	simm.s32 $0x0;
	s14 =	simm.s32 $0x200  }
.LBB2_2:
0x27: {  	p1 =	sne.s32 s14, $0x9E00;
	[tilespmem:s13+$0x470] =	vst v0  }
0x28: {  	[tilespmem:s13+$0x400] =	vst v0  }
0x29: {  	[tilespmem:s13+$0x410] =	vst v0  }
.Ltmp0:
0x2a: {  	[tilespmem:s13+$0x420] =	vst v0;
	(pc) =	sbr.rel @p1 .LBB2_2-.Ltmp0, $4  }
0x2b: {  	[tilespmem:s13+$0x430] =	vst v0  }
0x2c: {  	[tilespmem:s13+$0x440] =	vst v0  }
0x2d: {  	[tilespmem:s13+$0x450] =	vst v0  }
0x2e: {  	[tilespmem:s13+$0x460] =	vst v0;
	s13 =	sshra.s32 s14, $0x2;
	s14 =	sadd.s32 $0x200, s14  }
0x2f: {  	[tilespmem:s13+$0x470] =	vst v0  }
0x30: {  	[tilespmem:s13+$0x400] =	vst v0  }
0x31: {  	[tilespmem:s13+$0x410] =	vst v0  }
0x32: {  	[tilespmem:s13+$0x420] =	vst v0  }
0x33: {  	[tilespmem:s13+$0x430] =	vst v0  }
0x34: {  	[tilespmem:s13+$0x440] =	vst v0  }
0x35: {  	[tilespmem:s13+$0x450] =	vst v0  }
0x36: {  	[tilespmem:s13+$0x460] =	vst v0  }
0x37: {  	[spmem:s18] =	stream.linear.scatter [tilespmem:s9], [sflag:$0xB], $0x2800, $0x38;
	[tilespmem:$0x1DC80] =	vst v63  }
0x38: {  	[dreg:$0x1f] =	wrdreg s19;
	s18 =	simm.s32 $0xB  }
0x39: {  	_ =	swait.ge [sflag:s18], $0x2800  }
0x3a: {  	[sflag:s18] =	ssyncset.done $0x0  }
0x3b: {  	s19 =	rddreg [dreg:$0x7];
	[sflag:s18] =	ssyncadd.s32 $0xFFFFD800  }
0x3c: {  	[spmem:s19] =	stream.linear.scatter [tilespmem:s9], [sflag:$0xB], $0x2800, $0x38;
	[tilespmem:$0x1DC80] =	vst v63  }
0x3d: {  	_ =	swait.ge [sflag:s18], $0x2800  }
0x3e: {  	[sflag:s18] =	ssyncset.done $0x0  }
0x3f: {  	s25 =	rddreg [dreg:$0x18];
	[sflag:s18] =	ssyncadd.s32 $0xFFFFD800  }
0x40: {  	[spmem:s25] =	stream.linear.scatter [tilespmem:s9], [sflag:$0xB], $0x2800, $0x38;
	[tilespmem:$0x1DC80] =	vst v63  }
0x41: {  	_ =	swait.ge [sflag:s18], $0x2800  }
0x42: {  	[sflag:s18] =	ssyncset.done $0x0  }
0x43: {  	s14 =	rddreg [dreg:$0x19];
	[sflag:s18] =	ssyncadd.s32 $0xFFFFD800  }
0x44: {  	[spmem:s14] =	stream.linear.scatter [tilespmem:s9], [sflag:$0xB], $0x2800, $0x38;
	[tilespmem:$0x1DC80] =	vst v63  }
0x45: {  	_ =	swait.ge [sflag:s18], $0x2800  }
0x46: {  	[sflag:s18] =	ssyncset.done $0x0  }
0x47: {  	s19 =	rddreg [dreg:$0x1a];
	[sflag:s18] =	ssyncadd.s32 $0xFFFFD800  }
0x48: {  	[spmem:s19] =	stream.linear.scatter [tilespmem:s9], [sflag:$0xB], $0x2800, $0x38;
	[tilespmem:$0x1DC80] =	vst v63  }
0x49: {  	_ =	swait.ge [sflag:s18], $0x2800  }
0x4a: {  	[sflag:s18] =	ssyncset.done $0x0  }
0x4b: {  	s25 =	rddreg [dreg:$0x1b];
	[sflag:s18] =	ssyncadd.s32 $0xFFFFD800  }
0x4c: {  	[spmem:s25] =	stream.linear.scatter [tilespmem:s9], [sflag:$0xB], $0x2800, $0x38;
	[tilespmem:$0x1DC80] =	vst v63  }
0x4d: {  	_ =	swait.ge [sflag:s18], $0x2800  }
0x4e: {  	[sflag:s18] =	ssyncset.done $0x0  }
0x4f: {  	s14 =	rddreg [dreg:$0x1c];
	[sflag:s18] =	ssyncadd.s32 $0xFFFFD800  }
0x50: {  	[spmem:s14] =	stream.linear.scatter [tilespmem:s9], [sflag:$0xB], $0x2800, $0x38;
	[tilespmem:$0x1DC80] =	vst v63  }
0x51: {  	_ =	swait.ge [sflag:s18], $0x2800  }
0x52: {  	[sflag:s18] =	ssyncset.done $0x0  }
0x53: {  	s19 =	rddreg [dreg:$0x1d];
	[sflag:s18] =	ssyncadd.s32 $0xFFFFD800  }
0x54: {  	[spmem:s19] =	stream.linear.scatter [tilespmem:s9], [sflag:$0xB], $0x2000, $0x38;
	[tilespmem:$0x1DC80] =	vst v63  }
0x55: {  	_ =	swait.ge [sflag:s18], $0x2000  }
0x56: {  	[sflag:s18] =	ssyncset.done $0x0  }
0x57: {  	s13 =	simm.s32 @!p0 $0x400;
	[sflag:s18] =	ssyncadd.s32 $0xFFFFE000  }
0x58: {  	[spmem:s20] =	stream.linear.scatter @!p0 [tilespmem:s13], [sflag:$0xB], $0x800, $0x38;
	[tilespmem:$0x1DC80] =	vst v63  }
0x59: {  	s13 =	simm.s32 @!p0 $0xB  }
0x5a: {  	_ =	swait.ge @!p0 [sflag:s13], $0x800  }
0x5b: {  	[sflag:s13] =	ssyncset.done @!p0 $0x0  }
0x5c: {  	[sflag:s13] =	ssyncadd.s32 @!p0 $0xFFFFF800  }
0x5d: {  	[bflag:$0x0] =	sbarrier.arrive $0xFFFF  }
0x5e: {  	s13 =	simm.s32 $0x0;
	s14 =	rddreg [dreg:$0x8]  }
0x5f: {  	[tilespmem:s13], [sflag:$0xB] =	stream.linear.gather [hbm4b:s14+s13], $0x50, $0x38;
	[tilespmem:$0x1DC80] =	vst v63  }
0x60: {  	_ =	swait.ge [sflag:s18], $0x50  }
0x61: {  	[sflag:s18] =	ssyncset.done $0x0  }
0x62: {  	s20 =	rddreg [dreg:$0x9];
	[sflag:s18] =	ssyncadd.s32 $0xFFFFFFB0  }
0x63: {  	[tilespmem:s11], [sflag:$0xB] =	stream.linear.gather [hbm4b:s20+s13], $0x50, $0x38;
	[tilespmem:$0x1DC80] =	vst v63  }
0x64: {  	_ =	swait.ge [sflag:s18], $0x50  }
0x65: {  	[sflag:s18] =	ssyncset.done $0x0  }
0x66: {  	s25 =	rddreg [dreg:$0xa];
	[sflag:s18] =	ssyncadd.s32 $0xFFFFFFB0  }
0x67: {  	[tilespmem:s9], [sflag:$0x7] =	stream.linear.gather [hbm4b:s25+s13], $0x2800, $0x38;
	[tilespmem:$0x1DC80] =	vst v63  }
0x68: {  	_ = 	snop  }
0x69: {  	[tilespmem:s15], [sflag:$0x5] =	stream.indirect.gather [hbm4b:s1+s12], $0x80, s13, s12, $0xb8;
	[tilespmem:$0x1DC80] =	vst v63  }
0x6a: {  	s19 =	simm.s32 $0x80;
	s18 =	rddreg [dreg:$0xd]  }
0x6b: {  	[tilespmem:s19], [sflag:$0x2] =	stream.linear.gather [hbm4b:s18+s13], $0x50, $0x38;
	[tilespmem:$0x1DC80] =	vst v63  }
0x6c: {  	s20 =	rddreg [dreg:$0xe];
	s25 =	simm.s32 $0x280  }
0x6d: {  	[tilespmem:s25], [sflag:$0x2] =	stream.linear.gather [hbm4b:s20+s13], $0x50, $0x38;
	[tilespmem:$0x1DC80] =	vst v63  }
0x6e: {  	s19 =	rddreg [dreg:$0xf]  }
0x6f: {  	[tilespmem:s21], [sflag:$0x3] =	stream.linear.gather [hbm4b:s19+s13], $0x50, $0x38;
	[tilespmem:$0x1DC80] =	vst v63  }
0x70: {  	s20 =	rddreg [dreg:$0x10];
	s25 =	simm.s32 $0x300  }
0x71: {  	[tilespmem:s25], [sflag:$0x3] =	stream.linear.gather [hbm4b:s20+s13], $0x50, $0x38;
	[tilespmem:$0x1DC80] =	vst v63  }
.LBB2_4:
0x72: {  	_ =	swait.ge [sflag:s23], $0x2800  }
0x73: {  	[sflag:s23] =	ssyncset.done $0x0  }
0x74: {  	[sflag:s23] =	ssyncadd.s32 $0xFFFFD800  }
0x75: {  	_ =	swait.ge [sflag:s24], $0x2800  }
0x76: {  	p1 =	seq.s32 s13, $0x0;
	[sflag:s24] =	ssyncset.done $0x0  }
0x77: {  	s14 =	simm.s32 @!p1 $0xA;
	[sflag:s24] =	ssyncadd.s32 $0xFFFFD800  }
0x78: {  	_ =	swait.ge @!p1 [sflag:s14], $0x2800  }
0x79: {  	[sflag:s14] =	ssyncset.done @!p1 $0x0  }
0x7a: {  	[sflag:s14] =	ssyncadd.s32 @!p1 $0xFFFFD800  }
0x7b: {  	_ =	swait.ge [sflag:s26], $0x50  }
0x7c: {  	[sflag:s26] =	ssyncset.done $0x0  }
0x7d: {  	[sflag:s26] =	ssyncadd.s32 $0xFFFFFFB0  }
0x7e: {  	s14 =	smul.u32 $0x140, s13;
	_ =	swait.ge [sflag:s26], $0x50  }
0x7f: {  	s18 =	rddreg [dreg:$0xb]  }
0x80: {  	s19 =	sadd.s32 s14, s18  }
0x81: {  	[sflag:s26] =	ssyncset.done $0x0;
	s19 =	sshll.u32 s19, $0x4  }
0x82: {  	[sflag:s26] =	ssyncadd.s32 $0xFFFFFFB0;
	s19 =	sadd.s32 s7, s19  }
0x83: {  	[tilespmem:s28], [sflag:$0x8] =	stream.linear.gather [hbm4b:s19+s5], $0x2800, $0x38;
	[tilespmem:$0x1DC80] =	vst v63  }
0x84: {  	s25 =	simm.s32 $0x80;
	s19 =	simm.s32 $0xF0  }
0x85: {  	[tilespmem:s29], [sflag:$0x6] =	stream.indirect.gather [hbm4b:s1+s12], $0x80, s25, s12, $0xb8;
	[tilespmem:$0x1DC80] =	vst v63  }
0x86: {  	v7 =	vld [tilespmem:s19+$0x310]  }
0x87: {  	v8 =	vld [tilespmem:s19+$0x320]  }
0x88: {  	v9 =	vld [tilespmem:s19+$0x330]  }
0x89: {  	v10 =	vld [tilespmem:s19+$0x340]  }
0x8a: {  	v11 =	vld [tilespmem:s19+$0x350]  }
0x8b: {  	v12 =	vld [tilespmem:s19+$0x360]  }
0x8c: {  	v13 =	vld [tilespmem:s19+$0x370]  }
0x8d: {  	v14 =	vld [tilespmem:s19+$0x380]  }
0x8e: {  	v15 =	vld [tilespmem:s19+$0x390]  }
0x8f: {  	v16 =	vld [tilespmem:s19+$0x3A0]  }
0x90: {  	v6 =	vld [tilespmem:s19+$0x3B0]  }
0x91: {  	v5 =	vld [tilespmem:s19+$0x3C0]  }
0x92: {  	v4 =	vld [tilespmem:s19+$0x3D0]  }
0x93: {  	v3 =	vld [tilespmem:s19+$0x3E0]  }
0x94: {  	v2 =	vld [tilespmem:s19+$0x3F0]  }
0x95: {  	v1 =	vld [tilespmem:s19+$0x400]  }
0x96: {  	v17 =	vld [tilespmem:s19+$0x5310]  }
0x97: {  	v18 =	vld [tilespmem:s19+$0x5320]  }
0x98: {  	v19 =	vld [tilespmem:s19+$0x5330]  }
0x99: {  	v20 =	vld [tilespmem:s19+$0x5340]  }
0x9a: {  	v21 =	vld [tilespmem:s19+$0x5350]  }
0x9b: {  	v60 =	vld [tilespmem:s19+$0x5360];
	v7 =	vmul.f32 v7, v17  }
0x9c: {  	v22 =	vld [tilespmem:s19+$0x5370];
	v8 =	vmul.f32 v8, v18  }
0x9d: {  	v61 =	vld [tilespmem:s19+$0x5380];
	[tilespmem:s19+$0x5310] =	vst v7;
	v7 =	vmul.f32 v9, v19  }
0x9e: {  	v62 =	vld [tilespmem:s19+$0x5390];
	[tilespmem:s19+$0x5320] =	vst v8;
	v8 =	vmul.f32 v10, v20  }
0x9f: {  	v63 =	vld [tilespmem:s19+$0x53A0];
	[tilespmem:s19+$0x5330] =	vst v7;
	v7 =	vmul.f32 v11, v21  }
0xa0: {  	v9 =	vmul.f32 v12, v60;
	[tilespmem:s19+$0x5340] =	vst v8;
	v8 =	vld [tilespmem:s19+$0x53B0]  }
0xa1: {  	v10 =	vmul.f32 v13, v22;
	[tilespmem:s19+$0x5350] =	vst v7;
	v7 =	vld [tilespmem:s19+$0x53C0]  }
0xa2: {  	[tilespmem:s19+$0x5360] =	vst v9;
	v9 =	vld [tilespmem:s19+$0x53D0];
	v11 =	vmul.f32 v14, v61  }
0xa3: {  	v13 =	vmul.f32 v15, v62;
	[tilespmem:s19+$0x5370] =	vst v10;
	v10 =	vld [tilespmem:s19+$0x53E0]  }
0xa4: {  	s20 =	simm.s32 $0x7C0;
	v12 =	vmul.f32 v16, v63;
	[tilespmem:s19+$0x5380] =	vst v11;
	v11 =	vld [tilespmem:s19+$0x53F0]  }
.LBB2_5:
0xa5: {  	s25 =	sshra.s32 s20, $0x2;
	p1 =	sne.s32 s20, $0x9FC0;
	[tilespmem:s19+$0x5390] =	vst v13;
	v6 =	vmul.f32 v6, v8;
	v8 =	vld [tilespmem:s19+$0x5400]  }
0xa6: {  	v13 =	vld [tilespmem:s25+$0x310];
	[tilespmem:s19+$0x53A0] =	vst v12;
	v5 =	vmul.f32 v5, v7  }
0xa7: {  	v7 =	vld [tilespmem:s25+$0x320];
	[tilespmem:s19+$0x53B0] =	vst v6;
	v4 =	vmul.f32 v4, v9  }
0xa8: {  	v9 =	vld [tilespmem:s25+$0x330];
	[tilespmem:s19+$0x53C0] =	vst v5;
	v3 =	vmul.f32 v3, v10  }
0xa9: {  	v10 =	vld [tilespmem:s25+$0x340];
	[tilespmem:s19+$0x53D0] =	vst v4;
	v2 =	vmul.f32 v2, v11  }
0xaa: {  	v11 =	vld [tilespmem:s25+$0x350];
	[tilespmem:s19+$0x53E0] =	vst v3;
	v1 =	vmul.f32 v1, v8  }
0xab: {  	v8 =	vld [tilespmem:s25+$0x360];
	[tilespmem:s19+$0x53F0] =	vst v2  }
0xac: {  	v12 =	vld [tilespmem:s25+$0x370];
	[tilespmem:s19+$0x5400] =	vst v1;
	s19 =	smov.u32 s25  }
0xad: {  	v14 =	vld [tilespmem:s19+$0x380]  }
0xae: {  	v15 =	vld [tilespmem:s19+$0x390]  }
0xaf: {  	v16 =	vld [tilespmem:s19+$0x3A0]  }
0xb0: {  	v6 =	vld [tilespmem:s19+$0x3B0]  }
0xb1: {  	v5 =	vld [tilespmem:s19+$0x3C0]  }
0xb2: {  	v4 =	vld [tilespmem:s19+$0x3D0]  }
0xb3: {  	v3 =	vld [tilespmem:s19+$0x3E0]  }
0xb4: {  	v2 =	vld [tilespmem:s19+$0x3F0]  }
0xb5: {  	v1 =	vld [tilespmem:s19+$0x400]  }
0xb6: {  	v17 =	vld [tilespmem:s19+$0x5310]  }
0xb7: {  	v18 =	vld [tilespmem:s19+$0x5320]  }
0xb8: {  	v19 =	vld [tilespmem:s19+$0x5330]  }
0xb9: {  	v20 =	vld [tilespmem:s19+$0x5340]  }
0xba: {  	v21 =	vld [tilespmem:s19+$0x5350]  }
0xbb: {  	v13 =	vmul.f32 v13, v17;
	v17 =	vld [tilespmem:s19+$0x5360]  }
0xbc: {  	v7 =	vmul.f32 v7, v18;
	v18 =	vld [tilespmem:s19+$0x5370]  }
0xbd: {  	[tilespmem:s19+$0x5310] =	vst v13;
	v9 =	vmul.f32 v9, v19;
	v13 =	vld [tilespmem:s19+$0x5380]  }
0xbe: {  	[tilespmem:s19+$0x5320] =	vst v7;
	v7 =	vmul.f32 v10, v20;
	v10 =	vld [tilespmem:s19+$0x5390]  }
0xbf: {  	[tilespmem:s19+$0x5330] =	vst v9;
	v9 =	vmul.f32 v11, v21;
	v11 =	vld [tilespmem:s19+$0x53A0]  }
.Ltmp1:
0xc0: {  	[tilespmem:s19+$0x5340] =	vst v7;
	v17 =	vmul.f32 v8, v17;
	v8 =	vld [tilespmem:s19+$0x53B0];
	(pc) =	sbr.rel @p1 .LBB2_5-.Ltmp1, $4  }
0xc1: {  	[tilespmem:s19+$0x5350] =	vst v9;
	v12 =	vmul.f32 v12, v18;
	v7 =	vld [tilespmem:s19+$0x53C0]  }
0xc2: {  	[tilespmem:s19+$0x5360] =	vst v17;
	v14 =	vmul.f32 v14, v13;
	v9 =	vld [tilespmem:s19+$0x53D0]  }
0xc3: {  	[tilespmem:s19+$0x5370] =	vst v12;
	v13 =	vmul.f32 v15, v10;
	v10 =	vld [tilespmem:s19+$0x53E0]  }
0xc4: {  	s20 =	sadd.s32 $0x400, s20;
	[tilespmem:s19+$0x5380] =	vst v14;
	v12 =	vmul.f32 v16, v11;
	v11 =	vld [tilespmem:s19+$0x53F0]  }
0xc5: {  	[tilespmem:s19+$0x5390] =	vst v13;
	v6 =	vmul.f32 v6, v8;
	v8 =	vld [tilespmem:s19+$0x5400]  }
0xc6: {  	[tilespmem:s19+$0x53A0] =	vst v12;
	v5 =	vmul.f32 v5, v7  }
0xc7: {  	[tilespmem:s19+$0x53B0] =	vst v6;
	v4 =	vmul.f32 v4, v9  }
0xc8: {  	[tilespmem:s19+$0x53C0] =	vst v5;
	v3 =	vmul.f32 v3, v10  }
0xc9: {  	[tilespmem:s19+$0x53D0] =	vst v4;
	v2 =	vmul.f32 v2, v11  }
0xca: {  	s18 =	rddreg [dreg:$0x17];
	[tilespmem:s19+$0x53E0] =	vst v3;
	v1 =	vmul.f32 v1, v8  }
0xcb: {  	s20 =	sadd.s32 s18, s14;
	[tilespmem:s19+$0x53F0] =	vst v2  }
0xcc: {  	[tilespmem:s19+$0x5400] =	vst v1;
	s19 =	sshrl.u32 s20, $0x3  }
0xcd: {  	[spmem:s4] =	stream.indirect.scatter.add.f32 [tilespmem:s15], [sflag:$0x9], $0x80, s11, s12, $0xb8;
	[tilespmem:$0x1DC80] =	vst v63  }
0xce: {  	s18 =	simm.s32 $0x0;
	s25 =	sadd.s32 s2, s19  }
0xcf: {  	[tilespmem:s30], [sflag:$0x4] =	stream.linear.gather [hbm4b:s25+s18], $0x50, $0x38;
	[tilespmem:$0x1DC80] =	vst v63  }
0xd0: {  	s19 =	sadd.s32 s3, s19  }
0xd1: {  	[tilespmem:s31], [sflag:$0x4] =	stream.linear.gather [hbm4b:s19+s18], $0x50, $0x38;
	[tilespmem:$0x1DC80] =	vst v63  }
0xd2: {  	_ =	swait.ge [sflag:s0], $0x2800  }
0xd3: {  	[sflag:s0] =	ssyncset.done $0x0  }
0xd4: {  	[sflag:s0] =	ssyncadd.s32 $0xFFFFD800  }
0xd5: {  	_ =	swait.ge [sflag:s6], $0x2800  }
0xd6: {  	[sflag:s6] =	ssyncset.done $0x0  }
0xd7: {  	[sflag:s6] =	ssyncadd.s32 $0xFFFFD800  }
0xd8: {  	_ =	swait.ge [sflag:s8], $0x2800  }
0xd9: {  	[sflag:s8] =	ssyncset.done $0x0  }
0xda: {  	[sflag:s8] =	ssyncadd.s32 $0xFFFFD800  }
0xdb: {  	_ =	swait.ge [sflag:s10], $0x50  }
0xdc: {  	[sflag:s10] =	ssyncset.done $0x0  }
0xdd: {  	[sflag:s10] =	ssyncadd.s32 $0xFFFFFFB0  }
0xde: {  	_ =	swait.ge [sflag:s10], $0x50  }
0xdf: {  	s25 =	rddreg [dreg:$0xc]  }
0xe0: {  	s19 =	sadd.s32 s14, s25  }
0xe1: {  	[sflag:s10] =	ssyncset.done $0x0;
	s19 =	sshll.u32 s19, $0x4  }
0xe2: {  	[sflag:s10] =	ssyncadd.s32 $0xFFFFFFB0;
	s19 =	sadd.s32 s7, s19  }
0xe3: {  	[tilespmem:s9], [sflag:$0x7] =	stream.linear.gather [hbm4b:s19+s18], $0x2800, $0x38;
	[tilespmem:$0x1DC80] =	vst v63  }
0xe4: {  	s19 =	simm.s32 $0x0  }
0xe5: {  	[tilespmem:s15], [sflag:$0x5] =	stream.indirect.gather [hbm4b:s1+s12], $0x80, s21, s12, $0xb8;
	[tilespmem:$0x1DC80] =	vst v63  }
0xe6: {  	v7 =	vld [tilespmem:s19+$0x2C00]  }
0xe7: {  	v8 =	vld [tilespmem:s19+$0x2C10]  }
0xe8: {  	v9 =	vld [tilespmem:s19+$0x2C20]  }
0xe9: {  	v10 =	vld [tilespmem:s19+$0x2C30]  }
0xea: {  	v11 =	vld [tilespmem:s19+$0x2C40]  }
0xeb: {  	v12 =	vld [tilespmem:s19+$0x2C50]  }
0xec: {  	v13 =	vld [tilespmem:s19+$0x2C60]  }
0xed: {  	v14 =	vld [tilespmem:s19+$0x2C70]  }
0xee: {  	v15 =	vld [tilespmem:s19+$0x2C80]  }
0xef: {  	v16 =	vld [tilespmem:s19+$0x2C90]  }
0xf0: {  	v6 =	vld [tilespmem:s19+$0x2CA0]  }
0xf1: {  	v5 =	vld [tilespmem:s19+$0x2CB0]  }
0xf2: {  	v4 =	vld [tilespmem:s19+$0x2CC0]  }
0xf3: {  	v3 =	vld [tilespmem:s19+$0x2CD0]  }
0xf4: {  	v2 =	vld [tilespmem:s19+$0x2CE0]  }
0xf5: {  	v1 =	vld [tilespmem:s19+$0x2CF0]  }
0xf6: {  	v17 =	vld [tilespmem:s19+$0x7C00]  }
0xf7: {  	v18 =	vld [tilespmem:s19+$0x7C10]  }
0xf8: {  	v19 =	vld [tilespmem:s19+$0x7C20]  }
0xf9: {  	v20 =	vld [tilespmem:s19+$0x7C30]  }
0xfa: {  	v21 =	vld [tilespmem:s19+$0x7C40]  }
0xfb: {  	v60 =	vld [tilespmem:s19+$0x7C50];
	v7 =	vmul.f32 v7, v17  }
0xfc: {  	v22 =	vld [tilespmem:s19+$0x7C60];
	v8 =	vmul.f32 v8, v18  }
0xfd: {  	v61 =	vld [tilespmem:s19+$0x7C70];
	[tilespmem:s19+$0x7C00] =	vst v7;
	v7 =	vmul.f32 v9, v19  }
0xfe: {  	v62 =	vld [tilespmem:s19+$0x7C80];
	[tilespmem:s19+$0x7C10] =	vst v8;
	v8 =	vmul.f32 v10, v20  }
0xff: {  	v63 =	vld [tilespmem:s19+$0x7C90];
	[tilespmem:s19+$0x7C20] =	vst v7;
	v7 =	vmul.f32 v11, v21  }
0x100: {  	v9 =	vmul.f32 v12, v60;
	[tilespmem:s19+$0x7C30] =	vst v8;
	v8 =	vld [tilespmem:s19+$0x7CA0]  }
0x101: {  	v10 =	vmul.f32 v13, v22;
	[tilespmem:s19+$0x7C40] =	vst v7;
	v7 =	vld [tilespmem:s19+$0x7CB0]  }
0x102: {  	[tilespmem:s19+$0x7C50] =	vst v9;
	v9 =	vld [tilespmem:s19+$0x7CC0];
	v11 =	vmul.f32 v14, v61  }
0x103: {  	v13 =	vmul.f32 v15, v62;
	[tilespmem:s19+$0x7C60] =	vst v10;
	v10 =	vld [tilespmem:s19+$0x7CD0]  }
0x104: {  	s25 =	simm.s32 $0x400;
	v12 =	vmul.f32 v16, v63;
	[tilespmem:s19+$0x7C70] =	vst v11;
	v11 =	vld [tilespmem:s19+$0x7CE0]  }
.LBB2_7:
0x105: {  	s18 =	sshra.s32 s25, $0x2;
	p1 =	sne.s32 s25, $0x9C00;
	[tilespmem:s19+$0x7C80] =	vst v13;
	v6 =	vmul.f32 v6, v8;
	v8 =	vld [tilespmem:s19+$0x7CF0]  }
0x106: {  	v13 =	vld [tilespmem:s18+$0x2C00];
	[tilespmem:s19+$0x7C90] =	vst v12;
	v5 =	vmul.f32 v5, v7  }
0x107: {  	v7 =	vld [tilespmem:s18+$0x2C10];
	[tilespmem:s19+$0x7CA0] =	vst v6;
	v4 =	vmul.f32 v4, v9  }
0x108: {  	v9 =	vld [tilespmem:s18+$0x2C20];
	[tilespmem:s19+$0x7CB0] =	vst v5;
	v3 =	vmul.f32 v3, v10  }
0x109: {  	v10 =	vld [tilespmem:s18+$0x2C30];
	[tilespmem:s19+$0x7CC0] =	vst v4;
	v2 =	vmul.f32 v2, v11  }
0x10a: {  	v11 =	vld [tilespmem:s18+$0x2C40];
	[tilespmem:s19+$0x7CD0] =	vst v3;
	v1 =	vmul.f32 v1, v8  }
0x10b: {  	v8 =	vld [tilespmem:s18+$0x2C50];
	[tilespmem:s19+$0x7CE0] =	vst v2  }
0x10c: {  	v12 =	vld [tilespmem:s18+$0x2C60];
	[tilespmem:s19+$0x7CF0] =	vst v1;
	s19 =	smov.u32 s18  }
0x10d: {  	v14 =	vld [tilespmem:s19+$0x2C70]  }
0x10e: {  	v15 =	vld [tilespmem:s19+$0x2C80]  }
0x10f: {  	v16 =	vld [tilespmem:s19+$0x2C90]  }
0x110: {  	v6 =	vld [tilespmem:s19+$0x2CA0]  }
0x111: {  	v5 =	vld [tilespmem:s19+$0x2CB0]  }
0x112: {  	v4 =	vld [tilespmem:s19+$0x2CC0]  }
0x113: {  	v3 =	vld [tilespmem:s19+$0x2CD0]  }
0x114: {  	v2 =	vld [tilespmem:s19+$0x2CE0]  }
0x115: {  	v1 =	vld [tilespmem:s19+$0x2CF0]  }
0x116: {  	v17 =	vld [tilespmem:s19+$0x7C00]  }
0x117: {  	v18 =	vld [tilespmem:s19+$0x7C10]  }
0x118: {  	v19 =	vld [tilespmem:s19+$0x7C20]  }
0x119: {  	v20 =	vld [tilespmem:s19+$0x7C30]  }
0x11a: {  	v21 =	vld [tilespmem:s19+$0x7C40]  }
0x11b: {  	v13 =	vmul.f32 v13, v17;
	v17 =	vld [tilespmem:s19+$0x7C50]  }
0x11c: {  	v7 =	vmul.f32 v7, v18;
	v18 =	vld [tilespmem:s19+$0x7C60]  }
0x11d: {  	[tilespmem:s19+$0x7C00] =	vst v13;
	v9 =	vmul.f32 v9, v19;
	v13 =	vld [tilespmem:s19+$0x7C70]  }
0x11e: {  	[tilespmem:s19+$0x7C10] =	vst v7;
	v7 =	vmul.f32 v10, v20;
	v10 =	vld [tilespmem:s19+$0x7C80]  }
0x11f: {  	[tilespmem:s19+$0x7C20] =	vst v9;
	v9 =	vmul.f32 v11, v21;
	v11 =	vld [tilespmem:s19+$0x7C90]  }
.Ltmp2:
0x120: {  	[tilespmem:s19+$0x7C30] =	vst v7;
	v17 =	vmul.f32 v8, v17;
	v8 =	vld [tilespmem:s19+$0x7CA0];
	(pc) =	sbr.rel @p1 .LBB2_7-.Ltmp2, $4  }
0x121: {  	[tilespmem:s19+$0x7C40] =	vst v9;
	v12 =	vmul.f32 v12, v18;
	v7 =	vld [tilespmem:s19+$0x7CB0]  }
0x122: {  	[tilespmem:s19+$0x7C50] =	vst v17;
	v14 =	vmul.f32 v14, v13;
	v9 =	vld [tilespmem:s19+$0x7CC0]  }
0x123: {  	[tilespmem:s19+$0x7C60] =	vst v12;
	v13 =	vmul.f32 v15, v10;
	v10 =	vld [tilespmem:s19+$0x7CD0]  }
0x124: {  	s25 =	sadd.s32 $0x400, s25;
	[tilespmem:s19+$0x7C70] =	vst v14;
	v12 =	vmul.f32 v16, v11;
	v11 =	vld [tilespmem:s19+$0x7CE0]  }
0x125: {  	[tilespmem:s19+$0x7C80] =	vst v13;
	v6 =	vmul.f32 v6, v8;
	v8 =	vld [tilespmem:s19+$0x7CF0]  }
0x126: {  	[tilespmem:s19+$0x7C90] =	vst v12;
	v5 =	vmul.f32 v5, v7  }
0x127: {  	[tilespmem:s19+$0x7CA0] =	vst v6;
	v4 =	vmul.f32 v4, v9  }
0x128: {  	[tilespmem:s19+$0x7CB0] =	vst v5;
	v3 =	vmul.f32 v3, v10  }
0x129: {  	[tilespmem:s19+$0x7CC0] =	vst v4;
	v2 =	vmul.f32 v2, v11  }
0x12a: {  	[tilespmem:s19+$0x7CD0] =	vst v3;
	v1 =	vmul.f32 v1, v8  }
0x12b: {  	s21 =	rddreg [dreg:$0x11];
	[tilespmem:s19+$0x7CE0] =	vst v2  }
0x12c: {  	s18 =	simm.s32 $0x280;
	[tilespmem:s19+$0x7CF0] =	vst v1;
	s19 =	sadd.s32 s14, s21  }
0x12d: {  	[spmem:s4] =	stream.indirect.scatter.add.f32 [tilespmem:s29], [sflag:$0xA], $0x80, s18, s12, $0xb8;
	[tilespmem:$0x1DC80] =	vst v63  }
0x12e: {  	s18 =	sshrl.u32 s19, $0x3  }
0x12f: {  	s25 =	sadd.s32 s2, s18  }
0x130: {  	[tilespmem:s5], [sflag:$0x1] =	stream.linear.gather [hbm4b:s25+s5], $0x50, $0x38;
	[tilespmem:$0x1DC80] =	vst v63  }
0x131: {  	s18 =	sadd.s32 s3, s18  }
0x132: {  	[tilespmem:s11], [sflag:$0x1] =	stream.linear.gather [hbm4b:s18+s5], $0x50, $0x38;
	[tilespmem:$0x1DC80] =	vst v63  }
0x133: {  	_ =	swait.ge [sflag:s23], $0x2800  }
0x134: {  	[sflag:s23] =	ssyncset.done $0x0  }
0x135: {  	[sflag:s23] =	ssyncadd.s32 $0xFFFFD800  }
0x136: {  	_ =	swait.ge [sflag:s24], $0x2800  }
0x137: {  	[sflag:s24] =	ssyncset.done $0x0  }
0x138: {  	[sflag:s24] =	ssyncadd.s32 $0xFFFFD800  }
0x139: {  	_ =	swait.ge [sflag:s16], $0x2800  }
0x13a: {  	[sflag:s16] =	ssyncset.done $0x0  }
0x13b: {  	[sflag:s16] =	ssyncadd.s32 $0xFFFFD800  }
0x13c: {  	_ =	swait.ge [sflag:s17], $0x50  }
0x13d: {  	[sflag:s17] =	ssyncset.done $0x0  }
0x13e: {  	[sflag:s17] =	ssyncadd.s32 $0xFFFFFFB0  }
0x13f: {  	_ =	swait.ge [sflag:s17], $0x50  }
0x140: {  	s25 =	sshll.u32 s20, $0x4;
	[sflag:s17] =	ssyncset.done $0x0  }
0x141: {  	s18 =	sadd.s32 s7, s25;
	[sflag:s17] =	ssyncadd.s32 $0xFFFFFFB0  }
0x142: {  	[tilespmem:s28], [sflag:$0x8] =	stream.linear.gather [hbm4b:s18+s5], $0x2800, $0x38;
	[tilespmem:$0x1DC80] =	vst v63  }
0x143: {  	s20 =	simm.s32 $0xF0  }
0x144: {  	[tilespmem:s29], [sflag:$0x6] =	stream.indirect.gather [hbm4b:s1+s12], $0x80, s30, s12, $0xb8;
	[tilespmem:$0x1DC80] =	vst v63  }
0x145: {  	v7 =	vld [tilespmem:s20+$0x310]  }
0x146: {  	v8 =	vld [tilespmem:s20+$0x320]  }
0x147: {  	v9 =	vld [tilespmem:s20+$0x330]  }
0x148: {  	v10 =	vld [tilespmem:s20+$0x340]  }
0x149: {  	v11 =	vld [tilespmem:s20+$0x350]  }
0x14a: {  	v12 =	vld [tilespmem:s20+$0x360]  }
0x14b: {  	v13 =	vld [tilespmem:s20+$0x370]  }
0x14c: {  	v14 =	vld [tilespmem:s20+$0x380]  }
0x14d: {  	v15 =	vld [tilespmem:s20+$0x390]  }
0x14e: {  	v16 =	vld [tilespmem:s20+$0x3A0]  }
0x14f: {  	v6 =	vld [tilespmem:s20+$0x3B0]  }
0x150: {  	v5 =	vld [tilespmem:s20+$0x3C0]  }
0x151: {  	v4 =	vld [tilespmem:s20+$0x3D0]  }
0x152: {  	v3 =	vld [tilespmem:s20+$0x3E0]  }
0x153: {  	v2 =	vld [tilespmem:s20+$0x3F0]  }
0x154: {  	v1 =	vld [tilespmem:s20+$0x400]  }
0x155: {  	v17 =	vld [tilespmem:s20+$0x5310]  }
0x156: {  	v18 =	vld [tilespmem:s20+$0x5320]  }
0x157: {  	v19 =	vld [tilespmem:s20+$0x5330]  }
0x158: {  	v20 =	vld [tilespmem:s20+$0x5340]  }
0x159: {  	v21 =	vld [tilespmem:s20+$0x5350]  }
0x15a: {  	v60 =	vld [tilespmem:s20+$0x5360];
	v7 =	vmul.f32 v7, v17  }
0x15b: {  	v22 =	vld [tilespmem:s20+$0x5370];
	v8 =	vmul.f32 v8, v18  }
0x15c: {  	v61 =	vld [tilespmem:s20+$0x5380];
	[tilespmem:s20+$0x5310] =	vst v7;
	v7 =	vmul.f32 v9, v19  }
0x15d: {  	v62 =	vld [tilespmem:s20+$0x5390];
	[tilespmem:s20+$0x5320] =	vst v8;
	v8 =	vmul.f32 v10, v20  }
0x15e: {  	v63 =	vld [tilespmem:s20+$0x53A0];
	[tilespmem:s20+$0x5330] =	vst v7;
	v7 =	vmul.f32 v11, v21  }
0x15f: {  	v9 =	vmul.f32 v12, v60;
	[tilespmem:s20+$0x5340] =	vst v8;
	v8 =	vld [tilespmem:s20+$0x53B0]  }
0x160: {  	v10 =	vmul.f32 v13, v22;
	[tilespmem:s20+$0x5350] =	vst v7;
	v7 =	vld [tilespmem:s20+$0x53C0]  }
0x161: {  	[tilespmem:s20+$0x5360] =	vst v9;
	v9 =	vld [tilespmem:s20+$0x53D0];
	v11 =	vmul.f32 v14, v61  }
0x162: {  	v13 =	vmul.f32 v15, v62;
	[tilespmem:s20+$0x5370] =	vst v10;
	v10 =	vld [tilespmem:s20+$0x53E0]  }
0x163: {  	s25 =	simm.s32 $0x7C0;
	v12 =	vmul.f32 v16, v63;
	[tilespmem:s20+$0x5380] =	vst v11;
	v11 =	vld [tilespmem:s20+$0x53F0]  }
.LBB2_9:
0x164: {  	s18 =	sshra.s32 s25, $0x2;
	p1 =	sne.s32 s25, $0x9FC0;
	[tilespmem:s20+$0x5390] =	vst v13;
	v6 =	vmul.f32 v6, v8;
	v8 =	vld [tilespmem:s20+$0x5400]  }
0x165: {  	v13 =	vld [tilespmem:s18+$0x310];
	[tilespmem:s20+$0x53A0] =	vst v12;
	v5 =	vmul.f32 v5, v7  }
0x166: {  	v7 =	vld [tilespmem:s18+$0x320];
	[tilespmem:s20+$0x53B0] =	vst v6;
	v4 =	vmul.f32 v4, v9  }
0x167: {  	v9 =	vld [tilespmem:s18+$0x330];
	[tilespmem:s20+$0x53C0] =	vst v5;
	v3 =	vmul.f32 v3, v10  }
0x168: {  	v10 =	vld [tilespmem:s18+$0x340];
	[tilespmem:s20+$0x53D0] =	vst v4;
	v2 =	vmul.f32 v2, v11  }
0x169: {  	v11 =	vld [tilespmem:s18+$0x350];
	[tilespmem:s20+$0x53E0] =	vst v3;
	v1 =	vmul.f32 v1, v8  }
0x16a: {  	v8 =	vld [tilespmem:s18+$0x360];
	[tilespmem:s20+$0x53F0] =	vst v2  }
0x16b: {  	v12 =	vld [tilespmem:s18+$0x370];
	[tilespmem:s20+$0x5400] =	vst v1;
	s20 =	smov.u32 s18  }
0x16c: {  	v14 =	vld [tilespmem:s20+$0x380]  }
0x16d: {  	v15 =	vld [tilespmem:s20+$0x390]  }
0x16e: {  	v16 =	vld [tilespmem:s20+$0x3A0]  }
0x16f: {  	v6 =	vld [tilespmem:s20+$0x3B0]  }
0x170: {  	v5 =	vld [tilespmem:s20+$0x3C0]  }
0x171: {  	v4 =	vld [tilespmem:s20+$0x3D0]  }
0x172: {  	v3 =	vld [tilespmem:s20+$0x3E0]  }
0x173: {  	v2 =	vld [tilespmem:s20+$0x3F0]  }
0x174: {  	v1 =	vld [tilespmem:s20+$0x400]  }
0x175: {  	v17 =	vld [tilespmem:s20+$0x5310]  }
0x176: {  	v18 =	vld [tilespmem:s20+$0x5320]  }
0x177: {  	v19 =	vld [tilespmem:s20+$0x5330]  }
0x178: {  	v20 =	vld [tilespmem:s20+$0x5340]  }
0x179: {  	v21 =	vld [tilespmem:s20+$0x5350]  }
0x17a: {  	v13 =	vmul.f32 v13, v17;
	v17 =	vld [tilespmem:s20+$0x5360]  }
0x17b: {  	v7 =	vmul.f32 v7, v18;
	v18 =	vld [tilespmem:s20+$0x5370]  }
0x17c: {  	[tilespmem:s20+$0x5310] =	vst v13;
	v9 =	vmul.f32 v9, v19;
	v13 =	vld [tilespmem:s20+$0x5380]  }
0x17d: {  	[tilespmem:s20+$0x5320] =	vst v7;
	v7 =	vmul.f32 v10, v20;
	v10 =	vld [tilespmem:s20+$0x5390]  }
0x17e: {  	[tilespmem:s20+$0x5330] =	vst v9;
	v9 =	vmul.f32 v11, v21;
	v11 =	vld [tilespmem:s20+$0x53A0]  }
.Ltmp3:
0x17f: {  	[tilespmem:s20+$0x5340] =	vst v7;
	v17 =	vmul.f32 v8, v17;
	v8 =	vld [tilespmem:s20+$0x53B0];
	(pc) =	sbr.rel @p1 .LBB2_9-.Ltmp3, $4  }
0x180: {  	[tilespmem:s20+$0x5350] =	vst v9;
	v12 =	vmul.f32 v12, v18;
	v7 =	vld [tilespmem:s20+$0x53C0]  }
0x181: {  	[tilespmem:s20+$0x5360] =	vst v17;
	v14 =	vmul.f32 v14, v13;
	v9 =	vld [tilespmem:s20+$0x53D0]  }
0x182: {  	[tilespmem:s20+$0x5370] =	vst v12;
	v13 =	vmul.f32 v15, v10;
	v10 =	vld [tilespmem:s20+$0x53E0]  }
0x183: {  	s25 =	sadd.s32 $0x400, s25;
	[tilespmem:s20+$0x5380] =	vst v14;
	v12 =	vmul.f32 v16, v11;
	v11 =	vld [tilespmem:s20+$0x53F0]  }
0x184: {  	[tilespmem:s20+$0x5390] =	vst v13;
	v6 =	vmul.f32 v6, v8;
	v8 =	vld [tilespmem:s20+$0x5400]  }
0x185: {  	[tilespmem:s20+$0x53A0] =	vst v12;
	v5 =	vmul.f32 v5, v7  }
0x186: {  	[tilespmem:s20+$0x53B0] =	vst v6;
	v4 =	vmul.f32 v4, v9  }
0x187: {  	[tilespmem:s20+$0x53C0] =	vst v5;
	v3 =	vmul.f32 v3, v10  }
0x188: {  	[tilespmem:s20+$0x53D0] =	vst v4;
	v2 =	vmul.f32 v2, v11  }
0x189: {  	[tilespmem:s20+$0x53E0] =	vst v3;
	v1 =	vmul.f32 v1, v8  }
0x18a: {  	[tilespmem:s20+$0x53F0] =	vst v2  }
0x18b: {  	s18 =	simm.s32 $0x300;
	[tilespmem:s20+$0x5400] =	vst v1  }
0x18c: {  	[spmem:s4] =	stream.indirect.scatter.add.f32 [tilespmem:s15], [sflag:$0x9], $0x80, s18, s12, $0xb8;
	[tilespmem:$0x1DC80] =	vst v63  }
0x18d: {  	p1 =	seq.s32 s13, $0x1E;
	s18 =	rddreg [dreg:$0x12]  }
0x18e: {  	s18 =	sadd.s32 @!p1 s14, s18  }
0x18f: {  	s18 =	sshrl.u32 @!p1 s18, $0x3  }
0x190: {  	s25 =	simm.s32 @!p1 $0x0;
	s21 =	simm.s32 @!p1 $0x80;
	s20 =	sadd.s32 @!p1 s2, s18  }
0x191: {  	[tilespmem:s21], [sflag:$0x2] =	stream.linear.gather @!p1 [hbm4b:s20+s25], $0x50, $0x38;
	[tilespmem:$0x1DC80] =	vst v63  }
0x192: {  	s18 =	sadd.s32 @!p1 s3, s18;
	s20 =	simm.s32 @!p1 $0x280  }
0x193: {  	[tilespmem:s20], [sflag:$0x2] =	stream.linear.gather @!p1 [hbm4b:s18+s25], $0x50, $0x38;
	[tilespmem:$0x1DC80] =	vst v63  }
0x194: {  	_ =	swait.ge [sflag:s0], $0x2800  }
0x195: {  	[sflag:s0] =	ssyncset.done $0x0  }
0x196: {  	[sflag:s0] =	ssyncadd.s32 $0xFFFFD800  }
0x197: {  	_ =	swait.ge [sflag:s6], $0x2800  }
0x198: {  	[sflag:s6] =	ssyncset.done $0x0  }
0x199: {  	[sflag:s6] =	ssyncadd.s32 $0xFFFFD800  }
0x19a: {  	_ =	swait.ge [sflag:s8], $0x2800  }
0x19b: {  	[sflag:s8] =	ssyncset.done $0x0  }
0x19c: {  	[sflag:s8] =	ssyncadd.s32 $0xFFFFD800  }
0x19d: {  	_ =	swait.ge [sflag:s22], $0x50  }
0x19e: {  	[sflag:s22] =	ssyncset.done $0x0  }
0x19f: {  	[sflag:s22] =	ssyncadd.s32 $0xFFFFFFB0  }
0x1a0: {  	_ =	swait.ge [sflag:s22], $0x50  }
0x1a1: {  	s21 =	sshll.u32 s19, $0x4;
	[sflag:s22] =	ssyncset.done $0x0  }
0x1a2: {  	s18 =	sadd.s32 s7, s21;
	s25 =	simm.s32 $0x0;
	[sflag:s22] =	ssyncadd.s32 $0xFFFFFFB0  }
0x1a3: {  	[tilespmem:s9], [sflag:$0x7] =	stream.linear.gather [hbm4b:s18+s25], $0x2800, $0x38;
	[tilespmem:$0x1DC80] =	vst v63  }
0x1a4: {  	s19 =	simm.s32 $0x0  }
0x1a5: {  	[tilespmem:s15], [sflag:$0x5] =	stream.indirect.gather [hbm4b:s1+s12], $0x80, s25, s12, $0xb8;
	[tilespmem:$0x1DC80] =	vst v63  }
0x1a6: {  	v7 =	vld [tilespmem:s19+$0x2C00]  }
0x1a7: {  	v8 =	vld [tilespmem:s19+$0x2C10]  }
0x1a8: {  	v9 =	vld [tilespmem:s19+$0x2C20]  }
0x1a9: {  	v10 =	vld [tilespmem:s19+$0x2C30]  }
0x1aa: {  	v11 =	vld [tilespmem:s19+$0x2C40]  }
0x1ab: {  	v12 =	vld [tilespmem:s19+$0x2C50]  }
0x1ac: {  	v13 =	vld [tilespmem:s19+$0x2C60]  }
0x1ad: {  	v14 =	vld [tilespmem:s19+$0x2C70]  }
0x1ae: {  	v15 =	vld [tilespmem:s19+$0x2C80]  }
0x1af: {  	v16 =	vld [tilespmem:s19+$0x2C90]  }
0x1b0: {  	v6 =	vld [tilespmem:s19+$0x2CA0]  }
0x1b1: {  	v5 =	vld [tilespmem:s19+$0x2CB0]  }
0x1b2: {  	v4 =	vld [tilespmem:s19+$0x2CC0]  }
0x1b3: {  	v3 =	vld [tilespmem:s19+$0x2CD0]  }
0x1b4: {  	v2 =	vld [tilespmem:s19+$0x2CE0]  }
0x1b5: {  	v1 =	vld [tilespmem:s19+$0x2CF0]  }
0x1b6: {  	v17 =	vld [tilespmem:s19+$0x7C00]  }
0x1b7: {  	v18 =	vld [tilespmem:s19+$0x7C10]  }
0x1b8: {  	v19 =	vld [tilespmem:s19+$0x7C20]  }
0x1b9: {  	v20 =	vld [tilespmem:s19+$0x7C30]  }
0x1ba: {  	v21 =	vld [tilespmem:s19+$0x7C40]  }
0x1bb: {  	v60 =	vld [tilespmem:s19+$0x7C50];
	v7 =	vmul.f32 v7, v17  }
0x1bc: {  	v22 =	vld [tilespmem:s19+$0x7C60];
	v8 =	vmul.f32 v8, v18  }
0x1bd: {  	v61 =	vld [tilespmem:s19+$0x7C70];
	[tilespmem:s19+$0x7C00] =	vst v7;
	v7 =	vmul.f32 v9, v19  }
0x1be: {  	v62 =	vld [tilespmem:s19+$0x7C80];
	[tilespmem:s19+$0x7C10] =	vst v8;
	v8 =	vmul.f32 v10, v20  }
0x1bf: {  	v63 =	vld [tilespmem:s19+$0x7C90];
	[tilespmem:s19+$0x7C20] =	vst v7;
	v7 =	vmul.f32 v11, v21  }
0x1c0: {  	v9 =	vmul.f32 v12, v60;
	[tilespmem:s19+$0x7C30] =	vst v8;
	v8 =	vld [tilespmem:s19+$0x7CA0]  }
0x1c1: {  	v10 =	vmul.f32 v13, v22;
	[tilespmem:s19+$0x7C40] =	vst v7;
	v7 =	vld [tilespmem:s19+$0x7CB0]  }
0x1c2: {  	[tilespmem:s19+$0x7C50] =	vst v9;
	v9 =	vld [tilespmem:s19+$0x7CC0];
	v11 =	vmul.f32 v14, v61  }
0x1c3: {  	v13 =	vmul.f32 v15, v62;
	[tilespmem:s19+$0x7C60] =	vst v10;
	v10 =	vld [tilespmem:s19+$0x7CD0]  }
0x1c4: {  	s20 =	simm.s32 $0x400;
	v12 =	vmul.f32 v16, v63;
	[tilespmem:s19+$0x7C70] =	vst v11;
	v11 =	vld [tilespmem:s19+$0x7CE0]  }
.LBB2_11:
0x1c5: {  	s18 =	sshra.s32 s20, $0x2;
	p2 =	sne.s32 s20, $0x9C00;
	[tilespmem:s19+$0x7C80] =	vst v13;
	v6 =	vmul.f32 v6, v8;
	v8 =	vld [tilespmem:s19+$0x7CF0]  }
0x1c6: {  	v13 =	vld [tilespmem:s18+$0x2C00];
	[tilespmem:s19+$0x7C90] =	vst v12;
	v5 =	vmul.f32 v5, v7  }
0x1c7: {  	v7 =	vld [tilespmem:s18+$0x2C10];
	[tilespmem:s19+$0x7CA0] =	vst v6;
	v4 =	vmul.f32 v4, v9  }
0x1c8: {  	v9 =	vld [tilespmem:s18+$0x2C20];
	[tilespmem:s19+$0x7CB0] =	vst v5;
	v3 =	vmul.f32 v3, v10  }
0x1c9: {  	v10 =	vld [tilespmem:s18+$0x2C30];
	[tilespmem:s19+$0x7CC0] =	vst v4;
	v2 =	vmul.f32 v2, v11  }
0x1ca: {  	v11 =	vld [tilespmem:s18+$0x2C40];
	[tilespmem:s19+$0x7CD0] =	vst v3;
	v1 =	vmul.f32 v1, v8  }
0x1cb: {  	v8 =	vld [tilespmem:s18+$0x2C50];
	[tilespmem:s19+$0x7CE0] =	vst v2  }
0x1cc: {  	v12 =	vld [tilespmem:s18+$0x2C60];
	[tilespmem:s19+$0x7CF0] =	vst v1;
	s19 =	smov.u32 s18  }
0x1cd: {  	v14 =	vld [tilespmem:s19+$0x2C70]  }
0x1ce: {  	v15 =	vld [tilespmem:s19+$0x2C80]  }
0x1cf: {  	v16 =	vld [tilespmem:s19+$0x2C90]  }
0x1d0: {  	v6 =	vld [tilespmem:s19+$0x2CA0]  }
0x1d1: {  	v5 =	vld [tilespmem:s19+$0x2CB0]  }
0x1d2: {  	v4 =	vld [tilespmem:s19+$0x2CC0]  }
0x1d3: {  	v3 =	vld [tilespmem:s19+$0x2CD0]  }
0x1d4: {  	v2 =	vld [tilespmem:s19+$0x2CE0]  }
0x1d5: {  	v1 =	vld [tilespmem:s19+$0x2CF0]  }
0x1d6: {  	v17 =	vld [tilespmem:s19+$0x7C00]  }
0x1d7: {  	v18 =	vld [tilespmem:s19+$0x7C10]  }
0x1d8: {  	v19 =	vld [tilespmem:s19+$0x7C20]  }
0x1d9: {  	v20 =	vld [tilespmem:s19+$0x7C30]  }
0x1da: {  	v21 =	vld [tilespmem:s19+$0x7C40]  }
0x1db: {  	v13 =	vmul.f32 v13, v17;
	v17 =	vld [tilespmem:s19+$0x7C50]  }
0x1dc: {  	v7 =	vmul.f32 v7, v18;
	v18 =	vld [tilespmem:s19+$0x7C60]  }
0x1dd: {  	[tilespmem:s19+$0x7C00] =	vst v13;
	v9 =	vmul.f32 v9, v19;
	v13 =	vld [tilespmem:s19+$0x7C70]  }
0x1de: {  	[tilespmem:s19+$0x7C10] =	vst v7;
	v7 =	vmul.f32 v10, v20;
	v10 =	vld [tilespmem:s19+$0x7C80]  }
0x1df: {  	[tilespmem:s19+$0x7C20] =	vst v9;
	v9 =	vmul.f32 v11, v21;
	v11 =	vld [tilespmem:s19+$0x7C90]  }
.Ltmp4:
0x1e0: {  	[tilespmem:s19+$0x7C30] =	vst v7;
	v17 =	vmul.f32 v8, v17;
	v8 =	vld [tilespmem:s19+$0x7CA0];
	(pc) =	sbr.rel @p2 .LBB2_11-.Ltmp4, $4  }
0x1e1: {  	[tilespmem:s19+$0x7C40] =	vst v9;
	v12 =	vmul.f32 v12, v18;
	v7 =	vld [tilespmem:s19+$0x7CB0]  }
0x1e2: {  	[tilespmem:s19+$0x7C50] =	vst v17;
	v14 =	vmul.f32 v14, v13;
	v9 =	vld [tilespmem:s19+$0x7CC0]  }
0x1e3: {  	[tilespmem:s19+$0x7C60] =	vst v12;
	v13 =	vmul.f32 v15, v10;
	v10 =	vld [tilespmem:s19+$0x7CD0]  }
0x1e4: {  	s20 =	sadd.s32 $0x400, s20;
	[tilespmem:s19+$0x7C70] =	vst v14;
	v12 =	vmul.f32 v16, v11;
	v11 =	vld [tilespmem:s19+$0x7CE0]  }
0x1e5: {  	[tilespmem:s19+$0x7C80] =	vst v13;
	v6 =	vmul.f32 v6, v8;
	v63 =	vld [tilespmem:s19+$0x7CF0]  }
0x1e6: {  	[tilespmem:s19+$0x7C90] =	vst v12;
	v5 =	vmul.f32 v5, v7  }
0x1e7: {  	[tilespmem:s19+$0x7CA0] =	vst v6;
	v4 =	vmul.f32 v4, v9  }
0x1e8: {  	[tilespmem:s19+$0x7CB0] =	vst v5;
	v3 =	vmul.f32 v3, v10  }
.Ltmp5:
0x1e9: {  	[tilespmem:s19+$0x7CC0] =	vst v4;
	v2 =	vmul.f32 v2, v11;
	(pc) =	sbr.rel @p1 .LBB2_14-.Ltmp5, $4  }
0x1ea: {  	[tilespmem:s19+$0x7CD0] =	vst v3;
	v1 =	vmul.f32 v1, v63  }
0x1eb: {  	[tilespmem:s19+$0x7CE0] =	vst v2  }
0x1ec: {  	s21 =	simm.s32 $0x100;
	[tilespmem:s19+$0x7CF0] =	vst v1  }
0x1ed: {  	[spmem:s4] =	stream.indirect.scatter.add.f32 [tilespmem:s29], [sflag:$0xA], $0x80, s31, s12, $0xb8;
	[tilespmem:$0x1DC80] =	vst v63  }
0x1ee: {  	s18 =	rddreg [dreg:$0x14]  }
0x1ef: {  	s14 =	sadd.s32 s14, s18  }
.Ltmp6:
0x1f0: {  	s14 =	sshrl.u32 s14, $0x3;
	(pc) =	sbr.rel .LBB2_4-.Ltmp6, $4  }
0x1f1: {  	s20 =	sadd.s32 s2, s14  }
0x1f2: {  	[tilespmem:s21], [sflag:$0x3] =	stream.linear.gather [hbm4b:s20+s5], $0x50, $0x38;
	[tilespmem:$0x1DC80] =	vst v63  }
0x1f3: {  	s25 =	simm.s32 $0x300;
	s13 =	sadd.s32 $0x1, s13;
	s14 =	sadd.s32 s3, s14  }
0x1f4: {  	[tilespmem:s25], [sflag:$0x3] =	stream.linear.gather [hbm4b:s14+s5], $0x50, $0x38;
	[tilespmem:$0x1DC80] =	vst v63  }
.LBB2_14:
0x1f5: {  	_ =	swait.ge [sflag:s16], $0x2800  }
0x1f6: {  	[sflag:s16] =	ssyncset.done $0x0  }
0x1f7: {  	[sflag:s16] =	ssyncadd.s32 $0xFFFFD800  }
0x1f8: {  	_ =	swait.ge [sflag:s23], $0x2800  }
0x1f9: {  	[sflag:s23] =	ssyncset.done $0x0  }
0x1fa: {  	[sflag:s23] =	ssyncadd.s32 $0xFFFFD800  }
0x1fb: {  	_ =	swait.ge [sflag:s24], $0x2800  }
0x1fc: {  	[sflag:s24] =	ssyncset.done $0x0  }
0x1fd: {  	s13 =	simm.s32 $0xF0;
	[sflag:s24] =	ssyncadd.s32 $0xFFFFD800  }
0x1fe: {  	v7 =	vld [tilespmem:s13+$0x310]  }
0x1ff: {  	v8 =	vld [tilespmem:s13+$0x320]  }
0x200: {  	v9 =	vld [tilespmem:s13+$0x330]  }
0x201: {  	v10 =	vld [tilespmem:s13+$0x340]  }
0x202: {  	v11 =	vld [tilespmem:s13+$0x350]  }
0x203: {  	v12 =	vld [tilespmem:s13+$0x360]  }
0x204: {  	v13 =	vld [tilespmem:s13+$0x370]  }
0x205: {  	v14 =	vld [tilespmem:s13+$0x380]  }
0x206: {  	v15 =	vld [tilespmem:s13+$0x390]  }
0x207: {  	v16 =	vld [tilespmem:s13+$0x3A0]  }
0x208: {  	v6 =	vld [tilespmem:s13+$0x3B0]  }
0x209: {  	v5 =	vld [tilespmem:s13+$0x3C0]  }
0x20a: {  	v4 =	vld [tilespmem:s13+$0x3D0]  }
0x20b: {  	v3 =	vld [tilespmem:s13+$0x3E0]  }
0x20c: {  	v2 =	vld [tilespmem:s13+$0x3F0]  }
0x20d: {  	v1 =	vld [tilespmem:s13+$0x400]  }
0x20e: {  	v17 =	vld [tilespmem:s13+$0x5310]  }
0x20f: {  	v18 =	vld [tilespmem:s13+$0x5320]  }
0x210: {  	v19 =	vld [tilespmem:s13+$0x5330]  }
0x211: {  	v20 =	vld [tilespmem:s13+$0x5340]  }
0x212: {  	v21 =	vld [tilespmem:s13+$0x5350]  }
0x213: {  	v60 =	vld [tilespmem:s13+$0x5360];
	v7 =	vmul.f32 v7, v17  }
0x214: {  	v22 =	vld [tilespmem:s13+$0x5370];
	v8 =	vmul.f32 v8, v18  }
0x215: {  	v61 =	vld [tilespmem:s13+$0x5380];
	[tilespmem:s13+$0x5310] =	vst v7;
	v7 =	vmul.f32 v9, v19  }
0x216: {  	v62 =	vld [tilespmem:s13+$0x5390];
	[tilespmem:s13+$0x5320] =	vst v8;
	v8 =	vmul.f32 v10, v20  }
0x217: {  	v63 =	vld [tilespmem:s13+$0x53A0];
	[tilespmem:s13+$0x5330] =	vst v7;
	v7 =	vmul.f32 v11, v21  }
0x218: {  	v9 =	vmul.f32 v12, v60;
	[tilespmem:s13+$0x5340] =	vst v8;
	v8 =	vld [tilespmem:s13+$0x53B0]  }
0x219: {  	v10 =	vmul.f32 v13, v22;
	[tilespmem:s13+$0x5350] =	vst v7;
	v7 =	vld [tilespmem:s13+$0x53C0]  }
0x21a: {  	[tilespmem:s13+$0x5360] =	vst v9;
	v9 =	vld [tilespmem:s13+$0x53D0];
	v11 =	vmul.f32 v14, v61  }
0x21b: {  	v13 =	vmul.f32 v15, v62;
	[tilespmem:s13+$0x5370] =	vst v10;
	v10 =	vld [tilespmem:s13+$0x53E0]  }
0x21c: {  	s14 =	simm.s32 $0x7C0;
	v12 =	vmul.f32 v16, v63;
	[tilespmem:s13+$0x5380] =	vst v11;
	v11 =	vld [tilespmem:s13+$0x53F0]  }
.LBB2_15:
0x21d: {  	s18 =	sshra.s32 s14, $0x2;
	p1 =	sne.s32 s14, $0x9FC0;
	[tilespmem:s13+$0x5390] =	vst v13;
	v6 =	vmul.f32 v6, v8;
	v8 =	vld [tilespmem:s13+$0x5400]  }
0x21e: {  	v13 =	vld [tilespmem:s18+$0x310];
	[tilespmem:s13+$0x53A0] =	vst v12;
	v5 =	vmul.f32 v5, v7  }
0x21f: {  	v7 =	vld [tilespmem:s18+$0x320];
	[tilespmem:s13+$0x53B0] =	vst v6;
	v4 =	vmul.f32 v4, v9  }
0x220: {  	v9 =	vld [tilespmem:s18+$0x330];
	[tilespmem:s13+$0x53C0] =	vst v5;
	v3 =	vmul.f32 v3, v10  }
0x221: {  	v10 =	vld [tilespmem:s18+$0x340];
	[tilespmem:s13+$0x53D0] =	vst v4;
	v2 =	vmul.f32 v2, v11  }
0x222: {  	v11 =	vld [tilespmem:s18+$0x350];
	[tilespmem:s13+$0x53E0] =	vst v3;
	v1 =	vmul.f32 v1, v8  }
0x223: {  	v8 =	vld [tilespmem:s18+$0x360];
	[tilespmem:s13+$0x53F0] =	vst v2  }
0x224: {  	v12 =	vld [tilespmem:s18+$0x370];
	[tilespmem:s13+$0x5400] =	vst v1;
	s13 =	smov.u32 s18  }
0x225: {  	v14 =	vld [tilespmem:s13+$0x380]  }
0x226: {  	v15 =	vld [tilespmem:s13+$0x390]  }
0x227: {  	v16 =	vld [tilespmem:s13+$0x3A0]  }
0x228: {  	v6 =	vld [tilespmem:s13+$0x3B0]  }
0x229: {  	v5 =	vld [tilespmem:s13+$0x3C0]  }
0x22a: {  	v4 =	vld [tilespmem:s13+$0x3D0]  }
0x22b: {  	v3 =	vld [tilespmem:s13+$0x3E0]  }
0x22c: {  	v2 =	vld [tilespmem:s13+$0x3F0]  }
0x22d: {  	v1 =	vld [tilespmem:s13+$0x400]  }
0x22e: {  	v17 =	vld [tilespmem:s13+$0x5310]  }
0x22f: {  	v18 =	vld [tilespmem:s13+$0x5320]  }
0x230: {  	v19 =	vld [tilespmem:s13+$0x5330]  }
0x231: {  	v20 =	vld [tilespmem:s13+$0x5340]  }
0x232: {  	v21 =	vld [tilespmem:s13+$0x5350]  }
0x233: {  	v13 =	vmul.f32 v13, v17;
	v17 =	vld [tilespmem:s13+$0x5360]  }
0x234: {  	v7 =	vmul.f32 v7, v18;
	v18 =	vld [tilespmem:s13+$0x5370]  }
0x235: {  	[tilespmem:s13+$0x5310] =	vst v13;
	v9 =	vmul.f32 v9, v19;
	v13 =	vld [tilespmem:s13+$0x5380]  }
0x236: {  	[tilespmem:s13+$0x5320] =	vst v7;
	v7 =	vmul.f32 v10, v20;
	v10 =	vld [tilespmem:s13+$0x5390]  }
0x237: {  	[tilespmem:s13+$0x5330] =	vst v9;
	v9 =	vmul.f32 v11, v21;
	v11 =	vld [tilespmem:s13+$0x53A0]  }
.Ltmp7:
0x238: {  	[tilespmem:s13+$0x5340] =	vst v7;
	v17 =	vmul.f32 v8, v17;
	v8 =	vld [tilespmem:s13+$0x53B0];
	(pc) =	sbr.rel @p1 .LBB2_15-.Ltmp7, $4  }
0x239: {  	[tilespmem:s13+$0x5350] =	vst v9;
	v12 =	vmul.f32 v12, v18;
	v7 =	vld [tilespmem:s13+$0x53C0]  }
0x23a: {  	[tilespmem:s13+$0x5360] =	vst v17;
	v14 =	vmul.f32 v14, v13;
	v9 =	vld [tilespmem:s13+$0x53D0]  }
0x23b: {  	[tilespmem:s13+$0x5370] =	vst v12;
	v13 =	vmul.f32 v15, v10;
	v10 =	vld [tilespmem:s13+$0x53E0]  }
0x23c: {  	s14 =	sadd.s32 $0x400, s14;
	[tilespmem:s13+$0x5380] =	vst v14;
	v12 =	vmul.f32 v16, v11;
	v11 =	vld [tilespmem:s13+$0x53F0]  }
0x23d: {  	[tilespmem:s13+$0x5390] =	vst v13;
	v6 =	vmul.f32 v6, v8;
	v63 =	vld [tilespmem:s13+$0x5400]  }
0x23e: {  	[tilespmem:s13+$0x53A0] =	vst v12;
	v5 =	vmul.f32 v5, v7  }
0x23f: {  	[tilespmem:s13+$0x53B0] =	vst v6;
	v4 =	vmul.f32 v4, v9  }
0x240: {  	[tilespmem:s13+$0x53C0] =	vst v5;
	v3 =	vmul.f32 v3, v10  }
0x241: {  	[tilespmem:s13+$0x53D0] =	vst v4;
	v2 =	vmul.f32 v2, v11  }
0x242: {  	[tilespmem:s13+$0x53E0] =	vst v3;
	v1 =	vmul.f32 v1, v63  }
0x243: {  	[tilespmem:s13+$0x53F0] =	vst v2  }
0x244: {  	[tilespmem:s13+$0x5400] =	vst v1  }
0x245: {  	[spmem:s4] =	stream.indirect.scatter.add.f32 [tilespmem:s15], [sflag:$0x9], $0x80, s11, s12, $0xb8;
	[tilespmem:$0x1DC80] =	vst v63  }
0x246: {  	_ =	swait.ge [sflag:s8], $0x2800  }
0x247: {  	[sflag:s8] =	ssyncset.done $0x0  }
0x248: {  	[sflag:s8] =	ssyncadd.s32 $0xFFFFD800  }
0x249: {  	s20 =	stileid.u32;
	[bflag:$0x0] =	sbarrier.arrive $0xFFFF  }
0x24a: {  	s25 =	simm.s32 $0xB;
	s13 =	sshll.u32 s20, $0x6;
	s18 =	rddreg [dreg:$0x6]  }
0x24b: {  	s13 =	sor.u32 $0x1C0B, s13;
	s19 =	rddreg [dreg:$0x13];
	s14 =	sshrl.u32 s18, $0x3  }
0x24c: {  	[hbm:s19], [sflag:s13] =	dma.local [spmem:s14], $0x2700  }
0x24d: {  	_ =	swait.ge [sflag:s25], $0x2700  }
0x24e: {  	[sflag:s25] =	ssyncset.done $0x0;
	s20 =	rddreg [dreg:$0x1e]  }
0x24f: {  	s19 =	rddreg [dreg:$0x15];
	[sflag:s25] =	ssyncadd.s32 $0xFFFFD900;
	s14 =	sshrl.u32 @!p0 s20, $0x3  }
0x250: {  	[hbm:s19], [sflag:s13] =	dma.local @!p0 [spmem:s14], $0x100  }
0x251: {  	s13 =	simm.s32 @!p0 $0xB  }
0x252: {  	_ =	swait.ge @!p0 [sflag:s13], $0x100  }
0x253: {  	s14 =	rddreg [dreg:$0x1f]  }
0x254: {  	s25 =	rddreg [dreg:$0x16];
	s19 =	sadd.s32 $0x1, s14  }
0x255: {  	p1 =	sne.s32 s19, s25  }
.Ltmp8:
0x256: {  	_ = 	snop;
	(pc) =	sbr.rel @p1 .LBB2_1-.Ltmp8, $3  }
0x257: {  	_ =	sdelay $0x1  }
0x258: {  	[sflag:s13] =	ssyncset.done @!p0 $0x0  }
0x259: {  	[sflag:s13] =	ssyncadd.s32 @!p0 $0xFFFFFF00  }
0x25a: {  	_ =	sfence.sel $0x180000  }
0x25b: {  	[bflag:$0x0] =	sbarrier.arrive $0xFFFF  }
0x25c: {  	_ =	strace $0x90000047  }
0x25d: {  	s0 =	stileid.u32;
	[bflag:$0x2] =	sbarrier.arrive $0xFFFF  }
0x25e: {  	p0 =	sne.s32 s0, $0x0;
	s0 =	rddreg [dreg:$0x5]  }
0x25f: {  	s0 =	sadd.s32 @!p0 $0x100000, s0  }
0x260: {  	[sflag:s0] =	ssyncadd.tile.s32 @!p0 $0x1;
	_ =	shalt  }
.Lfunc_end2:
_tile_overlayer_lowered:
.L_overlay_start_2:
0x261: {  	(tag) =	ssettag $0x2  }
0x262: {  	s0 =	rddreg [dreg:$0x0];
	s2 =	stileid.u32  }
0x263: {  	s1 =	rddreg [dreg:$0x1];
	p0 =	sne.s32 s2, $0x0  }
0x264: {  	s3 =	rddreg [dreg:$0x2];
	[bflag:$0x3] =	sbarrier.arrive $0xFFFF;
	s2 =	simm.s32 @!p0 $0x1C0B  }
0x265: {  	[timem:s3], [sflag:s2] =	dma.local @!p0 [hbm:s0], s1  }
0x266: {  	s0 =	simm.s32 @!p0 $0xB  }
0x267: {  	_ =	swait.ge @!p0 [sflag:s0], s1  }
0x268: {  	s1 =	ssub.s32 @!p0 $0x0, s1;
	[sflag:s0] =	ssyncset.done @!p0 $0x0  }
0x269: {  	[sflag:s0] =	ssyncadd.s32 @!p0 s1  }
0x26a: {  	[bflag:$0x3] =	sbarrier.arrive $0xFFFF  }
0x26b: {  	_ =	shalt  }

</sc_bundles>
